<compile_context>
chip_gen: v7x
topology: tpu7x:2x2x1
jax: 0.10.2.dev20260603
libtpu: 0.0.44.dev20260713+nightly
codegen_flags: <defaults>
</compile_context>

<pallas_src>
import functools

import jax
import jax.numpy as jnp
from jax import lax
from jax.experimental import pallas as pl
from jax.experimental.pallas import tpu as pltpu
from jax.experimental.pallas import tpu_sc as plsc

_CLAMP = 5.0


def _sc_info():
    try:
        info = plsc.get_sparse_core_info()
        return int(info.num_cores), int(info.num_subcores)
    except Exception:
        return 2, 16



def _qkv_body(x_ref, w_ref, qb_ref, q_ref, k_ref, v_ref):
    d = q_ref.shape[1]
    y = jnp.dot(x_ref[...], w_ref[...], preferred_element_type=jnp.float32)
    q_ref[...] = y[:, :d] + qb_ref[...]
    k_ref[...] = y[:, d:2 * d]
    v_ref[...] = y[:, 2 * d:]


def _edge_body(ea_ref, kq_ref, vs_ref, ewp_ref, ebp_ref, oew_ref,
               oeb_ref, a2p_ref, rb_ref,
               e1_ref, p128_ref, msgl_ref, msgr_ref, rtl_ref, rtr_ref, bnp_ref):
    ea = ea_ref[...]
    d = ea.shape[1]
    kq = kq_ref[...]
    ee = jnp.dot(ea, ewp_ref[...], preferred_element_type=jnp.float32) + ebp_ref[...]
    s = kq * ee[:, :d]
    s = jnp.sign(s) * jnp.sqrt(jnp.abs(s))
    et = jnp.maximum(s + ee[:, d:], 0.0)
    s128 = jnp.dot(et, a2p_ref[...], preferred_element_type=jnp.float32)
    p128 = jnp.exp(jnp.clip(s128, -_CLAMP, _CLAMP))
    p128_ref[...] = p128
    p256 = jnp.dot(p128, rb_ref[...], preferred_element_type=jnp.float32)
    msg = vs_ref[...] * p256
    rt = et * p256
    hd = d // 2
    msgl_ref[...] = msg[:, :hd]
    msgr_ref[...] = msg[:, hd:]
    rtl_ref[...] = rt[:, :hd]
    rtr_ref[...] = rt[:, hd:]
    e1 = ea + jnp.dot(et, oew_ref[...], preferred_element_type=jnp.float32) + oeb_ref[...]
    e1_ref[...] = e1
    bnp_ref[0, 0, :] = jnp.sum(e1, axis=0)
    bnp_ref[0, 1, :] = jnp.sum(e1 * e1, axis=0)


def _bnstats_body(cnt, bnp_ref, g_ref, b_ref, out_ref):
    t = jnp.sum(bnp_ref[...], axis=0)
    mu = t[0:1, :] * (1.0 / cnt)
    var = t[1:2, :] * (1.0 / cnt) - mu * mu
    istd = lax.rsqrt(var + 1e-5)
    scale = g_ref[...] * istd
    out_ref[0:1, :] = scale
    out_ref[1:2, :] = b_ref[...] - mu * scale


def _bnapply_body(x_ref, ss_ref, out_ref):
    out_ref[...] = x_ref[...] * ss_ref[0:1, :] + ss_ref[1:2, :]


def _f1_body(x_ref, a16a_ref, a16b_ref, accv_ref, accr_ref, vr2_ref, ohw_ref,
             ohb_ref, c0_ref, c1_ref, rb_ref, d8_ref, h1_ref, bnp_ref):
    a16 = a16a_ref[...] + a16b_ref[...]
    r256 = jnp.dot(1.0 / (a16 + 1e-16), rb_ref[...],
                   preferred_element_type=jnp.float32)
    deg256 = jnp.dot(a16, d8_ref[...], preferred_element_type=jnp.float32)
    ld = jnp.log(deg256 + 1.0)
    wvt = (accv_ref[...]
           + jnp.dot(accr_ref[...], vr2_ref[...], preferred_element_type=jnp.float32)) * r256
    hh = wvt * (c0_ref[...] + ld * c1_ref[...])
    h1 = x_ref[...] + jnp.dot(hh, ohw_ref[...], preferred_element_type=jnp.float32) + ohb_ref[...]
    h1_ref[...] = h1
    bnp_ref[0, 0, :] = jnp.sum(h1, axis=0)
    bnp_ref[0, 1, :] = jnp.sum(h1 * h1, axis=0)


def _f2_body(cnt, h1_ref, bnp1_ref, g_ref, b_ref, w1_ref, bb1_ref, w2_ref,
             bb2_ref, f_ref, bnp2_ref):
    t = jnp.sum(bnp1_ref[...], axis=0)
    mu = t[0:1, :] * (1.0 / cnt)
    var = t[1:2, :] * (1.0 / cnt) - mu * mu
    istd = lax.rsqrt(var + 1e-5)
    scale = g_ref[...] * istd
    shift = b_ref[...] - mu * scale
    hn = h1_ref[...] * scale + shift
    ff = jnp.maximum(jnp.dot(hn, w1_ref[...], preferred_element_type=jnp.float32)
                     + bb1_ref[...], 0.0)
    f = hn + jnp.dot(ff, w2_ref[...], preferred_element_type=jnp.float32) + bb2_ref[...]
    f_ref[...] = f
    bnp2_ref[0, 0, :] = jnp.sum(f, axis=0)
    bnp2_ref[0, 1, :] = jnp.sum(f * f, axis=0)


def _f3_body(cnt, f_ref, bnp2_ref, g_ref, b_ref, out_ref):
    t = jnp.sum(bnp2_ref[...], axis=0)
    mu = t[0:1, :] * (1.0 / cnt)
    var = t[1:2, :] * (1.0 / cnt) - mu * mu
    istd = lax.rsqrt(var + 1e-5)
    scale = g_ref[...] * istd
    shift = b_ref[...] - mu * scale
    out_ref[...] = f_ref[...] * scale + shift



def _sc_gather(qh, kh, vh, src2d, dst2d):
    n, d = qh.shape
    ch = src2d.shape[1]
    rows = src2d.shape[0] - 8
    e = rows * ch
    nc, ns = _sc_info()
    nw = nc * ns
    q, r = divmod(rows, nw)
    qload = ((q + (1 if r else 0) + 8 + 7) // 8) * 8
    mesh = plsc.VectorSubcoreMesh(core_axis_name="c", subcore_axis_name="s")

    @functools.partial(
        pl.kernel,
        out_type=(jax.ShapeDtypeStruct((e, d), jnp.float32),
                  jax.ShapeDtypeStruct((e, d), jnp.float32)),
        mesh=mesh,
        scratch_types=[
            pltpu.VMEM((qload, ch), jnp.int32),
            pltpu.VMEM((qload, ch), jnp.int32),
            pltpu.VMEM((ch, d), jnp.float32),
            pltpu.VMEM((ch, d), jnp.float32),
            pltpu.VMEM((ch, d), jnp.float32),
            pltpu.VMEM((ch, d), jnp.float32),
            pltpu.VMEM((ch, d), jnp.float32),
            pltpu.VMEM((ch, d), jnp.float32),
            pltpu.SemaphoreType.DMA,
            pltpu.SemaphoreType.DMA,
            pltpu.SemaphoreType.DMA,
            pltpu.SemaphoreType.DMA,
        ],
    )
    def gat(qh_h, kh_h, vh_h, s2_h, d2_h, kq_o, vs_o,
            isall, idall, kb0, qb0, vb0, kb1, qb1, vb1, gs0, gs1, ws0, ws1):
        wid = lax.axis_index("c") * ns + lax.axis_index("s")
        c0 = wid * q + jnp.maximum(wid - (nw - r), 0) if r else wid * q
        nch = (q + jnp.where(wid >= nw - r, 1, 0)) if r else q
        base8 = (c0 // 8) * 8
        off = c0 - base8
        pltpu.sync_copy(s2_h.at[pl.ds(base8, qload)], isall)
        pltpu.sync_copy(d2_h.at[pl.ds(base8, qload)], idall)

        def issue_g(i, kb, qb, vb, gs):
            pltpu.async_copy(kh_h.at[isall.at[off + i]], kb, gs)
            pltpu.async_copy(qh_h.at[idall.at[off + i]], qb, gs)
            pltpu.async_copy(vh_h.at[isall.at[off + i]], vb, gs)

        def wait_g(i, kb, qb, vb, gs):
            pltpu.make_async_copy(kh_h.at[isall.at[off + i]], kb, gs).wait()
            pltpu.make_async_copy(qh_h.at[idall.at[off + i]], qb, gs).wait()
            pltpu.make_async_copy(vh_h.at[isall.at[off + i]], vb, gs).wait()

        def issue_w(i, kb, qb, vb, ws):
            base = (c0 + i) * ch
            pltpu.async_copy(kb, kq_o.at[pl.ds(base, ch)], ws)
            pltpu.async_copy(vb, vs_o.at[pl.ds(base, ch)], ws)

        def wait_w(kb, qb, vb, ws):
            pltpu.make_async_copy(kb, kq_o.at[pl.ds(0, ch)], ws).wait()
            pltpu.make_async_copy(vb, vs_o.at[pl.ds(0, ch)], ws).wait()

        def addq(kb, qb):
            def rowfn(j, carry):
                for t in range(d // 16):
                    sl = pl.ds(t * 16, 16)
                    kb[j, sl] = kb[j, sl] + qb[j, sl]
                return carry

            lax.fori_loop(0, ch, rowfn, 0)

        issue_g(0, kb0, qb0, vb0, gs0)

        def step(i, kbC, qbC, vbC, gsC, wsC, kbO, qbO, vbO, gsO, wsO):
            @pl.when(i + 1 < nch)
            def _():
                @pl.when(i >= 1)
                def _():
                    wait_w(kbO, qbO, vbO, wsO)
                issue_g(i + 1, kbO, qbO, vbO, gsO)
            wait_g(i, kbC, qbC, vbC, gsC)
            addq(kbC, qbC)
            issue_w(i, kbC, qbC, vbC, wsC)

        def body(i, carry):
            @pl.when(i % 2 == 0)
            def _():
                step(i, kb0, qb0, vb0, gs0, ws0, kb1, qb1, vb1, gs1, ws1)

            @pl.when(i % 2 == 1)
            def _():
                step(i, kb1, qb1, vb1, gs1, ws1, kb0, qb0, vb0, gs0, ws0)

            return carry

        lax.fori_loop(0, nch, body, 0)
        wait_w(kb0, qb0, vb0, ws0)
        wait_w(kb1, qb1, vb1, ws1)

    return gat(qh, kh, vh, src2d, dst2d)


def _scatter_loop(data_h, acc, idxall, dbuf0, dbuf1, sem0, sem1,
                  c0, off, nch):
    pltpu.async_copy(data_h.at[pl.ds(c0 * 128, 128)], dbuf0, sem0)

    def step(i, cur, scur, nxt, snxt):
        @pl.when(i + 1 < nch)
        def _():
            pltpu.async_copy(data_h.at[pl.ds((c0 + i + 1) * 128, 128)],
                             nxt, snxt)
        pltpu.make_async_copy(data_h.at[pl.ds((c0 + i) * 128, 128)],
                              cur, scur).wait()
        pltpu.sync_copy(cur, acc.at[idxall.at[off + i]], add=True)

    def body(i, carry):
        @pl.when(i % 2 == 0)
        def _():
            step(i, dbuf0, sem0, dbuf1, sem1)

        @pl.when(i % 2 == 1)
        def _():
            step(i, dbuf1, sem1, dbuf0, sem0)

        return carry

    lax.fori_loop(0, nch, body, 0)


def _acc_writeout(acc, out_h, cid, sid, n, zrows):
    full_t = n // zrows
    rem = n - full_t * zrows

    @pl.when(sid < full_t)
    def _():
        pltpu.sync_copy(acc.at[pl.ds(sid * zrows, zrows)],
                        out_h.at[cid, pl.ds(sid * zrows, zrows)])

    if rem:
        @pl.when(sid == full_t)
        def _():
            pltpu.sync_copy(acc.at[pl.ds(full_t * zrows, rem)],
                            out_h.at[cid, pl.ds(full_t * zrows, rem)])


def _sc_scatter_part(p128, dst2d, n):
    e, w = p128.shape
    nc, ns = _sc_info()
    nw = nc * ns
    nch_total = e // 128
    q, r = divmod(nch_total, nw)
    qload = ((q + (1 if r else 0) + 8 + 7) // 8) * 8
    npad = ((n + nw * 8 - 1) // (nw * 8)) * (nw * 8)
    zrows = npad // ns
    zeros = jnp.zeros((zrows, w), jnp.float32)
    mesh = plsc.VectorSubcoreMesh(core_axis_name="c", subcore_axis_name="s")

    @functools.partial(
        pl.kernel,
        out_type=jax.ShapeDtypeStruct((nc, n, w), jnp.float32),
        mesh=mesh,
        scratch_types=[
            pltpu.VMEM((qload, 128), jnp.int32),
            pltpu.VMEM((128, w), jnp.float32),
            pltpu.VMEM((128, w), jnp.float32),
            pltpu.VMEM_SHARED((npad, w), jnp.float32),
            pltpu.SemaphoreType.DMA,
            pltpu.SemaphoreType.DMA,
        ],
    )
    def sca(p_h, dst2d_h, z_h, out_h, idxall, dbuf0, dbuf1, acc, sem0, sem1):
        cid = lax.axis_index("c")
        sid = lax.axis_index("s")
        wid = cid * ns + sid
        pltpu.sync_copy(z_h, acc.at[pl.ds(sid * zrows, zrows)])
        c0 = wid * q + jnp.maximum(wid - (nw - r), 0) if r else wid * q
        nch = q + jnp.where(wid >= nw - r, 1, 0) if r else q
        base8 = (c0 // 8) * 8
        off = c0 - base8
        pltpu.sync_copy(dst2d_h.at[pl.ds(base8, qload)], idxall)
        plsc.subcore_barrier()
        _scatter_loop(p_h, acc, idxall, dbuf0, dbuf1, sem0, sem1,
                      c0, off, nch)
        plsc.subcore_barrier()
        _acc_writeout(acc, out_h, cid, sid, n, zrows)

    return sca(p128, dst2d, zeros)


def _sc_scatter128(ml, mr, dst2d, n):
    e, hd = ml.shape
    nc, ns = _sc_info()
    nw = nc * ns
    nch_total = e // 128
    q, r = divmod(nch_total, ns)
    qload = ((q + (1 if r else 0) + 8 + 7) // 8) * 8
    npad = ((n + nw * 8 - 1) // (nw * 8)) * (nw * 8)
    zrows = npad // ns
    zeros = jnp.zeros((zrows, hd), jnp.float32)
    mesh = plsc.VectorSubcoreMesh(core_axis_name="c", subcore_axis_name="s")

    @functools.partial(
        pl.kernel,
        out_type=jax.ShapeDtypeStruct((nc, n, hd), jnp.float32),
        mesh=mesh,
        scratch_types=[
            pltpu.VMEM((qload, 128), jnp.int32),
            pltpu.VMEM((128, hd), jnp.float32),
            pltpu.VMEM((128, hd), jnp.float32),
            pltpu.VMEM_SHARED((npad, hd), jnp.float32),
            pltpu.SemaphoreType.DMA,
            pltpu.SemaphoreType.DMA,
        ],
    )
    def sca(ml_h, mr_h, dst2d_h, z_h, out_h, idxall, dbuf0, dbuf1, acc,
            sem0, sem1):
        cid = lax.axis_index("c")
        sid = lax.axis_index("s")
        pltpu.sync_copy(z_h, acc.at[pl.ds(sid * zrows, zrows)])
        c0 = sid * q + jnp.maximum(sid - (ns - r), 0) if r else sid * q
        nch = q + jnp.where(sid >= ns - r, 1, 0) if r else q
        base8 = (c0 // 8) * 8
        off = c0 - base8
        pltpu.sync_copy(dst2d_h.at[pl.ds(base8, qload)], idxall)
        plsc.subcore_barrier()

        @pl.when(cid == 0)
        def _():
            _scatter_loop(ml_h, acc, idxall, dbuf0, dbuf1,
                          sem0, sem1, c0, off, nch)

        @pl.when(cid == 1)
        def _():
            _scatter_loop(mr_h, acc, idxall, dbuf0, dbuf1,
                          sem0, sem1, c0, off, nch)

        plsc.subcore_barrier()
        _acc_writeout(acc, out_h, cid, sid, n, zrows)

    return sca(ml, mr, dst2d, zeros)



def kernel(x, edge_attr, edge_index, Qw, Qb, Kw, Ew, Eb, Vw, Aw, VeRow,
           deg_coef, Ohw, Ohb, Oew, Oeb, bn1h_g, bn1h_b, bn1e_g, bn1e_b,
           W1, b1, W2, b2, bn2h_g, bn2h_b):
    n, d = x.shape
    e = edge_attr.shape[0]
    dh, h, _ = Aw.shape
    f32 = jnp.float32

    src = edge_index[0]
    dst = edge_index[1]

    w3 = jnp.concatenate([Qw, Kw, Vw], axis=1)
    qb2 = Qb.reshape(1, d)
    ewp = Ew.reshape(d, h, 2, dh).transpose(0, 2, 1, 3).reshape(d, 2 * d)
    ebp = Eb.reshape(h, 2, dh).transpose(1, 0, 2).reshape(1, 2 * d)
    eye_h = jnp.eye(h, dtype=f32)
    a2 = (Aw[:, :, 0][:, :, None] * eye_h[None, :, :]).transpose(1, 0, 2).reshape(d, h)
    a2p = jnp.concatenate([a2, jnp.zeros((d, 128 - h), f32)], axis=1)
    rb8 = jnp.kron(eye_h, jnp.ones((1, dh), f32))
    rb = jnp.concatenate([rb8, jnp.zeros((128 - h, d), f32)], axis=0)
    d8 = jnp.zeros((128, d), f32).at[h].set(1.0)
    vr2 = (VeRow[:, :, None, :] * eye_h[None, :, :, None]).transpose(1, 0, 2, 3).reshape(d, d)
    c0 = deg_coef[0, :, 0].reshape(1, d)
    c1 = deg_coef[0, :, 1].reshape(1, d)
    oebr = Oeb.reshape(1, d)
    ohbr = Ohb.reshape(1, d)

    bn = 1000
    gn = n // bn
    qh, kh, vh = pl.pallas_call(
        _qkv_body,
        grid=(gn,),
        in_specs=[pl.BlockSpec((bn, d), lambda i: (i, 0)),
                  pl.BlockSpec((d, 3 * d), lambda i: (0, 0)),
                  pl.BlockSpec((1, d), lambda i: (0, 0))],
        out_specs=[pl.BlockSpec((bn, d), lambda i: (i, 0))] * 3,
        out_shape=[jax.ShapeDtypeStruct((n, d), f32)] * 3,
    )(x, w3, qb2)

    pad8 = jnp.zeros((8, 64), jnp.int32)
    src2d = jnp.concatenate([src.reshape(e // 64, 64), pad8], axis=0)
    dst2dg = jnp.concatenate([dst.reshape(e // 64, 64), pad8], axis=0)
    kq, vs = _sc_gather(qh, kh, vh, src2d, dst2dg)

    be = 1280
    ge = e // be
    hd = d // 2
    e1, p128, msgl, msgr, rtl, rtr, bnpe = pl.pallas_call(
        _edge_body,
        grid=(ge,),
        in_specs=[pl.BlockSpec((be, d), lambda i: (i, 0)),
                  pl.BlockSpec((be, d), lambda i: (i, 0)),
                  pl.BlockSpec((be, d), lambda i: (i, 0)),
                  pl.BlockSpec((d, 2 * d), lambda i: (0, 0)),
                  pl.BlockSpec((1, 2 * d), lambda i: (0, 0)),
                  pl.BlockSpec((d, d), lambda i: (0, 0)),
                  pl.BlockSpec((1, d), lambda i: (0, 0)),
                  pl.BlockSpec((d, 128), lambda i: (0, 0)),
                  pl.BlockSpec((128, d), lambda i: (0, 0))],
        out_specs=[pl.BlockSpec((be, d), lambda i: (i, 0)),
                   pl.BlockSpec((be, 128), lambda i: (i, 0)),
                   pl.BlockSpec((be, hd), lambda i: (i, 0)),
                   pl.BlockSpec((be, hd), lambda i: (i, 0)),
                   pl.BlockSpec((be, hd), lambda i: (i, 0)),
                   pl.BlockSpec((be, hd), lambda i: (i, 0)),
                   pl.BlockSpec((1, 2, d), lambda i: (i, 0, 0))],
        out_shape=[jax.ShapeDtypeStruct((e, d), f32),
                   jax.ShapeDtypeStruct((e, 128), f32),
                   jax.ShapeDtypeStruct((e, hd), f32),
                   jax.ShapeDtypeStruct((e, hd), f32),
                   jax.ShapeDtypeStruct((e, hd), f32),
                   jax.ShapeDtypeStruct((e, hd), f32),
                   jax.ShapeDtypeStruct((ge, 2, d), f32)],
    )(edge_attr, kq, vs, ewp, ebp, Oew, oebr, a2p, rb)

    dst2d = jnp.concatenate(
        [dst.reshape(e // 128, 128),
         jnp.zeros((8, 128), jnp.int32)], axis=0)
    acc16 = _sc_scatter_part(p128, dst2d, n)
    accv2 = _sc_scatter128(msgl, msgr, dst2d, n)
    accr2 = _sc_scatter128(rtl, rtr, dst2d, n)
    accv = jnp.concatenate([accv2[0], accv2[1]], axis=1)
    accr = jnp.concatenate([accr2[0], accr2[1]], axis=1)

    ss_e = pl.pallas_call(
        functools.partial(_bnstats_body, float(e)),
        grid=(1,),
        in_specs=[pl.BlockSpec((ge, 2, d), lambda i: (0, 0, 0)),
                  pl.BlockSpec((1, d), lambda i: (0, 0)),
                  pl.BlockSpec((1, d), lambda i: (0, 0))],
        out_specs=pl.BlockSpec((2, d), lambda i: (0, 0)),
        out_shape=jax.ShapeDtypeStruct((2, d), f32),
    )(bnpe, bn1e_g.reshape(1, d), bn1e_b.reshape(1, d))
    e_out = pl.pallas_call(
        _bnapply_body,
        grid=(ge,),
        in_specs=[pl.BlockSpec((be, d), lambda i: (i, 0)),
                  pl.BlockSpec((2, d), lambda i: (0, 0))],
        out_specs=pl.BlockSpec((be, d), lambda i: (i, 0)),
        out_shape=jax.ShapeDtypeStruct((e, d), f32),
    )(e1, ss_e)

    h1, bnp1 = pl.pallas_call(
        _f1_body,
        grid=(gn,),
        in_specs=[pl.BlockSpec((bn, d), lambda i: (i, 0)),
                  pl.BlockSpec((bn, 128), lambda i: (i, 0)),
                  pl.BlockSpec((bn, 128), lambda i: (i, 0)),
                  pl.BlockSpec((bn, d), lambda i: (i, 0)),
                  pl.BlockSpec((bn, d), lambda i: (i, 0)),
                  pl.BlockSpec((d, d), lambda i: (0, 0)),
                  pl.BlockSpec((d, d), lambda i: (0, 0)),
                  pl.BlockSpec((1, d), lambda i: (0, 0)),
                  pl.BlockSpec((1, d), lambda i: (0, 0)),
                  pl.BlockSpec((1, d), lambda i: (0, 0)),
                  pl.BlockSpec((128, d), lambda i: (0, 0)),
                  pl.BlockSpec((128, d), lambda i: (0, 0))],
        out_specs=[pl.BlockSpec((bn, d), lambda i: (i, 0)),
                   pl.BlockSpec((1, 2, d), lambda i: (i, 0, 0))],
        out_shape=[jax.ShapeDtypeStruct((n, d), f32),
                   jax.ShapeDtypeStruct((gn, 2, d), f32)],
    )(x, acc16[0], acc16[1], accv, accr, vr2, Ohw, ohbr, c0, c1, rb, d8)

    f_mid, bnp2 = pl.pallas_call(
        functools.partial(_f2_body, float(n)),
        grid=(gn,),
        in_specs=[pl.BlockSpec((bn, d), lambda i: (i, 0)),
                  pl.BlockSpec((gn, 2, d), lambda i: (0, 0, 0)),
                  pl.BlockSpec((1, d), lambda i: (0, 0)),
                  pl.BlockSpec((1, d), lambda i: (0, 0)),
                  pl.BlockSpec((d, 2 * d), lambda i: (0, 0)),
                  pl.BlockSpec((1, 2 * d), lambda i: (0, 0)),
                  pl.BlockSpec((2 * d, d), lambda i: (0, 0)),
                  pl.BlockSpec((1, d), lambda i: (0, 0))],
        out_specs=[pl.BlockSpec((bn, d), lambda i: (i, 0)),
                   pl.BlockSpec((1, 2, d), lambda i: (i, 0, 0))],
        out_shape=[jax.ShapeDtypeStruct((n, d), f32),
                   jax.ShapeDtypeStruct((gn, 2, d), f32)],
    )(h1, bnp1, bn1h_g.reshape(1, d), bn1h_b.reshape(1, d), W1,
      b1.reshape(1, 2 * d), W2, b2.reshape(1, d))

    h_out = pl.pallas_call(
        functools.partial(_f3_body, float(n)),
        grid=(gn,),
        in_specs=[pl.BlockSpec((bn, d), lambda i: (i, 0)),
                  pl.BlockSpec((gn, 2, d), lambda i: (0, 0, 0)),
                  pl.BlockSpec((1, d), lambda i: (0, 0)),
                  pl.BlockSpec((1, d), lambda i: (0, 0))],
        out_specs=pl.BlockSpec((bn, d), lambda i: (i, 0)),
        out_shape=jax.ShapeDtypeStruct((n, d), f32),
    )(f_mid, bnp2, bn2h_g.reshape(1, d), bn2h_b.reshape(1, d))

    return h_out, e_out

# --- scband reference (transcript-rebuilt; emitter-appended) ---
"""Pipeline reference for scband-grit-transformer-layer-19464791785729 (READ-ONLY COPY).

The authoritative reference and input builder live on the scoring server;
editing this copy changes nothing except your own understanding.
"""

import jax, jax.numpy as jnp
import numpy as np

N = 10000
E_EDGES = 160000
D = 256
H = 8
DH = D // H
CLAMP = 5.0


def setup_inputs(seed: int = 0) -> dict:
    key = jax.random.key(seed)
    ks = jax.random.split(key, 20)

    def nrm(k, shape, scale):
        return jax.random.normal(k, shape, dtype=jnp.float32) * scale

    def xav(k, shape):
        return nrm(k, shape, float(np.sqrt(2.0 / (shape[0] + shape[-1]))))

    inp = {}
    inp["x"] = jax.random.normal(ks[0], (N, D), dtype=jnp.float32)
    inp["edge_attr"] = jax.random.normal(ks[1], (E_EDGES, D), dtype=jnp.float32)
    inp["edge_index"] = jax.random.randint(ks[2], (2, E_EDGES), 0, N, dtype=jnp.int32)
    inp["Qw"] = xav(ks[3], (D, D)); inp["Qb"] = jnp.zeros((D,), jnp.float32)
    inp["Kw"] = xav(ks[4], (D, D))
    inp["Ew"] = xav(ks[5], (D, 2 * D)); inp["Eb"] = jnp.zeros((2 * D,), jnp.float32)
    inp["Vw"] = xav(ks[6], (D, D))
    inp["Aw"] = xav(ks[7], (DH, H, 1))
    inp["VeRow"] = xav(ks[8], (DH, H, DH))
    inp["deg_coef"] = xav(ks[9], (1, D, 2))
    inp["Ohw"] = xav(ks[10], (D, D)); inp["Ohb"] = jnp.zeros((D,), jnp.float32)
    inp["Oew"] = xav(ks[11], (D, D)); inp["Oeb"] = jnp.zeros((D,), jnp.float32)
    inp["bn1h_g"] = jnp.ones((D,), jnp.float32); inp["bn1h_b"] = jnp.zeros((D,), jnp.float32)
    inp["bn1e_g"] = jnp.ones((D,), jnp.float32); inp["bn1e_b"] = jnp.zeros((D,), jnp.float32)
    inp["W1"] = xav(ks[12], (D, 2 * D)); inp["b1"] = jnp.zeros((2 * D,), jnp.float32)
    inp["W2"] = xav(ks[13], (2 * D, D)); inp["b2"] = jnp.zeros((D,), jnp.float32)
    inp["bn2h_g"] = jnp.ones((D,), jnp.float32); inp["bn2h_b"] = jnp.zeros((D,), jnp.float32)
    return inp


def _bn(v, g, b):
    # BatchNorm1d in training mode: biased batch statistics
    mu = jnp.mean(v, axis=0, keepdims=True)
    var = jnp.var(v, axis=0, keepdims=True)
    return (v - mu) / jnp.sqrt(var + 1e-5) * g + b


def _forward(x, edge_attr, edge_index, Qw, Qb, Kw, Ew, Eb, Vw, Aw, VeRow, deg_coef,
             Ohw, Ohb, Oew, Oeb, bn1h_g, bn1h_b, bn1e_g, bn1e_b,
             W1, b1, W2, b2, bn2h_g, bn2h_b):
    src_idx = edge_index[0]
    dst_idx = edge_index[1]
    n = x.shape[0]
    # ---- MultiHeadAttentionLayerGritSparse ----
    Qh = (x @ Qw + Qb).reshape(n, H, DH)
    Kh = (x @ Kw).reshape(n, H, DH)          # use_bias=False
    Vh = (x @ Vw).reshape(n, H, DH)
    Ee = (edge_attr @ Ew + Eb).reshape(-1, H, 2 * DH)
    E_w = Ee[:, :, :DH]
    E_b = Ee[:, :, DH:]
    score = Kh[src_idx] + Qh[dst_idx]
    score = score * E_w
    # signed sqrt: sqrt(relu(s)) - sqrt(relu(-s)) == sign(s)*sqrt(|s|)
    score = jnp.sign(score) * jnp.sqrt(jnp.abs(score))
    score = score + E_b
    score = jax.nn.relu(score)               # attn act='relu'
    e_t = score
    wE = score.reshape(score.shape[0], -1)
    score = jnp.einsum('ehd,dhc->ehc', score, Aw)
    score = jnp.clip(score, -CLAMP, CLAMP)
    # pyg_softmax over edges grouped by destination node
    smax = jax.ops.segment_max(score, dst_idx, num_segments=n)
    score = jnp.exp(score - smax[dst_idx])
    ssum = jax.ops.segment_sum(score, dst_idx, num_segments=n)
    score = score / (ssum[dst_idx] + 1e-16)
    msg = Vh[src_idx] * score
    wV = jax.ops.segment_sum(msg, dst_idx, num_segments=n)
    # edge enhancement
    rowV = jax.ops.segment_sum(e_t * score, dst_idx, num_segments=n)
    rowV = jnp.einsum('nhd,dhc->nhc', rowV, VeRow)
    wV = wV + rowV
    # ---- GritTransformerLayer ----
    deg = jax.ops.segment_sum(jnp.ones((dst_idx.shape[0],), jnp.float32), dst_idx, num_segments=n)
    log_deg = jax.lax.stop_gradient(jnp.log(deg + 1.0).reshape(n, 1))
    h = wV.reshape(n, -1)
    # degree scaler
    h = jnp.stack([h, h * log_deg], axis=-1)
    h = (h * deg_coef).sum(axis=-1)
    h = h @ Ohw + Ohb
    e = wE @ Oew + Oeb
    # residual
    h = x + h
    e = edge_attr + e
    # batch norm 1
    h = _bn(h, bn1h_g, bn1h_b)
    e = _bn(e, bn1e_g, bn1e_b)
    # FFN on nodes
    h_in2 = h
    h = jax.nn.relu(h @ W1 + b1) @ W2 + b2
    h = h_in2 + h
    h = _bn(h, bn2h_g, bn2h_b)
    return h, e


def reference(x, edge_attr, edge_index, Qw, Qb, Kw, Ew, Eb, Vw, Aw, VeRow, deg_coef,
              Ohw, Ohb, Oew, Oeb, bn1h_g, bn1h_b, bn1e_g, bn1e_b,
              W1, b1, W2, b2, bn2h_g, bn2h_b):
    return _forward(x=x, edge_attr=edge_attr, edge_index=edge_index, Qw=Qw, Qb=Qb,
                    Kw=Kw, Ew=Ew, Eb=Eb, Vw=Vw, Aw=Aw, VeRow=VeRow, deg_coef=deg_coef,
                    Ohw=Ohw, Ohb=Ohb, Oew=Oew, Oeb=Oeb,
                    bn1h_g=bn1h_g, bn1h_b=bn1h_b, bn1e_g=bn1e_g, bn1e_b=bn1e_b,
                    W1=W1, b1=b1, W2=W2, b2=b2, bn2h_g=bn2h_g, bn2h_b=bn2h_b)

if __name__ == "__main__":
    import jax
    _d = setup_inputs()
    print(jax.jit(kernel)(*tuple(_d.values())))

</pallas_src>

<mosaic_0001>
#map = affine_map<(d0, d1) -> (0, 0)>
#map1 = affine_map<(d0, d1) -> (0, 0, 0)>
module attributes {stable_mosaic.version = 14 : i64} {
  func.func @sca(%arg0: i32, %arg1: i32, %arg2: memref<160000x128xf32, #tpu.memory_space<hbm>>, %arg3: memref<1258x128xi32, #tpu.memory_space<hbm>>, %arg4: memref<640x128xf32, #tpu.memory_space<hbm>>, %arg5: memref<2x10000x128xf32, #tpu.memory_space<hbm>>, %arg6: memref<48x128xi32, #tpu.memory_space<vmem>>, %arg7: memref<128x128xf32, #tpu.memory_space<vmem>>, %arg8: memref<128x128xf32, #tpu.memory_space<vmem>>, %arg9: memref<10240x128xf32, #tpu.memory_space<vmem_shared>>, %arg10: memref<!tpu.dma_semaphore, #tpu.memory_space<semaphore_mem>>, %arg11: memref<!tpu.dma_semaphore, #tpu.memory_space<semaphore_mem>>) attributes {dimension_semantics = [#tpu.dimension_semantics<core_parallel>, #tpu.dimension_semantics<subcore_parallel>], iteration_bounds = array<i64: 2, 16>, scalar_prefetch = 0 : i64, scratch_operands = 6 : i64, tpu.core_type = #tpu.core_type<sc_vector_subcore>, window_params = [{transform_indices = #map}, {transform_indices = #map}, {transform_indices = #map}, {transform_indices = #map1}]} {
    %mul3A = arith.constant 16 : i32
    %mul3A_0 = arith.muli %arg0, %mul3A : i32
    %add3A = arith.addi %mul3A_0, %arg1 : i32
    %mul3A_1 = arith.constant 640 : i32
    %mul3A_2 = arith.muli %arg1, %mul3A_1 : i32
    "tpu.region"() ({
      %run_scoped3A = tpu.sem_alloc : memref<!tpu.dma_semaphore, #tpu.memory_space<semaphore_mem>>
      %dma_start3A_55 = arith.constant 0 : i32
      %dma_start3A_56 = tpu.memref_slice %arg9[%mul3A_2, %dma_start3A_55] : memref<10240x128xf32, #tpu.memory_space<vmem_shared>> -> memref<640x128xf32, #tpu.memory_space<vmem_shared>>
      tpu.enqueue_dma source(%arg4 : memref<640x128xf32, #tpu.memory_space<hbm>>) target(%dma_start3A_56 : memref<640x128xf32, #tpu.memory_space<vmem_shared>>) target_semaphore(%run_scoped3A : memref<!tpu.dma_semaphore, #tpu.memory_space<semaphore_mem>>)
      %dma_wait3A = arith.constant 0 : i32
      %dma_wait3A_57 = tpu.memref_slice %arg9[%mul3A_2, %dma_wait3A] : memref<10240x128xf32, #tpu.memory_space<vmem_shared>> -> memref<640x128xf32, #tpu.memory_space<vmem_shared>>
      tpu.wait_dma2 semaphore(%run_scoped3A : memref<!tpu.dma_semaphore, #tpu.memory_space<semaphore_mem>>) src(%arg4 : memref<640x128xf32, #tpu.memory_space<hbm>>) dst(%dma_wait3A_57 : memref<640x128xf32, #tpu.memory_space<vmem_shared>>)
      tpu.yield
    }) : () -> ()
    %mul3A_3 = arith.constant 39 : i32
    %mul3A_4 = arith.muli %add3A, %mul3A_3 : i32
    %sub3A = arith.constant 30 : i32
    %sub3A_5 = arith.subi %add3A, %sub3A : i32
    %max3A = arith.constant 0 : i32
    %max3A_6 = arith.maxsi %sub3A_5, %max3A : i32
    %add3A_7 = arith.addi %mul3A_4, %max3A_6 : i32
    %ge3A = arith.constant 30 : i32
    %ge3A_8 = arith.cmpi sge, %add3A, %ge3A : i32
    %jit3A = arith.constant 1 : i32
    %jit3A_9 = arith.constant 0 : i32
    %select_n3A = arith.select %ge3A_8, %jit3A, %jit3A_9 : i32
    %add3A_10 = arith.constant 39 : i32
    %add3A_11 = arith.addi %add3A_10, %select_n3A : i32
    %jit3A_12 = arith.constant 8 : i32
    %div3A = arith.divsi %add3A_7, %jit3A_12 : i32
    %sign3A = arith.constant 0 : i32
    %sign3A_13 = arith.cmpi sgt, %add3A_7, %sign3A : i32
    %sign3A_14 = arith.extui %sign3A_13 : i1 to i32
    %sign3A_15 = arith.constant 0 : i32
    %sign3A_16 = arith.cmpi slt, %add3A_7, %sign3A_15 : i32
    %sign3A_17 = arith.extui %sign3A_16 : i1 to i32
    %sign3A_18 = arith.subi %sign3A_14, %sign3A_17 : i32
    %sign3A_19 = arith.constant 0 : i32
    %sign3A_20 = arith.cmpi sgt, %jit3A_12, %sign3A_19 : i32
    %sign3A_21 = arith.extui %sign3A_20 : i1 to i32
    %sign3A_22 = arith.constant 0 : i32
    %sign3A_23 = arith.cmpi slt, %jit3A_12, %sign3A_22 : i32
    %sign3A_24 = arith.extui %sign3A_23 : i1 to i32
    %sign3A_25 = arith.subi %sign3A_21, %sign3A_24 : i32
    %ne3A = arith.cmpi ne, %sign3A_18, %sign3A_25 : i32
    %rem3A = arith.remsi %add3A_7, %jit3A_12 : i32
    %ne3A_26 = arith.constant 0 : i32
    %ne3A_27 = arith.cmpi ne, %rem3A, %ne3A_26 : i32
    %and3A = arith.andi %ne3A, %ne3A_27 : i1
    %sub3A_28 = arith.constant 1 : i32
    %sub3A_29 = arith.subi %div3A, %sub3A_28 : i32
    %select_n3A_30 = arith.select %and3A, %sub3A_29, %div3A : i32
    %mul3A_31 = arith.constant 8 : i32
    %mul3A_32 = arith.muli %select_n3A_30, %mul3A_31 : i32
    %sub3A_33 = arith.subi %add3A_7, %mul3A_32 : i32
    "tpu.region"() ({
      %run_scoped3A = tpu.sem_alloc : memref<!tpu.dma_semaphore, #tpu.memory_space<semaphore_mem>>
      %dma_start3A_55 = arith.constant 0 : i32
      %dma_start3A_56 = tpu.memref_slice %arg3[%mul3A_32, %dma_start3A_55] : memref<1258x128xi32, #tpu.memory_space<hbm>> -> memref<48x128xi32, #tpu.memory_space<hbm>>
      %dma_start3A_57 = arith.constant 0 : i32
      %dma_start3A_58 = tpu.memref_slice %arg3[%mul3A_32, %dma_start3A_57] : memref<1258x128xi32, #tpu.memory_space<hbm>> -> memref<48x128xi32, #tpu.memory_space<hbm>>
      tpu.enqueue_dma source(%dma_start3A_58 : memref<48x128xi32, #tpu.memory_space<hbm>>) target(%arg6 : memref<48x128xi32, #tpu.memory_space<vmem>>) target_semaphore(%run_scoped3A : memref<!tpu.dma_semaphore, #tpu.memory_space<semaphore_mem>>)
      %dma_wait3A = arith.constant 0 : i32
      %dma_wait3A_59 = tpu.memref_slice %arg3[%mul3A_32, %dma_wait3A] : memref<1258x128xi32, #tpu.memory_space<hbm>> -> memref<48x128xi32, #tpu.memory_space<hbm>>
      %dma_wait3A_60 = arith.constant 0 : i32
      %dma_wait3A_61 = tpu.memref_slice %arg3[%mul3A_32, %dma_wait3A_60] : memref<1258x128xi32, #tpu.memory_space<hbm>> -> memref<48x128xi32, #tpu.memory_space<hbm>>
      tpu.wait_dma2 semaphore(%run_scoped3A : memref<!tpu.dma_semaphore, #tpu.memory_space<semaphore_mem>>) src(%dma_wait3A_61 : memref<48x128xi32, #tpu.memory_space<hbm>>) dst(%arg6 : memref<48x128xi32, #tpu.memory_space<vmem>>)
      tpu.yield
    }) : () -> ()
    %barrier3A = arith.constant 0 : index
    tpu.barrier barrier_id(%barrier3A)
    %mul3A_34 = arith.constant 128 : i32
    %mul3A_35 = arith.muli %add3A_7, %mul3A_34 : i32
    %dma_start3A = arith.constant 0 : i32
    %dma_start3A_36 = tpu.memref_slice %arg2[%mul3A_35, %dma_start3A] : memref<160000x128xf32, #tpu.memory_space<hbm>> -> memref<128x128xf32, #tpu.memory_space<hbm>>
    %dma_start3A_37 = arith.constant 0 : i32
    %dma_start3A_38 = tpu.memref_slice %arg2[%mul3A_35, %dma_start3A_37] : memref<160000x128xf32, #tpu.memory_space<hbm>> -> memref<128x128xf32, #tpu.memory_space<hbm>>
    tpu.enqueue_dma source(%dma_start3A_38 : memref<128x128xf32, #tpu.memory_space<hbm>>) target(%arg7 : memref<128x128xf32, #tpu.memory_space<vmem>>) target_semaphore(%arg10 : memref<!tpu.dma_semaphore, #tpu.memory_space<semaphore_mem>>)
    %while3A = arith.constant 0 : i32
    %while3A_39 = arith.constant 0 : i32
    %while3A_40 = arith.subi %add3A_11, %while3A_39 : i32
    %while3A_41 = arith.addi %while3A_39, %while3A_40 : i32
    %while3A_42 = arith.constant 1 : i32
    %while3A_43 = arith.divsi %while3A_40, %while3A_42 : i32
    %while3A_44 = arith.muli %while3A_43, %while3A_42 : i32
    %while3A_45 = arith.addi %while3A_39, %while3A_44 : i32
    %while3A_46 = arith.constant 1 : i32
    scf.for %while3A_55 = %while3A_39 to %while3A_45 step %while3A_46  : i32 {
      %jit3A_56 = arith.constant 2 : i32
      %eq3A_57 = arith.constant 0 : i32
      %eq3A_58 = arith.cmpi eq, %jit3A_56, %eq3A_57 : i32
      %jit3A_59 = arith.constant 1 : i32
      %select_n3A_60 = arith.select %eq3A_58, %jit3A_59, %jit3A_56 : i32
      %rem3A_61 = arith.remsi %while3A_55, %select_n3A_60 : i32
      %ne3A_62 = arith.constant 0 : i32
      %ne3A_63 = arith.cmpi ne, %rem3A_61, %ne3A_62 : i32
      %lt3A_64 = arith.constant 0 : i32
      %lt3A_65 = arith.cmpi slt, %rem3A_61, %lt3A_64 : i32
      %lt3A_66 = arith.constant 0 : i32
      %lt3A_67 = arith.cmpi slt, %select_n3A_60, %lt3A_66 : i32
      %ne3A_68 = arith.xori %lt3A_65, %lt3A_67 : i1
      %and3A_69 = arith.andi %ne3A_68, %ne3A_63 : i1
      %add3A_70 = arith.addi %rem3A_61, %select_n3A_60 : i32
      %select_n3A_71 = arith.select %and3A_69, %add3A_70, %rem3A_61 : i32
      %eq3A_72 = arith.constant 0 : i32
      %eq3A_73 = arith.cmpi eq, %select_n3A_71, %eq3A_72 : i32
      %convert_element_type3A_74 = arith.extui %eq3A_73 : i1 to i32
      %cond3A_75 = arith.constant 0 : i32
      %cond3A_76 = arith.cmpi ne, %convert_element_type3A_74, %cond3A_75 : i32
      scf.if %cond3A_76 {
        %add3A_98 = arith.constant 1 : i32
        %add3A_99 = arith.addi %while3A_55, %add3A_98 : i32
        %lt3A_100 = arith.cmpi slt, %add3A_99, %add3A_11 : i32
        %convert_element_type3A_101 = arith.extui %lt3A_100 : i1 to i32
        %cond3A_102 = arith.constant 0 : i32
        %cond3A_103 = arith.cmpi ne, %convert_element_type3A_101, %cond3A_102 : i32
        scf.if %cond3A_103 {
          %add3A_111 = arith.addi %add3A_7, %while3A_55 : i32
          %add3A_112 = arith.constant 1 : i32
          %add3A_113 = arith.addi %add3A_111, %add3A_112 : i32
          %mul3A_114 = arith.constant 128 : i32
          %mul3A_115 = arith.muli %add3A_113, %mul3A_114 : i32
          %dma_start3A_116 = arith.constant 0 : i32
          %dma_start3A_117 = tpu.memref_slice %arg2[%mul3A_115, %dma_start3A_116] : memref<160000x128xf32, #tpu.memory_space<hbm>> -> memref<128x128xf32, #tpu.memory_space<hbm>>
          %dma_start3A_118 = arith.constant 0 : i32
          %dma_start3A_119 = tpu.memref_slice %arg2[%mul3A_115, %dma_start3A_118] : memref<160000x128xf32, #tpu.memory_space<hbm>> -> memref<128x128xf32, #tpu.memory_space<hbm>>
          tpu.enqueue_dma source(%dma_start3A_119 : memref<128x128xf32, #tpu.memory_space<hbm>>) target(%arg8 : memref<128x128xf32, #tpu.memory_space<vmem>>) target_semaphore(%arg11 : memref<!tpu.dma_semaphore, #tpu.memory_space<semaphore_mem>>)
        } else {
        }
        %add3A_104 = arith.addi %add3A_7, %while3A_55 : i32
        %mul3A_105 = arith.constant 128 : i32
        %mul3A_106 = arith.muli %add3A_104, %mul3A_105 : i32
        %dma_wait3A = arith.constant 0 : i32
        %dma_wait3A_107 = tpu.memref_slice %arg2[%mul3A_106, %dma_wait3A] : memref<160000x128xf32, #tpu.memory_space<hbm>> -> memref<128x128xf32, #tpu.memory_space<hbm>>
        %dma_wait3A_108 = arith.constant 0 : i32
        %dma_wait3A_109 = tpu.memref_slice %arg2[%mul3A_106, %dma_wait3A_108] : memref<160000x128xf32, #tpu.memory_space<hbm>> -> memref<128x128xf32, #tpu.memory_space<hbm>>
        tpu.wait_dma2 semaphore(%arg10 : memref<!tpu.dma_semaphore, #tpu.memory_space<semaphore_mem>>) src(%dma_wait3A_109 : memref<128x128xf32, #tpu.memory_space<hbm>>) dst(%arg7 : memref<128x128xf32, #tpu.memory_space<vmem>>)
        %add3A_110 = arith.addi %sub3A_33, %while3A_55 : i32
        "tpu.region"() ({
          %run_scoped3A = tpu.sem_alloc : memref<!tpu.dma_semaphore, #tpu.memory_space<semaphore_mem>>
          %dma_start3A_111 = arith.constant 0 : i32
          %dma_start3A_112 = tpu.memref_slice %arg6[%add3A_110, %dma_start3A_111] : memref<48x128xi32, #tpu.memory_space<vmem>> -> memref<1x128xi32, #tpu.memory_space<vmem>>
          %dma_start3A_113 = tpu.memref_squeeze %dma_start3A_112 : memref<1x128xi32, #tpu.memory_space<vmem>> -> memref<128xi32, #tpu.memory_space<vmem>>
          %dma_start3A_114 = arith.constant 0 : i32
          %dma_start3A_115 = arith.constant 0 : i32
          %dma_start3A_116 = tpu.memref_slice %arg9[%dma_start3A_114, %dma_start3A_115] : memref<10240x128xf32, #tpu.memory_space<vmem_shared>> -> memref<10240x128xf32, #tpu.memory_space<vmem_shared>>
          tpu.enqueue_indirect_dma source(%arg7 : memref<128x128xf32, #tpu.memory_space<vmem>>) target(%dma_start3A_116 : memref<10240x128xf32, #tpu.memory_space<vmem_shared>>) offsets(%dma_start3A_113 : memref<128xi32, #tpu.memory_space<vmem>>) semaphore(%run_scoped3A : memref<!tpu.dma_semaphore, #tpu.memory_space<semaphore_mem>>) {add = true}
          %dma_wait3A_117 = arith.constant 0 : i32
          %dma_wait3A_118 = tpu.memref_slice %arg6[%add3A_110, %dma_wait3A_117] : memref<48x128xi32, #tpu.memory_space<vmem>> -> memref<1x128xi32, #tpu.memory_space<vmem>>
          %dma_wait3A_119 = tpu.memref_squeeze %dma_wait3A_118 : memref<1x128xi32, #tpu.memory_space<vmem>> -> memref<128xi32, #tpu.memory_space<vmem>>
          %dma_wait3A_120 = arith.constant 0 : i32
          %dma_wait3A_121 = arith.constant 0 : i32
          %dma_wait3A_122 = tpu.memref_slice %arg9[%dma_wait3A_120, %dma_wait3A_121] : memref<10240x128xf32, #tpu.memory_space<vmem_shared>> -> memref<10240x128xf32, #tpu.memory_space<vmem_shared>>
          tpu.wait_indirect_dma semaphore(%run_scoped3A : memref<!tpu.dma_semaphore, #tpu.memory_space<semaphore_mem>>) src(%arg7 : memref<128x128xf32, #tpu.memory_space<vmem>>) dst(%dma_wait3A_122 : memref<10240x128xf32, #tpu.memory_space<vmem_shared>>)
          tpu.yield
        }) : () -> ()
      } else {
      }
      %jit3A_77 = arith.constant 2 : i32
      %eq3A_78 = arith.constant 0 : i32
      %eq3A_79 = arith.cmpi eq, %jit3A_77, %eq3A_78 : i32
      %jit3A_80 = arith.constant 1 : i32
      %select_n3A_81 = arith.select %eq3A_79, %jit3A_80, %jit3A_77 : i32
      %rem3A_82 = arith.remsi %while3A_55, %select_n3A_81 : i32
      %ne3A_83 = arith.constant 0 : i32
      %ne3A_84 = arith.cmpi ne, %rem3A_82, %ne3A_83 : i32
      %lt3A_85 = arith.constant 0 : i32
      %lt3A_86 = arith.cmpi slt, %rem3A_82, %lt3A_85 : i32
      %lt3A_87 = arith.constant 0 : i32
      %lt3A_88 = arith.cmpi slt, %select_n3A_81, %lt3A_87 : i32
      %ne3A_89 = arith.xori %lt3A_86, %lt3A_88 : i1
      %and3A_90 = arith.andi %ne3A_89, %ne3A_84 : i1
      %add3A_91 = arith.addi %rem3A_82, %select_n3A_81 : i32
      %select_n3A_92 = arith.select %and3A_90, %add3A_91, %rem3A_82 : i32
      %eq3A_93 = arith.constant 1 : i32
      %eq3A_94 = arith.cmpi eq, %select_n3A_92, %eq3A_93 : i32
      %convert_element_type3A_95 = arith.extui %eq3A_94 : i1 to i32
      %cond3A_96 = arith.constant 0 : i32
      %cond3A_97 = arith.cmpi ne, %convert_element_type3A_95, %cond3A_96 : i32
      scf.if %cond3A_97 {
        %add3A_98 = arith.constant 1 : i32
        %add3A_99 = arith.addi %while3A_55, %add3A_98 : i32
        %lt3A_100 = arith.cmpi slt, %add3A_99, %add3A_11 : i32
        %convert_element_type3A_101 = arith.extui %lt3A_100 : i1 to i32
        %cond3A_102 = arith.constant 0 : i32
        %cond3A_103 = arith.cmpi ne, %convert_element_type3A_101, %cond3A_102 : i32
        scf.if %cond3A_103 {
          %add3A_111 = arith.addi %add3A_7, %while3A_55 : i32
          %add3A_112 = arith.constant 1 : i32
          %add3A_113 = arith.addi %add3A_111, %add3A_112 : i32
          %mul3A_114 = arith.constant 128 : i32
          %mul3A_115 = arith.muli %add3A_113, %mul3A_114 : i32
          %dma_start3A_116 = arith.constant 0 : i32
          %dma_start3A_117 = tpu.memref_slice %arg2[%mul3A_115, %dma_start3A_116] : memref<160000x128xf32, #tpu.memory_space<hbm>> -> memref<128x128xf32, #tpu.memory_space<hbm>>
          %dma_start3A_118 = arith.constant 0 : i32
          %dma_start3A_119 = tpu.memref_slice %arg2[%mul3A_115, %dma_start3A_118] : memref<160000x128xf32, #tpu.memory_space<hbm>> -> memref<128x128xf32, #tpu.memory_space<hbm>>
          tpu.enqueue_dma source(%dma_start3A_119 : memref<128x128xf32, #tpu.memory_space<hbm>>) target(%arg7 : memref<128x128xf32, #tpu.memory_space<vmem>>) target_semaphore(%arg10 : memref<!tpu.dma_semaphore, #tpu.memory_space<semaphore_mem>>)
        } else {
        }
        %add3A_104 = arith.addi %add3A_7, %while3A_55 : i32
        %mul3A_105 = arith.constant 128 : i32
        %mul3A_106 = arith.muli %add3A_104, %mul3A_105 : i32
        %dma_wait3A = arith.constant 0 : i32
        %dma_wait3A_107 = tpu.memref_slice %arg2[%mul3A_106, %dma_wait3A] : memref<160000x128xf32, #tpu.memory_space<hbm>> -> memref<128x128xf32, #tpu.memory_space<hbm>>
        %dma_wait3A_108 = arith.constant 0 : i32
        %dma_wait3A_109 = tpu.memref_slice %arg2[%mul3A_106, %dma_wait3A_108] : memref<160000x128xf32, #tpu.memory_space<hbm>> -> memref<128x128xf32, #tpu.memory_space<hbm>>
        tpu.wait_dma2 semaphore(%arg11 : memref<!tpu.dma_semaphore, #tpu.memory_space<semaphore_mem>>) src(%dma_wait3A_109 : memref<128x128xf32, #tpu.memory_space<hbm>>) dst(%arg8 : memref<128x128xf32, #tpu.memory_space<vmem>>)
        %add3A_110 = arith.addi %sub3A_33, %while3A_55 : i32
        "tpu.region"() ({
          %run_scoped3A = tpu.sem_alloc : memref<!tpu.dma_semaphore, #tpu.memory_space<semaphore_mem>>
          %dma_start3A_111 = arith.constant 0 : i32
          %dma_start3A_112 = tpu.memref_slice %arg6[%add3A_110, %dma_start3A_111] : memref<48x128xi32, #tpu.memory_space<vmem>> -> memref<1x128xi32, #tpu.memory_space<vmem>>
          %dma_start3A_113 = tpu.memref_squeeze %dma_start3A_112 : memref<1x128xi32, #tpu.memory_space<vmem>> -> memref<128xi32, #tpu.memory_space<vmem>>
          %dma_start3A_114 = arith.constant 0 : i32
          %dma_start3A_115 = arith.constant 0 : i32
          %dma_start3A_116 = tpu.memref_slice %arg9[%dma_start3A_114, %dma_start3A_115] : memref<10240x128xf32, #tpu.memory_space<vmem_shared>> -> memref<10240x128xf32, #tpu.memory_space<vmem_shared>>
          tpu.enqueue_indirect_dma source(%arg8 : memref<128x128xf32, #tpu.memory_space<vmem>>) target(%dma_start3A_116 : memref<10240x128xf32, #tpu.memory_space<vmem_shared>>) offsets(%dma_start3A_113 : memref<128xi32, #tpu.memory_space<vmem>>) semaphore(%run_scoped3A : memref<!tpu.dma_semaphore, #tpu.memory_space<semaphore_mem>>) {add = true}
          %dma_wait3A_117 = arith.constant 0 : i32
          %dma_wait3A_118 = tpu.memref_slice %arg6[%add3A_110, %dma_wait3A_117] : memref<48x128xi32, #tpu.memory_space<vmem>> -> memref<1x128xi32, #tpu.memory_space<vmem>>
          %dma_wait3A_119 = tpu.memref_squeeze %dma_wait3A_118 : memref<1x128xi32, #tpu.memory_space<vmem>> -> memref<128xi32, #tpu.memory_space<vmem>>
          %dma_wait3A_120 = arith.constant 0 : i32
          %dma_wait3A_121 = arith.constant 0 : i32
          %dma_wait3A_122 = tpu.memref_slice %arg9[%dma_wait3A_120, %dma_wait3A_121] : memref<10240x128xf32, #tpu.memory_space<vmem_shared>> -> memref<10240x128xf32, #tpu.memory_space<vmem_shared>>
          tpu.wait_indirect_dma semaphore(%run_scoped3A : memref<!tpu.dma_semaphore, #tpu.memory_space<semaphore_mem>>) src(%arg8 : memref<128x128xf32, #tpu.memory_space<vmem>>) dst(%dma_wait3A_122 : memref<10240x128xf32, #tpu.memory_space<vmem_shared>>)
          tpu.yield
        }) : () -> ()
      } else {
      }
    }
    %while3A_47 = arith.constant 1 : i32
    scf.for %while3A_55 = %while3A_45 to %while3A_41 step %while3A_47  : i32 {
      %jit3A_56 = arith.constant 2 : i32
      %eq3A_57 = arith.constant 0 : i32
      %eq3A_58 = arith.cmpi eq, %jit3A_56, %eq3A_57 : i32
      %jit3A_59 = arith.constant 1 : i32
      %select_n3A_60 = arith.select %eq3A_58, %jit3A_59, %jit3A_56 : i32
      %rem3A_61 = arith.remsi %while3A_55, %select_n3A_60 : i32
      %ne3A_62 = arith.constant 0 : i32
      %ne3A_63 = arith.cmpi ne, %rem3A_61, %ne3A_62 : i32
      %lt3A_64 = arith.constant 0 : i32
      %lt3A_65 = arith.cmpi slt, %rem3A_61, %lt3A_64 : i32
      %lt3A_66 = arith.constant 0 : i32
      %lt3A_67 = arith.cmpi slt, %select_n3A_60, %lt3A_66 : i32
      %ne3A_68 = arith.xori %lt3A_65, %lt3A_67 : i1
      %and3A_69 = arith.andi %ne3A_68, %ne3A_63 : i1
      %add3A_70 = arith.addi %rem3A_61, %select_n3A_60 : i32
      %select_n3A_71 = arith.select %and3A_69, %add3A_70, %rem3A_61 : i32
      %eq3A_72 = arith.constant 0 : i32
      %eq3A_73 = arith.cmpi eq, %select_n3A_71, %eq3A_72 : i32
      %convert_element_type3A_74 = arith.extui %eq3A_73 : i1 to i32
      %cond3A_75 = arith.constant 0 : i32
      %cond3A_76 = arith.cmpi ne, %convert_element_type3A_74, %cond3A_75 : i32
      scf.if %cond3A_76 {
        %add3A_98 = arith.constant 1 : i32
        %add3A_99 = arith.addi %while3A_55, %add3A_98 : i32
        %lt3A_100 = arith.cmpi slt, %add3A_99, %add3A_11 : i32
        %convert_element_type3A_101 = arith.extui %lt3A_100 : i1 to i32
        %cond3A_102 = arith.constant 0 : i32
        %cond3A_103 = arith.cmpi ne, %convert_element_type3A_101, %cond3A_102 : i32
        scf.if %cond3A_103 {
          %add3A_111 = arith.addi %add3A_7, %while3A_55 : i32
          %add3A_112 = arith.constant 1 : i32
          %add3A_113 = arith.addi %add3A_111, %add3A_112 : i32
          %mul3A_114 = arith.constant 128 : i32
          %mul3A_115 = arith.muli %add3A_113, %mul3A_114 : i32
          %dma_start3A_116 = arith.constant 0 : i32
          %dma_start3A_117 = tpu.memref_slice %arg2[%mul3A_115, %dma_start3A_116] : memref<160000x128xf32, #tpu.memory_space<hbm>> -> memref<128x128xf32, #tpu.memory_space<hbm>>
          %dma_start3A_118 = arith.constant 0 : i32
          %dma_start3A_119 = tpu.memref_slice %arg2[%mul3A_115, %dma_start3A_118] : memref<160000x128xf32, #tpu.memory_space<hbm>> -> memref<128x128xf32, #tpu.memory_space<hbm>>
          tpu.enqueue_dma source(%dma_start3A_119 : memref<128x128xf32, #tpu.memory_space<hbm>>) target(%arg8 : memref<128x128xf32, #tpu.memory_space<vmem>>) target_semaphore(%arg11 : memref<!tpu.dma_semaphore, #tpu.memory_space<semaphore_mem>>)
        } else {
        }
        %add3A_104 = arith.addi %add3A_7, %while3A_55 : i32
        %mul3A_105 = arith.constant 128 : i32
        %mul3A_106 = arith.muli %add3A_104, %mul3A_105 : i32
        %dma_wait3A = arith.constant 0 : i32
        %dma_wait3A_107 = tpu.memref_slice %arg2[%mul3A_106, %dma_wait3A] : memref<160000x128xf32, #tpu.memory_space<hbm>> -> memref<128x128xf32, #tpu.memory_space<hbm>>
        %dma_wait3A_108 = arith.constant 0 : i32
        %dma_wait3A_109 = tpu.memref_slice %arg2[%mul3A_106, %dma_wait3A_108] : memref<160000x128xf32, #tpu.memory_space<hbm>> -> memref<128x128xf32, #tpu.memory_space<hbm>>
        tpu.wait_dma2 semaphore(%arg10 : memref<!tpu.dma_semaphore, #tpu.memory_space<semaphore_mem>>) src(%dma_wait3A_109 : memref<128x128xf32, #tpu.memory_space<hbm>>) dst(%arg7 : memref<128x128xf32, #tpu.memory_space<vmem>>)
        %add3A_110 = arith.addi %sub3A_33, %while3A_55 : i32
        "tpu.region"() ({
          %run_scoped3A = tpu.sem_alloc : memref<!tpu.dma_semaphore, #tpu.memory_space<semaphore_mem>>
          %dma_start3A_111 = arith.constant 0 : i32
          %dma_start3A_112 = tpu.memref_slice %arg6[%add3A_110, %dma_start3A_111] : memref<48x128xi32, #tpu.memory_space<vmem>> -> memref<1x128xi32, #tpu.memory_space<vmem>>
          %dma_start3A_113 = tpu.memref_squeeze %dma_start3A_112 : memref<1x128xi32, #tpu.memory_space<vmem>> -> memref<128xi32, #tpu.memory_space<vmem>>
          %dma_start3A_114 = arith.constant 0 : i32
          %dma_start3A_115 = arith.constant 0 : i32
          %dma_start3A_116 = tpu.memref_slice %arg9[%dma_start3A_114, %dma_start3A_115] : memref<10240x128xf32, #tpu.memory_space<vmem_shared>> -> memref<10240x128xf32, #tpu.memory_space<vmem_shared>>
          tpu.enqueue_indirect_dma source(%arg7 : memref<128x128xf32, #tpu.memory_space<vmem>>) target(%dma_start3A_116 : memref<10240x128xf32, #tpu.memory_space<vmem_shared>>) offsets(%dma_start3A_113 : memref<128xi32, #tpu.memory_space<vmem>>) semaphore(%run_scoped3A : memref<!tpu.dma_semaphore, #tpu.memory_space<semaphore_mem>>) {add = true}
          %dma_wait3A_117 = arith.constant 0 : i32
          %dma_wait3A_118 = tpu.memref_slice %arg6[%add3A_110, %dma_wait3A_117] : memref<48x128xi32, #tpu.memory_space<vmem>> -> memref<1x128xi32, #tpu.memory_space<vmem>>
          %dma_wait3A_119 = tpu.memref_squeeze %dma_wait3A_118 : memref<1x128xi32, #tpu.memory_space<vmem>> -> memref<128xi32, #tpu.memory_space<vmem>>
          %dma_wait3A_120 = arith.constant 0 : i32
          %dma_wait3A_121 = arith.constant 0 : i32
          %dma_wait3A_122 = tpu.memref_slice %arg9[%dma_wait3A_120, %dma_wait3A_121] : memref<10240x128xf32, #tpu.memory_space<vmem_shared>> -> memref<10240x128xf32, #tpu.memory_space<vmem_shared>>
          tpu.wait_indirect_dma semaphore(%run_scoped3A : memref<!tpu.dma_semaphore, #tpu.memory_space<semaphore_mem>>) src(%arg7 : memref<128x128xf32, #tpu.memory_space<vmem>>) dst(%dma_wait3A_122 : memref<10240x128xf32, #tpu.memory_space<vmem_shared>>)
          tpu.yield
        }) : () -> ()
      } else {
      }
      %jit3A_77 = arith.constant 2 : i32
      %eq3A_78 = arith.constant 0 : i32
      %eq3A_79 = arith.cmpi eq, %jit3A_77, %eq3A_78 : i32
      %jit3A_80 = arith.constant 1 : i32
      %select_n3A_81 = arith.select %eq3A_79, %jit3A_80, %jit3A_77 : i32
      %rem3A_82 = arith.remsi %while3A_55, %select_n3A_81 : i32
      %ne3A_83 = arith.constant 0 : i32
      %ne3A_84 = arith.cmpi ne, %rem3A_82, %ne3A_83 : i32
      %lt3A_85 = arith.constant 0 : i32
      %lt3A_86 = arith.cmpi slt, %rem3A_82, %lt3A_85 : i32
      %lt3A_87 = arith.constant 0 : i32
      %lt3A_88 = arith.cmpi slt, %select_n3A_81, %lt3A_87 : i32
      %ne3A_89 = arith.xori %lt3A_86, %lt3A_88 : i1
      %and3A_90 = arith.andi %ne3A_89, %ne3A_84 : i1
      %add3A_91 = arith.addi %rem3A_82, %select_n3A_81 : i32
      %select_n3A_92 = arith.select %and3A_90, %add3A_91, %rem3A_82 : i32
      %eq3A_93 = arith.constant 1 : i32
      %eq3A_94 = arith.cmpi eq, %select_n3A_92, %eq3A_93 : i32
      %convert_element_type3A_95 = arith.extui %eq3A_94 : i1 to i32
      %cond3A_96 = arith.constant 0 : i32
      %cond3A_97 = arith.cmpi ne, %convert_element_type3A_95, %cond3A_96 : i32
      scf.if %cond3A_97 {
        %add3A_98 = arith.constant 1 : i32
        %add3A_99 = arith.addi %while3A_55, %add3A_98 : i32
        %lt3A_100 = arith.cmpi slt, %add3A_99, %add3A_11 : i32
        %convert_element_type3A_101 = arith.extui %lt3A_100 : i1 to i32
        %cond3A_102 = arith.constant 0 : i32
        %cond3A_103 = arith.cmpi ne, %convert_element_type3A_101, %cond3A_102 : i32
        scf.if %cond3A_103 {
          %add3A_111 = arith.addi %add3A_7, %while3A_55 : i32
          %add3A_112 = arith.constant 1 : i32
          %add3A_113 = arith.addi %add3A_111, %add3A_112 : i32
          %mul3A_114 = arith.constant 128 : i32
          %mul3A_115 = arith.muli %add3A_113, %mul3A_114 : i32
          %dma_start3A_116 = arith.constant 0 : i32
          %dma_start3A_117 = tpu.memref_slice %arg2[%mul3A_115, %dma_start3A_116] : memref<160000x128xf32, #tpu.memory_space<hbm>> -> memref<128x128xf32, #tpu.memory_space<hbm>>
          %dma_start3A_118 = arith.constant 0 : i32
          %dma_start3A_119 = tpu.memref_slice %arg2[%mul3A_115, %dma_start3A_118] : memref<160000x128xf32, #tpu.memory_space<hbm>> -> memref<128x128xf32, #tpu.memory_space<hbm>>
          tpu.enqueue_dma source(%dma_start3A_119 : memref<128x128xf32, #tpu.memory_space<hbm>>) target(%arg7 : memref<128x128xf32, #tpu.memory_space<vmem>>) target_semaphore(%arg10 : memref<!tpu.dma_semaphore, #tpu.memory_space<semaphore_mem>>)
        } else {
        }
        %add3A_104 = arith.addi %add3A_7, %while3A_55 : i32
        %mul3A_105 = arith.constant 128 : i32
        %mul3A_106 = arith.muli %add3A_104, %mul3A_105 : i32
        %dma_wait3A = arith.constant 0 : i32
        %dma_wait3A_107 = tpu.memref_slice %arg2[%mul3A_106, %dma_wait3A] : memref<160000x128xf32, #tpu.memory_space<hbm>> -> memref<128x128xf32, #tpu.memory_space<hbm>>
        %dma_wait3A_108 = arith.constant 0 : i32
        %dma_wait3A_109 = tpu.memref_slice %arg2[%mul3A_106, %dma_wait3A_108] : memref<160000x128xf32, #tpu.memory_space<hbm>> -> memref<128x128xf32, #tpu.memory_space<hbm>>
        tpu.wait_dma2 semaphore(%arg11 : memref<!tpu.dma_semaphore, #tpu.memory_space<semaphore_mem>>) src(%dma_wait3A_109 : memref<128x128xf32, #tpu.memory_space<hbm>>) dst(%arg8 : memref<128x128xf32, #tpu.memory_space<vmem>>)
        %add3A_110 = arith.addi %sub3A_33, %while3A_55 : i32
        "tpu.region"() ({
          %run_scoped3A = tpu.sem_alloc : memref<!tpu.dma_semaphore, #tpu.memory_space<semaphore_mem>>
          %dma_start3A_111 = arith.constant 0 : i32
          %dma_start3A_112 = tpu.memref_slice %arg6[%add3A_110, %dma_start3A_111] : memref<48x128xi32, #tpu.memory_space<vmem>> -> memref<1x128xi32, #tpu.memory_space<vmem>>
          %dma_start3A_113 = tpu.memref_squeeze %dma_start3A_112 : memref<1x128xi32, #tpu.memory_space<vmem>> -> memref<128xi32, #tpu.memory_space<vmem>>
          %dma_start3A_114 = arith.constant 0 : i32
          %dma_start3A_115 = arith.constant 0 : i32
          %dma_start3A_116 = tpu.memref_slice %arg9[%dma_start3A_114, %dma_start3A_115] : memref<10240x128xf32, #tpu.memory_space<vmem_shared>> -> memref<10240x128xf32, #tpu.memory_space<vmem_shared>>
          tpu.enqueue_indirect_dma source(%arg8 : memref<128x128xf32, #tpu.memory_space<vmem>>) target(%dma_start3A_116 : memref<10240x128xf32, #tpu.memory_space<vmem_shared>>) offsets(%dma_start3A_113 : memref<128xi32, #tpu.memory_space<vmem>>) semaphore(%run_scoped3A : memref<!tpu.dma_semaphore, #tpu.memory_space<semaphore_mem>>) {add = true}
          %dma_wait3A_117 = arith.constant 0 : i32
          %dma_wait3A_118 = tpu.memref_slice %arg6[%add3A_110, %dma_wait3A_117] : memref<48x128xi32, #tpu.memory_space<vmem>> -> memref<1x128xi32, #tpu.memory_space<vmem>>
          %dma_wait3A_119 = tpu.memref_squeeze %dma_wait3A_118 : memref<1x128xi32, #tpu.memory_space<vmem>> -> memref<128xi32, #tpu.memory_space<vmem>>
          %dma_wait3A_120 = arith.constant 0 : i32
          %dma_wait3A_121 = arith.constant 0 : i32
          %dma_wait3A_122 = tpu.memref_slice %arg9[%dma_wait3A_120, %dma_wait3A_121] : memref<10240x128xf32, #tpu.memory_space<vmem_shared>> -> memref<10240x128xf32, #tpu.memory_space<vmem_shared>>
          tpu.wait_indirect_dma semaphore(%run_scoped3A : memref<!tpu.dma_semaphore, #tpu.memory_space<semaphore_mem>>) src(%arg8 : memref<128x128xf32, #tpu.memory_space<vmem>>) dst(%dma_wait3A_122 : memref<10240x128xf32, #tpu.memory_space<vmem_shared>>)
          tpu.yield
        }) : () -> ()
      } else {
      }
    }
    %barrier3A_48 = arith.constant 0 : index
    tpu.barrier barrier_id(%barrier3A_48)
    %lt3A = arith.constant 15 : i32
    %lt3A_49 = arith.cmpi slt, %arg1, %lt3A : i32
    %convert_element_type3A = arith.extui %lt3A_49 : i1 to i32
    %cond3A = arith.constant 0 : i32
    %cond3A_50 = arith.cmpi ne, %convert_element_type3A, %cond3A : i32
    scf.if %cond3A_50 {
      %mul3A_55 = arith.constant 640 : i32
      %mul3A_56 = arith.muli %arg1, %mul3A_55 : i32
      %mul3A_57 = arith.constant 640 : i32
      %mul3A_58 = arith.muli %arg1, %mul3A_57 : i32
      "tpu.region"() ({
        %run_scoped3A = tpu.sem_alloc : memref<!tpu.dma_semaphore, #tpu.memory_space<semaphore_mem>>
        %dma_start3A_59 = arith.constant 0 : i32
        %dma_start3A_60 = tpu.memref_slice %arg5[%arg0, %mul3A_58, %dma_start3A_59] : memref<2x10000x128xf32, #tpu.memory_space<hbm>> -> memref<1x640x128xf32, #tpu.memory_space<hbm>>
        %dma_start3A_61 = tpu.memref_squeeze %dma_start3A_60 : memref<1x640x128xf32, #tpu.memory_space<hbm>> -> memref<640x128xf32, #tpu.memory_space<hbm>>
        %dma_start3A_62 = arith.constant 0 : i32
        %dma_start3A_63 = tpu.memref_slice %arg9[%mul3A_56, %dma_start3A_62] : memref<10240x128xf32, #tpu.memory_space<vmem_shared>> -> memref<640x128xf32, #tpu.memory_space<vmem_shared>>
        tpu.enqueue_dma source(%dma_start3A_63 : memref<640x128xf32, #tpu.memory_space<vmem_shared>>) target(%dma_start3A_61 : memref<640x128xf32, #tpu.memory_space<hbm>>) target_semaphore(%run_scoped3A : memref<!tpu.dma_semaphore, #tpu.memory_space<semaphore_mem>>)
        %dma_wait3A = arith.constant 0 : i32
        %dma_wait3A_64 = tpu.memref_slice %arg5[%arg0, %mul3A_58, %dma_wait3A] : memref<2x10000x128xf32, #tpu.memory_space<hbm>> -> memref<1x640x128xf32, #tpu.memory_space<hbm>>
        %dma_wait3A_65 = tpu.memref_squeeze %dma_wait3A_64 : memref<1x640x128xf32, #tpu.memory_space<hbm>> -> memref<640x128xf32, #tpu.memory_space<hbm>>
        %dma_wait3A_66 = arith.constant 0 : i32
        %dma_wait3A_67 = tpu.memref_slice %arg9[%mul3A_56, %dma_wait3A_66] : memref<10240x128xf32, #tpu.memory_space<vmem_shared>> -> memref<640x128xf32, #tpu.memory_space<vmem_shared>>
        tpu.wait_dma2 semaphore(%run_scoped3A : memref<!tpu.dma_semaphore, #tpu.memory_space<semaphore_mem>>) src(%dma_wait3A_67 : memref<640x128xf32, #tpu.memory_space<vmem_shared>>) dst(%dma_wait3A_65 : memref<640x128xf32, #tpu.memory_space<hbm>>)
        tpu.yield
      }) : () -> ()
    } else {
    }
    %eq3A = arith.constant 15 : i32
    %eq3A_51 = arith.cmpi eq, %arg1, %eq3A : i32
    %convert_element_type3A_52 = arith.extui %eq3A_51 : i1 to i32
    %cond3A_53 = arith.constant 0 : i32
    %cond3A_54 = arith.cmpi ne, %convert_element_type3A_52, %cond3A_53 : i32
    scf.if %cond3A_54 {
      "tpu.region"() ({
        %run_scoped3A = tpu.sem_alloc : memref<!tpu.dma_semaphore, #tpu.memory_space<semaphore_mem>>
        %dma_start3A_55 = arith.constant 9600 : i32
        %dma_start3A_56 = arith.constant 0 : i32
        %dma_start3A_57 = tpu.memref_slice %arg5[%arg0, %dma_start3A_55, %dma_start3A_56] : memref<2x10000x128xf32, #tpu.memory_space<hbm>> -> memref<1x400x128xf32, #tpu.memory_space<hbm>>
        %dma_start3A_58 = tpu.memref_squeeze %dma_start3A_57 : memref<1x400x128xf32, #tpu.memory_space<hbm>> -> memref<400x128xf32, #tpu.memory_space<hbm>>
        %dma_start3A_59 = arith.constant 9600 : i32
        %dma_start3A_60 = arith.constant 0 : i32
        %dma_start3A_61 = tpu.memref_slice %arg9[%dma_start3A_59, %dma_start3A_60] : memref<10240x128xf32, #tpu.memory_space<vmem_shared>> -> memref<400x128xf32, #tpu.memory_space<vmem_shared>>
        tpu.enqueue_dma source(%dma_start3A_61 : memref<400x128xf32, #tpu.memory_space<vmem_shared>>) target(%dma_start3A_58 : memref<400x128xf32, #tpu.memory_space<hbm>>) target_semaphore(%run_scoped3A : memref<!tpu.dma_semaphore, #tpu.memory_space<semaphore_mem>>)
        %dma_wait3A = arith.constant 9600 : i32
        %dma_wait3A_62 = arith.constant 0 : i32
        %dma_wait3A_63 = tpu.memref_slice %arg5[%arg0, %dma_wait3A, %dma_wait3A_62] : memref<2x10000x128xf32, #tpu.memory_space<hbm>> -> memref<1x400x128xf32, #tpu.memory_space<hbm>>
        %dma_wait3A_64 = tpu.memref_squeeze %dma_wait3A_63 : memref<1x400x128xf32, #tpu.memory_space<hbm>> -> memref<400x128xf32, #tpu.memory_space<hbm>>
        %dma_wait3A_65 = arith.constant 9600 : i32
        %dma_wait3A_66 = arith.constant 0 : i32
        %dma_wait3A_67 = tpu.memref_slice %arg9[%dma_wait3A_65, %dma_wait3A_66] : memref<10240x128xf32, #tpu.memory_space<vmem_shared>> -> memref<400x128xf32, #tpu.memory_space<vmem_shared>>
        tpu.wait_dma2 semaphore(%run_scoped3A : memref<!tpu.dma_semaphore, #tpu.memory_space<semaphore_mem>>) src(%dma_wait3A_67 : memref<400x128xf32, #tpu.memory_space<vmem_shared>>) dst(%dma_wait3A_64 : memref<400x128xf32, #tpu.memory_space<hbm>>)
        tpu.yield
      }) : () -> ()
    } else {
    }
    return
  }
}

#map = affine_map<(d0, d1) -> (0, 0)>
#map1 = affine_map<(d0, d1) -> (0, 0, 0)>
module attributes {stable_mosaic.version = 14 : i64} {
  func.func @sca(%arg0: i32, %arg1: i32, %arg2: memref<160000x128xf32, #tpu.memory_space<hbm>>, %arg3: memref<160000x128xf32, #tpu.memory_space<hbm>>, %arg4: memref<1258x128xi32, #tpu.memory_space<hbm>>, %arg5: memref<640x128xf32, #tpu.memory_space<hbm>>, %arg6: memref<2x10000x128xf32, #tpu.memory_space<hbm>>, %arg7: memref<88x128xi32, #tpu.memory_space<vmem>>, %arg8: memref<128x128xf32, #tpu.memory_space<vmem>>, %arg9: memref<128x128xf32, #tpu.memory_space<vmem>>, %arg10: memref<10240x128xf32, #tpu.memory_space<vmem_shared>>, %arg11: memref<!tpu.dma_semaphore, #tpu.memory_space<semaphore_mem>>, %arg12: memref<!tpu.dma_semaphore, #tpu.memory_space<semaphore_mem>>) attributes {dimension_semantics = [#tpu.dimension_semantics<core_parallel>, #tpu.dimension_semantics<subcore_parallel>], iteration_bounds = array<i64: 2, 16>, scalar_prefetch = 0 : i64, scratch_operands = 6 : i64, tpu.core_type = #tpu.core_type<sc_vector_subcore>, window_params = [{transform_indices = #map}, {transform_indices = #map}, {transform_indices = #map}, {transform_indices = #map}, {transform_indices = #map1}]} {
    %mul3A = arith.constant 640 : i32
    %mul3A_0 = arith.muli %arg1, %mul3A : i32
    "tpu.region"() ({
      %run_scoped3A = tpu.sem_alloc : memref<!tpu.dma_semaphore, #tpu.memory_space<semaphore_mem>>
      %dma_start3A = arith.constant 0 : i32
      %dma_start3A_48 = tpu.memref_slice %arg10[%mul3A_0, %dma_start3A] : memref<10240x128xf32, #tpu.memory_space<vmem_shared>> -> memref<640x128xf32, #tpu.memory_space<vmem_shared>>
      tpu.enqueue_dma source(%arg5 : memref<640x128xf32, #tpu.memory_space<hbm>>) target(%dma_start3A_48 : memref<640x128xf32, #tpu.memory_space<vmem_shared>>) target_semaphore(%run_scoped3A : memref<!tpu.dma_semaphore, #tpu.memory_space<semaphore_mem>>)
      %dma_wait3A = arith.constant 0 : i32
      %dma_wait3A_49 = tpu.memref_slice %arg10[%mul3A_0, %dma_wait3A] : memref<10240x128xf32, #tpu.memory_space<vmem_shared>> -> memref<640x128xf32, #tpu.memory_space<vmem_shared>>
      tpu.wait_dma2 semaphore(%run_scoped3A : memref<!tpu.dma_semaphore, #tpu.memory_space<semaphore_mem>>) src(%arg5 : memref<640x128xf32, #tpu.memory_space<hbm>>) dst(%dma_wait3A_49 : memref<640x128xf32, #tpu.memory_space<vmem_shared>>)
      tpu.yield
    }) : () -> ()
    %mul3A_1 = arith.constant 78 : i32
    %mul3A_2 = arith.muli %arg1, %mul3A_1 : i32
    %sub3A = arith.constant 14 : i32
    %sub3A_3 = arith.subi %arg1, %sub3A : i32
    %max3A = arith.constant 0 : i32
    %max3A_4 = arith.maxsi %sub3A_3, %max3A : i32
    %add3A = arith.addi %mul3A_2, %max3A_4 : i32
    %ge3A = arith.constant 14 : i32
    %ge3A_5 = arith.cmpi sge, %arg1, %ge3A : i32
    %jit3A = arith.constant 1 : i32
    %jit3A_6 = arith.constant 0 : i32
    %select_n3A = arith.select %ge3A_5, %jit3A, %jit3A_6 : i32
    %add3A_7 = arith.constant 78 : i32
    %add3A_8 = arith.addi %add3A_7, %select_n3A : i32
    %jit3A_9 = arith.constant 8 : i32
    %div3A = arith.divsi %add3A, %jit3A_9 : i32
    %sign3A = arith.constant 0 : i32
    %sign3A_10 = arith.cmpi sgt, %add3A, %sign3A : i32
    %sign3A_11 = arith.extui %sign3A_10 : i1 to i32
    %sign3A_12 = arith.constant 0 : i32
    %sign3A_13 = arith.cmpi slt, %add3A, %sign3A_12 : i32
    %sign3A_14 = arith.extui %sign3A_13 : i1 to i32
    %sign3A_15 = arith.subi %sign3A_11, %sign3A_14 : i32
    %sign3A_16 = arith.constant 0 : i32
    %sign3A_17 = arith.cmpi sgt, %jit3A_9, %sign3A_16 : i32
    %sign3A_18 = arith.extui %sign3A_17 : i1 to i32
    %sign3A_19 = arith.constant 0 : i32
    %sign3A_20 = arith.cmpi slt, %jit3A_9, %sign3A_19 : i32
    %sign3A_21 = arith.extui %sign3A_20 : i1 to i32
    %sign3A_22 = arith.subi %sign3A_18, %sign3A_21 : i32
    %ne3A = arith.cmpi ne, %sign3A_15, %sign3A_22 : i32
    %rem3A = arith.remsi %add3A, %jit3A_9 : i32
    %ne3A_23 = arith.constant 0 : i32
    %ne3A_24 = arith.cmpi ne, %rem3A, %ne3A_23 : i32
    %and3A = arith.andi %ne3A, %ne3A_24 : i1
    %sub3A_25 = arith.constant 1 : i32
    %sub3A_26 = arith.subi %div3A, %sub3A_25 : i32
    %select_n3A_27 = arith.select %and3A, %sub3A_26, %div3A : i32
    %mul3A_28 = arith.constant 8 : i32
    %mul3A_29 = arith.muli %select_n3A_27, %mul3A_28 : i32
    %sub3A_30 = arith.subi %add3A, %mul3A_29 : i32
    "tpu.region"() ({
      %run_scoped3A = tpu.sem_alloc : memref<!tpu.dma_semaphore, #tpu.memory_space<semaphore_mem>>
      %dma_start3A = arith.constant 0 : i32
      %dma_start3A_48 = tpu.memref_slice %arg4[%mul3A_29, %dma_start3A] : memref<1258x128xi32, #tpu.memory_space<hbm>> -> memref<88x128xi32, #tpu.memory_space<hbm>>
      %dma_start3A_49 = arith.constant 0 : i32
      %dma_start3A_50 = tpu.memref_slice %arg4[%mul3A_29, %dma_start3A_49] : memref<1258x128xi32, #tpu.memory_space<hbm>> -> memref<88x128xi32, #tpu.memory_space<hbm>>
      tpu.enqueue_dma source(%dma_start3A_50 : memref<88x128xi32, #tpu.memory_space<hbm>>) target(%arg7 : memref<88x128xi32, #tpu.memory_space<vmem>>) target_semaphore(%run_scoped3A : memref<!tpu.dma_semaphore, #tpu.memory_space<semaphore_mem>>)
      %dma_wait3A = arith.constant 0 : i32
      %dma_wait3A_51 = tpu.memref_slice %arg4[%mul3A_29, %dma_wait3A] : memref<1258x128xi32, #tpu.memory_space<hbm>> -> memref<88x128xi32, #tpu.memory_space<hbm>>
      %dma_wait3A_52 = arith.constant 0 : i32
      %dma_wait3A_53 = tpu.memref_slice %arg4[%mul3A_29, %dma_wait3A_52] : memref<1258x128xi32, #tpu.memory_space<hbm>> -> memref<88x128xi32, #tpu.memory_space<hbm>>
      tpu.wait_dma2 semaphore(%run_scoped3A : memref<!tpu.dma_semaphore, #tpu.memory_space<semaphore_mem>>) src(%dma_wait3A_53 : memref<88x128xi32, #tpu.memory_space<hbm>>) dst(%arg7 : memref<88x128xi32, #tpu.memory_space<vmem>>)
      tpu.yield
    }) : () -> ()
    %barrier3A = arith.constant 0 : index
    tpu.barrier barrier_id(%barrier3A)
    %eq3A = arith.constant 0 : i32
    %eq3A_31 = arith.cmpi eq, %arg0, %eq3A : i32
    %convert_element_type3A = arith.extui %eq3A_31 : i1 to i32
    %cond3A = arith.constant 0 : i32
    %cond3A_32 = arith.cmpi ne, %convert_element_type3A, %cond3A : i32
    scf.if %cond3A_32 {
      %mul3A_48 = arith.constant 128 : i32
      %mul3A_49 = arith.muli %add3A, %mul3A_48 : i32
      %dma_start3A = arith.constant 0 : i32
      %dma_start3A_50 = tpu.memref_slice %arg2[%mul3A_49, %dma_start3A] : memref<160000x128xf32, #tpu.memory_space<hbm>> -> memref<128x128xf32, #tpu.memory_space<hbm>>
      %dma_start3A_51 = arith.constant 0 : i32
      %dma_start3A_52 = tpu.memref_slice %arg2[%mul3A_49, %dma_start3A_51] : memref<160000x128xf32, #tpu.memory_space<hbm>> -> memref<128x128xf32, #tpu.memory_space<hbm>>
      tpu.enqueue_dma source(%dma_start3A_52 : memref<128x128xf32, #tpu.memory_space<hbm>>) target(%arg8 : memref<128x128xf32, #tpu.memory_space<vmem>>) target_semaphore(%arg11 : memref<!tpu.dma_semaphore, #tpu.memory_space<semaphore_mem>>)
      %while3A = arith.constant 0 : i32
      %while3A_53 = arith.constant 0 : i32
      %while3A_54 = arith.subi %add3A_8, %while3A_53 : i32
      %while3A_55 = arith.addi %while3A_53, %while3A_54 : i32
      %while3A_56 = arith.constant 1 : i32
      %while3A_57 = arith.divsi %while3A_54, %while3A_56 : i32
      %while3A_58 = arith.muli %while3A_57, %while3A_56 : i32
      %while3A_59 = arith.addi %while3A_53, %while3A_58 : i32
      %while3A_60 = arith.constant 1 : i32
      scf.for %while3A_62 = %while3A_53 to %while3A_59 step %while3A_60  : i32 {
        %jit3A_63 = arith.constant 2 : i32
        %eq3A_64 = arith.constant 0 : i32
        %eq3A_65 = arith.cmpi eq, %jit3A_63, %eq3A_64 : i32
        %jit3A_66 = arith.constant 1 : i32
        %select_n3A_67 = arith.select %eq3A_65, %jit3A_66, %jit3A_63 : i32
        %rem3A_68 = arith.remsi %while3A_62, %select_n3A_67 : i32
        %ne3A_69 = arith.constant 0 : i32
        %ne3A_70 = arith.cmpi ne, %rem3A_68, %ne3A_69 : i32
        %lt3A_71 = arith.constant 0 : i32
        %lt3A_72 = arith.cmpi slt, %rem3A_68, %lt3A_71 : i32
        %lt3A_73 = arith.constant 0 : i32
        %lt3A_74 = arith.cmpi slt, %select_n3A_67, %lt3A_73 : i32
        %ne3A_75 = arith.xori %lt3A_72, %lt3A_74 : i1
        %and3A_76 = arith.andi %ne3A_75, %ne3A_70 : i1
        %add3A_77 = arith.addi %rem3A_68, %select_n3A_67 : i32
        %select_n3A_78 = arith.select %and3A_76, %add3A_77, %rem3A_68 : i32
        %eq3A_79 = arith.constant 0 : i32
        %eq3A_80 = arith.cmpi eq, %select_n3A_78, %eq3A_79 : i32
        %convert_element_type3A_81 = arith.extui %eq3A_80 : i1 to i32
        %cond3A_82 = arith.constant 0 : i32
        %cond3A_83 = arith.cmpi ne, %convert_element_type3A_81, %cond3A_82 : i32
        scf.if %cond3A_83 {
          %add3A_105 = arith.constant 1 : i32
          %add3A_106 = arith.addi %while3A_62, %add3A_105 : i32
          %lt3A_107 = arith.cmpi slt, %add3A_106, %add3A_8 : i32
          %convert_element_type3A_108 = arith.extui %lt3A_107 : i1 to i32
          %cond3A_109 = arith.constant 0 : i32
          %cond3A_110 = arith.cmpi ne, %convert_element_type3A_108, %cond3A_109 : i32
          scf.if %cond3A_110 {
            %add3A_118 = arith.addi %add3A, %while3A_62 : i32
            %add3A_119 = arith.constant 1 : i32
            %add3A_120 = arith.addi %add3A_118, %add3A_119 : i32
            %mul3A_121 = arith.constant 128 : i32
            %mul3A_122 = arith.muli %add3A_120, %mul3A_121 : i32
            %dma_start3A_123 = arith.constant 0 : i32
            %dma_start3A_124 = tpu.memref_slice %arg2[%mul3A_122, %dma_start3A_123] : memref<160000x128xf32, #tpu.memory_space<hbm>> -> memref<128x128xf32, #tpu.memory_space<hbm>>
            %dma_start3A_125 = arith.constant 0 : i32
            %dma_start3A_126 = tpu.memref_slice %arg2[%mul3A_122, %dma_start3A_125] : memref<160000x128xf32, #tpu.memory_space<hbm>> -> memref<128x128xf32, #tpu.memory_space<hbm>>
            tpu.enqueue_dma source(%dma_start3A_126 : memref<128x128xf32, #tpu.memory_space<hbm>>) target(%arg9 : memref<128x128xf32, #tpu.memory_space<vmem>>) target_semaphore(%arg12 : memref<!tpu.dma_semaphore, #tpu.memory_space<semaphore_mem>>)
          } else {
          }
          %add3A_111 = arith.addi %add3A, %while3A_62 : i32
          %mul3A_112 = arith.constant 128 : i32
          %mul3A_113 = arith.muli %add3A_111, %mul3A_112 : i32
          %dma_wait3A = arith.constant 0 : i32
          %dma_wait3A_114 = tpu.memref_slice %arg2[%mul3A_113, %dma_wait3A] : memref<160000x128xf32, #tpu.memory_space<hbm>> -> memref<128x128xf32, #tpu.memory_space<hbm>>
          %dma_wait3A_115 = arith.constant 0 : i32
          %dma_wait3A_116 = tpu.memref_slice %arg2[%mul3A_113, %dma_wait3A_115] : memref<160000x128xf32, #tpu.memory_space<hbm>> -> memref<128x128xf32, #tpu.memory_space<hbm>>
          tpu.wait_dma2 semaphore(%arg11 : memref<!tpu.dma_semaphore, #tpu.memory_space<semaphore_mem>>) src(%dma_wait3A_116 : memref<128x128xf32, #tpu.memory_space<hbm>>) dst(%arg8 : memref<128x128xf32, #tpu.memory_space<vmem>>)
          %add3A_117 = arith.addi %sub3A_30, %while3A_62 : i32
          "tpu.region"() ({
            %run_scoped3A = tpu.sem_alloc : memref<!tpu.dma_semaphore, #tpu.memory_space<semaphore_mem>>
            %dma_start3A_118 = arith.constant 0 : i32
            %dma_start3A_119 = tpu.memref_slice %arg7[%add3A_117, %dma_start3A_118] : memref<88x128xi32, #tpu.memory_space<vmem>> -> memref<1x128xi32, #tpu.memory_space<vmem>>
            %dma_start3A_120 = tpu.memref_squeeze %dma_start3A_119 : memref<1x128xi32, #tpu.memory_space<vmem>> -> memref<128xi32, #tpu.memory_space<vmem>>
            %dma_start3A_121 = arith.constant 0 : i32
            %dma_start3A_122 = arith.constant 0 : i32
            %dma_start3A_123 = tpu.memref_slice %arg10[%dma_start3A_121, %dma_start3A_122] : memref<10240x128xf32, #tpu.memory_space<vmem_shared>> -> memref<10240x128xf32, #tpu.memory_space<vmem_shared>>
            tpu.enqueue_indirect_dma source(%arg8 : memref<128x128xf32, #tpu.memory_space<vmem>>) target(%dma_start3A_123 : memref<10240x128xf32, #tpu.memory_space<vmem_shared>>) offsets(%dma_start3A_120 : memref<128xi32, #tpu.memory_space<vmem>>) semaphore(%run_scoped3A : memref<!tpu.dma_semaphore, #tpu.memory_space<semaphore_mem>>) {add = true}
            %dma_wait3A_124 = arith.constant 0 : i32
            %dma_wait3A_125 = tpu.memref_slice %arg7[%add3A_117, %dma_wait3A_124] : memref<88x128xi32, #tpu.memory_space<vmem>> -> memref<1x128xi32, #tpu.memory_space<vmem>>
            %dma_wait3A_126 = tpu.memref_squeeze %dma_wait3A_125 : memref<1x128xi32, #tpu.memory_space<vmem>> -> memref<128xi32, #tpu.memory_space<vmem>>
            %dma_wait3A_127 = arith.constant 0 : i32
            %dma_wait3A_128 = arith.constant 0 : i32
            %dma_wait3A_129 = tpu.memref_slice %arg10[%dma_wait3A_127, %dma_wait3A_128] : memref<10240x128xf32, #tpu.memory_space<vmem_shared>> -> memref<10240x128xf32, #tpu.memory_space<vmem_shared>>
            tpu.wait_indirect_dma semaphore(%run_scoped3A : memref<!tpu.dma_semaphore, #tpu.memory_space<semaphore_mem>>) src(%arg8 : memref<128x128xf32, #tpu.memory_space<vmem>>) dst(%dma_wait3A_129 : memref<10240x128xf32, #tpu.memory_space<vmem_shared>>)
            tpu.yield
          }) : () -> ()
        } else {
        }
        %jit3A_84 = arith.constant 2 : i32
        %eq3A_85 = arith.constant 0 : i32
        %eq3A_86 = arith.cmpi eq, %jit3A_84, %eq3A_85 : i32
        %jit3A_87 = arith.constant 1 : i32
        %select_n3A_88 = arith.select %eq3A_86, %jit3A_87, %jit3A_84 : i32
        %rem3A_89 = arith.remsi %while3A_62, %select_n3A_88 : i32
        %ne3A_90 = arith.constant 0 : i32
        %ne3A_91 = arith.cmpi ne, %rem3A_89, %ne3A_90 : i32
        %lt3A_92 = arith.constant 0 : i32
        %lt3A_93 = arith.cmpi slt, %rem3A_89, %lt3A_92 : i32
        %lt3A_94 = arith.constant 0 : i32
        %lt3A_95 = arith.cmpi slt, %select_n3A_88, %lt3A_94 : i32
        %ne3A_96 = arith.xori %lt3A_93, %lt3A_95 : i1
        %and3A_97 = arith.andi %ne3A_96, %ne3A_91 : i1
        %add3A_98 = arith.addi %rem3A_89, %select_n3A_88 : i32
        %select_n3A_99 = arith.select %and3A_97, %add3A_98, %rem3A_89 : i32
        %eq3A_100 = arith.constant 1 : i32
        %eq3A_101 = arith.cmpi eq, %select_n3A_99, %eq3A_100 : i32
        %convert_element_type3A_102 = arith.extui %eq3A_101 : i1 to i32
        %cond3A_103 = arith.constant 0 : i32
        %cond3A_104 = arith.cmpi ne, %convert_element_type3A_102, %cond3A_103 : i32
        scf.if %cond3A_104 {
          %add3A_105 = arith.constant 1 : i32
          %add3A_106 = arith.addi %while3A_62, %add3A_105 : i32
          %lt3A_107 = arith.cmpi slt, %add3A_106, %add3A_8 : i32
          %convert_element_type3A_108 = arith.extui %lt3A_107 : i1 to i32
          %cond3A_109 = arith.constant 0 : i32
          %cond3A_110 = arith.cmpi ne, %convert_element_type3A_108, %cond3A_109 : i32
          scf.if %cond3A_110 {
            %add3A_118 = arith.addi %add3A, %while3A_62 : i32
            %add3A_119 = arith.constant 1 : i32
            %add3A_120 = arith.addi %add3A_118, %add3A_119 : i32
            %mul3A_121 = arith.constant 128 : i32
            %mul3A_122 = arith.muli %add3A_120, %mul3A_121 : i32
            %dma_start3A_123 = arith.constant 0 : i32
            %dma_start3A_124 = tpu.memref_slice %arg2[%mul3A_122, %dma_start3A_123] : memref<160000x128xf32, #tpu.memory_space<hbm>> -> memref<128x128xf32, #tpu.memory_space<hbm>>
            %dma_start3A_125 = arith.constant 0 : i32
            %dma_start3A_126 = tpu.memref_slice %arg2[%mul3A_122, %dma_start3A_125] : memref<160000x128xf32, #tpu.memory_space<hbm>> -> memref<128x128xf32, #tpu.memory_space<hbm>>
            tpu.enqueue_dma source(%dma_start3A_126 : memref<128x128xf32, #tpu.memory_space<hbm>>) target(%arg8 : memref<128x128xf32, #tpu.memory_space<vmem>>) target_semaphore(%arg11 : memref<!tpu.dma_semaphore, #tpu.memory_space<semaphore_mem>>)
          } else {
          }
          %add3A_111 = arith.addi %add3A, %while3A_62 : i32
          %mul3A_112 = arith.constant 128 : i32
          %mul3A_113 = arith.muli %add3A_111, %mul3A_112 : i32
          %dma_wait3A = arith.constant 0 : i32
          %dma_wait3A_114 = tpu.memref_slice %arg2[%mul3A_113, %dma_wait3A] : memref<160000x128xf32, #tpu.memory_space<hbm>> -> memref<128x128xf32, #tpu.memory_space<hbm>>
          %dma_wait3A_115 = arith.constant 0 : i32
          %dma_wait3A_116 = tpu.memref_slice %arg2[%mul3A_113, %dma_wait3A_115] : memref<160000x128xf32, #tpu.memory_space<hbm>> -> memref<128x128xf32, #tpu.memory_space<hbm>>
          tpu.wait_dma2 semaphore(%arg12 : memref<!tpu.dma_semaphore, #tpu.memory_space<semaphore_mem>>) src(%dma_wait3A_116 : memref<128x128xf32, #tpu.memory_space<hbm>>) dst(%arg9 : memref<128x128xf32, #tpu.memory_space<vmem>>)
          %add3A_117 = arith.addi %sub3A_30, %while3A_62 : i32
          "tpu.region"() ({
            %run_scoped3A = tpu.sem_alloc : memref<!tpu.dma_semaphore, #tpu.memory_space<semaphore_mem>>
            %dma_start3A_118 = arith.constant 0 : i32
            %dma_start3A_119 = tpu.memref_slice %arg7[%add3A_117, %dma_start3A_118] : memref<88x128xi32, #tpu.memory_space<vmem>> -> memref<1x128xi32, #tpu.memory_space<vmem>>
            %dma_start3A_120 = tpu.memref_squeeze %dma_start3A_119 : memref<1x128xi32, #tpu.memory_space<vmem>> -> memref<128xi32, #tpu.memory_space<vmem>>
            %dma_start3A_121 = arith.constant 0 : i32
            %dma_start3A_122 = arith.constant 0 : i32
            %dma_start3A_123 = tpu.memref_slice %arg10[%dma_start3A_121, %dma_start3A_122] : memref<10240x128xf32, #tpu.memory_space<vmem_shared>> -> memref<10240x128xf32, #tpu.memory_space<vmem_shared>>
            tpu.enqueue_indirect_dma source(%arg9 : memref<128x128xf32, #tpu.memory_space<vmem>>) target(%dma_start3A_123 : memref<10240x128xf32, #tpu.memory_space<vmem_shared>>) offsets(%dma_start3A_120 : memref<128xi32, #tpu.memory_space<vmem>>) semaphore(%run_scoped3A : memref<!tpu.dma_semaphore, #tpu.memory_space<semaphore_mem>>) {add = true}
            %dma_wait3A_124 = arith.constant 0 : i32
            %dma_wait3A_125 = tpu.memref_slice %arg7[%add3A_117, %dma_wait3A_124] : memref<88x128xi32, #tpu.memory_space<vmem>> -> memref<1x128xi32, #tpu.memory_space<vmem>>
            %dma_wait3A_126 = tpu.memref_squeeze %dma_wait3A_125 : memref<1x128xi32, #tpu.memory_space<vmem>> -> memref<128xi32, #tpu.memory_space<vmem>>
            %dma_wait3A_127 = arith.constant 0 : i32
            %dma_wait3A_128 = arith.constant 0 : i32
            %dma_wait3A_129 = tpu.memref_slice %arg10[%dma_wait3A_127, %dma_wait3A_128] : memref<10240x128xf32, #tpu.memory_space<vmem_shared>> -> memref<10240x128xf32, #tpu.memory_space<vmem_shared>>
            tpu.wait_indirect_dma semaphore(%run_scoped3A : memref<!tpu.dma_semaphore, #tpu.memory_space<semaphore_mem>>) src(%arg9 : memref<128x128xf32, #tpu.memory_space<vmem>>) dst(%dma_wait3A_129 : memref<10240x128xf32, #tpu.memory_space<vmem_shared>>)
            tpu.yield
          }) : () -> ()
        } else {
        }
      }
      %while3A_61 = arith.constant 1 : i32
      scf.for %while3A_62 = %while3A_59 to %while3A_55 step %while3A_61  : i32 {
        %jit3A_63 = arith.constant 2 : i32
        %eq3A_64 = arith.constant 0 : i32
        %eq3A_65 = arith.cmpi eq, %jit3A_63, %eq3A_64 : i32
        %jit3A_66 = arith.constant 1 : i32
        %select_n3A_67 = arith.select %eq3A_65, %jit3A_66, %jit3A_63 : i32
        %rem3A_68 = arith.remsi %while3A_62, %select_n3A_67 : i32
        %ne3A_69 = arith.constant 0 : i32
        %ne3A_70 = arith.cmpi ne, %rem3A_68, %ne3A_69 : i32
        %lt3A_71 = arith.constant 0 : i32
        %lt3A_72 = arith.cmpi slt, %rem3A_68, %lt3A_71 : i32
        %lt3A_73 = arith.constant 0 : i32
        %lt3A_74 = arith.cmpi slt, %select_n3A_67, %lt3A_73 : i32
        %ne3A_75 = arith.xori %lt3A_72, %lt3A_74 : i1
        %and3A_76 = arith.andi %ne3A_75, %ne3A_70 : i1
        %add3A_77 = arith.addi %rem3A_68, %select_n3A_67 : i32
        %select_n3A_78 = arith.select %and3A_76, %add3A_77, %rem3A_68 : i32
        %eq3A_79 = arith.constant 0 : i32
        %eq3A_80 = arith.cmpi eq, %select_n3A_78, %eq3A_79 : i32
        %convert_element_type3A_81 = arith.extui %eq3A_80 : i1 to i32
        %cond3A_82 = arith.constant 0 : i32
        %cond3A_83 = arith.cmpi ne, %convert_element_type3A_81, %cond3A_82 : i32
        scf.if %cond3A_83 {
          %add3A_105 = arith.constant 1 : i32
          %add3A_106 = arith.addi %while3A_62, %add3A_105 : i32
          %lt3A_107 = arith.cmpi slt, %add3A_106, %add3A_8 : i32
          %convert_element_type3A_108 = arith.extui %lt3A_107 : i1 to i32
          %cond3A_109 = arith.constant 0 : i32
          %cond3A_110 = arith.cmpi ne, %convert_element_type3A_108, %cond3A_109 : i32
          scf.if %cond3A_110 {
            %add3A_118 = arith.addi %add3A, %while3A_62 : i32
            %add3A_119 = arith.constant 1 : i32
            %add3A_120 = arith.addi %add3A_118, %add3A_119 : i32
            %mul3A_121 = arith.constant 128 : i32
            %mul3A_122 = arith.muli %add3A_120, %mul3A_121 : i32
            %dma_start3A_123 = arith.constant 0 : i32
            %dma_start3A_124 = tpu.memref_slice %arg2[%mul3A_122, %dma_start3A_123] : memref<160000x128xf32, #tpu.memory_space<hbm>> -> memref<128x128xf32, #tpu.memory_space<hbm>>
            %dma_start3A_125 = arith.constant 0 : i32
            %dma_start3A_126 = tpu.memref_slice %arg2[%mul3A_122, %dma_start3A_125] : memref<160000x128xf32, #tpu.memory_space<hbm>> -> memref<128x128xf32, #tpu.memory_space<hbm>>
            tpu.enqueue_dma source(%dma_start3A_126 : memref<128x128xf32, #tpu.memory_space<hbm>>) target(%arg9 : memref<128x128xf32, #tpu.memory_space<vmem>>) target_semaphore(%arg12 : memref<!tpu.dma_semaphore, #tpu.memory_space<semaphore_mem>>)
          } else {
          }
          %add3A_111 = arith.addi %add3A, %while3A_62 : i32
          %mul3A_112 = arith.constant 128 : i32
          %mul3A_113 = arith.muli %add3A_111, %mul3A_112 : i32
          %dma_wait3A = arith.constant 0 : i32
          %dma_wait3A_114 = tpu.memref_slice %arg2[%mul3A_113, %dma_wait3A] : memref<160000x128xf32, #tpu.memory_space<hbm>> -> memref<128x128xf32, #tpu.memory_space<hbm>>
          %dma_wait3A_115 = arith.constant 0 : i32
          %dma_wait3A_116 = tpu.memref_slice %arg2[%mul3A_113, %dma_wait3A_115] : memref<160000x128xf32, #tpu.memory_space<hbm>> -> memref<128x128xf32, #tpu.memory_space<hbm>>
          tpu.wait_dma2 semaphore(%arg11 : memref<!tpu.dma_semaphore, #tpu.memory_space<semaphore_mem>>) src(%dma_wait3A_116 : memref<128x128xf32, #tpu.memory_space<hbm>>) dst(%arg8 : memref<128x128xf32, #tpu.memory_space<vmem>>)
          %add3A_117 = arith.addi %sub3A_30, %while3A_62 : i32
          "tpu.region"() ({
            %run_scoped3A = tpu.sem_alloc : memref<!tpu.dma_semaphore, #tpu.memory_space<semaphore_mem>>
            %dma_start3A_118 = arith.constant 0 : i32
            %dma_start3A_119 = tpu.memref_slice %arg7[%add3A_117, %dma_start3A_118] : memref<88x128xi32, #tpu.memory_space<vmem>> -> memref<1x128xi32, #tpu.memory_space<vmem>>
            %dma_start3A_120 = tpu.memref_squeeze %dma_start3A_119 : memref<1x128xi32, #tpu.memory_space<vmem>> -> memref<128xi32, #tpu.memory_space<vmem>>
            %dma_start3A_121 = arith.constant 0 : i32
            %dma_start3A_122 = arith.constant 0 : i32
            %dma_start3A_123 = tpu.memref_slice %arg10[%dma_start3A_121, %dma_start3A_122] : memref<10240x128xf32, #tpu.memory_space<vmem_shared>> -> memref<10240x128xf32, #tpu.memory_space<vmem_shared>>
            tpu.enqueue_indirect_dma source(%arg8 : memref<128x128xf32, #tpu.memory_space<vmem>>) target(%dma_start3A_123 : memref<10240x128xf32, #tpu.memory_space<vmem_shared>>) offsets(%dma_start3A_120 : memref<128xi32, #tpu.memory_space<vmem>>) semaphore(%run_scoped3A : memref<!tpu.dma_semaphore, #tpu.memory_space<semaphore_mem>>) {add = true}
            %dma_wait3A_124 = arith.constant 0 : i32
            %dma_wait3A_125 = tpu.memref_slice %arg7[%add3A_117, %dma_wait3A_124] : memref<88x128xi32, #tpu.memory_space<vmem>> -> memref<1x128xi32, #tpu.memory_space<vmem>>
            %dma_wait3A_126 = tpu.memref_squeeze %dma_wait3A_125 : memref<1x128xi32, #tpu.memory_space<vmem>> -> memref<128xi32, #tpu.memory_space<vmem>>
            %dma_wait3A_127 = arith.constant 0 : i32
            %dma_wait3A_128 = arith.constant 0 : i32
            %dma_wait3A_129 = tpu.memref_slice %arg10[%dma_wait3A_127, %dma_wait3A_128] : memref<10240x128xf32, #tpu.memory_space<vmem_shared>> -> memref<10240x128xf32, #tpu.memory_space<vmem_shared>>
            tpu.wait_indirect_dma semaphore(%run_scoped3A : memref<!tpu.dma_semaphore, #tpu.memory_space<semaphore_mem>>) src(%arg8 : memref<128x128xf32, #tpu.memory_space<vmem>>) dst(%dma_wait3A_129 : memref<10240x128xf32, #tpu.memory_space<vmem_shared>>)
            tpu.yield
          }) : () -> ()
        } else {
        }
        %jit3A_84 = arith.constant 2 : i32
        %eq3A_85 = arith.constant 0 : i32
        %eq3A_86 = arith.cmpi eq, %jit3A_84, %eq3A_85 : i32
        %jit3A_87 = arith.constant 1 : i32
        %select_n3A_88 = arith.select %eq3A_86, %jit3A_87, %jit3A_84 : i32
        %rem3A_89 = arith.remsi %while3A_62, %select_n3A_88 : i32
        %ne3A_90 = arith.constant 0 : i32
        %ne3A_91 = arith.cmpi ne, %rem3A_89, %ne3A_90 : i32
        %lt3A_92 = arith.constant 0 : i32
        %lt3A_93 = arith.cmpi slt, %rem3A_89, %lt3A_92 : i32
        %lt3A_94 = arith.constant 0 : i32
        %lt3A_95 = arith.cmpi slt, %select_n3A_88, %lt3A_94 : i32
        %ne3A_96 = arith.xori %lt3A_93, %lt3A_95 : i1
        %and3A_97 = arith.andi %ne3A_96, %ne3A_91 : i1
        %add3A_98 = arith.addi %rem3A_89, %select_n3A_88 : i32
        %select_n3A_99 = arith.select %and3A_97, %add3A_98, %rem3A_89 : i32
        %eq3A_100 = arith.constant 1 : i32
        %eq3A_101 = arith.cmpi eq, %select_n3A_99, %eq3A_100 : i32
        %convert_element_type3A_102 = arith.extui %eq3A_101 : i1 to i32
        %cond3A_103 = arith.constant 0 : i32
        %cond3A_104 = arith.cmpi ne, %convert_element_type3A_102, %cond3A_103 : i32
        scf.if %cond3A_104 {
          %add3A_105 = arith.constant 1 : i32
          %add3A_106 = arith.addi %while3A_62, %add3A_105 : i32
          %lt3A_107 = arith.cmpi slt, %add3A_106, %add3A_8 : i32
          %convert_element_type3A_108 = arith.extui %lt3A_107 : i1 to i32
          %cond3A_109 = arith.constant 0 : i32
          %cond3A_110 = arith.cmpi ne, %convert_element_type3A_108, %cond3A_109 : i32
          scf.if %cond3A_110 {
            %add3A_118 = arith.addi %add3A, %while3A_62 : i32
            %add3A_119 = arith.constant 1 : i32
            %add3A_120 = arith.addi %add3A_118, %add3A_119 : i32
            %mul3A_121 = arith.constant 128 : i32
            %mul3A_122 = arith.muli %add3A_120, %mul3A_121 : i32
            %dma_start3A_123 = arith.constant 0 : i32
            %dma_start3A_124 = tpu.memref_slice %arg2[%mul3A_122, %dma_start3A_123] : memref<160000x128xf32, #tpu.memory_space<hbm>> -> memref<128x128xf32, #tpu.memory_space<hbm>>
            %dma_start3A_125 = arith.constant 0 : i32
            %dma_start3A_126 = tpu.memref_slice %arg2[%mul3A_122, %dma_start3A_125] : memref<160000x128xf32, #tpu.memory_space<hbm>> -> memref<128x128xf32, #tpu.memory_space<hbm>>
            tpu.enqueue_dma source(%dma_start3A_126 : memref<128x128xf32, #tpu.memory_space<hbm>>) target(%arg8 : memref<128x128xf32, #tpu.memory_space<vmem>>) target_semaphore(%arg11 : memref<!tpu.dma_semaphore, #tpu.memory_space<semaphore_mem>>)
          } else {
          }
          %add3A_111 = arith.addi %add3A, %while3A_62 : i32
          %mul3A_112 = arith.constant 128 : i32
          %mul3A_113 = arith.muli %add3A_111, %mul3A_112 : i32
          %dma_wait3A = arith.constant 0 : i32
          %dma_wait3A_114 = tpu.memref_slice %arg2[%mul3A_113, %dma_wait3A] : memref<160000x128xf32, #tpu.memory_space<hbm>> -> memref<128x128xf32, #tpu.memory_space<hbm>>
          %dma_wait3A_115 = arith.constant 0 : i32
          %dma_wait3A_116 = tpu.memref_slice %arg2[%mul3A_113, %dma_wait3A_115] : memref<160000x128xf32, #tpu.memory_space<hbm>> -> memref<128x128xf32, #tpu.memory_space<hbm>>
          tpu.wait_dma2 semaphore(%arg12 : memref<!tpu.dma_semaphore, #tpu.memory_space<semaphore_mem>>) src(%dma_wait3A_116 : memref<128x128xf32, #tpu.memory_space<hbm>>) dst(%arg9 : memref<128x128xf32, #tpu.memory_space<vmem>>)
          %add3A_117 = arith.addi %sub3A_30, %while3A_62 : i32
          "tpu.region"() ({
            %run_scoped3A = tpu.sem_alloc : memref<!tpu.dma_semaphore, #tpu.memory_space<semaphore_mem>>
            %dma_start3A_118 = arith.constant 0 : i32
            %dma_start3A_119 = tpu.memref_slice %arg7[%add3A_117, %dma_start3A_118] : memref<88x128xi32, #tpu.memory_space<vmem>> -> memref<1x128xi32, #tpu.memory_space<vmem>>
            %dma_start3A_120 = tpu.memref_squeeze %dma_start3A_119 : memref<1x128xi32, #tpu.memory_space<vmem>> -> memref<128xi32, #tpu.memory_space<vmem>>
            %dma_start3A_121 = arith.constant 0 : i32
            %dma_start3A_122 = arith.constant 0 : i32
            %dma_start3A_123 = tpu.memref_slice %arg10[%dma_start3A_121, %dma_start3A_122] : memref<10240x128xf32, #tpu.memory_space<vmem_shared>> -> memref<10240x128xf32, #tpu.memory_space<vmem_shared>>
            tpu.enqueue_indirect_dma source(%arg9 : memref<128x128xf32, #tpu.memory_space<vmem>>) target(%dma_start3A_123 : memref<10240x128xf32, #tpu.memory_space<vmem_shared>>) offsets(%dma_start3A_120 : memref<128xi32, #tpu.memory_space<vmem>>) semaphore(%run_scoped3A : memref<!tpu.dma_semaphore, #tpu.memory_space<semaphore_mem>>) {add = true}
            %dma_wait3A_124 = arith.constant 0 : i32
            %dma_wait3A_125 = tpu.memref_slice %arg7[%add3A_117, %dma_wait3A_124] : memref<88x128xi32, #tpu.memory_space<vmem>> -> memref<1x128xi32, #tpu.memory_space<vmem>>
            %dma_wait3A_126 = tpu.memref_squeeze %dma_wait3A_125 : memref<1x128xi32, #tpu.memory_space<vmem>> -> memref<128xi32, #tpu.memory_space<vmem>>
            %dma_wait3A_127 = arith.constant 0 : i32
            %dma_wait3A_128 = arith.constant 0 : i32
            %dma_wait3A_129 = tpu.memref_slice %arg10[%dma_wait3A_127, %dma_wait3A_128] : memref<10240x128xf32, #tpu.memory_space<vmem_shared>> -> memref<10240x128xf32, #tpu.memory_space<vmem_shared>>
            tpu.wait_indirect_dma semaphore(%run_scoped3A : memref<!tpu.dma_semaphore, #tpu.memory_space<semaphore_mem>>) src(%arg9 : memref<128x128xf32, #tpu.memory_space<vmem>>) dst(%dma_wait3A_129 : memref<10240x128xf32, #tpu.memory_space<vmem_shared>>)
            tpu.yield
          }) : () -> ()
        } else {
        }
      }
    } else {
    }
    %eq3A_33 = arith.constant 1 : i32
    %eq3A_34 = arith.cmpi eq, %arg0, %eq3A_33 : i32
    %convert_element_type3A_35 = arith.extui %eq3A_34 : i1 to i32
    %cond3A_36 = arith.constant 0 : i32
    %cond3A_37 = arith.cmpi ne, %convert_element_type3A_35, %cond3A_36 : i32
    scf.if %cond3A_37 {
      %mul3A_48 = arith.constant 128 : i32
      %mul3A_49 = arith.muli %add3A, %mul3A_48 : i32
      %dma_start3A = arith.constant 0 : i32
      %dma_start3A_50 = tpu.memref_slice %arg3[%mul3A_49, %dma_start3A] : memref<160000x128xf32, #tpu.memory_space<hbm>> -> memref<128x128xf32, #tpu.memory_space<hbm>>
      %dma_start3A_51 = arith.constant 0 : i32
      %dma_start3A_52 = tpu.memref_slice %arg3[%mul3A_49, %dma_start3A_51] : memref<160000x128xf32, #tpu.memory_space<hbm>> -> memref<128x128xf32, #tpu.memory_space<hbm>>
      tpu.enqueue_dma source(%dma_start3A_52 : memref<128x128xf32, #tpu.memory_space<hbm>>) target(%arg8 : memref<128x128xf32, #tpu.memory_space<vmem>>) target_semaphore(%arg11 : memref<!tpu.dma_semaphore, #tpu.memory_space<semaphore_mem>>)
      %while3A = arith.constant 0 : i32
      %while3A_53 = arith.constant 0 : i32
      %while3A_54 = arith.subi %add3A_8, %while3A_53 : i32
      %while3A_55 = arith.addi %while3A_53, %while3A_54 : i32
      %while3A_56 = arith.constant 1 : i32
      %while3A_57 = arith.divsi %while3A_54, %while3A_56 : i32
      %while3A_58 = arith.muli %while3A_57, %while3A_56 : i32
      %while3A_59 = arith.addi %while3A_53, %while3A_58 : i32
      %while3A_60 = arith.constant 1 : i32
      scf.for %while3A_62 = %while3A_53 to %while3A_59 step %while3A_60  : i32 {
        %jit3A_63 = arith.constant 2 : i32
        %eq3A_64 = arith.constant 0 : i32
        %eq3A_65 = arith.cmpi eq, %jit3A_63, %eq3A_64 : i32
        %jit3A_66 = arith.constant 1 : i32
        %select_n3A_67 = arith.select %eq3A_65, %jit3A_66, %jit3A_63 : i32
        %rem3A_68 = arith.remsi %while3A_62, %select_n3A_67 : i32
        %ne3A_69 = arith.constant 0 : i32
        %ne3A_70 = arith.cmpi ne, %rem3A_68, %ne3A_69 : i32
        %lt3A_71 = arith.constant 0 : i32
        %lt3A_72 = arith.cmpi slt, %rem3A_68, %lt3A_71 : i32
        %lt3A_73 = arith.constant 0 : i32
        %lt3A_74 = arith.cmpi slt, %select_n3A_67, %lt3A_73 : i32
        %ne3A_75 = arith.xori %lt3A_72, %lt3A_74 : i1
        %and3A_76 = arith.andi %ne3A_75, %ne3A_70 : i1
        %add3A_77 = arith.addi %rem3A_68, %select_n3A_67 : i32
        %select_n3A_78 = arith.select %and3A_76, %add3A_77, %rem3A_68 : i32
        %eq3A_79 = arith.constant 0 : i32
        %eq3A_80 = arith.cmpi eq, %select_n3A_78, %eq3A_79 : i32
        %convert_element_type3A_81 = arith.extui %eq3A_80 : i1 to i32
        %cond3A_82 = arith.constant 0 : i32
        %cond3A_83 = arith.cmpi ne, %convert_element_type3A_81, %cond3A_82 : i32
        scf.if %cond3A_83 {
          %add3A_105 = arith.constant 1 : i32
          %add3A_106 = arith.addi %while3A_62, %add3A_105 : i32
          %lt3A_107 = arith.cmpi slt, %add3A_106, %add3A_8 : i32
          %convert_element_type3A_108 = arith.extui %lt3A_107 : i1 to i32
          %cond3A_109 = arith.constant 0 : i32
          %cond3A_110 = arith.cmpi ne, %convert_element_type3A_108, %cond3A_109 : i32
          scf.if %cond3A_110 {
            %add3A_118 = arith.addi %add3A, %while3A_62 : i32
            %add3A_119 = arith.constant 1 : i32
            %add3A_120 = arith.addi %add3A_118, %add3A_119 : i32
            %mul3A_121 = arith.constant 128 : i32
            %mul3A_122 = arith.muli %add3A_120, %mul3A_121 : i32
            %dma_start3A_123 = arith.constant 0 : i32
            %dma_start3A_124 = tpu.memref_slice %arg3[%mul3A_122, %dma_start3A_123] : memref<160000x128xf32, #tpu.memory_space<hbm>> -> memref<128x128xf32, #tpu.memory_space<hbm>>
            %dma_start3A_125 = arith.constant 0 : i32
            %dma_start3A_126 = tpu.memref_slice %arg3[%mul3A_122, %dma_start3A_125] : memref<160000x128xf32, #tpu.memory_space<hbm>> -> memref<128x128xf32, #tpu.memory_space<hbm>>
            tpu.enqueue_dma source(%dma_start3A_126 : memref<128x128xf32, #tpu.memory_space<hbm>>) target(%arg9 : memref<128x128xf32, #tpu.memory_space<vmem>>) target_semaphore(%arg12 : memref<!tpu.dma_semaphore, #tpu.memory_space<semaphore_mem>>)
          } else {
          }
          %add3A_111 = arith.addi %add3A, %while3A_62 : i32
          %mul3A_112 = arith.constant 128 : i32
          %mul3A_113 = arith.muli %add3A_111, %mul3A_112 : i32
          %dma_wait3A = arith.constant 0 : i32
          %dma_wait3A_114 = tpu.memref_slice %arg3[%mul3A_113, %dma_wait3A] : memref<160000x128xf32, #tpu.memory_space<hbm>> -> memref<128x128xf32, #tpu.memory_space<hbm>>
          %dma_wait3A_115 = arith.constant 0 : i32
          %dma_wait3A_116 = tpu.memref_slice %arg3[%mul3A_113, %dma_wait3A_115] : memref<160000x128xf32, #tpu.memory_space<hbm>> -> memref<128x128xf32, #tpu.memory_space<hbm>>
          tpu.wait_dma2 semaphore(%arg11 : memref<!tpu.dma_semaphore, #tpu.memory_space<semaphore_mem>>) src(%dma_wait3A_116 : memref<128x128xf32, #tpu.memory_space<hbm>>) dst(%arg8 : memref<128x128xf32, #tpu.memory_space<vmem>>)
          %add3A_117 = arith.addi %sub3A_30, %while3A_62 : i32
          "tpu.region"() ({
            %run_scoped3A = tpu.sem_alloc : memref<!tpu.dma_semaphore, #tpu.memory_space<semaphore_mem>>
            %dma_start3A_118 = arith.constant 0 : i32
            %dma_start3A_119 = tpu.memref_slice %arg7[%add3A_117, %dma_start3A_118] : memref<88x128xi32, #tpu.memory_space<vmem>> -> memref<1x128xi32, #tpu.memory_space<vmem>>
            %dma_start3A_120 = tpu.memref_squeeze %dma_start3A_119 : memref<1x128xi32, #tpu.memory_space<vmem>> -> memref<128xi32, #tpu.memory_space<vmem>>
            %dma_start3A_121 = arith.constant 0 : i32
            %dma_start3A_122 = arith.constant 0 : i32
            %dma_start3A_123 = tpu.memref_slice %arg10[%dma_start3A_121, %dma_start3A_122] : memref<10240x128xf32, #tpu.memory_space<vmem_shared>> -> memref<10240x128xf32, #tpu.memory_space<vmem_shared>>
            tpu.enqueue_indirect_dma source(%arg8 : memref<128x128xf32, #tpu.memory_space<vmem>>) target(%dma_start3A_123 : memref<10240x128xf32, #tpu.memory_space<vmem_shared>>) offsets(%dma_start3A_120 : memref<128xi32, #tpu.memory_space<vmem>>) semaphore(%run_scoped3A : memref<!tpu.dma_semaphore, #tpu.memory_space<semaphore_mem>>) {add = true}
            %dma_wait3A_124 = arith.constant 0 : i32
            %dma_wait3A_125 = tpu.memref_slice %arg7[%add3A_117, %dma_wait3A_124] : memref<88x128xi32, #tpu.memory_space<vmem>> -> memref<1x128xi32, #tpu.memory_space<vmem>>
            %dma_wait3A_126 = tpu.memref_squeeze %dma_wait3A_125 : memref<1x128xi32, #tpu.memory_space<vmem>> -> memref<128xi32, #tpu.memory_space<vmem>>
            %dma_wait3A_127 = arith.constant 0 : i32
            %dma_wait3A_128 = arith.constant 0 : i32
            %dma_wait3A_129 = tpu.memref_slice %arg10[%dma_wait3A_127, %dma_wait3A_128] : memref<10240x128xf32, #tpu.memory_space<vmem_shared>> -> memref<10240x128xf32, #tpu.memory_space<vmem_shared>>
            tpu.wait_indirect_dma semaphore(%run_scoped3A : memref<!tpu.dma_semaphore, #tpu.memory_space<semaphore_mem>>) src(%arg8 : memref<128x128xf32, #tpu.memory_space<vmem>>) dst(%dma_wait3A_129 : memref<10240x128xf32, #tpu.memory_space<vmem_shared>>)
            tpu.yield
          }) : () -> ()
        } else {
        }
        %jit3A_84 = arith.constant 2 : i32
        %eq3A_85 = arith.constant 0 : i32
        %eq3A_86 = arith.cmpi eq, %jit3A_84, %eq3A_85 : i32
        %jit3A_87 = arith.constant 1 : i32
        %select_n3A_88 = arith.select %eq3A_86, %jit3A_87, %jit3A_84 : i32
        %rem3A_89 = arith.remsi %while3A_62, %select_n3A_88 : i32
        %ne3A_90 = arith.constant 0 : i32
        %ne3A_91 = arith.cmpi ne, %rem3A_89, %ne3A_90 : i32
        %lt3A_92 = arith.constant 0 : i32
        %lt3A_93 = arith.cmpi slt, %rem3A_89, %lt3A_92 : i32
        %lt3A_94 = arith.constant 0 : i32
        %lt3A_95 = arith.cmpi slt, %select_n3A_88, %lt3A_94 : i32
        %ne3A_96 = arith.xori %lt3A_93, %lt3A_95 : i1
        %and3A_97 = arith.andi %ne3A_96, %ne3A_91 : i1
        %add3A_98 = arith.addi %rem3A_89, %select_n3A_88 : i32
        %select_n3A_99 = arith.select %and3A_97, %add3A_98, %rem3A_89 : i32
        %eq3A_100 = arith.constant 1 : i32
        %eq3A_101 = arith.cmpi eq, %select_n3A_99, %eq3A_100 : i32
        %convert_element_type3A_102 = arith.extui %eq3A_101 : i1 to i32
        %cond3A_103 = arith.constant 0 : i32
        %cond3A_104 = arith.cmpi ne, %convert_element_type3A_102, %cond3A_103 : i32
        scf.if %cond3A_104 {
          %add3A_105 = arith.constant 1 : i32
          %add3A_106 = arith.addi %while3A_62, %add3A_105 : i32
          %lt3A_107 = arith.cmpi slt, %add3A_106, %add3A_8 : i32
          %convert_element_type3A_108 = arith.extui %lt3A_107 : i1 to i32
          %cond3A_109 = arith.constant 0 : i32
          %cond3A_110 = arith.cmpi ne, %convert_element_type3A_108, %cond3A_109 : i32
          scf.if %cond3A_110 {
            %add3A_118 = arith.addi %add3A, %while3A_62 : i32
            %add3A_119 = arith.constant 1 : i32
            %add3A_120 = arith.addi %add3A_118, %add3A_119 : i32
            %mul3A_121 = arith.constant 128 : i32
            %mul3A_122 = arith.muli %add3A_120, %mul3A_121 : i32
            %dma_start3A_123 = arith.constant 0 : i32
            %dma_start3A_124 = tpu.memref_slice %arg3[%mul3A_122, %dma_start3A_123] : memref<160000x128xf32, #tpu.memory_space<hbm>> -> memref<128x128xf32, #tpu.memory_space<hbm>>
            %dma_start3A_125 = arith.constant 0 : i32
            %dma_start3A_126 = tpu.memref_slice %arg3[%mul3A_122, %dma_start3A_125] : memref<160000x128xf32, #tpu.memory_space<hbm>> -> memref<128x128xf32, #tpu.memory_space<hbm>>
            tpu.enqueue_dma source(%dma_start3A_126 : memref<128x128xf32, #tpu.memory_space<hbm>>) target(%arg8 : memref<128x128xf32, #tpu.memory_space<vmem>>) target_semaphore(%arg11 : memref<!tpu.dma_semaphore, #tpu.memory_space<semaphore_mem>>)
          } else {
          }
          %add3A_111 = arith.addi %add3A, %while3A_62 : i32
          %mul3A_112 = arith.constant 128 : i32
          %mul3A_113 = arith.muli %add3A_111, %mul3A_112 : i32
          %dma_wait3A = arith.constant 0 : i32
          %dma_wait3A_114 = tpu.memref_slice %arg3[%mul3A_113, %dma_wait3A] : memref<160000x128xf32, #tpu.memory_space<hbm>> -> memref<128x128xf32, #tpu.memory_space<hbm>>
          %dma_wait3A_115 = arith.constant 0 : i32
          %dma_wait3A_116 = tpu.memref_slice %arg3[%mul3A_113, %dma_wait3A_115] : memref<160000x128xf32, #tpu.memory_space<hbm>> -> memref<128x128xf32, #tpu.memory_space<hbm>>
          tpu.wait_dma2 semaphore(%arg12 : memref<!tpu.dma_semaphore, #tpu.memory_space<semaphore_mem>>) src(%dma_wait3A_116 : memref<128x128xf32, #tpu.memory_space<hbm>>) dst(%arg9 : memref<128x128xf32, #tpu.memory_space<vmem>>)
          %add3A_117 = arith.addi %sub3A_30, %while3A_62 : i32
          "tpu.region"() ({
            %run_scoped3A = tpu.sem_alloc : memref<!tpu.dma_semaphore, #tpu.memory_space<semaphore_mem>>
            %dma_start3A_118 = arith.constant 0 : i32
            %dma_start3A_119 = tpu.memref_slice %arg7[%add3A_117, %dma_start3A_118] : memref<88x128xi32, #tpu.memory_space<vmem>> -> memref<1x128xi32, #tpu.memory_space<vmem>>
            %dma_start3A_120 = tpu.memref_squeeze %dma_start3A_119 : memref<1x128xi32, #tpu.memory_space<vmem>> -> memref<128xi32, #tpu.memory_space<vmem>>
            %dma_start3A_121 = arith.constant 0 : i32
            %dma_start3A_122 = arith.constant 0 : i32
            %dma_start3A_123 = tpu.memref_slice %arg10[%dma_start3A_121, %dma_start3A_122] : memref<10240x128xf32, #tpu.memory_space<vmem_shared>> -> memref<10240x128xf32, #tpu.memory_space<vmem_shared>>
            tpu.enqueue_indirect_dma source(%arg9 : memref<128x128xf32, #tpu.memory_space<vmem>>) target(%dma_start3A_123 : memref<10240x128xf32, #tpu.memory_space<vmem_shared>>) offsets(%dma_start3A_120 : memref<128xi32, #tpu.memory_space<vmem>>) semaphore(%run_scoped3A : memref<!tpu.dma_semaphore, #tpu.memory_space<semaphore_mem>>) {add = true}
            %dma_wait3A_124 = arith.constant 0 : i32
            %dma_wait3A_125 = tpu.memref_slice %arg7[%add3A_117, %dma_wait3A_124] : memref<88x128xi32, #tpu.memory_space<vmem>> -> memref<1x128xi32, #tpu.memory_space<vmem>>
            %dma_wait3A_126 = tpu.memref_squeeze %dma_wait3A_125 : memref<1x128xi32, #tpu.memory_space<vmem>> -> memref<128xi32, #tpu.memory_space<vmem>>
            %dma_wait3A_127 = arith.constant 0 : i32
            %dma_wait3A_128 = arith.constant 0 : i32
            %dma_wait3A_129 = tpu.memref_slice %arg10[%dma_wait3A_127, %dma_wait3A_128] : memref<10240x128xf32, #tpu.memory_space<vmem_shared>> -> memref<10240x128xf32, #tpu.memory_space<vmem_shared>>
            tpu.wait_indirect_dma semaphore(%run_scoped3A : memref<!tpu.dma_semaphore, #tpu.memory_space<semaphore_mem>>) src(%arg9 : memref<128x128xf32, #tpu.memory_space<vmem>>) dst(%dma_wait3A_129 : memref<10240x128xf32, #tpu.memory_space<vmem_shared>>)
            tpu.yield
          }) : () -> ()
        } else {
        }
      }
      %while3A_61 = arith.constant 1 : i32
      scf.for %while3A_62 = %while3A_59 to %while3A_55 step %while3A_61  : i32 {
        %jit3A_63 = arith.constant 2 : i32
        %eq3A_64 = arith.constant 0 : i32
        %eq3A_65 = arith.cmpi eq, %jit3A_63, %eq3A_64 : i32
        %jit3A_66 = arith.constant 1 : i32
        %select_n3A_67 = arith.select %eq3A_65, %jit3A_66, %jit3A_63 : i32
        %rem3A_68 = arith.remsi %while3A_62, %select_n3A_67 : i32
        %ne3A_69 = arith.constant 0 : i32
        %ne3A_70 = arith.cmpi ne, %rem3A_68, %ne3A_69 : i32
        %lt3A_71 = arith.constant 0 : i32
        %lt3A_72 = arith.cmpi slt, %rem3A_68, %lt3A_71 : i32
        %lt3A_73 = arith.constant 0 : i32
        %lt3A_74 = arith.cmpi slt, %select_n3A_67, %lt3A_73 : i32
        %ne3A_75 = arith.xori %lt3A_72, %lt3A_74 : i1
        %and3A_76 = arith.andi %ne3A_75, %ne3A_70 : i1
        %add3A_77 = arith.addi %rem3A_68, %select_n3A_67 : i32
        %select_n3A_78 = arith.select %and3A_76, %add3A_77, %rem3A_68 : i32
        %eq3A_79 = arith.constant 0 : i32
        %eq3A_80 = arith.cmpi eq, %select_n3A_78, %eq3A_79 : i32
        %convert_element_type3A_81 = arith.extui %eq3A_80 : i1 to i32
        %cond3A_82 = arith.constant 0 : i32
        %cond3A_83 = arith.cmpi ne, %convert_element_type3A_81, %cond3A_82 : i32
        scf.if %cond3A_83 {
          %add3A_105 = arith.constant 1 : i32
          %add3A_106 = arith.addi %while3A_62, %add3A_105 : i32
          %lt3A_107 = arith.cmpi slt, %add3A_106, %add3A_8 : i32
          %convert_element_type3A_108 = arith.extui %lt3A_107 : i1 to i32
          %cond3A_109 = arith.constant 0 : i32
          %cond3A_110 = arith.cmpi ne, %convert_element_type3A_108, %cond3A_109 : i32
          scf.if %cond3A_110 {
            %add3A_118 = arith.addi %add3A, %while3A_62 : i32
            %add3A_119 = arith.constant 1 : i32
            %add3A_120 = arith.addi %add3A_118, %add3A_119 : i32
            %mul3A_121 = arith.constant 128 : i32
            %mul3A_122 = arith.muli %add3A_120, %mul3A_121 : i32
            %dma_start3A_123 = arith.constant 0 : i32
            %dma_start3A_124 = tpu.memref_slice %arg3[%mul3A_122, %dma_start3A_123] : memref<160000x128xf32, #tpu.memory_space<hbm>> -> memref<128x128xf32, #tpu.memory_space<hbm>>
            %dma_start3A_125 = arith.constant 0 : i32
            %dma_start3A_126 = tpu.memref_slice %arg3[%mul3A_122, %dma_start3A_125] : memref<160000x128xf32, #tpu.memory_space<hbm>> -> memref<128x128xf32, #tpu.memory_space<hbm>>
            tpu.enqueue_dma source(%dma_start3A_126 : memref<128x128xf32, #tpu.memory_space<hbm>>) target(%arg9 : memref<128x128xf32, #tpu.memory_space<vmem>>) target_semaphore(%arg12 : memref<!tpu.dma_semaphore, #tpu.memory_space<semaphore_mem>>)
          } else {
          }
          %add3A_111 = arith.addi %add3A, %while3A_62 : i32
          %mul3A_112 = arith.constant 128 : i32
          %mul3A_113 = arith.muli %add3A_111, %mul3A_112 : i32
          %dma_wait3A = arith.constant 0 : i32
          %dma_wait3A_114 = tpu.memref_slice %arg3[%mul3A_113, %dma_wait3A] : memref<160000x128xf32, #tpu.memory_space<hbm>> -> memref<128x128xf32, #tpu.memory_space<hbm>>
          %dma_wait3A_115 = arith.constant 0 : i32
          %dma_wait3A_116 = tpu.memref_slice %arg3[%mul3A_113, %dma_wait3A_115] : memref<160000x128xf32, #tpu.memory_space<hbm>> -> memref<128x128xf32, #tpu.memory_space<hbm>>
          tpu.wait_dma2 semaphore(%arg11 : memref<!tpu.dma_semaphore, #tpu.memory_space<semaphore_mem>>) src(%dma_wait3A_116 : memref<128x128xf32, #tpu.memory_space<hbm>>) dst(%arg8 : memref<128x128xf32, #tpu.memory_space<vmem>>)
          %add3A_117 = arith.addi %sub3A_30, %while3A_62 : i32
          "tpu.region"() ({
            %run_scoped3A = tpu.sem_alloc : memref<!tpu.dma_semaphore, #tpu.memory_space<semaphore_mem>>
            %dma_start3A_118 = arith.constant 0 : i32
            %dma_start3A_119 = tpu.memref_slice %arg7[%add3A_117, %dma_start3A_118] : memref<88x128xi32, #tpu.memory_space<vmem>> -> memref<1x128xi32, #tpu.memory_space<vmem>>
            %dma_start3A_120 = tpu.memref_squeeze %dma_start3A_119 : memref<1x128xi32, #tpu.memory_space<vmem>> -> memref<128xi32, #tpu.memory_space<vmem>>
            %dma_start3A_121 = arith.constant 0 : i32
            %dma_start3A_122 = arith.constant 0 : i32
            %dma_start3A_123 = tpu.memref_slice %arg10[%dma_start3A_121, %dma_start3A_122] : memref<10240x128xf32, #tpu.memory_space<vmem_shared>> -> memref<10240x128xf32, #tpu.memory_space<vmem_shared>>
            tpu.enqueue_indirect_dma source(%arg8 : memref<128x128xf32, #tpu.memory_space<vmem>>) target(%dma_start3A_123 : memref<10240x128xf32, #tpu.memory_space<vmem_shared>>) offsets(%dma_start3A_120 : memref<128xi32, #tpu.memory_space<vmem>>) semaphore(%run_scoped3A : memref<!tpu.dma_semaphore, #tpu.memory_space<semaphore_mem>>) {add = true}
            %dma_wait3A_124 = arith.constant 0 : i32
            %dma_wait3A_125 = tpu.memref_slice %arg7[%add3A_117, %dma_wait3A_124] : memref<88x128xi32, #tpu.memory_space<vmem>> -> memref<1x128xi32, #tpu.memory_space<vmem>>
            %dma_wait3A_126 = tpu.memref_squeeze %dma_wait3A_125 : memref<1x128xi32, #tpu.memory_space<vmem>> -> memref<128xi32, #tpu.memory_space<vmem>>
            %dma_wait3A_127 = arith.constant 0 : i32
            %dma_wait3A_128 = arith.constant 0 : i32
            %dma_wait3A_129 = tpu.memref_slice %arg10[%dma_wait3A_127, %dma_wait3A_128] : memref<10240x128xf32, #tpu.memory_space<vmem_shared>> -> memref<10240x128xf32, #tpu.memory_space<vmem_shared>>
            tpu.wait_indirect_dma semaphore(%run_scoped3A : memref<!tpu.dma_semaphore, #tpu.memory_space<semaphore_mem>>) src(%arg8 : memref<128x128xf32, #tpu.memory_space<vmem>>) dst(%dma_wait3A_129 : memref<10240x128xf32, #tpu.memory_space<vmem_shared>>)
            tpu.yield
          }) : () -> ()
        } else {
        }
        %jit3A_84 = arith.constant 2 : i32
        %eq3A_85 = arith.constant 0 : i32
        %eq3A_86 = arith.cmpi eq, %jit3A_84, %eq3A_85 : i32
        %jit3A_87 = arith.constant 1 : i32
        %select_n3A_88 = arith.select %eq3A_86, %jit3A_87, %jit3A_84 : i32
        %rem3A_89 = arith.remsi %while3A_62, %select_n3A_88 : i32
        %ne3A_90 = arith.constant 0 : i32
        %ne3A_91 = arith.cmpi ne, %rem3A_89, %ne3A_90 : i32
        %lt3A_92 = arith.constant 0 : i32
        %lt3A_93 = arith.cmpi slt, %rem3A_89, %lt3A_92 : i32
        %lt3A_94 = arith.constant 0 : i32
        %lt3A_95 = arith.cmpi slt, %select_n3A_88, %lt3A_94 : i32
        %ne3A_96 = arith.xori %lt3A_93, %lt3A_95 : i1
        %and3A_97 = arith.andi %ne3A_96, %ne3A_91 : i1
        %add3A_98 = arith.addi %rem3A_89, %select_n3A_88 : i32
        %select_n3A_99 = arith.select %and3A_97, %add3A_98, %rem3A_89 : i32
        %eq3A_100 = arith.constant 1 : i32
        %eq3A_101 = arith.cmpi eq, %select_n3A_99, %eq3A_100 : i32
        %convert_element_type3A_102 = arith.extui %eq3A_101 : i1 to i32
        %cond3A_103 = arith.constant 0 : i32
        %cond3A_104 = arith.cmpi ne, %convert_element_type3A_102, %cond3A_103 : i32
        scf.if %cond3A_104 {
          %add3A_105 = arith.constant 1 : i32
          %add3A_106 = arith.addi %while3A_62, %add3A_105 : i32
          %lt3A_107 = arith.cmpi slt, %add3A_106, %add3A_8 : i32
          %convert_element_type3A_108 = arith.extui %lt3A_107 : i1 to i32
          %cond3A_109 = arith.constant 0 : i32
          %cond3A_110 = arith.cmpi ne, %convert_element_type3A_108, %cond3A_109 : i32
          scf.if %cond3A_110 {
            %add3A_118 = arith.addi %add3A, %while3A_62 : i32
            %add3A_119 = arith.constant 1 : i32
            %add3A_120 = arith.addi %add3A_118, %add3A_119 : i32
            %mul3A_121 = arith.constant 128 : i32
            %mul3A_122 = arith.muli %add3A_120, %mul3A_121 : i32
            %dma_start3A_123 = arith.constant 0 : i32
            %dma_start3A_124 = tpu.memref_slice %arg3[%mul3A_122, %dma_start3A_123] : memref<160000x128xf32, #tpu.memory_space<hbm>> -> memref<128x128xf32, #tpu.memory_space<hbm>>
            %dma_start3A_125 = arith.constant 0 : i32
            %dma_start3A_126 = tpu.memref_slice %arg3[%mul3A_122, %dma_start3A_125] : memref<160000x128xf32, #tpu.memory_space<hbm>> -> memref<128x128xf32, #tpu.memory_space<hbm>>
            tpu.enqueue_dma source(%dma_start3A_126 : memref<128x128xf32, #tpu.memory_space<hbm>>) target(%arg8 : memref<128x128xf32, #tpu.memory_space<vmem>>) target_semaphore(%arg11 : memref<!tpu.dma_semaphore, #tpu.memory_space<semaphore_mem>>)
          } else {
          }
          %add3A_111 = arith.addi %add3A, %while3A_62 : i32
          %mul3A_112 = arith.constant 128 : i32
          %mul3A_113 = arith.muli %add3A_111, %mul3A_112 : i32
          %dma_wait3A = arith.constant 0 : i32
          %dma_wait3A_114 = tpu.memref_slice %arg3[%mul3A_113, %dma_wait3A] : memref<160000x128xf32, #tpu.memory_space<hbm>> -> memref<128x128xf32, #tpu.memory_space<hbm>>
          %dma_wait3A_115 = arith.constant 0 : i32
          %dma_wait3A_116 = tpu.memref_slice %arg3[%mul3A_113, %dma_wait3A_115] : memref<160000x128xf32, #tpu.memory_space<hbm>> -> memref<128x128xf32, #tpu.memory_space<hbm>>
          tpu.wait_dma2 semaphore(%arg12 : memref<!tpu.dma_semaphore, #tpu.memory_space<semaphore_mem>>) src(%dma_wait3A_116 : memref<128x128xf32, #tpu.memory_space<hbm>>) dst(%arg9 : memref<128x128xf32, #tpu.memory_space<vmem>>)
          %add3A_117 = arith.addi %sub3A_30, %while3A_62 : i32
          "tpu.region"() ({
            %run_scoped3A = tpu.sem_alloc : memref<!tpu.dma_semaphore, #tpu.memory_space<semaphore_mem>>
            %dma_start3A_118 = arith.constant 0 : i32
            %dma_start3A_119 = tpu.memref_slice %arg7[%add3A_117, %dma_start3A_118] : memref<88x128xi32, #tpu.memory_space<vmem>> -> memref<1x128xi32, #tpu.memory_space<vmem>>
            %dma_start3A_120 = tpu.memref_squeeze %dma_start3A_119 : memref<1x128xi32, #tpu.memory_space<vmem>> -> memref<128xi32, #tpu.memory_space<vmem>>
            %dma_start3A_121 = arith.constant 0 : i32
            %dma_start3A_122 = arith.constant 0 : i32
            %dma_start3A_123 = tpu.memref_slice %arg10[%dma_start3A_121, %dma_start3A_122] : memref<10240x128xf32, #tpu.memory_space<vmem_shared>> -> memref<10240x128xf32, #tpu.memory_space<vmem_shared>>
            tpu.enqueue_indirect_dma source(%arg9 : memref<128x128xf32, #tpu.memory_space<vmem>>) target(%dma_start3A_123 : memref<10240x128xf32, #tpu.memory_space<vmem_shared>>) offsets(%dma_start3A_120 : memref<128xi32, #tpu.memory_space<vmem>>) semaphore(%run_scoped3A : memref<!tpu.dma_semaphore, #tpu.memory_space<semaphore_mem>>) {add = true}
            %dma_wait3A_124 = arith.constant 0 : i32
            %dma_wait3A_125 = tpu.memref_slice %arg7[%add3A_117, %dma_wait3A_124] : memref<88x128xi32, #tpu.memory_space<vmem>> -> memref<1x128xi32, #tpu.memory_space<vmem>>
            %dma_wait3A_126 = tpu.memref_squeeze %dma_wait3A_125 : memref<1x128xi32, #tpu.memory_space<vmem>> -> memref<128xi32, #tpu.memory_space<vmem>>
            %dma_wait3A_127 = arith.constant 0 : i32
            %dma_wait3A_128 = arith.constant 0 : i32
            %dma_wait3A_129 = tpu.memref_slice %arg10[%dma_wait3A_127, %dma_wait3A_128] : memref<10240x128xf32, #tpu.memory_space<vmem_shared>> -> memref<10240x128xf32, #tpu.memory_space<vmem_shared>>
            tpu.wait_indirect_dma semaphore(%run_scoped3A : memref<!tpu.dma_semaphore, #tpu.memory_space<semaphore_mem>>) src(%arg9 : memref<128x128xf32, #tpu.memory_space<vmem>>) dst(%dma_wait3A_129 : memref<10240x128xf32, #tpu.memory_space<vmem_shared>>)
            tpu.yield
          }) : () -> ()
        } else {
        }
      }
    } else {
    }
    %barrier3A_38 = arith.constant 0 : index
    tpu.barrier barrier_id(%barrier3A_38)
    %lt3A = arith.constant 15 : i32
    %lt3A_39 = arith.cmpi slt, %arg1, %lt3A : i32
    %convert_element_type3A_40 = arith.extui %lt3A_39 : i1 to i32
    %cond3A_41 = arith.constant 0 : i32
    %cond3A_42 = arith.cmpi ne, %convert_element_type3A_40, %cond3A_41 : i32
    scf.if %cond3A_42 {
      %mul3A_48 = arith.constant 640 : i32
      %mul3A_49 = arith.muli %arg1, %mul3A_48 : i32
      %mul3A_50 = arith.constant 640 : i32
      %mul3A_51 = arith.muli %arg1, %mul3A_50 : i32
      "tpu.region"() ({
        %run_scoped3A = tpu.sem_alloc : memref<!tpu.dma_semaphore, #tpu.memory_space<semaphore_mem>>
        %dma_start3A = arith.constant 0 : i32
        %dma_start3A_52 = tpu.memref_slice %arg6[%arg0, %mul3A_51, %dma_start3A] : memref<2x10000x128xf32, #tpu.memory_space<hbm>> -> memref<1x640x128xf32, #tpu.memory_space<hbm>>
        %dma_start3A_53 = tpu.memref_squeeze %dma_start3A_52 : memref<1x640x128xf32, #tpu.memory_space<hbm>> -> memref<640x128xf32, #tpu.memory_space<hbm>>
        %dma_start3A_54 = arith.constant 0 : i32
        %dma_start3A_55 = tpu.memref_slice %arg10[%mul3A_49, %dma_start3A_54] : memref<10240x128xf32, #tpu.memory_space<vmem_shared>> -> memref<640x128xf32, #tpu.memory_space<vmem_shared>>
        tpu.enqueue_dma source(%dma_start3A_55 : memref<640x128xf32, #tpu.memory_space<vmem_shared>>) target(%dma_start3A_53 : memref<640x128xf32, #tpu.memory_space<hbm>>) target_semaphore(%run_scoped3A : memref<!tpu.dma_semaphore, #tpu.memory_space<semaphore_mem>>)
        %dma_wait3A = arith.constant 0 : i32
        %dma_wait3A_56 = tpu.memref_slice %arg6[%arg0, %mul3A_51, %dma_wait3A] : memref<2x10000x128xf32, #tpu.memory_space<hbm>> -> memref<1x640x128xf32, #tpu.memory_space<hbm>>
        %dma_wait3A_57 = tpu.memref_squeeze %dma_wait3A_56 : memref<1x640x128xf32, #tpu.memory_space<hbm>> -> memref<640x128xf32, #tpu.memory_space<hbm>>
        %dma_wait3A_58 = arith.constant 0 : i32
        %dma_wait3A_59 = tpu.memref_slice %arg10[%mul3A_49, %dma_wait3A_58] : memref<10240x128xf32, #tpu.memory_space<vmem_shared>> -> memref<640x128xf32, #tpu.memory_space<vmem_shared>>
        tpu.wait_dma2 semaphore(%run_scoped3A : memref<!tpu.dma_semaphore, #tpu.memory_space<semaphore_mem>>) src(%dma_wait3A_59 : memref<640x128xf32, #tpu.memory_space<vmem_shared>>) dst(%dma_wait3A_57 : memref<640x128xf32, #tpu.memory_space<hbm>>)
        tpu.yield
      }) : () -> ()
    } else {
    }
    %eq3A_43 = arith.constant 15 : i32
    %eq3A_44 = arith.cmpi eq, %arg1, %eq3A_43 : i32
    %convert_element_type3A_45 = arith.extui %eq3A_44 : i1 to i32
    %cond3A_46 = arith.constant 0 : i32
    %cond3A_47 = arith.cmpi ne, %convert_element_type3A_45, %cond3A_46 : i32
    scf.if %cond3A_47 {
      "tpu.region"() ({
        %run_scoped3A = tpu.sem_alloc : memref<!tpu.dma_semaphore, #tpu.memory_space<semaphore_mem>>
        %dma_start3A = arith.constant 9600 : i32
        %dma_start3A_48 = arith.constant 0 : i32
        %dma_start3A_49 = tpu.memref_slice %arg6[%arg0, %dma_start3A, %dma_start3A_48] : memref<2x10000x128xf32, #tpu.memory_space<hbm>> -> memref<1x400x128xf32, #tpu.memory_space<hbm>>
        %dma_start3A_50 = tpu.memref_squeeze %dma_start3A_49 : memref<1x400x128xf32, #tpu.memory_space<hbm>> -> memref<400x128xf32, #tpu.memory_space<hbm>>
        %dma_start3A_51 = arith.constant 9600 : i32
        %dma_start3A_52 = arith.constant 0 : i32
        %dma_start3A_53 = tpu.memref_slice %arg10[%dma_start3A_51, %dma_start3A_52] : memref<10240x128xf32, #tpu.memory_space<vmem_shared>> -> memref<400x128xf32, #tpu.memory_space<vmem_shared>>
        tpu.enqueue_dma source(%dma_start3A_53 : memref<400x128xf32, #tpu.memory_space<vmem_shared>>) target(%dma_start3A_50 : memref<400x128xf32, #tpu.memory_space<hbm>>) target_semaphore(%run_scoped3A : memref<!tpu.dma_semaphore, #tpu.memory_space<semaphore_mem>>)
        %dma_wait3A = arith.constant 9600 : i32
        %dma_wait3A_54 = arith.constant 0 : i32
        %dma_wait3A_55 = tpu.memref_slice %arg6[%arg0, %dma_wait3A, %dma_wait3A_54] : memref<2x10000x128xf32, #tpu.memory_space<hbm>> -> memref<1x400x128xf32, #tpu.memory_space<hbm>>
        %dma_wait3A_56 = tpu.memref_squeeze %dma_wait3A_55 : memref<1x400x128xf32, #tpu.memory_space<hbm>> -> memref<400x128xf32, #tpu.memory_space<hbm>>
        %dma_wait3A_57 = arith.constant 9600 : i32
        %dma_wait3A_58 = arith.constant 0 : i32
        %dma_wait3A_59 = tpu.memref_slice %arg10[%dma_wait3A_57, %dma_wait3A_58] : memref<10240x128xf32, #tpu.memory_space<vmem_shared>> -> memref<400x128xf32, #tpu.memory_space<vmem_shared>>
        tpu.wait_dma2 semaphore(%run_scoped3A : memref<!tpu.dma_semaphore, #tpu.memory_space<semaphore_mem>>) src(%dma_wait3A_59 : memref<400x128xf32, #tpu.memory_space<vmem_shared>>) dst(%dma_wait3A_56 : memref<400x128xf32, #tpu.memory_space<hbm>>)
        tpu.yield
      }) : () -> ()
    } else {
    }
    return
  }
}

#map = affine_map<(d0, d1) -> (0, 0)>
#map1 = affine_map<(d0, d1) -> (0, 0, 0)>
module attributes {stable_mosaic.version = 14 : i64} {
  func.func @sca(%arg0: i32, %arg1: i32, %arg2: memref<160000x128xf32, #tpu.memory_space<hbm>>, %arg3: memref<160000x128xf32, #tpu.memory_space<hbm>>, %arg4: memref<1258x128xi32, #tpu.memory_space<hbm>>, %arg5: memref<640x128xf32, #tpu.memory_space<hbm>>, %arg6: memref<2x10000x128xf32, #tpu.memory_space<hbm>>, %arg7: memref<88x128xi32, #tpu.memory_space<vmem>>, %arg8: memref<128x128xf32, #tpu.memory_space<vmem>>, %arg9: memref<128x128xf32, #tpu.memory_space<vmem>>, %arg10: memref<10240x128xf32, #tpu.memory_space<vmem_shared>>, %arg11: memref<!tpu.dma_semaphore, #tpu.memory_space<semaphore_mem>>, %arg12: memref<!tpu.dma_semaphore, #tpu.memory_space<semaphore_mem>>) attributes {dimension_semantics = [#tpu.dimension_semantics<core_parallel>, #tpu.dimension_semantics<subcore_parallel>], iteration_bounds = array<i64: 2, 16>, scalar_prefetch = 0 : i64, scratch_operands = 6 : i64, tpu.core_type = #tpu.core_type<sc_vector_subcore>, window_params = [{transform_indices = #map}, {transform_indices = #map}, {transform_indices = #map}, {transform_indices = #map}, {transform_indices = #map1}]} {
    %mul3A = arith.constant 640 : i32
    %mul3A_0 = arith.muli %arg1, %mul3A : i32
    "tpu.region"() ({
      %run_scoped3A = tpu.sem_alloc : memref<!tpu.dma_semaphore, #tpu.memory_space<semaphore_mem>>
      %dma_start3A = arith.constant 0 : i32
      %dma_start3A_48 = tpu.memref_slice %arg10[%mul3A_0, %dma_start3A] : memref<10240x128xf32, #tpu.memory_space<vmem_shared>> -> memref<640x128xf32, #tpu.memory_space<vmem_shared>>
      tpu.enqueue_dma source(%arg5 : memref<640x128xf32, #tpu.memory_space<hbm>>) target(%dma_start3A_48 : memref<640x128xf32, #tpu.memory_space<vmem_shared>>) target_semaphore(%run_scoped3A : memref<!tpu.dma_semaphore, #tpu.memory_space<semaphore_mem>>)
      %dma_wait3A = arith.constant 0 : i32
      %dma_wait3A_49 = tpu.memref_slice %arg10[%mul3A_0, %dma_wait3A] : memref<10240x128xf32, #tpu.memory_space<vmem_shared>> -> memref<640x128xf32, #tpu.memory_space<vmem_shared>>
      tpu.wait_dma2 semaphore(%run_scoped3A : memref<!tpu.dma_semaphore, #tpu.memory_space<semaphore_mem>>) src(%arg5 : memref<640x128xf32, #tpu.memory_space<hbm>>) dst(%dma_wait3A_49 : memref<640x128xf32, #tpu.memory_space<vmem_shared>>)
      tpu.yield
    }) : () -> ()
    %mul3A_1 = arith.constant 78 : i32
    %mul3A_2 = arith.muli %arg1, %mul3A_1 : i32
    %sub3A = arith.constant 14 : i32
    %sub3A_3 = arith.subi %arg1, %sub3A : i32
    %max3A = arith.constant 0 : i32
    %max3A_4 = arith.maxsi %sub3A_3, %max3A : i32
    %add3A = arith.addi %mul3A_2, %max3A_4 : i32
    %ge3A = arith.constant 14 : i32
    %ge3A_5 = arith.cmpi sge, %arg1, %ge3A : i32
    %jit3A = arith.constant 1 : i32
    %jit3A_6 = arith.constant 0 : i32
    %select_n3A = arith.select %ge3A_5, %jit3A, %jit3A_6 : i32
    %add3A_7 = arith.constant 78 : i32
    %add3A_8 = arith.addi %add3A_7, %select_n3A : i32
    %jit3A_9 = arith.constant 8 : i32
    %div3A = arith.divsi %add3A, %jit3A_9 : i32
    %sign3A = arith.constant 0 : i32
    %sign3A_10 = arith.cmpi sgt, %add3A, %sign3A : i32
    %sign3A_11 = arith.extui %sign3A_10 : i1 to i32
    %sign3A_12 = arith.constant 0 : i32
    %sign3A_13 = arith.cmpi slt, %add3A, %sign3A_12 : i32
    %sign3A_14 = arith.extui %sign3A_13 : i1 to i32
    %sign3A_15 = arith.subi %sign3A_11, %sign3A_14 : i32
    %sign3A_16 = arith.constant 0 : i32
    %sign3A_17 = arith.cmpi sgt, %jit3A_9, %sign3A_16 : i32
    %sign3A_18 = arith.extui %sign3A_17 : i1 to i32
    %sign3A_19 = arith.constant 0 : i32
    %sign3A_20 = arith.cmpi slt, %jit3A_9, %sign3A_19 : i32
    %sign3A_21 = arith.extui %sign3A_20 : i1 to i32
    %sign3A_22 = arith.subi %sign3A_18, %sign3A_21 : i32
    %ne3A = arith.cmpi ne, %sign3A_15, %sign3A_22 : i32
    %rem3A = arith.remsi %add3A, %jit3A_9 : i32
    %ne3A_23 = arith.constant 0 : i32
    %ne3A_24 = arith.cmpi ne, %rem3A, %ne3A_23 : i32
    %and3A = arith.andi %ne3A, %ne3A_24 : i1
    %sub3A_25 = arith.constant 1 : i32
    %sub3A_26 = arith.subi %div3A, %sub3A_25 : i32
    %select_n3A_27 = arith.select %and3A, %sub3A_26, %div3A : i32
    %mul3A_28 = arith.constant 8 : i32
    %mul3A_29 = arith.muli %select_n3A_27, %mul3A_28 : i32
    %sub3A_30 = arith.subi %add3A, %mul3A_29 : i32
    "tpu.region"() ({
      %run_scoped3A = tpu.sem_alloc : memref<!tpu.dma_semaphore, #tpu.memory_space<semaphore_mem>>
      %dma_start3A = arith.constant 0 : i32
      %dma_start3A_48 = tpu.memref_slice %arg4[%mul3A_29, %dma_start3A] : memref<1258x128xi32, #tpu.memory_space<hbm>> -> memref<88x128xi32, #tpu.memory_space<hbm>>
      %dma_start3A_49 = arith.constant 0 : i32
      %dma_start3A_50 = tpu.memref_slice %arg4[%mul3A_29, %dma_start3A_49] : memref<1258x128xi32, #tpu.memory_space<hbm>> -> memref<88x128xi32, #tpu.memory_space<hbm>>
      tpu.enqueue_dma source(%dma_start3A_50 : memref<88x128xi32, #tpu.memory_space<hbm>>) target(%arg7 : memref<88x128xi32, #tpu.memory_space<vmem>>) target_semaphore(%run_scoped3A : memref<!tpu.dma_semaphore, #tpu.memory_space<semaphore_mem>>)
      %dma_wait3A = arith.constant 0 : i32
      %dma_wait3A_51 = tpu.memref_slice %arg4[%mul3A_29, %dma_wait3A] : memref<1258x128xi32, #tpu.memory_space<hbm>> -> memref<88x128xi32, #tpu.memory_space<hbm>>
      %dma_wait3A_52 = arith.constant 0 : i32
      %dma_wait3A_53 = tpu.memref_slice %arg4[%mul3A_29, %dma_wait3A_52] : memref<1258x128xi32, #tpu.memory_space<hbm>> -> memref<88x128xi32, #tpu.memory_space<hbm>>
      tpu.wait_dma2 semaphore(%run_scoped3A : memref<!tpu.dma_semaphore, #tpu.memory_space<semaphore_mem>>) src(%dma_wait3A_53 : memref<88x128xi32, #tpu.memory_space<hbm>>) dst(%arg7 : memref<88x128xi32, #tpu.memory_space<vmem>>)
      tpu.yield
    }) : () -> ()
    %barrier3A = arith.constant 0 : index
    tpu.barrier barrier_id(%barrier3A)
    %eq3A = arith.constant 0 : i32
    %eq3A_31 = arith.cmpi eq, %arg0, %eq3A : i32
    %convert_element_type3A = arith.extui %eq3A_31 : i1 to i32
    %cond3A = arith.constant 0 : i32
    %cond3A_32 = arith.cmpi ne, %convert_element_type3A, %cond3A : i32
    scf.if %cond3A_32 {
      %mul3A_48 = arith.constant 128 : i32
      %mul3A_49 = arith.muli %add3A, %mul3A_48 : i32
      %dma_start3A = arith.constant 0 : i32
      %dma_start3A_50 = tpu.memref_slice %arg2[%mul3A_49, %dma_start3A] : memref<160000x128xf32, #tpu.memory_space<hbm>> -> memref<128x128xf32, #tpu.memory_space<hbm>>
      %dma_start3A_51 = arith.constant 0 : i32
      %dma_start3A_52 = tpu.memref_slice %arg2[%mul3A_49, %dma_start3A_51] : memref<160000x128xf32, #tpu.memory_space<hbm>> -> memref<128x128xf32, #tpu.memory_space<hbm>>
      tpu.enqueue_dma source(%dma_start3A_52 : memref<128x128xf32, #tpu.memory_space<hbm>>) target(%arg8 : memref<128x128xf32, #tpu.memory_space<vmem>>) target_semaphore(%arg11 : memref<!tpu.dma_semaphore, #tpu.memory_space<semaphore_mem>>)
      %while3A = arith.constant 0 : i32
      %while3A_53 = arith.constant 0 : i32
      %while3A_54 = arith.subi %add3A_8, %while3A_53 : i32
      %while3A_55 = arith.addi %while3A_53, %while3A_54 : i32
      %while3A_56 = arith.constant 1 : i32
      %while3A_57 = arith.divsi %while3A_54, %while3A_56 : i32
      %while3A_58 = arith.muli %while3A_57, %while3A_56 : i32
      %while3A_59 = arith.addi %while3A_53, %while3A_58 : i32
      %while3A_60 = arith.constant 1 : i32
      scf.for %while3A_62 = %while3A_53 to %while3A_59 step %while3A_60  : i32 {
        %jit3A_63 = arith.constant 2 : i32
        %eq3A_64 = arith.constant 0 : i32
        %eq3A_65 = arith.cmpi eq, %jit3A_63, %eq3A_64 : i32
        %jit3A_66 = arith.constant 1 : i32
        %select_n3A_67 = arith.select %eq3A_65, %jit3A_66, %jit3A_63 : i32
        %rem3A_68 = arith.remsi %while3A_62, %select_n3A_67 : i32
        %ne3A_69 = arith.constant 0 : i32
        %ne3A_70 = arith.cmpi ne, %rem3A_68, %ne3A_69 : i32
        %lt3A_71 = arith.constant 0 : i32
        %lt3A_72 = arith.cmpi slt, %rem3A_68, %lt3A_71 : i32
        %lt3A_73 = arith.constant 0 : i32
        %lt3A_74 = arith.cmpi slt, %select_n3A_67, %lt3A_73 : i32
        %ne3A_75 = arith.xori %lt3A_72, %lt3A_74 : i1
        %and3A_76 = arith.andi %ne3A_75, %ne3A_70 : i1
        %add3A_77 = arith.addi %rem3A_68, %select_n3A_67 : i32
        %select_n3A_78 = arith.select %and3A_76, %add3A_77, %rem3A_68 : i32
        %eq3A_79 = arith.constant 0 : i32
        %eq3A_80 = arith.cmpi eq, %select_n3A_78, %eq3A_79 : i32
        %convert_element_type3A_81 = arith.extui %eq3A_80 : i1 to i32
        %cond3A_82 = arith.constant 0 : i32
        %cond3A_83 = arith.cmpi ne, %convert_element_type3A_81, %cond3A_82 : i32
        scf.if %cond3A_83 {
          %add3A_105 = arith.constant 1 : i32
          %add3A_106 = arith.addi %while3A_62, %add3A_105 : i32
          %lt3A_107 = arith.cmpi slt, %add3A_106, %add3A_8 : i32
          %convert_element_type3A_108 = arith.extui %lt3A_107 : i1 to i32
          %cond3A_109 = arith.constant 0 : i32
          %cond3A_110 = arith.cmpi ne, %convert_element_type3A_108, %cond3A_109 : i32
          scf.if %cond3A_110 {
            %add3A_118 = arith.addi %add3A, %while3A_62 : i32
            %add3A_119 = arith.constant 1 : i32
            %add3A_120 = arith.addi %add3A_118, %add3A_119 : i32
            %mul3A_121 = arith.constant 128 : i32
            %mul3A_122 = arith.muli %add3A_120, %mul3A_121 : i32
            %dma_start3A_123 = arith.constant 0 : i32
            %dma_start3A_124 = tpu.memref_slice %arg2[%mul3A_122, %dma_start3A_123] : memref<160000x128xf32, #tpu.memory_space<hbm>> -> memref<128x128xf32, #tpu.memory_space<hbm>>
            %dma_start3A_125 = arith.constant 0 : i32
            %dma_start3A_126 = tpu.memref_slice %arg2[%mul3A_122, %dma_start3A_125] : memref<160000x128xf32, #tpu.memory_space<hbm>> -> memref<128x128xf32, #tpu.memory_space<hbm>>
            tpu.enqueue_dma source(%dma_start3A_126 : memref<128x128xf32, #tpu.memory_space<hbm>>) target(%arg9 : memref<128x128xf32, #tpu.memory_space<vmem>>) target_semaphore(%arg12 : memref<!tpu.dma_semaphore, #tpu.memory_space<semaphore_mem>>)
          } else {
          }
          %add3A_111 = arith.addi %add3A, %while3A_62 : i32
          %mul3A_112 = arith.constant 128 : i32
          %mul3A_113 = arith.muli %add3A_111, %mul3A_112 : i32
          %dma_wait3A = arith.constant 0 : i32
          %dma_wait3A_114 = tpu.memref_slice %arg2[%mul3A_113, %dma_wait3A] : memref<160000x128xf32, #tpu.memory_space<hbm>> -> memref<128x128xf32, #tpu.memory_space<hbm>>
          %dma_wait3A_115 = arith.constant 0 : i32
          %dma_wait3A_116 = tpu.memref_slice %arg2[%mul3A_113, %dma_wait3A_115] : memref<160000x128xf32, #tpu.memory_space<hbm>> -> memref<128x128xf32, #tpu.memory_space<hbm>>
          tpu.wait_dma2 semaphore(%arg11 : memref<!tpu.dma_semaphore, #tpu.memory_space<semaphore_mem>>) src(%dma_wait3A_116 : memref<128x128xf32, #tpu.memory_space<hbm>>) dst(%arg8 : memref<128x128xf32, #tpu.memory_space<vmem>>)
          %add3A_117 = arith.addi %sub3A_30, %while3A_62 : i32
          "tpu.region"() ({
            %run_scoped3A = tpu.sem_alloc : memref<!tpu.dma_semaphore, #tpu.memory_space<semaphore_mem>>
            %dma_start3A_118 = arith.constant 0 : i32
            %dma_start3A_119 = tpu.memref_slice %arg7[%add3A_117, %dma_start3A_118] : memref<88x128xi32, #tpu.memory_space<vmem>> -> memref<1x128xi32, #tpu.memory_space<vmem>>
            %dma_start3A_120 = tpu.memref_squeeze %dma_start3A_119 : memref<1x128xi32, #tpu.memory_space<vmem>> -> memref<128xi32, #tpu.memory_space<vmem>>
            %dma_start3A_121 = arith.constant 0 : i32
            %dma_start3A_122 = arith.constant 0 : i32
            %dma_start3A_123 = tpu.memref_slice %arg10[%dma_start3A_121, %dma_start3A_122] : memref<10240x128xf32, #tpu.memory_space<vmem_shared>> -> memref<10240x128xf32, #tpu.memory_space<vmem_shared>>
            tpu.enqueue_indirect_dma source(%arg8 : memref<128x128xf32, #tpu.memory_space<vmem>>) target(%dma_start3A_123 : memref<10240x128xf32, #tpu.memory_space<vmem_shared>>) offsets(%dma_start3A_120 : memref<128xi32, #tpu.memory_space<vmem>>) semaphore(%run_scoped3A : memref<!tpu.dma_semaphore, #tpu.memory_space<semaphore_mem>>) {add = true}
            %dma_wait3A_124 = arith.constant 0 : i32
            %dma_wait3A_125 = tpu.memref_slice %arg7[%add3A_117, %dma_wait3A_124] : memref<88x128xi32, #tpu.memory_space<vmem>> -> memref<1x128xi32, #tpu.memory_space<vmem>>
            %dma_wait3A_126 = tpu.memref_squeeze %dma_wait3A_125 : memref<1x128xi32, #tpu.memory_space<vmem>> -> memref<128xi32, #tpu.memory_space<vmem>>
            %dma_wait3A_127 = arith.constant 0 : i32
            %dma_wait3A_128 = arith.constant 0 : i32
            %dma_wait3A_129 = tpu.memref_slice %arg10[%dma_wait3A_127, %dma_wait3A_128] : memref<10240x128xf32, #tpu.memory_space<vmem_shared>> -> memref<10240x128xf32, #tpu.memory_space<vmem_shared>>
            tpu.wait_indirect_dma semaphore(%run_scoped3A : memref<!tpu.dma_semaphore, #tpu.memory_space<semaphore_mem>>) src(%arg8 : memref<128x128xf32, #tpu.memory_space<vmem>>) dst(%dma_wait3A_129 : memref<10240x128xf32, #tpu.memory_space<vmem_shared>>)
            tpu.yield
          }) : () -> ()
        } else {
        }
        %jit3A_84 = arith.constant 2 : i32
        %eq3A_85 = arith.constant 0 : i32
        %eq3A_86 = arith.cmpi eq, %jit3A_84, %eq3A_85 : i32
        %jit3A_87 = arith.constant 1 : i32
        %select_n3A_88 = arith.select %eq3A_86, %jit3A_87, %jit3A_84 : i32
        %rem3A_89 = arith.remsi %while3A_62, %select_n3A_88 : i32
        %ne3A_90 = arith.constant 0 : i32
        %ne3A_91 = arith.cmpi ne, %rem3A_89, %ne3A_90 : i32
        %lt3A_92 = arith.constant 0 : i32
        %lt3A_93 = arith.cmpi slt, %rem3A_89, %lt3A_92 : i32
        %lt3A_94 = arith.constant 0 : i32
        %lt3A_95 = arith.cmpi slt, %select_n3A_88, %lt3A_94 : i32
        %ne3A_96 = arith.xori %lt3A_93, %lt3A_95 : i1
        %and3A_97 = arith.andi %ne3A_96, %ne3A_91 : i1
        %add3A_98 = arith.addi %rem3A_89, %select_n3A_88 : i32
        %select_n3A_99 = arith.select %and3A_97, %add3A_98, %rem3A_89 : i32
        %eq3A_100 = arith.constant 1 : i32
        %eq3A_101 = arith.cmpi eq, %select_n3A_99, %eq3A_100 : i32
        %convert_element_type3A_102 = arith.extui %eq3A_101 : i1 to i32
        %cond3A_103 = arith.constant 0 : i32
        %cond3A_104 = arith.cmpi ne, %convert_element_type3A_102, %cond3A_103 : i32
        scf.if %cond3A_104 {
          %add3A_105 = arith.constant 1 : i32
          %add3A_106 = arith.addi %while3A_62, %add3A_105 : i32
          %lt3A_107 = arith.cmpi slt, %add3A_106, %add3A_8 : i32
          %convert_element_type3A_108 = arith.extui %lt3A_107 : i1 to i32
          %cond3A_109 = arith.constant 0 : i32
          %cond3A_110 = arith.cmpi ne, %convert_element_type3A_108, %cond3A_109 : i32
          scf.if %cond3A_110 {
            %add3A_118 = arith.addi %add3A, %while3A_62 : i32
            %add3A_119 = arith.constant 1 : i32
            %add3A_120 = arith.addi %add3A_118, %add3A_119 : i32
            %mul3A_121 = arith.constant 128 : i32
            %mul3A_122 = arith.muli %add3A_120, %mul3A_121 : i32
            %dma_start3A_123 = arith.constant 0 : i32
            %dma_start3A_124 = tpu.memref_slice %arg2[%mul3A_122, %dma_start3A_123] : memref<160000x128xf32, #tpu.memory_space<hbm>> -> memref<128x128xf32, #tpu.memory_space<hbm>>
            %dma_start3A_125 = arith.constant 0 : i32
            %dma_start3A_126 = tpu.memref_slice %arg2[%mul3A_122, %dma_start3A_125] : memref<160000x128xf32, #tpu.memory_space<hbm>> -> memref<128x128xf32, #tpu.memory_space<hbm>>
            tpu.enqueue_dma source(%dma_start3A_126 : memref<128x128xf32, #tpu.memory_space<hbm>>) target(%arg8 : memref<128x128xf32, #tpu.memory_space<vmem>>) target_semaphore(%arg11 : memref<!tpu.dma_semaphore, #tpu.memory_space<semaphore_mem>>)
          } else {
          }
          %add3A_111 = arith.addi %add3A, %while3A_62 : i32
          %mul3A_112 = arith.constant 128 : i32
          %mul3A_113 = arith.muli %add3A_111, %mul3A_112 : i32
          %dma_wait3A = arith.constant 0 : i32
          %dma_wait3A_114 = tpu.memref_slice %arg2[%mul3A_113, %dma_wait3A] : memref<160000x128xf32, #tpu.memory_space<hbm>> -> memref<128x128xf32, #tpu.memory_space<hbm>>
          %dma_wait3A_115 = arith.constant 0 : i32
          %dma_wait3A_116 = tpu.memref_slice %arg2[%mul3A_113, %dma_wait3A_115] : memref<160000x128xf32, #tpu.memory_space<hbm>> -> memref<128x128xf32, #tpu.memory_space<hbm>>
          tpu.wait_dma2 semaphore(%arg12 : memref<!tpu.dma_semaphore, #tpu.memory_space<semaphore_mem>>) src(%dma_wait3A_116 : memref<128x128xf32, #tpu.memory_space<hbm>>) dst(%arg9 : memref<128x128xf32, #tpu.memory_space<vmem>>)
          %add3A_117 = arith.addi %sub3A_30, %while3A_62 : i32
          "tpu.region"() ({
            %run_scoped3A = tpu.sem_alloc : memref<!tpu.dma_semaphore, #tpu.memory_space<semaphore_mem>>
            %dma_start3A_118 = arith.constant 0 : i32
            %dma_start3A_119 = tpu.memref_slice %arg7[%add3A_117, %dma_start3A_118] : memref<88x128xi32, #tpu.memory_space<vmem>> -> memref<1x128xi32, #tpu.memory_space<vmem>>
            %dma_start3A_120 = tpu.memref_squeeze %dma_start3A_119 : memref<1x128xi32, #tpu.memory_space<vmem>> -> memref<128xi32, #tpu.memory_space<vmem>>
            %dma_start3A_121 = arith.constant 0 : i32
            %dma_start3A_122 = arith.constant 0 : i32
            %dma_start3A_123 = tpu.memref_slice %arg10[%dma_start3A_121, %dma_start3A_122] : memref<10240x128xf32, #tpu.memory_space<vmem_shared>> -> memref<10240x128xf32, #tpu.memory_space<vmem_shared>>
            tpu.enqueue_indirect_dma source(%arg9 : memref<128x128xf32, #tpu.memory_space<vmem>>) target(%dma_start3A_123 : memref<10240x128xf32, #tpu.memory_space<vmem_shared>>) offsets(%dma_start3A_120 : memref<128xi32, #tpu.memory_space<vmem>>) semaphore(%run_scoped3A : memref<!tpu.dma_semaphore, #tpu.memory_space<semaphore_mem>>) {add = true}
            %dma_wait3A_124 = arith.constant 0 : i32
            %dma_wait3A_125 = tpu.memref_slice %arg7[%add3A_117, %dma_wait3A_124] : memref<88x128xi32, #tpu.memory_space<vmem>> -> memref<1x128xi32, #tpu.memory_space<vmem>>
            %dma_wait3A_126 = tpu.memref_squeeze %dma_wait3A_125 : memref<1x128xi32, #tpu.memory_space<vmem>> -> memref<128xi32, #tpu.memory_space<vmem>>
            %dma_wait3A_127 = arith.constant 0 : i32
            %dma_wait3A_128 = arith.constant 0 : i32
            %dma_wait3A_129 = tpu.memref_slice %arg10[%dma_wait3A_127, %dma_wait3A_128] : memref<10240x128xf32, #tpu.memory_space<vmem_shared>> -> memref<10240x128xf32, #tpu.memory_space<vmem_shared>>
            tpu.wait_indirect_dma semaphore(%run_scoped3A : memref<!tpu.dma_semaphore, #tpu.memory_space<semaphore_mem>>) src(%arg9 : memref<128x128xf32, #tpu.memory_space<vmem>>) dst(%dma_wait3A_129 : memref<10240x128xf32, #tpu.memory_space<vmem_shared>>)
            tpu.yield
          }) : () -> ()
        } else {
        }
      }
      %while3A_61 = arith.constant 1 : i32
      scf.for %while3A_62 = %while3A_59 to %while3A_55 step %while3A_61  : i32 {
        %jit3A_63 = arith.constant 2 : i32
        %eq3A_64 = arith.constant 0 : i32
        %eq3A_65 = arith.cmpi eq, %jit3A_63, %eq3A_64 : i32
        %jit3A_66 = arith.constant 1 : i32
        %select_n3A_67 = arith.select %eq3A_65, %jit3A_66, %jit3A_63 : i32
        %rem3A_68 = arith.remsi %while3A_62, %select_n3A_67 : i32
        %ne3A_69 = arith.constant 0 : i32
        %ne3A_70 = arith.cmpi ne, %rem3A_68, %ne3A_69 : i32
        %lt3A_71 = arith.constant 0 : i32
        %lt3A_72 = arith.cmpi slt, %rem3A_68, %lt3A_71 : i32
        %lt3A_73 = arith.constant 0 : i32
        %lt3A_74 = arith.cmpi slt, %select_n3A_67, %lt3A_73 : i32
        %ne3A_75 = arith.xori %lt3A_72, %lt3A_74 : i1
        %and3A_76 = arith.andi %ne3A_75, %ne3A_70 : i1
        %add3A_77 = arith.addi %rem3A_68, %select_n3A_67 : i32
        %select_n3A_78 = arith.select %and3A_76, %add3A_77, %rem3A_68 : i32
        %eq3A_79 = arith.constant 0 : i32
        %eq3A_80 = arith.cmpi eq, %select_n3A_78, %eq3A_79 : i32
        %convert_element_type3A_81 = arith.extui %eq3A_80 : i1 to i32
        %cond3A_82 = arith.constant 0 : i32
        %cond3A_83 = arith.cmpi ne, %convert_element_type3A_81, %cond3A_82 : i32
        scf.if %cond3A_83 {
          %add3A_105 = arith.constant 1 : i32
          %add3A_106 = arith.addi %while3A_62, %add3A_105 : i32
          %lt3A_107 = arith.cmpi slt, %add3A_106, %add3A_8 : i32
          %convert_element_type3A_108 = arith.extui %lt3A_107 : i1 to i32
          %cond3A_109 = arith.constant 0 : i32
          %cond3A_110 = arith.cmpi ne, %convert_element_type3A_108, %cond3A_109 : i32
          scf.if %cond3A_110 {
            %add3A_118 = arith.addi %add3A, %while3A_62 : i32
            %add3A_119 = arith.constant 1 : i32
            %add3A_120 = arith.addi %add3A_118, %add3A_119 : i32
            %mul3A_121 = arith.constant 128 : i32
            %mul3A_122 = arith.muli %add3A_120, %mul3A_121 : i32
            %dma_start3A_123 = arith.constant 0 : i32
            %dma_start3A_124 = tpu.memref_slice %arg2[%mul3A_122, %dma_start3A_123] : memref<160000x128xf32, #tpu.memory_space<hbm>> -> memref<128x128xf32, #tpu.memory_space<hbm>>
            %dma_start3A_125 = arith.constant 0 : i32
            %dma_start3A_126 = tpu.memref_slice %arg2[%mul3A_122, %dma_start3A_125] : memref<160000x128xf32, #tpu.memory_space<hbm>> -> memref<128x128xf32, #tpu.memory_space<hbm>>
            tpu.enqueue_dma source(%dma_start3A_126 : memref<128x128xf32, #tpu.memory_space<hbm>>) target(%arg9 : memref<128x128xf32, #tpu.memory_space<vmem>>) target_semaphore(%arg12 : memref<!tpu.dma_semaphore, #tpu.memory_space<semaphore_mem>>)
          } else {
          }
          %add3A_111 = arith.addi %add3A, %while3A_62 : i32
          %mul3A_112 = arith.constant 128 : i32
          %mul3A_113 = arith.muli %add3A_111, %mul3A_112 : i32
          %dma_wait3A = arith.constant 0 : i32
          %dma_wait3A_114 = tpu.memref_slice %arg2[%mul3A_113, %dma_wait3A] : memref<160000x128xf32, #tpu.memory_space<hbm>> -> memref<128x128xf32, #tpu.memory_space<hbm>>
          %dma_wait3A_115 = arith.constant 0 : i32
          %dma_wait3A_116 = tpu.memref_slice %arg2[%mul3A_113, %dma_wait3A_115] : memref<160000x128xf32, #tpu.memory_space<hbm>> -> memref<128x128xf32, #tpu.memory_space<hbm>>
          tpu.wait_dma2 semaphore(%arg11 : memref<!tpu.dma_semaphore, #tpu.memory_space<semaphore_mem>>) src(%dma_wait3A_116 : memref<128x128xf32, #tpu.memory_space<hbm>>) dst(%arg8 : memref<128x128xf32, #tpu.memory_space<vmem>>)
          %add3A_117 = arith.addi %sub3A_30, %while3A_62 : i32
          "tpu.region"() ({
            %run_scoped3A = tpu.sem_alloc : memref<!tpu.dma_semaphore, #tpu.memory_space<semaphore_mem>>
            %dma_start3A_118 = arith.constant 0 : i32
            %dma_start3A_119 = tpu.memref_slice %arg7[%add3A_117, %dma_start3A_118] : memref<88x128xi32, #tpu.memory_space<vmem>> -> memref<1x128xi32, #tpu.memory_space<vmem>>
            %dma_start3A_120 = tpu.memref_squeeze %dma_start3A_119 : memref<1x128xi32, #tpu.memory_space<vmem>> -> memref<128xi32, #tpu.memory_space<vmem>>
            %dma_start3A_121 = arith.constant 0 : i32
            %dma_start3A_122 = arith.constant 0 : i32
            %dma_start3A_123 = tpu.memref_slice %arg10[%dma_start3A_121, %dma_start3A_122] : memref<10240x128xf32, #tpu.memory_space<vmem_shared>> -> memref<10240x128xf32, #tpu.memory_space<vmem_shared>>
            tpu.enqueue_indirect_dma source(%arg8 : memref<128x128xf32, #tpu.memory_space<vmem>>) target(%dma_start3A_123 : memref<10240x128xf32, #tpu.memory_space<vmem_shared>>) offsets(%dma_start3A_120 : memref<128xi32, #tpu.memory_space<vmem>>) semaphore(%run_scoped3A : memref<!tpu.dma_semaphore, #tpu.memory_space<semaphore_mem>>) {add = true}
            %dma_wait3A_124 = arith.constant 0 : i32
            %dma_wait3A_125 = tpu.memref_slice %arg7[%add3A_117, %dma_wait3A_124] : memref<88x128xi32, #tpu.memory_space<vmem>> -> memref<1x128xi32, #tpu.memory_space<vmem>>
            %dma_wait3A_126 = tpu.memref_squeeze %dma_wait3A_125 : memref<1x128xi32, #tpu.memory_space<vmem>> -> memref<128xi32, #tpu.memory_space<vmem>>
            %dma_wait3A_127 = arith.constant 0 : i32
            %dma_wait3A_128 = arith.constant 0 : i32
            %dma_wait3A_129 = tpu.memref_slice %arg10[%dma_wait3A_127, %dma_wait3A_128] : memref<10240x128xf32, #tpu.memory_space<vmem_shared>> -> memref<10240x128xf32, #tpu.memory_space<vmem_shared>>
            tpu.wait_indirect_dma semaphore(%run_scoped3A : memref<!tpu.dma_semaphore, #tpu.memory_space<semaphore_mem>>) src(%arg8 : memref<128x128xf32, #tpu.memory_space<vmem>>) dst(%dma_wait3A_129 : memref<10240x128xf32, #tpu.memory_space<vmem_shared>>)
            tpu.yield
          }) : () -> ()
        } else {
        }
        %jit3A_84 = arith.constant 2 : i32
        %eq3A_85 = arith.constant 0 : i32
        %eq3A_86 = arith.cmpi eq, %jit3A_84, %eq3A_85 : i32
        %jit3A_87 = arith.constant 1 : i32
        %select_n3A_88 = arith.select %eq3A_86, %jit3A_87, %jit3A_84 : i32
        %rem3A_89 = arith.remsi %while3A_62, %select_n3A_88 : i32
        %ne3A_90 = arith.constant 0 : i32
        %ne3A_91 = arith.cmpi ne, %rem3A_89, %ne3A_90 : i32
        %lt3A_92 = arith.constant 0 : i32
        %lt3A_93 = arith.cmpi slt, %rem3A_89, %lt3A_92 : i32
        %lt3A_94 = arith.constant 0 : i32
        %lt3A_95 = arith.cmpi slt, %select_n3A_88, %lt3A_94 : i32
        %ne3A_96 = arith.xori %lt3A_93, %lt3A_95 : i1
        %and3A_97 = arith.andi %ne3A_96, %ne3A_91 : i1
        %add3A_98 = arith.addi %rem3A_89, %select_n3A_88 : i32
        %select_n3A_99 = arith.select %and3A_97, %add3A_98, %rem3A_89 : i32
        %eq3A_100 = arith.constant 1 : i32
        %eq3A_101 = arith.cmpi eq, %select_n3A_99, %eq3A_100 : i32
        %convert_element_type3A_102 = arith.extui %eq3A_101 : i1 to i32
        %cond3A_103 = arith.constant 0 : i32
        %cond3A_104 = arith.cmpi ne, %convert_element_type3A_102, %cond3A_103 : i32
        scf.if %cond3A_104 {
          %add3A_105 = arith.constant 1 : i32
          %add3A_106 = arith.addi %while3A_62, %add3A_105 : i32
          %lt3A_107 = arith.cmpi slt, %add3A_106, %add3A_8 : i32
          %convert_element_type3A_108 = arith.extui %lt3A_107 : i1 to i32
          %cond3A_109 = arith.constant 0 : i32
          %cond3A_110 = arith.cmpi ne, %convert_element_type3A_108, %cond3A_109 : i32
          scf.if %cond3A_110 {
            %add3A_118 = arith.addi %add3A, %while3A_62 : i32
            %add3A_119 = arith.constant 1 : i32
            %add3A_120 = arith.addi %add3A_118, %add3A_119 : i32
            %mul3A_121 = arith.constant 128 : i32
            %mul3A_122 = arith.muli %add3A_120, %mul3A_121 : i32
            %dma_start3A_123 = arith.constant 0 : i32
            %dma_start3A_124 = tpu.memref_slice %arg2[%mul3A_122, %dma_start3A_123] : memref<160000x128xf32, #tpu.memory_space<hbm>> -> memref<128x128xf32, #tpu.memory_space<hbm>>
            %dma_start3A_125 = arith.constant 0 : i32
            %dma_start3A_126 = tpu.memref_slice %arg2[%mul3A_122, %dma_start3A_125] : memref<160000x128xf32, #tpu.memory_space<hbm>> -> memref<128x128xf32, #tpu.memory_space<hbm>>
            tpu.enqueue_dma source(%dma_start3A_126 : memref<128x128xf32, #tpu.memory_space<hbm>>) target(%arg8 : memref<128x128xf32, #tpu.memory_space<vmem>>) target_semaphore(%arg11 : memref<!tpu.dma_semaphore, #tpu.memory_space<semaphore_mem>>)
          } else {
          }
          %add3A_111 = arith.addi %add3A, %while3A_62 : i32
          %mul3A_112 = arith.constant 128 : i32
          %mul3A_113 = arith.muli %add3A_111, %mul3A_112 : i32
          %dma_wait3A = arith.constant 0 : i32
          %dma_wait3A_114 = tpu.memref_slice %arg2[%mul3A_113, %dma_wait3A] : memref<160000x128xf32, #tpu.memory_space<hbm>> -> memref<128x128xf32, #tpu.memory_space<hbm>>
          %dma_wait3A_115 = arith.constant 0 : i32
          %dma_wait3A_116 = tpu.memref_slice %arg2[%mul3A_113, %dma_wait3A_115] : memref<160000x128xf32, #tpu.memory_space<hbm>> -> memref<128x128xf32, #tpu.memory_space<hbm>>
          tpu.wait_dma2 semaphore(%arg12 : memref<!tpu.dma_semaphore, #tpu.memory_space<semaphore_mem>>) src(%dma_wait3A_116 : memref<128x128xf32, #tpu.memory_space<hbm>>) dst(%arg9 : memref<128x128xf32, #tpu.memory_space<vmem>>)
          %add3A_117 = arith.addi %sub3A_30, %while3A_62 : i32
          "tpu.region"() ({
            %run_scoped3A = tpu.sem_alloc : memref<!tpu.dma_semaphore, #tpu.memory_space<semaphore_mem>>
            %dma_start3A_118 = arith.constant 0 : i32
            %dma_start3A_119 = tpu.memref_slice %arg7[%add3A_117, %dma_start3A_118] : memref<88x128xi32, #tpu.memory_space<vmem>> -> memref<1x128xi32, #tpu.memory_space<vmem>>
            %dma_start3A_120 = tpu.memref_squeeze %dma_start3A_119 : memref<1x128xi32, #tpu.memory_space<vmem>> -> memref<128xi32, #tpu.memory_space<vmem>>
            %dma_start3A_121 = arith.constant 0 : i32
            %dma_start3A_122 = arith.constant 0 : i32
            %dma_start3A_123 = tpu.memref_slice %arg10[%dma_start3A_121, %dma_start3A_122] : memref<10240x128xf32, #tpu.memory_space<vmem_shared>> -> memref<10240x128xf32, #tpu.memory_space<vmem_shared>>
            tpu.enqueue_indirect_dma source(%arg9 : memref<128x128xf32, #tpu.memory_space<vmem>>) target(%dma_start3A_123 : memref<10240x128xf32, #tpu.memory_space<vmem_shared>>) offsets(%dma_start3A_120 : memref<128xi32, #tpu.memory_space<vmem>>) semaphore(%run_scoped3A : memref<!tpu.dma_semaphore, #tpu.memory_space<semaphore_mem>>) {add = true}
            %dma_wait3A_124 = arith.constant 0 : i32
            %dma_wait3A_125 = tpu.memref_slice %arg7[%add3A_117, %dma_wait3A_124] : memref<88x128xi32, #tpu.memory_space<vmem>> -> memref<1x128xi32, #tpu.memory_space<vmem>>
            %dma_wait3A_126 = tpu.memref_squeeze %dma_wait3A_125 : memref<1x128xi32, #tpu.memory_space<vmem>> -> memref<128xi32, #tpu.memory_space<vmem>>
            %dma_wait3A_127 = arith.constant 0 : i32
            %dma_wait3A_128 = arith.constant 0 : i32
            %dma_wait3A_129 = tpu.memref_slice %arg10[%dma_wait3A_127, %dma_wait3A_128] : memref<10240x128xf32, #tpu.memory_space<vmem_shared>> -> memref<10240x128xf32, #tpu.memory_space<vmem_shared>>
            tpu.wait_indirect_dma semaphore(%run_scoped3A : memref<!tpu.dma_semaphore, #tpu.memory_space<semaphore_mem>>) src(%arg9 : memref<128x128xf32, #tpu.memory_space<vmem>>) dst(%dma_wait3A_129 : memref<10240x128xf32, #tpu.memory_space<vmem_shared>>)
            tpu.yield
          }) : () -> ()
        } else {
        }
      }
    } else {
    }
    %eq3A_33 = arith.constant 1 : i32
    %eq3A_34 = arith.cmpi eq, %arg0, %eq3A_33 : i32
    %convert_element_type3A_35 = arith.extui %eq3A_34 : i1 to i32
    %cond3A_36 = arith.constant 0 : i32
    %cond3A_37 = arith.cmpi ne, %convert_element_type3A_35, %cond3A_36 : i32
    scf.if %cond3A_37 {
      %mul3A_48 = arith.constant 128 : i32
      %mul3A_49 = arith.muli %add3A, %mul3A_48 : i32
      %dma_start3A = arith.constant 0 : i32
      %dma_start3A_50 = tpu.memref_slice %arg3[%mul3A_49, %dma_start3A] : memref<160000x128xf32, #tpu.memory_space<hbm>> -> memref<128x128xf32, #tpu.memory_space<hbm>>
      %dma_start3A_51 = arith.constant 0 : i32
      %dma_start3A_52 = tpu.memref_slice %arg3[%mul3A_49, %dma_start3A_51] : memref<160000x128xf32, #tpu.memory_space<hbm>> -> memref<128x128xf32, #tpu.memory_space<hbm>>
      tpu.enqueue_dma source(%dma_start3A_52 : memref<128x128xf32, #tpu.memory_space<hbm>>) target(%arg8 : memref<128x128xf32, #tpu.memory_space<vmem>>) target_semaphore(%arg11 : memref<!tpu.dma_semaphore, #tpu.memory_space<semaphore_mem>>)
      %while3A = arith.constant 0 : i32
      %while3A_53 = arith.constant 0 : i32
      %while3A_54 = arith.subi %add3A_8, %while3A_53 : i32
      %while3A_55 = arith.addi %while3A_53, %while3A_54 : i32
      %while3A_56 = arith.constant 1 : i32
      %while3A_57 = arith.divsi %while3A_54, %while3A_56 : i32
      %while3A_58 = arith.muli %while3A_57, %while3A_56 : i32
      %while3A_59 = arith.addi %while3A_53, %while3A_58 : i32
      %while3A_60 = arith.constant 1 : i32
      scf.for %while3A_62 = %while3A_53 to %while3A_59 step %while3A_60  : i32 {
        %jit3A_63 = arith.constant 2 : i32
        %eq3A_64 = arith.constant 0 : i32
        %eq3A_65 = arith.cmpi eq, %jit3A_63, %eq3A_64 : i32
        %jit3A_66 = arith.constant 1 : i32
        %select_n3A_67 = arith.select %eq3A_65, %jit3A_66, %jit3A_63 : i32
        %rem3A_68 = arith.remsi %while3A_62, %select_n3A_67 : i32
        %ne3A_69 = arith.constant 0 : i32
        %ne3A_70 = arith.cmpi ne, %rem3A_68, %ne3A_69 : i32
        %lt3A_71 = arith.constant 0 : i32
        %lt3A_72 = arith.cmpi slt, %rem3A_68, %lt3A_71 : i32
        %lt3A_73 = arith.constant 0 : i32
        %lt3A_74 = arith.cmpi slt, %select_n3A_67, %lt3A_73 : i32
        %ne3A_75 = arith.xori %lt3A_72, %lt3A_74 : i1
        %and3A_76 = arith.andi %ne3A_75, %ne3A_70 : i1
        %add3A_77 = arith.addi %rem3A_68, %select_n3A_67 : i32
        %select_n3A_78 = arith.select %and3A_76, %add3A_77, %rem3A_68 : i32
        %eq3A_79 = arith.constant 0 : i32
        %eq3A_80 = arith.cmpi eq, %select_n3A_78, %eq3A_79 : i32
        %convert_element_type3A_81 = arith.extui %eq3A_80 : i1 to i32
        %cond3A_82 = arith.constant 0 : i32
        %cond3A_83 = arith.cmpi ne, %convert_element_type3A_81, %cond3A_82 : i32
        scf.if %cond3A_83 {
          %add3A_105 = arith.constant 1 : i32
          %add3A_106 = arith.addi %while3A_62, %add3A_105 : i32
          %lt3A_107 = arith.cmpi slt, %add3A_106, %add3A_8 : i32
          %convert_element_type3A_108 = arith.extui %lt3A_107 : i1 to i32
          %cond3A_109 = arith.constant 0 : i32
          %cond3A_110 = arith.cmpi ne, %convert_element_type3A_108, %cond3A_109 : i32
          scf.if %cond3A_110 {
            %add3A_118 = arith.addi %add3A, %while3A_62 : i32
            %add3A_119 = arith.constant 1 : i32
            %add3A_120 = arith.addi %add3A_118, %add3A_119 : i32
            %mul3A_121 = arith.constant 128 : i32
            %mul3A_122 = arith.muli %add3A_120, %mul3A_121 : i32
            %dma_start3A_123 = arith.constant 0 : i32
            %dma_start3A_124 = tpu.memref_slice %arg3[%mul3A_122, %dma_start3A_123] : memref<160000x128xf32, #tpu.memory_space<hbm>> -> memref<128x128xf32, #tpu.memory_space<hbm>>
            %dma_start3A_125 = arith.constant 0 : i32
            %dma_start3A_126 = tpu.memref_slice %arg3[%mul3A_122, %dma_start3A_125] : memref<160000x128xf32, #tpu.memory_space<hbm>> -> memref<128x128xf32, #tpu.memory_space<hbm>>
            tpu.enqueue_dma source(%dma_start3A_126 : memref<128x128xf32, #tpu.memory_space<hbm>>) target(%arg9 : memref<128x128xf32, #tpu.memory_space<vmem>>) target_semaphore(%arg12 : memref<!tpu.dma_semaphore, #tpu.memory_space<semaphore_mem>>)
          } else {
          }
          %add3A_111 = arith.addi %add3A, %while3A_62 : i32
          %mul3A_112 = arith.constant 128 : i32
          %mul3A_113 = arith.muli %add3A_111, %mul3A_112 : i32
          %dma_wait3A = arith.constant 0 : i32
          %dma_wait3A_114 = tpu.memref_slice %arg3[%mul3A_113, %dma_wait3A] : memref<160000x128xf32, #tpu.memory_space<hbm>> -> memref<128x128xf32, #tpu.memory_space<hbm>>
          %dma_wait3A_115 = arith.constant 0 : i32
          %dma_wait3A_116 = tpu.memref_slice %arg3[%mul3A_113, %dma_wait3A_115] : memref<160000x128xf32, #tpu.memory_space<hbm>> -> memref<128x128xf32, #tpu.memory_space<hbm>>
          tpu.wait_dma2 semaphore(%arg11 : memref<!tpu.dma_semaphore, #tpu.memory_space<semaphore_mem>>) src(%dma_wait3A_116 : memref<128x128xf32, #tpu.memory_space<hbm>>) dst(%arg8 : memref<128x128xf32, #tpu.memory_space<vmem>>)
          %add3A_117 = arith.addi %sub3A_30, %while3A_62 : i32
          "tpu.region"() ({
            %run_scoped3A = tpu.sem_alloc : memref<!tpu.dma_semaphore, #tpu.memory_space<semaphore_mem>>
            %dma_start3A_118 = arith.constant 0 : i32
            %dma_start3A_119 = tpu.memref_slice %arg7[%add3A_117, %dma_start3A_118] : memref<88x128xi32, #tpu.memory_space<vmem>> -> memref<1x128xi32, #tpu.memory_space<vmem>>
            %dma_start3A_120 = tpu.memref_squeeze %dma_start3A_119 : memref<1x128xi32, #tpu.memory_space<vmem>> -> memref<128xi32, #tpu.memory_space<vmem>>
            %dma_start3A_121 = arith.constant 0 : i32
            %dma_start3A_122 = arith.constant 0 : i32
            %dma_start3A_123 = tpu.memref_slice %arg10[%dma_start3A_121, %dma_start3A_122] : memref<10240x128xf32, #tpu.memory_space<vmem_shared>> -> memref<10240x128xf32, #tpu.memory_space<vmem_shared>>
            tpu.enqueue_indirect_dma source(%arg8 : memref<128x128xf32, #tpu.memory_space<vmem>>) target(%dma_start3A_123 : memref<10240x128xf32, #tpu.memory_space<vmem_shared>>) offsets(%dma_start3A_120 : memref<128xi32, #tpu.memory_space<vmem>>) semaphore(%run_scoped3A : memref<!tpu.dma_semaphore, #tpu.memory_space<semaphore_mem>>) {add = true}
            %dma_wait3A_124 = arith.constant 0 : i32
            %dma_wait3A_125 = tpu.memref_slice %arg7[%add3A_117, %dma_wait3A_124] : memref<88x128xi32, #tpu.memory_space<vmem>> -> memref<1x128xi32, #tpu.memory_space<vmem>>
            %dma_wait3A_126 = tpu.memref_squeeze %dma_wait3A_125 : memref<1x128xi32, #tpu.memory_space<vmem>> -> memref<128xi32, #tpu.memory_space<vmem>>
            %dma_wait3A_127 = arith.constant 0 : i32
            %dma_wait3A_128 = arith.constant 0 : i32
            %dma_wait3A_129 = tpu.memref_slice %arg10[%dma_wait3A_127, %dma_wait3A_128] : memref<10240x128xf32, #tpu.memory_space<vmem_shared>> -> memref<10240x128xf32, #tpu.memory_space<vmem_shared>>
            tpu.wait_indirect_dma semaphore(%run_scoped3A : memref<!tpu.dma_semaphore, #tpu.memory_space<semaphore_mem>>) src(%arg8 : memref<128x128xf32, #tpu.memory_space<vmem>>) dst(%dma_wait3A_129 : memref<10240x128xf32, #tpu.memory_space<vmem_shared>>)
            tpu.yield
          }) : () -> ()
        } else {
        }
        %jit3A_84 = arith.constant 2 : i32
        %eq3A_85 = arith.constant 0 : i32
        %eq3A_86 = arith.cmpi eq, %jit3A_84, %eq3A_85 : i32
        %jit3A_87 = arith.constant 1 : i32
        %select_n3A_88 = arith.select %eq3A_86, %jit3A_87, %jit3A_84 : i32
        %rem3A_89 = arith.remsi %while3A_62, %select_n3A_88 : i32
        %ne3A_90 = arith.constant 0 : i32
        %ne3A_91 = arith.cmpi ne, %rem3A_89, %ne3A_90 : i32
        %lt3A_92 = arith.constant 0 : i32
        %lt3A_93 = arith.cmpi slt, %rem3A_89, %lt3A_92 : i32
        %lt3A_94 = arith.constant 0 : i32
        %lt3A_95 = arith.cmpi slt, %select_n3A_88, %lt3A_94 : i32
        %ne3A_96 = arith.xori %lt3A_93, %lt3A_95 : i1
        %and3A_97 = arith.andi %ne3A_96, %ne3A_91 : i1
        %add3A_98 = arith.addi %rem3A_89, %select_n3A_88 : i32
        %select_n3A_99 = arith.select %and3A_97, %add3A_98, %rem3A_89 : i32
        %eq3A_100 = arith.constant 1 : i32
        %eq3A_101 = arith.cmpi eq, %select_n3A_99, %eq3A_100 : i32
        %convert_element_type3A_102 = arith.extui %eq3A_101 : i1 to i32
        %cond3A_103 = arith.constant 0 : i32
        %cond3A_104 = arith.cmpi ne, %convert_element_type3A_102, %cond3A_103 : i32
        scf.if %cond3A_104 {
          %add3A_105 = arith.constant 1 : i32
          %add3A_106 = arith.addi %while3A_62, %add3A_105 : i32
          %lt3A_107 = arith.cmpi slt, %add3A_106, %add3A_8 : i32
          %convert_element_type3A_108 = arith.extui %lt3A_107 : i1 to i32
          %cond3A_109 = arith.constant 0 : i32
          %cond3A_110 = arith.cmpi ne, %convert_element_type3A_108, %cond3A_109 : i32
          scf.if %cond3A_110 {
            %add3A_118 = arith.addi %add3A, %while3A_62 : i32
            %add3A_119 = arith.constant 1 : i32
            %add3A_120 = arith.addi %add3A_118, %add3A_119 : i32
            %mul3A_121 = arith.constant 128 : i32
            %mul3A_122 = arith.muli %add3A_120, %mul3A_121 : i32
            %dma_start3A_123 = arith.constant 0 : i32
            %dma_start3A_124 = tpu.memref_slice %arg3[%mul3A_122, %dma_start3A_123] : memref<160000x128xf32, #tpu.memory_space<hbm>> -> memref<128x128xf32, #tpu.memory_space<hbm>>
            %dma_start3A_125 = arith.constant 0 : i32
            %dma_start3A_126 = tpu.memref_slice %arg3[%mul3A_122, %dma_start3A_125] : memref<160000x128xf32, #tpu.memory_space<hbm>> -> memref<128x128xf32, #tpu.memory_space<hbm>>
            tpu.enqueue_dma source(%dma_start3A_126 : memref<128x128xf32, #tpu.memory_space<hbm>>) target(%arg8 : memref<128x128xf32, #tpu.memory_space<vmem>>) target_semaphore(%arg11 : memref<!tpu.dma_semaphore, #tpu.memory_space<semaphore_mem>>)
          } else {
          }
          %add3A_111 = arith.addi %add3A, %while3A_62 : i32
          %mul3A_112 = arith.constant 128 : i32
          %mul3A_113 = arith.muli %add3A_111, %mul3A_112 : i32
          %dma_wait3A = arith.constant 0 : i32
          %dma_wait3A_114 = tpu.memref_slice %arg3[%mul3A_113, %dma_wait3A] : memref<160000x128xf32, #tpu.memory_space<hbm>> -> memref<128x128xf32, #tpu.memory_space<hbm>>
          %dma_wait3A_115 = arith.constant 0 : i32
          %dma_wait3A_116 = tpu.memref_slice %arg3[%mul3A_113, %dma_wait3A_115] : memref<160000x128xf32, #tpu.memory_space<hbm>> -> memref<128x128xf32, #tpu.memory_space<hbm>>
          tpu.wait_dma2 semaphore(%arg12 : memref<!tpu.dma_semaphore, #tpu.memory_space<semaphore_mem>>) src(%dma_wait3A_116 : memref<128x128xf32, #tpu.memory_space<hbm>>) dst(%arg9 : memref<128x128xf32, #tpu.memory_space<vmem>>)
          %add3A_117 = arith.addi %sub3A_30, %while3A_62 : i32
          "tpu.region"() ({
            %run_scoped3A = tpu.sem_alloc : memref<!tpu.dma_semaphore, #tpu.memory_space<semaphore_mem>>
            %dma_start3A_118 = arith.constant 0 : i32
            %dma_start3A_119 = tpu.memref_slice %arg7[%add3A_117, %dma_start3A_118] : memref<88x128xi32, #tpu.memory_space<vmem>> -> memref<1x128xi32, #tpu.memory_space<vmem>>
            %dma_start3A_120 = tpu.memref_squeeze %dma_start3A_119 : memref<1x128xi32, #tpu.memory_space<vmem>> -> memref<128xi32, #tpu.memory_space<vmem>>
            %dma_start3A_121 = arith.constant 0 : i32
            %dma_start3A_122 = arith.constant 0 : i32
            %dma_start3A_123 = tpu.memref_slice %arg10[%dma_start3A_121, %dma_start3A_122] : memref<10240x128xf32, #tpu.memory_space<vmem_shared>> -> memref<10240x128xf32, #tpu.memory_space<vmem_shared>>
            tpu.enqueue_indirect_dma source(%arg9 : memref<128x128xf32, #tpu.memory_space<vmem>>) target(%dma_start3A_123 : memref<10240x128xf32, #tpu.memory_space<vmem_shared>>) offsets(%dma_start3A_120 : memref<128xi32, #tpu.memory_space<vmem>>) semaphore(%run_scoped3A : memref<!tpu.dma_semaphore, #tpu.memory_space<semaphore_mem>>) {add = true}
            %dma_wait3A_124 = arith.constant 0 : i32
            %dma_wait3A_125 = tpu.memref_slice %arg7[%add3A_117, %dma_wait3A_124] : memref<88x128xi32, #tpu.memory_space<vmem>> -> memref<1x128xi32, #tpu.memory_space<vmem>>
            %dma_wait3A_126 = tpu.memref_squeeze %dma_wait3A_125 : memref<1x128xi32, #tpu.memory_space<vmem>> -> memref<128xi32, #tpu.memory_space<vmem>>
            %dma_wait3A_127 = arith.constant 0 : i32
            %dma_wait3A_128 = arith.constant 0 : i32
            %dma_wait3A_129 = tpu.memref_slice %arg10[%dma_wait3A_127, %dma_wait3A_128] : memref<10240x128xf32, #tpu.memory_space<vmem_shared>> -> memref<10240x128xf32, #tpu.memory_space<vmem_shared>>
            tpu.wait_indirect_dma semaphore(%run_scoped3A : memref<!tpu.dma_semaphore, #tpu.memory_space<semaphore_mem>>) src(%arg9 : memref<128x128xf32, #tpu.memory_space<vmem>>) dst(%dma_wait3A_129 : memref<10240x128xf32, #tpu.memory_space<vmem_shared>>)
            tpu.yield
          }) : () -> ()
        } else {
        }
      }
      %while3A_61 = arith.constant 1 : i32
      scf.for %while3A_62 = %while3A_59 to %while3A_55 step %while3A_61  : i32 {
        %jit3A_63 = arith.constant 2 : i32
        %eq3A_64 = arith.constant 0 : i32
        %eq3A_65 = arith.cmpi eq, %jit3A_63, %eq3A_64 : i32
        %jit3A_66 = arith.constant 1 : i32
        %select_n3A_67 = arith.select %eq3A_65, %jit3A_66, %jit3A_63 : i32
        %rem3A_68 = arith.remsi %while3A_62, %select_n3A_67 : i32
        %ne3A_69 = arith.constant 0 : i32
        %ne3A_70 = arith.cmpi ne, %rem3A_68, %ne3A_69 : i32
        %lt3A_71 = arith.constant 0 : i32
        %lt3A_72 = arith.cmpi slt, %rem3A_68, %lt3A_71 : i32
        %lt3A_73 = arith.constant 0 : i32
        %lt3A_74 = arith.cmpi slt, %select_n3A_67, %lt3A_73 : i32
        %ne3A_75 = arith.xori %lt3A_72, %lt3A_74 : i1
        %and3A_76 = arith.andi %ne3A_75, %ne3A_70 : i1
        %add3A_77 = arith.addi %rem3A_68, %select_n3A_67 : i32
        %select_n3A_78 = arith.select %and3A_76, %add3A_77, %rem3A_68 : i32
        %eq3A_79 = arith.constant 0 : i32
        %eq3A_80 = arith.cmpi eq, %select_n3A_78, %eq3A_79 : i32
        %convert_element_type3A_81 = arith.extui %eq3A_80 : i1 to i32
        %cond3A_82 = arith.constant 0 : i32
        %cond3A_83 = arith.cmpi ne, %convert_element_type3A_81, %cond3A_82 : i32
        scf.if %cond3A_83 {
          %add3A_105 = arith.constant 1 : i32
          %add3A_106 = arith.addi %while3A_62, %add3A_105 : i32
          %lt3A_107 = arith.cmpi slt, %add3A_106, %add3A_8 : i32
          %convert_element_type3A_108 = arith.extui %lt3A_107 : i1 to i32
          %cond3A_109 = arith.constant 0 : i32
          %cond3A_110 = arith.cmpi ne, %convert_element_type3A_108, %cond3A_109 : i32
          scf.if %cond3A_110 {
            %add3A_118 = arith.addi %add3A, %while3A_62 : i32
            %add3A_119 = arith.constant 1 : i32
            %add3A_120 = arith.addi %add3A_118, %add3A_119 : i32
            %mul3A_121 = arith.constant 128 : i32
            %mul3A_122 = arith.muli %add3A_120, %mul3A_121 : i32
            %dma_start3A_123 = arith.constant 0 : i32
            %dma_start3A_124 = tpu.memref_slice %arg3[%mul3A_122, %dma_start3A_123] : memref<160000x128xf32, #tpu.memory_space<hbm>> -> memref<128x128xf32, #tpu.memory_space<hbm>>
            %dma_start3A_125 = arith.constant 0 : i32
            %dma_start3A_126 = tpu.memref_slice %arg3[%mul3A_122, %dma_start3A_125] : memref<160000x128xf32, #tpu.memory_space<hbm>> -> memref<128x128xf32, #tpu.memory_space<hbm>>
            tpu.enqueue_dma source(%dma_start3A_126 : memref<128x128xf32, #tpu.memory_space<hbm>>) target(%arg9 : memref<128x128xf32, #tpu.memory_space<vmem>>) target_semaphore(%arg12 : memref<!tpu.dma_semaphore, #tpu.memory_space<semaphore_mem>>)
          } else {
          }
          %add3A_111 = arith.addi %add3A, %while3A_62 : i32
          %mul3A_112 = arith.constant 128 : i32
          %mul3A_113 = arith.muli %add3A_111, %mul3A_112 : i32
          %dma_wait3A = arith.constant 0 : i32
          %dma_wait3A_114 = tpu.memref_slice %arg3[%mul3A_113, %dma_wait3A] : memref<160000x128xf32, #tpu.memory_space<hbm>> -> memref<128x128xf32, #tpu.memory_space<hbm>>
          %dma_wait3A_115 = arith.constant 0 : i32
          %dma_wait3A_116 = tpu.memref_slice %arg3[%mul3A_113, %dma_wait3A_115] : memref<160000x128xf32, #tpu.memory_space<hbm>> -> memref<128x128xf32, #tpu.memory_space<hbm>>
          tpu.wait_dma2 semaphore(%arg11 : memref<!tpu.dma_semaphore, #tpu.memory_space<semaphore_mem>>) src(%dma_wait3A_116 : memref<128x128xf32, #tpu.memory_space<hbm>>) dst(%arg8 : memref<128x128xf32, #tpu.memory_space<vmem>>)
          %add3A_117 = arith.addi %sub3A_30, %while3A_62 : i32
          "tpu.region"() ({
            %run_scoped3A = tpu.sem_alloc : memref<!tpu.dma_semaphore, #tpu.memory_space<semaphore_mem>>
            %dma_start3A_118 = arith.constant 0 : i32
            %dma_start3A_119 = tpu.memref_slice %arg7[%add3A_117, %dma_start3A_118] : memref<88x128xi32, #tpu.memory_space<vmem>> -> memref<1x128xi32, #tpu.memory_space<vmem>>
            %dma_start3A_120 = tpu.memref_squeeze %dma_start3A_119 : memref<1x128xi32, #tpu.memory_space<vmem>> -> memref<128xi32, #tpu.memory_space<vmem>>
            %dma_start3A_121 = arith.constant 0 : i32
            %dma_start3A_122 = arith.constant 0 : i32
            %dma_start3A_123 = tpu.memref_slice %arg10[%dma_start3A_121, %dma_start3A_122] : memref<10240x128xf32, #tpu.memory_space<vmem_shared>> -> memref<10240x128xf32, #tpu.memory_space<vmem_shared>>
            tpu.enqueue_indirect_dma source(%arg8 : memref<128x128xf32, #tpu.memory_space<vmem>>) target(%dma_start3A_123 : memref<10240x128xf32, #tpu.memory_space<vmem_shared>>) offsets(%dma_start3A_120 : memref<128xi32, #tpu.memory_space<vmem>>) semaphore(%run_scoped3A : memref<!tpu.dma_semaphore, #tpu.memory_space<semaphore_mem>>) {add = true}
            %dma_wait3A_124 = arith.constant 0 : i32
            %dma_wait3A_125 = tpu.memref_slice %arg7[%add3A_117, %dma_wait3A_124] : memref<88x128xi32, #tpu.memory_space<vmem>> -> memref<1x128xi32, #tpu.memory_space<vmem>>
            %dma_wait3A_126 = tpu.memref_squeeze %dma_wait3A_125 : memref<1x128xi32, #tpu.memory_space<vmem>> -> memref<128xi32, #tpu.memory_space<vmem>>
            %dma_wait3A_127 = arith.constant 0 : i32
            %dma_wait3A_128 = arith.constant 0 : i32
            %dma_wait3A_129 = tpu.memref_slice %arg10[%dma_wait3A_127, %dma_wait3A_128] : memref<10240x128xf32, #tpu.memory_space<vmem_shared>> -> memref<10240x128xf32, #tpu.memory_space<vmem_shared>>
            tpu.wait_indirect_dma semaphore(%run_scoped3A : memref<!tpu.dma_semaphore, #tpu.memory_space<semaphore_mem>>) src(%arg8 : memref<128x128xf32, #tpu.memory_space<vmem>>) dst(%dma_wait3A_129 : memref<10240x128xf32, #tpu.memory_space<vmem_shared>>)
            tpu.yield
          }) : () -> ()
        } else {
        }
        %jit3A_84 = arith.constant 2 : i32
        %eq3A_85 = arith.constant 0 : i32
        %eq3A_86 = arith.cmpi eq, %jit3A_84, %eq3A_85 : i32
        %jit3A_87 = arith.constant 1 : i32
        %select_n3A_88 = arith.select %eq3A_86, %jit3A_87, %jit3A_84 : i32
        %rem3A_89 = arith.remsi %while3A_62, %select_n3A_88 : i32
        %ne3A_90 = arith.constant 0 : i32
        %ne3A_91 = arith.cmpi ne, %rem3A_89, %ne3A_90 : i32
        %lt3A_92 = arith.constant 0 : i32
        %lt3A_93 = arith.cmpi slt, %rem3A_89, %lt3A_92 : i32
        %lt3A_94 = arith.constant 0 : i32
        %lt3A_95 = arith.cmpi slt, %select_n3A_88, %lt3A_94 : i32
        %ne3A_96 = arith.xori %lt3A_93, %lt3A_95 : i1
        %and3A_97 = arith.andi %ne3A_96, %ne3A_91 : i1
        %add3A_98 = arith.addi %rem3A_89, %select_n3A_88 : i32
        %select_n3A_99 = arith.select %and3A_97, %add3A_98, %rem3A_89 : i32
        %eq3A_100 = arith.constant 1 : i32
        %eq3A_101 = arith.cmpi eq, %select_n3A_99, %eq3A_100 : i32
        %convert_element_type3A_102 = arith.extui %eq3A_101 : i1 to i32
        %cond3A_103 = arith.constant 0 : i32
        %cond3A_104 = arith.cmpi ne, %convert_element_type3A_102, %cond3A_103 : i32
        scf.if %cond3A_104 {
          %add3A_105 = arith.constant 1 : i32
          %add3A_106 = arith.addi %while3A_62, %add3A_105 : i32
          %lt3A_107 = arith.cmpi slt, %add3A_106, %add3A_8 : i32
          %convert_element_type3A_108 = arith.extui %lt3A_107 : i1 to i32
          %cond3A_109 = arith.constant 0 : i32
          %cond3A_110 = arith.cmpi ne, %convert_element_type3A_108, %cond3A_109 : i32
          scf.if %cond3A_110 {
            %add3A_118 = arith.addi %add3A, %while3A_62 : i32
            %add3A_119 = arith.constant 1 : i32
            %add3A_120 = arith.addi %add3A_118, %add3A_119 : i32
            %mul3A_121 = arith.constant 128 : i32
            %mul3A_122 = arith.muli %add3A_120, %mul3A_121 : i32
            %dma_start3A_123 = arith.constant 0 : i32
            %dma_start3A_124 = tpu.memref_slice %arg3[%mul3A_122, %dma_start3A_123] : memref<160000x128xf32, #tpu.memory_space<hbm>> -> memref<128x128xf32, #tpu.memory_space<hbm>>
            %dma_start3A_125 = arith.constant 0 : i32
            %dma_start3A_126 = tpu.memref_slice %arg3[%mul3A_122, %dma_start3A_125] : memref<160000x128xf32, #tpu.memory_space<hbm>> -> memref<128x128xf32, #tpu.memory_space<hbm>>
            tpu.enqueue_dma source(%dma_start3A_126 : memref<128x128xf32, #tpu.memory_space<hbm>>) target(%arg8 : memref<128x128xf32, #tpu.memory_space<vmem>>) target_semaphore(%arg11 : memref<!tpu.dma_semaphore, #tpu.memory_space<semaphore_mem>>)
          } else {
          }
          %add3A_111 = arith.addi %add3A, %while3A_62 : i32
          %mul3A_112 = arith.constant 128 : i32
          %mul3A_113 = arith.muli %add3A_111, %mul3A_112 : i32
          %dma_wait3A = arith.constant 0 : i32
          %dma_wait3A_114 = tpu.memref_slice %arg3[%mul3A_113, %dma_wait3A] : memref<160000x128xf32, #tpu.memory_space<hbm>> -> memref<128x128xf32, #tpu.memory_space<hbm>>
          %dma_wait3A_115 = arith.constant 0 : i32
          %dma_wait3A_116 = tpu.memref_slice %arg3[%mul3A_113, %dma_wait3A_115] : memref<160000x128xf32, #tpu.memory_space<hbm>> -> memref<128x128xf32, #tpu.memory_space<hbm>>
          tpu.wait_dma2 semaphore(%arg12 : memref<!tpu.dma_semaphore, #tpu.memory_space<semaphore_mem>>) src(%dma_wait3A_116 : memref<128x128xf32, #tpu.memory_space<hbm>>) dst(%arg9 : memref<128x128xf32, #tpu.memory_space<vmem>>)
          %add3A_117 = arith.addi %sub3A_30, %while3A_62 : i32
          "tpu.region"() ({
            %run_scoped3A = tpu.sem_alloc : memref<!tpu.dma_semaphore, #tpu.memory_space<semaphore_mem>>
            %dma_start3A_118 = arith.constant 0 : i32
            %dma_start3A_119 = tpu.memref_slice %arg7[%add3A_117, %dma_start3A_118] : memref<88x128xi32, #tpu.memory_space<vmem>> -> memref<1x128xi32, #tpu.memory_space<vmem>>
            %dma_start3A_120 = tpu.memref_squeeze %dma_start3A_119 : memref<1x128xi32, #tpu.memory_space<vmem>> -> memref<128xi32, #tpu.memory_space<vmem>>
            %dma_start3A_121 = arith.constant 0 : i32
            %dma_start3A_122 = arith.constant 0 : i32
            %dma_start3A_123 = tpu.memref_slice %arg10[%dma_start3A_121, %dma_start3A_122] : memref<10240x128xf32, #tpu.memory_space<vmem_shared>> -> memref<10240x128xf32, #tpu.memory_space<vmem_shared>>
            tpu.enqueue_indirect_dma source(%arg9 : memref<128x128xf32, #tpu.memory_space<vmem>>) target(%dma_start3A_123 : memref<10240x128xf32, #tpu.memory_space<vmem_shared>>) offsets(%dma_start3A_120 : memref<128xi32, #tpu.memory_space<vmem>>) semaphore(%run_scoped3A : memref<!tpu.dma_semaphore, #tpu.memory_space<semaphore_mem>>) {add = true}
            %dma_wait3A_124 = arith.constant 0 : i32
            %dma_wait3A_125 = tpu.memref_slice %arg7[%add3A_117, %dma_wait3A_124] : memref<88x128xi32, #tpu.memory_space<vmem>> -> memref<1x128xi32, #tpu.memory_space<vmem>>
            %dma_wait3A_126 = tpu.memref_squeeze %dma_wait3A_125 : memref<1x128xi32, #tpu.memory_space<vmem>> -> memref<128xi32, #tpu.memory_space<vmem>>
            %dma_wait3A_127 = arith.constant 0 : i32
            %dma_wait3A_128 = arith.constant 0 : i32
            %dma_wait3A_129 = tpu.memref_slice %arg10[%dma_wait3A_127, %dma_wait3A_128] : memref<10240x128xf32, #tpu.memory_space<vmem_shared>> -> memref<10240x128xf32, #tpu.memory_space<vmem_shared>>
            tpu.wait_indirect_dma semaphore(%run_scoped3A : memref<!tpu.dma_semaphore, #tpu.memory_space<semaphore_mem>>) src(%arg9 : memref<128x128xf32, #tpu.memory_space<vmem>>) dst(%dma_wait3A_129 : memref<10240x128xf32, #tpu.memory_space<vmem_shared>>)
            tpu.yield
          }) : () -> ()
        } else {
        }
      }
    } else {
    }
    %barrier3A_38 = arith.constant 0 : index
    tpu.barrier barrier_id(%barrier3A_38)
    %lt3A = arith.constant 15 : i32
    %lt3A_39 = arith.cmpi slt, %arg1, %lt3A : i32
    %convert_element_type3A_40 = arith.extui %lt3A_39 : i1 to i32
    %cond3A_41 = arith.constant 0 : i32
    %cond3A_42 = arith.cmpi ne, %convert_element_type3A_40, %cond3A_41 : i32
    scf.if %cond3A_42 {
      %mul3A_48 = arith.constant 640 : i32
      %mul3A_49 = arith.muli %arg1, %mul3A_48 : i32
      %mul3A_50 = arith.constant 640 : i32
      %mul3A_51 = arith.muli %arg1, %mul3A_50 : i32
      "tpu.region"() ({
        %run_scoped3A = tpu.sem_alloc : memref<!tpu.dma_semaphore, #tpu.memory_space<semaphore_mem>>
        %dma_start3A = arith.constant 0 : i32
        %dma_start3A_52 = tpu.memref_slice %arg6[%arg0, %mul3A_51, %dma_start3A] : memref<2x10000x128xf32, #tpu.memory_space<hbm>> -> memref<1x640x128xf32, #tpu.memory_space<hbm>>
        %dma_start3A_53 = tpu.memref_squeeze %dma_start3A_52 : memref<1x640x128xf32, #tpu.memory_space<hbm>> -> memref<640x128xf32, #tpu.memory_space<hbm>>
        %dma_start3A_54 = arith.constant 0 : i32
        %dma_start3A_55 = tpu.memref_slice %arg10[%mul3A_49, %dma_start3A_54] : memref<10240x128xf32, #tpu.memory_space<vmem_shared>> -> memref<640x128xf32, #tpu.memory_space<vmem_shared>>
        tpu.enqueue_dma source(%dma_start3A_55 : memref<640x128xf32, #tpu.memory_space<vmem_shared>>) target(%dma_start3A_53 : memref<640x128xf32, #tpu.memory_space<hbm>>) target_semaphore(%run_scoped3A : memref<!tpu.dma_semaphore, #tpu.memory_space<semaphore_mem>>)
        %dma_wait3A = arith.constant 0 : i32
        %dma_wait3A_56 = tpu.memref_slice %arg6[%arg0, %mul3A_51, %dma_wait3A] : memref<2x10000x128xf32, #tpu.memory_space<hbm>> -> memref<1x640x128xf32, #tpu.memory_space<hbm>>
        %dma_wait3A_57 = tpu.memref_squeeze %dma_wait3A_56 : memref<1x640x128xf32, #tpu.memory_space<hbm>> -> memref<640x128xf32, #tpu.memory_space<hbm>>
        %dma_wait3A_58 = arith.constant 0 : i32
        %dma_wait3A_59 = tpu.memref_slice %arg10[%mul3A_49, %dma_wait3A_58] : memref<10240x128xf32, #tpu.memory_space<vmem_shared>> -> memref<640x128xf32, #tpu.memory_space<vmem_shared>>
        tpu.wait_dma2 semaphore(%run_scoped3A : memref<!tpu.dma_semaphore, #tpu.memory_space<semaphore_mem>>) src(%dma_wait3A_59 : memref<640x128xf32, #tpu.memory_space<vmem_shared>>) dst(%dma_wait3A_57 : memref<640x128xf32, #tpu.memory_space<hbm>>)
        tpu.yield
      }) : () -> ()
    } else {
    }
    %eq3A_43 = arith.constant 15 : i32
    %eq3A_44 = arith.cmpi eq, %arg1, %eq3A_43 : i32
    %convert_element_type3A_45 = arith.extui %eq3A_44 : i1 to i32
    %cond3A_46 = arith.constant 0 : i32
    %cond3A_47 = arith.cmpi ne, %convert_element_type3A_45, %cond3A_46 : i32
    scf.if %cond3A_47 {
      "tpu.region"() ({
        %run_scoped3A = tpu.sem_alloc : memref<!tpu.dma_semaphore, #tpu.memory_space<semaphore_mem>>
        %dma_start3A = arith.constant 9600 : i32
        %dma_start3A_48 = arith.constant 0 : i32
        %dma_start3A_49 = tpu.memref_slice %arg6[%arg0, %dma_start3A, %dma_start3A_48] : memref<2x10000x128xf32, #tpu.memory_space<hbm>> -> memref<1x400x128xf32, #tpu.memory_space<hbm>>
        %dma_start3A_50 = tpu.memref_squeeze %dma_start3A_49 : memref<1x400x128xf32, #tpu.memory_space<hbm>> -> memref<400x128xf32, #tpu.memory_space<hbm>>
        %dma_start3A_51 = arith.constant 9600 : i32
        %dma_start3A_52 = arith.constant 0 : i32
        %dma_start3A_53 = tpu.memref_slice %arg10[%dma_start3A_51, %dma_start3A_52] : memref<10240x128xf32, #tpu.memory_space<vmem_shared>> -> memref<400x128xf32, #tpu.memory_space<vmem_shared>>
        tpu.enqueue_dma source(%dma_start3A_53 : memref<400x128xf32, #tpu.memory_space<vmem_shared>>) target(%dma_start3A_50 : memref<400x128xf32, #tpu.memory_space<hbm>>) target_semaphore(%run_scoped3A : memref<!tpu.dma_semaphore, #tpu.memory_space<semaphore_mem>>)
        %dma_wait3A = arith.constant 9600 : i32
        %dma_wait3A_54 = arith.constant 0 : i32
        %dma_wait3A_55 = tpu.memref_slice %arg6[%arg0, %dma_wait3A, %dma_wait3A_54] : memref<2x10000x128xf32, #tpu.memory_space<hbm>> -> memref<1x400x128xf32, #tpu.memory_space<hbm>>
        %dma_wait3A_56 = tpu.memref_squeeze %dma_wait3A_55 : memref<1x400x128xf32, #tpu.memory_space<hbm>> -> memref<400x128xf32, #tpu.memory_space<hbm>>
        %dma_wait3A_57 = arith.constant 9600 : i32
        %dma_wait3A_58 = arith.constant 0 : i32
        %dma_wait3A_59 = tpu.memref_slice %arg10[%dma_wait3A_57, %dma_wait3A_58] : memref<10240x128xf32, #tpu.memory_space<vmem_shared>> -> memref<400x128xf32, #tpu.memory_space<vmem_shared>>
        tpu.wait_dma2 semaphore(%run_scoped3A : memref<!tpu.dma_semaphore, #tpu.memory_space<semaphore_mem>>) src(%dma_wait3A_59 : memref<400x128xf32, #tpu.memory_space<vmem_shared>>) dst(%dma_wait3A_56 : memref<400x128xf32, #tpu.memory_space<hbm>>)
        tpu.yield
      }) : () -> ()
    } else {
    }
    return
  }
}

#map = affine_map<(d0, d1) -> (0, 0)>
module attributes {stable_mosaic.version = 14 : i64} {
  func.func @gat(%arg0: i32, %arg1: i32, %arg2: memref<10000x256xf32, #tpu.memory_space<hbm>>, %arg3: memref<10000x256xf32, #tpu.memory_space<hbm>>, %arg4: memref<10000x256xf32, #tpu.memory_space<hbm>>, %arg5: memref<2508x64xi32, #tpu.memory_space<hbm>>, %arg6: memref<2508x64xi32, #tpu.memory_space<hbm>>, %arg7: memref<160000x256xf32, #tpu.memory_space<hbm>>, %arg8: memref<160000x256xf32, #tpu.memory_space<hbm>>, %arg9: memref<88x64xi32, #tpu.memory_space<vmem>>, %arg10: memref<88x64xi32, #tpu.memory_space<vmem>>, %arg11: memref<64x256xf32, #tpu.memory_space<vmem>>, %arg12: memref<64x256xf32, #tpu.memory_space<vmem>>, %arg13: memref<64x256xf32, #tpu.memory_space<vmem>>, %arg14: memref<64x256xf32, #tpu.memory_space<vmem>>, %arg15: memref<64x256xf32, #tpu.memory_space<vmem>>, %arg16: memref<64x256xf32, #tpu.memory_space<vmem>>, %arg17: memref<!tpu.dma_semaphore, #tpu.memory_space<semaphore_mem>>, %arg18: memref<!tpu.dma_semaphore, #tpu.memory_space<semaphore_mem>>, %arg19: memref<!tpu.dma_semaphore, #tpu.memory_space<semaphore_mem>>, %arg20: memref<!tpu.dma_semaphore, #tpu.memory_space<semaphore_mem>>) attributes {dimension_semantics = [#tpu.dimension_semantics<core_parallel>, #tpu.dimension_semantics<subcore_parallel>], iteration_bounds = array<i64: 2, 16>, scalar_prefetch = 0 : i64, scratch_operands = 12 : i64, tpu.core_type = #tpu.core_type<sc_vector_subcore>, window_params = [{transform_indices = #map}, {transform_indices = #map}, {transform_indices = #map}, {transform_indices = #map}, {transform_indices = #map}, {transform_indices = #map}, {transform_indices = #map}]} {
    %mul3A = arith.constant 16 : i32
    %mul3A_0 = arith.muli %arg0, %mul3A : i32
    %add3A = arith.addi %mul3A_0, %arg1 : i32
    %mul3A_1 = arith.constant 78 : i32
    %mul3A_2 = arith.muli %add3A, %mul3A_1 : i32
    %sub3A = arith.constant 28 : i32
    %sub3A_3 = arith.subi %add3A, %sub3A : i32
    %max3A = arith.constant 0 : i32
    %max3A_4 = arith.maxsi %sub3A_3, %max3A : i32
    %add3A_5 = arith.addi %mul3A_2, %max3A_4 : i32
    %ge3A = arith.constant 28 : i32
    %ge3A_6 = arith.cmpi sge, %add3A, %ge3A : i32
    %jit3A = arith.constant 1 : i32
    %jit3A_7 = arith.constant 0 : i32
    %select_n3A = arith.select %ge3A_6, %jit3A, %jit3A_7 : i32
    %add3A_8 = arith.constant 78 : i32
    %add3A_9 = arith.addi %add3A_8, %select_n3A : i32
    %jit3A_10 = arith.constant 8 : i32
    %div3A = arith.divsi %add3A_5, %jit3A_10 : i32
    %sign3A = arith.constant 0 : i32
    %sign3A_11 = arith.cmpi sgt, %add3A_5, %sign3A : i32
    %sign3A_12 = arith.extui %sign3A_11 : i1 to i32
    %sign3A_13 = arith.constant 0 : i32
    %sign3A_14 = arith.cmpi slt, %add3A_5, %sign3A_13 : i32
    %sign3A_15 = arith.extui %sign3A_14 : i1 to i32
    %sign3A_16 = arith.subi %sign3A_12, %sign3A_15 : i32
    %sign3A_17 = arith.constant 0 : i32
    %sign3A_18 = arith.cmpi sgt, %jit3A_10, %sign3A_17 : i32
    %sign3A_19 = arith.extui %sign3A_18 : i1 to i32
    %sign3A_20 = arith.constant 0 : i32
    %sign3A_21 = arith.cmpi slt, %jit3A_10, %sign3A_20 : i32
    %sign3A_22 = arith.extui %sign3A_21 : i1 to i32
    %sign3A_23 = arith.subi %sign3A_19, %sign3A_22 : i32
    %ne3A = arith.cmpi ne, %sign3A_16, %sign3A_23 : i32
    %rem3A = arith.remsi %add3A_5, %jit3A_10 : i32
    %ne3A_24 = arith.constant 0 : i32
    %ne3A_25 = arith.cmpi ne, %rem3A, %ne3A_24 : i32
    %and3A = arith.andi %ne3A, %ne3A_25 : i1
    %sub3A_26 = arith.constant 1 : i32
    %sub3A_27 = arith.subi %div3A, %sub3A_26 : i32
    %select_n3A_28 = arith.select %and3A, %sub3A_27, %div3A : i32
    %mul3A_29 = arith.constant 8 : i32
    %mul3A_30 = arith.muli %select_n3A_28, %mul3A_29 : i32
    %sub3A_31 = arith.subi %add3A_5, %mul3A_30 : i32
    "tpu.region"() ({
      %run_scoped3A = tpu.sem_alloc : memref<!tpu.dma_semaphore, #tpu.memory_space<semaphore_mem>>
      %dma_start3A_87 = arith.constant 0 : i32
      %dma_start3A_88 = tpu.memref_slice %arg5[%mul3A_30, %dma_start3A_87] : memref<2508x64xi32, #tpu.memory_space<hbm>> -> memref<88x64xi32, #tpu.memory_space<hbm>>
      %dma_start3A_89 = arith.constant 0 : i32
      %dma_start3A_90 = tpu.memref_slice %arg5[%mul3A_30, %dma_start3A_89] : memref<2508x64xi32, #tpu.memory_space<hbm>> -> memref<88x64xi32, #tpu.memory_space<hbm>>
      tpu.enqueue_dma source(%dma_start3A_90 : memref<88x64xi32, #tpu.memory_space<hbm>>) target(%arg9 : memref<88x64xi32, #tpu.memory_space<vmem>>) target_semaphore(%run_scoped3A : memref<!tpu.dma_semaphore, #tpu.memory_space<semaphore_mem>>)
      %dma_wait3A_91 = arith.constant 0 : i32
      %dma_wait3A_92 = tpu.memref_slice %arg5[%mul3A_30, %dma_wait3A_91] : memref<2508x64xi32, #tpu.memory_space<hbm>> -> memref<88x64xi32, #tpu.memory_space<hbm>>
      %dma_wait3A_93 = arith.constant 0 : i32
      %dma_wait3A_94 = tpu.memref_slice %arg5[%mul3A_30, %dma_wait3A_93] : memref<2508x64xi32, #tpu.memory_space<hbm>> -> memref<88x64xi32, #tpu.memory_space<hbm>>
      tpu.wait_dma2 semaphore(%run_scoped3A : memref<!tpu.dma_semaphore, #tpu.memory_space<semaphore_mem>>) src(%dma_wait3A_94 : memref<88x64xi32, #tpu.memory_space<hbm>>) dst(%arg9 : memref<88x64xi32, #tpu.memory_space<vmem>>)
      tpu.yield
    }) : () -> ()
    "tpu.region"() ({
      %run_scoped3A = tpu.sem_alloc : memref<!tpu.dma_semaphore, #tpu.memory_space<semaphore_mem>>
      %dma_start3A_87 = arith.constant 0 : i32
      %dma_start3A_88 = tpu.memref_slice %arg6[%mul3A_30, %dma_start3A_87] : memref<2508x64xi32, #tpu.memory_space<hbm>> -> memref<88x64xi32, #tpu.memory_space<hbm>>
      %dma_start3A_89 = arith.constant 0 : i32
      %dma_start3A_90 = tpu.memref_slice %arg6[%mul3A_30, %dma_start3A_89] : memref<2508x64xi32, #tpu.memory_space<hbm>> -> memref<88x64xi32, #tpu.memory_space<hbm>>
      tpu.enqueue_dma source(%dma_start3A_90 : memref<88x64xi32, #tpu.memory_space<hbm>>) target(%arg10 : memref<88x64xi32, #tpu.memory_space<vmem>>) target_semaphore(%run_scoped3A : memref<!tpu.dma_semaphore, #tpu.memory_space<semaphore_mem>>)
      %dma_wait3A_91 = arith.constant 0 : i32
      %dma_wait3A_92 = tpu.memref_slice %arg6[%mul3A_30, %dma_wait3A_91] : memref<2508x64xi32, #tpu.memory_space<hbm>> -> memref<88x64xi32, #tpu.memory_space<hbm>>
      %dma_wait3A_93 = arith.constant 0 : i32
      %dma_wait3A_94 = tpu.memref_slice %arg6[%mul3A_30, %dma_wait3A_93] : memref<2508x64xi32, #tpu.memory_space<hbm>> -> memref<88x64xi32, #tpu.memory_space<hbm>>
      tpu.wait_dma2 semaphore(%run_scoped3A : memref<!tpu.dma_semaphore, #tpu.memory_space<semaphore_mem>>) src(%dma_wait3A_94 : memref<88x64xi32, #tpu.memory_space<hbm>>) dst(%arg10 : memref<88x64xi32, #tpu.memory_space<vmem>>)
      tpu.yield
    }) : () -> ()
    %add3A_32 = arith.constant 0 : i32
    %add3A_33 = arith.addi %sub3A_31, %add3A_32 : i32
    %dma_start3A = arith.constant 0 : i32
    %dma_start3A_34 = tpu.memref_slice %arg9[%add3A_33, %dma_start3A] : memref<88x64xi32, #tpu.memory_space<vmem>> -> memref<1x64xi32, #tpu.memory_space<vmem>>
    %dma_start3A_35 = tpu.memref_squeeze %dma_start3A_34 : memref<1x64xi32, #tpu.memory_space<vmem>> -> memref<64xi32, #tpu.memory_space<vmem>>
    %dma_start3A_36 = arith.constant 0 : i32
    %dma_start3A_37 = arith.constant 0 : i32
    %dma_start3A_38 = tpu.memref_slice %arg3[%dma_start3A_36, %dma_start3A_37] : memref<10000x256xf32, #tpu.memory_space<hbm>> -> memref<10000x256xf32, #tpu.memory_space<hbm>>
    tpu.enqueue_indirect_dma source(%dma_start3A_38 : memref<10000x256xf32, #tpu.memory_space<hbm>>) target(%arg11 : memref<64x256xf32, #tpu.memory_space<vmem>>) offsets(%dma_start3A_35 : memref<64xi32, #tpu.memory_space<vmem>>) semaphore(%arg17 : memref<!tpu.dma_semaphore, #tpu.memory_space<semaphore_mem>>)
    %add3A_39 = arith.constant 0 : i32
    %add3A_40 = arith.addi %sub3A_31, %add3A_39 : i32
    %dma_start3A_41 = arith.constant 0 : i32
    %dma_start3A_42 = tpu.memref_slice %arg10[%add3A_40, %dma_start3A_41] : memref<88x64xi32, #tpu.memory_space<vmem>> -> memref<1x64xi32, #tpu.memory_space<vmem>>
    %dma_start3A_43 = tpu.memref_squeeze %dma_start3A_42 : memref<1x64xi32, #tpu.memory_space<vmem>> -> memref<64xi32, #tpu.memory_space<vmem>>
    %dma_start3A_44 = arith.constant 0 : i32
    %dma_start3A_45 = arith.constant 0 : i32
    %dma_start3A_46 = tpu.memref_slice %arg2[%dma_start3A_44, %dma_start3A_45] : memref<10000x256xf32, #tpu.memory_space<hbm>> -> memref<10000x256xf32, #tpu.memory_space<hbm>>
    tpu.enqueue_indirect_dma source(%dma_start3A_46 : memref<10000x256xf32, #tpu.memory_space<hbm>>) target(%arg12 : memref<64x256xf32, #tpu.memory_space<vmem>>) offsets(%dma_start3A_43 : memref<64xi32, #tpu.memory_space<vmem>>) semaphore(%arg17 : memref<!tpu.dma_semaphore, #tpu.memory_space<semaphore_mem>>)
    %add3A_47 = arith.constant 0 : i32
    %add3A_48 = arith.addi %sub3A_31, %add3A_47 : i32
    %dma_start3A_49 = arith.constant 0 : i32
    %dma_start3A_50 = tpu.memref_slice %arg9[%add3A_48, %dma_start3A_49] : memref<88x64xi32, #tpu.memory_space<vmem>> -> memref<1x64xi32, #tpu.memory_space<vmem>>
    %dma_start3A_51 = tpu.memref_squeeze %dma_start3A_50 : memref<1x64xi32, #tpu.memory_space<vmem>> -> memref<64xi32, #tpu.memory_space<vmem>>
    %dma_start3A_52 = arith.constant 0 : i32
    %dma_start3A_53 = arith.constant 0 : i32
    %dma_start3A_54 = tpu.memref_slice %arg4[%dma_start3A_52, %dma_start3A_53] : memref<10000x256xf32, #tpu.memory_space<hbm>> -> memref<10000x256xf32, #tpu.memory_space<hbm>>
    tpu.enqueue_indirect_dma source(%dma_start3A_54 : memref<10000x256xf32, #tpu.memory_space<hbm>>) target(%arg13 : memref<64x256xf32, #tpu.memory_space<vmem>>) offsets(%dma_start3A_51 : memref<64xi32, #tpu.memory_space<vmem>>) semaphore(%arg17 : memref<!tpu.dma_semaphore, #tpu.memory_space<semaphore_mem>>)
    %while3A = arith.constant 0 : i32
    %while3A_55 = arith.constant 0 : i32
    %while3A_56 = arith.subi %add3A_9, %while3A_55 : i32
    %while3A_57 = arith.addi %while3A_55, %while3A_56 : i32
    %while3A_58 = arith.constant 1 : i32
    %while3A_59 = arith.divsi %while3A_56, %while3A_58 : i32
    %while3A_60 = arith.muli %while3A_59, %while3A_58 : i32
    %while3A_61 = arith.addi %while3A_55, %while3A_60 : i32
    %while3A_62 = arith.constant 1 : i32
    scf.for %while3A_87 = %while3A_55 to %while3A_61 step %while3A_62  : i32 {
      %jit3A_88 = arith.constant 2 : i32
      %eq3A = arith.constant 0 : i32
      %eq3A_89 = arith.cmpi eq, %jit3A_88, %eq3A : i32
      %jit3A_90 = arith.constant 1 : i32
      %select_n3A_91 = arith.select %eq3A_89, %jit3A_90, %jit3A_88 : i32
      %rem3A_92 = arith.remsi %while3A_87, %select_n3A_91 : i32
      %ne3A_93 = arith.constant 0 : i32
      %ne3A_94 = arith.cmpi ne, %rem3A_92, %ne3A_93 : i32
      %lt3A = arith.constant 0 : i32
      %lt3A_95 = arith.cmpi slt, %rem3A_92, %lt3A : i32
      %lt3A_96 = arith.constant 0 : i32
      %lt3A_97 = arith.cmpi slt, %select_n3A_91, %lt3A_96 : i32
      %ne3A_98 = arith.xori %lt3A_95, %lt3A_97 : i1
      %and3A_99 = arith.andi %ne3A_98, %ne3A_94 : i1
      %add3A_100 = arith.addi %rem3A_92, %select_n3A_91 : i32
      %select_n3A_101 = arith.select %and3A_99, %add3A_100, %rem3A_92 : i32
      %eq3A_102 = arith.constant 0 : i32
      %eq3A_103 = arith.cmpi eq, %select_n3A_101, %eq3A_102 : i32
      %convert_element_type3A = arith.extui %eq3A_103 : i1 to i32
      %cond3A = arith.constant 0 : i32
      %cond3A_104 = arith.cmpi ne, %convert_element_type3A, %cond3A : i32
      scf.if %cond3A_104 {
        %add3A_126 = arith.constant 1 : i32
        %add3A_127 = arith.addi %while3A_87, %add3A_126 : i32
        %lt3A_128 = arith.cmpi slt, %add3A_127, %add3A_9 : i32
        %convert_element_type3A_129 = arith.extui %lt3A_128 : i1 to i32
        %cond3A_130 = arith.constant 0 : i32
        %cond3A_131 = arith.cmpi ne, %convert_element_type3A_129, %cond3A_130 : i32
        scf.if %cond3A_131 {
          %ge3A_169 = arith.constant 1 : i32
          %ge3A_170 = arith.cmpi sge, %while3A_87, %ge3A_169 : i32
          %convert_element_type3A_171 = arith.extui %ge3A_170 : i1 to i32
          %cond3A_172 = arith.constant 0 : i32
          %cond3A_173 = arith.cmpi ne, %convert_element_type3A_171, %cond3A_172 : i32
          scf.if %cond3A_173 {
            %dma_wait3A_197 = arith.constant 0 : i32
            %dma_wait3A_198 = arith.constant 0 : i32
            %dma_wait3A_199 = tpu.memref_slice %arg7[%dma_wait3A_197, %dma_wait3A_198] : memref<160000x256xf32, #tpu.memory_space<hbm>> -> memref<64x256xf32, #tpu.memory_space<hbm>>
            %dma_wait3A_200 = arith.constant 0 : i32
            %dma_wait3A_201 = arith.constant 0 : i32
            %dma_wait3A_202 = tpu.memref_slice %arg7[%dma_wait3A_200, %dma_wait3A_201] : memref<160000x256xf32, #tpu.memory_space<hbm>> -> memref<64x256xf32, #tpu.memory_space<hbm>>
            tpu.wait_dma2 semaphore(%arg20 : memref<!tpu.dma_semaphore, #tpu.memory_space<semaphore_mem>>) src(%arg14 : memref<64x256xf32, #tpu.memory_space<vmem>>) dst(%dma_wait3A_202 : memref<64x256xf32, #tpu.memory_space<hbm>>)
            %dma_wait3A_203 = arith.constant 0 : i32
            %dma_wait3A_204 = arith.constant 0 : i32
            %dma_wait3A_205 = tpu.memref_slice %arg8[%dma_wait3A_203, %dma_wait3A_204] : memref<160000x256xf32, #tpu.memory_space<hbm>> -> memref<64x256xf32, #tpu.memory_space<hbm>>
            %dma_wait3A_206 = arith.constant 0 : i32
            %dma_wait3A_207 = arith.constant 0 : i32
            %dma_wait3A_208 = tpu.memref_slice %arg8[%dma_wait3A_206, %dma_wait3A_207] : memref<160000x256xf32, #tpu.memory_space<hbm>> -> memref<64x256xf32, #tpu.memory_space<hbm>>
            tpu.wait_dma2 semaphore(%arg20 : memref<!tpu.dma_semaphore, #tpu.memory_space<semaphore_mem>>) src(%arg16 : memref<64x256xf32, #tpu.memory_space<vmem>>) dst(%dma_wait3A_208 : memref<64x256xf32, #tpu.memory_space<hbm>>)
          } else {
          }
          %add3A_174 = arith.constant 1 : i32
          %add3A_175 = arith.addi %while3A_87, %add3A_174 : i32
          %add3A_176 = arith.addi %sub3A_31, %add3A_175 : i32
          %dma_start3A_177 = arith.constant 0 : i32
          %dma_start3A_178 = tpu.memref_slice %arg9[%add3A_176, %dma_start3A_177] : memref<88x64xi32, #tpu.memory_space<vmem>> -> memref<1x64xi32, #tpu.memory_space<vmem>>
          %dma_start3A_179 = tpu.memref_squeeze %dma_start3A_178 : memref<1x64xi32, #tpu.memory_space<vmem>> -> memref<64xi32, #tpu.memory_space<vmem>>
          %dma_start3A_180 = arith.constant 0 : i32
          %dma_start3A_181 = arith.constant 0 : i32
          %dma_start3A_182 = tpu.memref_slice %arg3[%dma_start3A_180, %dma_start3A_181] : memref<10000x256xf32, #tpu.memory_space<hbm>> -> memref<10000x256xf32, #tpu.memory_space<hbm>>
          tpu.enqueue_indirect_dma source(%dma_start3A_182 : memref<10000x256xf32, #tpu.memory_space<hbm>>) target(%arg14 : memref<64x256xf32, #tpu.memory_space<vmem>>) offsets(%dma_start3A_179 : memref<64xi32, #tpu.memory_space<vmem>>) semaphore(%arg18 : memref<!tpu.dma_semaphore, #tpu.memory_space<semaphore_mem>>)
          %add3A_183 = arith.addi %sub3A_31, %add3A_175 : i32
          %dma_start3A_184 = arith.constant 0 : i32
          %dma_start3A_185 = tpu.memref_slice %arg10[%add3A_183, %dma_start3A_184] : memref<88x64xi32, #tpu.memory_space<vmem>> -> memref<1x64xi32, #tpu.memory_space<vmem>>
          %dma_start3A_186 = tpu.memref_squeeze %dma_start3A_185 : memref<1x64xi32, #tpu.memory_space<vmem>> -> memref<64xi32, #tpu.memory_space<vmem>>
          %dma_start3A_187 = arith.constant 0 : i32
          %dma_start3A_188 = arith.constant 0 : i32
          %dma_start3A_189 = tpu.memref_slice %arg2[%dma_start3A_187, %dma_start3A_188] : memref<10000x256xf32, #tpu.memory_space<hbm>> -> memref<10000x256xf32, #tpu.memory_space<hbm>>
          tpu.enqueue_indirect_dma source(%dma_start3A_189 : memref<10000x256xf32, #tpu.memory_space<hbm>>) target(%arg15 : memref<64x256xf32, #tpu.memory_space<vmem>>) offsets(%dma_start3A_186 : memref<64xi32, #tpu.memory_space<vmem>>) semaphore(%arg18 : memref<!tpu.dma_semaphore, #tpu.memory_space<semaphore_mem>>)
          %add3A_190 = arith.addi %sub3A_31, %add3A_175 : i32
          %dma_start3A_191 = arith.constant 0 : i32
          %dma_start3A_192 = tpu.memref_slice %arg9[%add3A_190, %dma_start3A_191] : memref<88x64xi32, #tpu.memory_space<vmem>> -> memref<1x64xi32, #tpu.memory_space<vmem>>
          %dma_start3A_193 = tpu.memref_squeeze %dma_start3A_192 : memref<1x64xi32, #tpu.memory_space<vmem>> -> memref<64xi32, #tpu.memory_space<vmem>>
          %dma_start3A_194 = arith.constant 0 : i32
          %dma_start3A_195 = arith.constant 0 : i32
          %dma_start3A_196 = tpu.memref_slice %arg4[%dma_start3A_194, %dma_start3A_195] : memref<10000x256xf32, #tpu.memory_space<hbm>> -> memref<10000x256xf32, #tpu.memory_space<hbm>>
          tpu.enqueue_indirect_dma source(%dma_start3A_196 : memref<10000x256xf32, #tpu.memory_space<hbm>>) target(%arg16 : memref<64x256xf32, #tpu.memory_space<vmem>>) offsets(%dma_start3A_193 : memref<64xi32, #tpu.memory_space<vmem>>) semaphore(%arg18 : memref<!tpu.dma_semaphore, #tpu.memory_space<semaphore_mem>>)
        } else {
        }
        %add3A_132 = arith.addi %sub3A_31, %while3A_87 : i32
        %dma_wait3A_133 = arith.constant 0 : i32
        %dma_wait3A_134 = tpu.memref_slice %arg9[%add3A_132, %dma_wait3A_133] : memref<88x64xi32, #tpu.memory_space<vmem>> -> memref<1x64xi32, #tpu.memory_space<vmem>>
        %dma_wait3A_135 = tpu.memref_squeeze %dma_wait3A_134 : memref<1x64xi32, #tpu.memory_space<vmem>> -> memref<64xi32, #tpu.memory_space<vmem>>
        %dma_wait3A_136 = arith.constant 0 : i32
        %dma_wait3A_137 = arith.constant 0 : i32
        %dma_wait3A_138 = tpu.memref_slice %arg3[%dma_wait3A_136, %dma_wait3A_137] : memref<10000x256xf32, #tpu.memory_space<hbm>> -> memref<10000x256xf32, #tpu.memory_space<hbm>>
        tpu.wait_indirect_dma semaphore(%arg17 : memref<!tpu.dma_semaphore, #tpu.memory_space<semaphore_mem>>) src(%dma_wait3A_138 : memref<10000x256xf32, #tpu.memory_space<hbm>>) dst(%arg11 : memref<64x256xf32, #tpu.memory_space<vmem>>)
        %add3A_139 = arith.addi %sub3A_31, %while3A_87 : i32
        %dma_wait3A_140 = arith.constant 0 : i32
        %dma_wait3A_141 = tpu.memref_slice %arg10[%add3A_139, %dma_wait3A_140] : memref<88x64xi32, #tpu.memory_space<vmem>> -> memref<1x64xi32, #tpu.memory_space<vmem>>
        %dma_wait3A_142 = tpu.memref_squeeze %dma_wait3A_141 : memref<1x64xi32, #tpu.memory_space<vmem>> -> memref<64xi32, #tpu.memory_space<vmem>>
        %dma_wait3A_143 = arith.constant 0 : i32
        %dma_wait3A_144 = arith.constant 0 : i32
        %dma_wait3A_145 = tpu.memref_slice %arg2[%dma_wait3A_143, %dma_wait3A_144] : memref<10000x256xf32, #tpu.memory_space<hbm>> -> memref<10000x256xf32, #tpu.memory_space<hbm>>
        tpu.wait_indirect_dma semaphore(%arg17 : memref<!tpu.dma_semaphore, #tpu.memory_space<semaphore_mem>>) src(%dma_wait3A_145 : memref<10000x256xf32, #tpu.memory_space<hbm>>) dst(%arg12 : memref<64x256xf32, #tpu.memory_space<vmem>>)
        %add3A_146 = arith.addi %sub3A_31, %while3A_87 : i32
        %dma_wait3A_147 = arith.constant 0 : i32
        %dma_wait3A_148 = tpu.memref_slice %arg9[%add3A_146, %dma_wait3A_147] : memref<88x64xi32, #tpu.memory_space<vmem>> -> memref<1x64xi32, #tpu.memory_space<vmem>>
        %dma_wait3A_149 = tpu.memref_squeeze %dma_wait3A_148 : memref<1x64xi32, #tpu.memory_space<vmem>> -> memref<64xi32, #tpu.memory_space<vmem>>
        %dma_wait3A_150 = arith.constant 0 : i32
        %dma_wait3A_151 = arith.constant 0 : i32
        %dma_wait3A_152 = tpu.memref_slice %arg4[%dma_wait3A_150, %dma_wait3A_151] : memref<10000x256xf32, #tpu.memory_space<hbm>> -> memref<10000x256xf32, #tpu.memory_space<hbm>>
        tpu.wait_indirect_dma semaphore(%arg17 : memref<!tpu.dma_semaphore, #tpu.memory_space<semaphore_mem>>) src(%dma_wait3A_152 : memref<10000x256xf32, #tpu.memory_space<hbm>>) dst(%arg13 : memref<64x256xf32, #tpu.memory_space<vmem>>)
        %scan3A = arith.constant 0 : i32
        %scan3A_153 = arith.constant 0 : i32
        %scan3A_154 = arith.constant 64 : i32
        %scan3A_155 = arith.addi %scan3A_153, %scan3A_154 : i32
        %scan3A_156 = arith.constant 1 : i32
        scf.for %scan3A_169 = %scan3A_153 to %scan3A_155 step %scan3A_156  : i32 {
          %get3A = arith.index_cast %scan3A_169 : i32 to index
          %get3A_170 = arith.constant 0 : index
          %get3A_171 = tpu.vector_load %arg11[%get3A, %get3A_170] {strides = array<i32>} : memref<64x256xf32, #tpu.memory_space<vmem>>, vector<1x16xf32>,
          %get3A_172 = vector.shape_cast %get3A_171 : vector<1x16xf32> to vector<16xf32>
          %get3A_173 = arith.index_cast %scan3A_169 : i32 to index
          %get3A_174 = arith.constant 0 : index
          %get3A_175 = tpu.vector_load %arg12[%get3A_173, %get3A_174] {strides = array<i32>} : memref<64x256xf32, #tpu.memory_space<vmem>>, vector<1x16xf32>,
          %get3A_176 = vector.shape_cast %get3A_175 : vector<1x16xf32> to vector<16xf32>
          %add3A_177 = arith.addf %get3A_172, %get3A_176 : vector<16xf32>
          %swap3A = arith.index_cast %scan3A_169 : i32 to index
          %swap3A_178 = arith.constant 0 : index
          %swap3A_179 = tpu.vector_load %arg11[%swap3A, %swap3A_178] {strides = array<i32>} : memref<64x256xf32, #tpu.memory_space<vmem>>, vector<1x16xf32>,
          %swap3A_180 = vector.shape_cast %swap3A_179 : vector<1x16xf32> to vector<16xf32>
          %swap3A_181 = vector.shape_cast %add3A_177 : vector<16xf32> to vector<1x16xf32>
          tpu.vector_store %arg11[%swap3A, %swap3A_178], %swap3A_181 {strides = array<i32>} : memref<64x256xf32, #tpu.memory_space<vmem>>, vector<1x16xf32>,
          %get3A_182 = arith.index_cast %scan3A_169 : i32 to index
          %get3A_183 = arith.constant 16 : index
          %get3A_184 = tpu.vector_load %arg11[%get3A_182, %get3A_183] {strides = array<i32>} : memref<64x256xf32, #tpu.memory_space<vmem>>, vector<1x16xf32>,
          %get3A_185 = vector.shape_cast %get3A_184 : vector<1x16xf32> to vector<16xf32>
          %get3A_186 = arith.index_cast %scan3A_169 : i32 to index
          %get3A_187 = arith.constant 16 : index
          %get3A_188 = tpu.vector_load %arg12[%get3A_186, %get3A_187] {strides = array<i32>} : memref<64x256xf32, #tpu.memory_space<vmem>>, vector<1x16xf32>,
          %get3A_189 = vector.shape_cast %get3A_188 : vector<1x16xf32> to vector<16xf32>
          %add3A_190 = arith.addf %get3A_185, %get3A_189 : vector<16xf32>
          %swap3A_191 = arith.index_cast %scan3A_169 : i32 to index
          %swap3A_192 = arith.constant 16 : index
          %swap3A_193 = tpu.vector_load %arg11[%swap3A_191, %swap3A_192] {strides = array<i32>} : memref<64x256xf32, #tpu.memory_space<vmem>>, vector<1x16xf32>,
          %swap3A_194 = vector.shape_cast %swap3A_193 : vector<1x16xf32> to vector<16xf32>
          %swap3A_195 = vector.shape_cast %add3A_190 : vector<16xf32> to vector<1x16xf32>
          tpu.vector_store %arg11[%swap3A_191, %swap3A_192], %swap3A_195 {strides = array<i32>} : memref<64x256xf32, #tpu.memory_space<vmem>>, vector<1x16xf32>,
          %get3A_196 = arith.index_cast %scan3A_169 : i32 to index
          %get3A_197 = arith.constant 32 : index
          %get3A_198 = tpu.vector_load %arg11[%get3A_196, %get3A_197] {strides = array<i32>} : memref<64x256xf32, #tpu.memory_space<vmem>>, vector<1x16xf32>,
          %get3A_199 = vector.shape_cast %get3A_198 : vector<1x16xf32> to vector<16xf32>
          %get3A_200 = arith.index_cast %scan3A_169 : i32 to index
          %get3A_201 = arith.constant 32 : index
          %get3A_202 = tpu.vector_load %arg12[%get3A_200, %get3A_201] {strides = array<i32>} : memref<64x256xf32, #tpu.memory_space<vmem>>, vector<1x16xf32>,
          %get3A_203 = vector.shape_cast %get3A_202 : vector<1x16xf32> to vector<16xf32>
          %add3A_204 = arith.addf %get3A_199, %get3A_203 : vector<16xf32>
          %swap3A_205 = arith.index_cast %scan3A_169 : i32 to index
          %swap3A_206 = arith.constant 32 : index
          %swap3A_207 = tpu.vector_load %arg11[%swap3A_205, %swap3A_206] {strides = array<i32>} : memref<64x256xf32, #tpu.memory_space<vmem>>, vector<1x16xf32>,
          %swap3A_208 = vector.shape_cast %swap3A_207 : vector<1x16xf32> to vector<16xf32>
          %swap3A_209 = vector.shape_cast %add3A_204 : vector<16xf32> to vector<1x16xf32>
          tpu.vector_store %arg11[%swap3A_205, %swap3A_206], %swap3A_209 {strides = array<i32>} : memref<64x256xf32, #tpu.memory_space<vmem>>, vector<1x16xf32>,
          %get3A_210 = arith.index_cast %scan3A_169 : i32 to index
          %get3A_211 = arith.constant 48 : index
          %get3A_212 = tpu.vector_load %arg11[%get3A_210, %get3A_211] {strides = array<i32>} : memref<64x256xf32, #tpu.memory_space<vmem>>, vector<1x16xf32>,
          %get3A_213 = vector.shape_cast %get3A_212 : vector<1x16xf32> to vector<16xf32>
          %get3A_214 = arith.index_cast %scan3A_169 : i32 to index
          %get3A_215 = arith.constant 48 : index
          %get3A_216 = tpu.vector_load %arg12[%get3A_214, %get3A_215] {strides = array<i32>} : memref<64x256xf32, #tpu.memory_space<vmem>>, vector<1x16xf32>,
          %get3A_217 = vector.shape_cast %get3A_216 : vector<1x16xf32> to vector<16xf32>
          %add3A_218 = arith.addf %get3A_213, %get3A_217 : vector<16xf32>
          %swap3A_219 = arith.index_cast %scan3A_169 : i32 to index
          %swap3A_220 = arith.constant 48 : index
          %swap3A_221 = tpu.vector_load %arg11[%swap3A_219, %swap3A_220] {strides = array<i32>} : memref<64x256xf32, #tpu.memory_space<vmem>>, vector<1x16xf32>,
          %swap3A_222 = vector.shape_cast %swap3A_221 : vector<1x16xf32> to vector<16xf32>
          %swap3A_223 = vector.shape_cast %add3A_218 : vector<16xf32> to vector<1x16xf32>
          tpu.vector_store %arg11[%swap3A_219, %swap3A_220], %swap3A_223 {strides = array<i32>} : memref<64x256xf32, #tpu.memory_space<vmem>>, vector<1x16xf32>,
          %get3A_224 = arith.index_cast %scan3A_169 : i32 to index
          %get3A_225 = arith.constant 64 : index
          %get3A_226 = tpu.vector_load %arg11[%get3A_224, %get3A_225] {strides = array<i32>} : memref<64x256xf32, #tpu.memory_space<vmem>>, vector<1x16xf32>,
          %get3A_227 = vector.shape_cast %get3A_226 : vector<1x16xf32> to vector<16xf32>
          %get3A_228 = arith.index_cast %scan3A_169 : i32 to index
          %get3A_229 = arith.constant 64 : index
          %get3A_230 = tpu.vector_load %arg12[%get3A_228, %get3A_229] {strides = array<i32>} : memref<64x256xf32, #tpu.memory_space<vmem>>, vector<1x16xf32>,
          %get3A_231 = vector.shape_cast %get3A_230 : vector<1x16xf32> to vector<16xf32>
          %add3A_232 = arith.addf %get3A_227, %get3A_231 : vector<16xf32>
          %swap3A_233 = arith.index_cast %scan3A_169 : i32 to index
          %swap3A_234 = arith.constant 64 : index
          %swap3A_235 = tpu.vector_load %arg11[%swap3A_233, %swap3A_234] {strides = array<i32>} : memref<64x256xf32, #tpu.memory_space<vmem>>, vector<1x16xf32>,
          %swap3A_236 = vector.shape_cast %swap3A_235 : vector<1x16xf32> to vector<16xf32>
          %swap3A_237 = vector.shape_cast %add3A_232 : vector<16xf32> to vector<1x16xf32>
          tpu.vector_store %arg11[%swap3A_233, %swap3A_234], %swap3A_237 {strides = array<i32>} : memref<64x256xf32, #tpu.memory_space<vmem>>, vector<1x16xf32>,
          %get3A_238 = arith.index_cast %scan3A_169 : i32 to index
          %get3A_239 = arith.constant 80 : index
          %get3A_240 = tpu.vector_load %arg11[%get3A_238, %get3A_239] {strides = array<i32>} : memref<64x256xf32, #tpu.memory_space<vmem>>, vector<1x16xf32>,
          %get3A_241 = vector.shape_cast %get3A_240 : vector<1x16xf32> to vector<16xf32>
          %get3A_242 = arith.index_cast %scan3A_169 : i32 to index
          %get3A_243 = arith.constant 80 : index
          %get3A_244 = tpu.vector_load %arg12[%get3A_242, %get3A_243] {strides = array<i32>} : memref<64x256xf32, #tpu.memory_space<vmem>>, vector<1x16xf32>,
          %get3A_245 = vector.shape_cast %get3A_244 : vector<1x16xf32> to vector<16xf32>
          %add3A_246 = arith.addf %get3A_241, %get3A_245 : vector<16xf32>
          %swap3A_247 = arith.index_cast %scan3A_169 : i32 to index
          %swap3A_248 = arith.constant 80 : index
          %swap3A_249 = tpu.vector_load %arg11[%swap3A_247, %swap3A_248] {strides = array<i32>} : memref<64x256xf32, #tpu.memory_space<vmem>>, vector<1x16xf32>,
          %swap3A_250 = vector.shape_cast %swap3A_249 : vector<1x16xf32> to vector<16xf32>
          %swap3A_251 = vector.shape_cast %add3A_246 : vector<16xf32> to vector<1x16xf32>
          tpu.vector_store %arg11[%swap3A_247, %swap3A_248], %swap3A_251 {strides = array<i32>} : memref<64x256xf32, #tpu.memory_space<vmem>>, vector<1x16xf32>,
          %get3A_252 = arith.index_cast %scan3A_169 : i32 to index
          %get3A_253 = arith.constant 96 : index
          %get3A_254 = tpu.vector_load %arg11[%get3A_252, %get3A_253] {strides = array<i32>} : memref<64x256xf32, #tpu.memory_space<vmem>>, vector<1x16xf32>,
          %get3A_255 = vector.shape_cast %get3A_254 : vector<1x16xf32> to vector<16xf32>
          %get3A_256 = arith.index_cast %scan3A_169 : i32 to index
          %get3A_257 = arith.constant 96 : index
          %get3A_258 = tpu.vector_load %arg12[%get3A_256, %get3A_257] {strides = array<i32>} : memref<64x256xf32, #tpu.memory_space<vmem>>, vector<1x16xf32>,
          %get3A_259 = vector.shape_cast %get3A_258 : vector<1x16xf32> to vector<16xf32>
          %add3A_260 = arith.addf %get3A_255, %get3A_259 : vector<16xf32>
          %swap3A_261 = arith.index_cast %scan3A_169 : i32 to index
          %swap3A_262 = arith.constant 96 : index
          %swap3A_263 = tpu.vector_load %arg11[%swap3A_261, %swap3A_262] {strides = array<i32>} : memref<64x256xf32, #tpu.memory_space<vmem>>, vector<1x16xf32>,
          %swap3A_264 = vector.shape_cast %swap3A_263 : vector<1x16xf32> to vector<16xf32>
          %swap3A_265 = vector.shape_cast %add3A_260 : vector<16xf32> to vector<1x16xf32>
          tpu.vector_store %arg11[%swap3A_261, %swap3A_262], %swap3A_265 {strides = array<i32>} : memref<64x256xf32, #tpu.memory_space<vmem>>, vector<1x16xf32>,
          %get3A_266 = arith.index_cast %scan3A_169 : i32 to index
          %get3A_267 = arith.constant 112 : index
          %get3A_268 = tpu.vector_load %arg11[%get3A_266, %get3A_267] {strides = array<i32>} : memref<64x256xf32, #tpu.memory_space<vmem>>, vector<1x16xf32>,
          %get3A_269 = vector.shape_cast %get3A_268 : vector<1x16xf32> to vector<16xf32>
          %get3A_270 = arith.index_cast %scan3A_169 : i32 to index
          %get3A_271 = arith.constant 112 : index
          %get3A_272 = tpu.vector_load %arg12[%get3A_270, %get3A_271] {strides = array<i32>} : memref<64x256xf32, #tpu.memory_space<vmem>>, vector<1x16xf32>,
          %get3A_273 = vector.shape_cast %get3A_272 : vector<1x16xf32> to vector<16xf32>
          %add3A_274 = arith.addf %get3A_269, %get3A_273 : vector<16xf32>
          %swap3A_275 = arith.index_cast %scan3A_169 : i32 to index
          %swap3A_276 = arith.constant 112 : index
          %swap3A_277 = tpu.vector_load %arg11[%swap3A_275, %swap3A_276] {strides = array<i32>} : memref<64x256xf32, #tpu.memory_space<vmem>>, vector<1x16xf32>,
          %swap3A_278 = vector.shape_cast %swap3A_277 : vector<1x16xf32> to vector<16xf32>
          %swap3A_279 = vector.shape_cast %add3A_274 : vector<16xf32> to vector<1x16xf32>
          tpu.vector_store %arg11[%swap3A_275, %swap3A_276], %swap3A_279 {strides = array<i32>} : memref<64x256xf32, #tpu.memory_space<vmem>>, vector<1x16xf32>,
          %get3A_280 = arith.index_cast %scan3A_169 : i32 to index
          %get3A_281 = arith.constant 128 : index
          %get3A_282 = tpu.vector_load %arg11[%get3A_280, %get3A_281] {strides = array<i32>} : memref<64x256xf32, #tpu.memory_space<vmem>>, vector<1x16xf32>,
          %get3A_283 = vector.shape_cast %get3A_282 : vector<1x16xf32> to vector<16xf32>
          %get3A_284 = arith.index_cast %scan3A_169 : i32 to index
          %get3A_285 = arith.constant 128 : index
          %get3A_286 = tpu.vector_load %arg12[%get3A_284, %get3A_285] {strides = array<i32>} : memref<64x256xf32, #tpu.memory_space<vmem>>, vector<1x16xf32>,
          %get3A_287 = vector.shape_cast %get3A_286 : vector<1x16xf32> to vector<16xf32>
          %add3A_288 = arith.addf %get3A_283, %get3A_287 : vector<16xf32>
          %swap3A_289 = arith.index_cast %scan3A_169 : i32 to index
          %swap3A_290 = arith.constant 128 : index
          %swap3A_291 = tpu.vector_load %arg11[%swap3A_289, %swap3A_290] {strides = array<i32>} : memref<64x256xf32, #tpu.memory_space<vmem>>, vector<1x16xf32>,
          %swap3A_292 = vector.shape_cast %swap3A_291 : vector<1x16xf32> to vector<16xf32>
          %swap3A_293 = vector.shape_cast %add3A_288 : vector<16xf32> to vector<1x16xf32>
          tpu.vector_store %arg11[%swap3A_289, %swap3A_290], %swap3A_293 {strides = array<i32>} : memref<64x256xf32, #tpu.memory_space<vmem>>, vector<1x16xf32>,
          %get3A_294 = arith.index_cast %scan3A_169 : i32 to index
          %get3A_295 = arith.constant 144 : index
          %get3A_296 = tpu.vector_load %arg11[%get3A_294, %get3A_295] {strides = array<i32>} : memref<64x256xf32, #tpu.memory_space<vmem>>, vector<1x16xf32>,
          %get3A_297 = vector.shape_cast %get3A_296 : vector<1x16xf32> to vector<16xf32>
          %get3A_298 = arith.index_cast %scan3A_169 : i32 to index
          %get3A_299 = arith.constant 144 : index
          %get3A_300 = tpu.vector_load %arg12[%get3A_298, %get3A_299] {strides = array<i32>} : memref<64x256xf32, #tpu.memory_space<vmem>>, vector<1x16xf32>,
          %get3A_301 = vector.shape_cast %get3A_300 : vector<1x16xf32> to vector<16xf32>
          %add3A_302 = arith.addf %get3A_297, %get3A_301 : vector<16xf32>
          %swap3A_303 = arith.index_cast %scan3A_169 : i32 to index
          %swap3A_304 = arith.constant 144 : index
          %swap3A_305 = tpu.vector_load %arg11[%swap3A_303, %swap3A_304] {strides = array<i32>} : memref<64x256xf32, #tpu.memory_space<vmem>>, vector<1x16xf32>,
          %swap3A_306 = vector.shape_cast %swap3A_305 : vector<1x16xf32> to vector<16xf32>
          %swap3A_307 = vector.shape_cast %add3A_302 : vector<16xf32> to vector<1x16xf32>
          tpu.vector_store %arg11[%swap3A_303, %swap3A_304], %swap3A_307 {strides = array<i32>} : memref<64x256xf32, #tpu.memory_space<vmem>>, vector<1x16xf32>,
          %get3A_308 = arith.index_cast %scan3A_169 : i32 to index
          %get3A_309 = arith.constant 160 : index
          %get3A_310 = tpu.vector_load %arg11[%get3A_308, %get3A_309] {strides = array<i32>} : memref<64x256xf32, #tpu.memory_space<vmem>>, vector<1x16xf32>,
          %get3A_311 = vector.shape_cast %get3A_310 : vector<1x16xf32> to vector<16xf32>
          %get3A_312 = arith.index_cast %scan3A_169 : i32 to index
          %get3A_313 = arith.constant 160 : index
          %get3A_314 = tpu.vector_load %arg12[%get3A_312, %get3A_313] {strides = array<i32>} : memref<64x256xf32, #tpu.memory_space<vmem>>, vector<1x16xf32>,
          %get3A_315 = vector.shape_cast %get3A_314 : vector<1x16xf32> to vector<16xf32>
          %add3A_316 = arith.addf %get3A_311, %get3A_315 : vector<16xf32>
          %swap3A_317 = arith.index_cast %scan3A_169 : i32 to index
          %swap3A_318 = arith.constant 160 : index
          %swap3A_319 = tpu.vector_load %arg11[%swap3A_317, %swap3A_318] {strides = array<i32>} : memref<64x256xf32, #tpu.memory_space<vmem>>, vector<1x16xf32>,
          %swap3A_320 = vector.shape_cast %swap3A_319 : vector<1x16xf32> to vector<16xf32>
          %swap3A_321 = vector.shape_cast %add3A_316 : vector<16xf32> to vector<1x16xf32>
          tpu.vector_store %arg11[%swap3A_317, %swap3A_318], %swap3A_321 {strides = array<i32>} : memref<64x256xf32, #tpu.memory_space<vmem>>, vector<1x16xf32>,
          %get3A_322 = arith.index_cast %scan3A_169 : i32 to index
          %get3A_323 = arith.constant 176 : index
          %get3A_324 = tpu.vector_load %arg11[%get3A_322, %get3A_323] {strides = array<i32>} : memref<64x256xf32, #tpu.memory_space<vmem>>, vector<1x16xf32>,
          %get3A_325 = vector.shape_cast %get3A_324 : vector<1x16xf32> to vector<16xf32>
          %get3A_326 = arith.index_cast %scan3A_169 : i32 to index
          %get3A_327 = arith.constant 176 : index
          %get3A_328 = tpu.vector_load %arg12[%get3A_326, %get3A_327] {strides = array<i32>} : memref<64x256xf32, #tpu.memory_space<vmem>>, vector<1x16xf32>,
          %get3A_329 = vector.shape_cast %get3A_328 : vector<1x16xf32> to vector<16xf32>
          %add3A_330 = arith.addf %get3A_325, %get3A_329 : vector<16xf32>
          %swap3A_331 = arith.index_cast %scan3A_169 : i32 to index
          %swap3A_332 = arith.constant 176 : index
          %swap3A_333 = tpu.vector_load %arg11[%swap3A_331, %swap3A_332] {strides = array<i32>} : memref<64x256xf32, #tpu.memory_space<vmem>>, vector<1x16xf32>,
          %swap3A_334 = vector.shape_cast %swap3A_333 : vector<1x16xf32> to vector<16xf32>
          %swap3A_335 = vector.shape_cast %add3A_330 : vector<16xf32> to vector<1x16xf32>
          tpu.vector_store %arg11[%swap3A_331, %swap3A_332], %swap3A_335 {strides = array<i32>} : memref<64x256xf32, #tpu.memory_space<vmem>>, vector<1x16xf32>,
          %get3A_336 = arith.index_cast %scan3A_169 : i32 to index
          %get3A_337 = arith.constant 192 : index
          %get3A_338 = tpu.vector_load %arg11[%get3A_336, %get3A_337] {strides = array<i32>} : memref<64x256xf32, #tpu.memory_space<vmem>>, vector<1x16xf32>,
          %get3A_339 = vector.shape_cast %get3A_338 : vector<1x16xf32> to vector<16xf32>
          %get3A_340 = arith.index_cast %scan3A_169 : i32 to index
          %get3A_341 = arith.constant 192 : index
          %get3A_342 = tpu.vector_load %arg12[%get3A_340, %get3A_341] {strides = array<i32>} : memref<64x256xf32, #tpu.memory_space<vmem>>, vector<1x16xf32>,
          %get3A_343 = vector.shape_cast %get3A_342 : vector<1x16xf32> to vector<16xf32>
          %add3A_344 = arith.addf %get3A_339, %get3A_343 : vector<16xf32>
          %swap3A_345 = arith.index_cast %scan3A_169 : i32 to index
          %swap3A_346 = arith.constant 192 : index
          %swap3A_347 = tpu.vector_load %arg11[%swap3A_345, %swap3A_346] {strides = array<i32>} : memref<64x256xf32, #tpu.memory_space<vmem>>, vector<1x16xf32>,
          %swap3A_348 = vector.shape_cast %swap3A_347 : vector<1x16xf32> to vector<16xf32>
          %swap3A_349 = vector.shape_cast %add3A_344 : vector<16xf32> to vector<1x16xf32>
          tpu.vector_store %arg11[%swap3A_345, %swap3A_346], %swap3A_349 {strides = array<i32>} : memref<64x256xf32, #tpu.memory_space<vmem>>, vector<1x16xf32>,
          %get3A_350 = arith.index_cast %scan3A_169 : i32 to index
          %get3A_351 = arith.constant 208 : index
          %get3A_352 = tpu.vector_load %arg11[%get3A_350, %get3A_351] {strides = array<i32>} : memref<64x256xf32, #tpu.memory_space<vmem>>, vector<1x16xf32>,
          %get3A_353 = vector.shape_cast %get3A_352 : vector<1x16xf32> to vector<16xf32>
          %get3A_354 = arith.index_cast %scan3A_169 : i32 to index
          %get3A_355 = arith.constant 208 : index
          %get3A_356 = tpu.vector_load %arg12[%get3A_354, %get3A_355] {strides = array<i32>} : memref<64x256xf32, #tpu.memory_space<vmem>>, vector<1x16xf32>,
          %get3A_357 = vector.shape_cast %get3A_356 : vector<1x16xf32> to vector<16xf32>
          %add3A_358 = arith.addf %get3A_353, %get3A_357 : vector<16xf32>
          %swap3A_359 = arith.index_cast %scan3A_169 : i32 to index
          %swap3A_360 = arith.constant 208 : index
          %swap3A_361 = tpu.vector_load %arg11[%swap3A_359, %swap3A_360] {strides = array<i32>} : memref<64x256xf32, #tpu.memory_space<vmem>>, vector<1x16xf32>,
          %swap3A_362 = vector.shape_cast %swap3A_361 : vector<1x16xf32> to vector<16xf32>
          %swap3A_363 = vector.shape_cast %add3A_358 : vector<16xf32> to vector<1x16xf32>
          tpu.vector_store %arg11[%swap3A_359, %swap3A_360], %swap3A_363 {strides = array<i32>} : memref<64x256xf32, #tpu.memory_space<vmem>>, vector<1x16xf32>,
          %get3A_364 = arith.index_cast %scan3A_169 : i32 to index
          %get3A_365 = arith.constant 224 : index
          %get3A_366 = tpu.vector_load %arg11[%get3A_364, %get3A_365] {strides = array<i32>} : memref<64x256xf32, #tpu.memory_space<vmem>>, vector<1x16xf32>,
          %get3A_367 = vector.shape_cast %get3A_366 : vector<1x16xf32> to vector<16xf32>
          %get3A_368 = arith.index_cast %scan3A_169 : i32 to index
          %get3A_369 = arith.constant 224 : index
          %get3A_370 = tpu.vector_load %arg12[%get3A_368, %get3A_369] {strides = array<i32>} : memref<64x256xf32, #tpu.memory_space<vmem>>, vector<1x16xf32>,
          %get3A_371 = vector.shape_cast %get3A_370 : vector<1x16xf32> to vector<16xf32>
          %add3A_372 = arith.addf %get3A_367, %get3A_371 : vector<16xf32>
          %swap3A_373 = arith.index_cast %scan3A_169 : i32 to index
          %swap3A_374 = arith.constant 224 : index
          %swap3A_375 = tpu.vector_load %arg11[%swap3A_373, %swap3A_374] {strides = array<i32>} : memref<64x256xf32, #tpu.memory_space<vmem>>, vector<1x16xf32>,
          %swap3A_376 = vector.shape_cast %swap3A_375 : vector<1x16xf32> to vector<16xf32>
          %swap3A_377 = vector.shape_cast %add3A_372 : vector<16xf32> to vector<1x16xf32>
          tpu.vector_store %arg11[%swap3A_373, %swap3A_374], %swap3A_377 {strides = array<i32>} : memref<64x256xf32, #tpu.memory_space<vmem>>, vector<1x16xf32>,
          %get3A_378 = arith.index_cast %scan3A_169 : i32 to index
          %get3A_379 = arith.constant 240 : index
          %get3A_380 = tpu.vector_load %arg11[%get3A_378, %get3A_379] {strides = array<i32>} : memref<64x256xf32, #tpu.memory_space<vmem>>, vector<1x16xf32>,
          %get3A_381 = vector.shape_cast %get3A_380 : vector<1x16xf32> to vector<16xf32>
          %get3A_382 = arith.index_cast %scan3A_169 : i32 to index
          %get3A_383 = arith.constant 240 : index
          %get3A_384 = tpu.vector_load %arg12[%get3A_382, %get3A_383] {strides = array<i32>} : memref<64x256xf32, #tpu.memory_space<vmem>>, vector<1x16xf32>,
          %get3A_385 = vector.shape_cast %get3A_384 : vector<1x16xf32> to vector<16xf32>
          %add3A_386 = arith.addf %get3A_381, %get3A_385 : vector<16xf32>
          %swap3A_387 = arith.index_cast %scan3A_169 : i32 to index
          %swap3A_388 = arith.constant 240 : index
          %swap3A_389 = tpu.vector_load %arg11[%swap3A_387, %swap3A_388] {strides = array<i32>} : memref<64x256xf32, #tpu.memory_space<vmem>>, vector<1x16xf32>,
          %swap3A_390 = vector.shape_cast %swap3A_389 : vector<1x16xf32> to vector<16xf32>
          %swap3A_391 = vector.shape_cast %add3A_386 : vector<16xf32> to vector<1x16xf32>
          tpu.vector_store %arg11[%swap3A_387, %swap3A_388], %swap3A_391 {strides = array<i32>} : memref<64x256xf32, #tpu.memory_space<vmem>>, vector<1x16xf32>,
        }
        %scan3A_157 = arith.constant 64 : i32
        %add3A_158 = arith.addi %add3A_5, %while3A_87 : i32
        %mul3A_159 = arith.constant 64 : i32
        %mul3A_160 = arith.muli %add3A_158, %mul3A_159 : i32
        %dma_start3A_161 = arith.constant 0 : i32
        %dma_start3A_162 = tpu.memref_slice %arg7[%mul3A_160, %dma_start3A_161] : memref<160000x256xf32, #tpu.memory_space<hbm>> -> memref<64x256xf32, #tpu.memory_space<hbm>>
        %dma_start3A_163 = arith.constant 0 : i32
        %dma_start3A_164 = tpu.memref_slice %arg7[%mul3A_160, %dma_start3A_163] : memref<160000x256xf32, #tpu.memory_space<hbm>> -> memref<64x256xf32, #tpu.memory_space<hbm>>
        tpu.enqueue_dma source(%arg11 : memref<64x256xf32, #tpu.memory_space<vmem>>) target(%dma_start3A_164 : memref<64x256xf32, #tpu.memory_space<hbm>>) target_semaphore(%arg19 : memref<!tpu.dma_semaphore, #tpu.memory_space<semaphore_mem>>)
        %dma_start3A_165 = arith.constant 0 : i32
        %dma_start3A_166 = tpu.memref_slice %arg8[%mul3A_160, %dma_start3A_165] : memref<160000x256xf32, #tpu.memory_space<hbm>> -> memref<64x256xf32, #tpu.memory_space<hbm>>
        %dma_start3A_167 = arith.constant 0 : i32
        %dma_start3A_168 = tpu.memref_slice %arg8[%mul3A_160, %dma_start3A_167] : memref<160000x256xf32, #tpu.memory_space<hbm>> -> memref<64x256xf32, #tpu.memory_space<hbm>>
        tpu.enqueue_dma source(%arg13 : memref<64x256xf32, #tpu.memory_space<vmem>>) target(%dma_start3A_168 : memref<64x256xf32, #tpu.memory_space<hbm>>) target_semaphore(%arg19 : memref<!tpu.dma_semaphore, #tpu.memory_space<semaphore_mem>>)
      } else {
      }
      %jit3A_105 = arith.constant 2 : i32
      %eq3A_106 = arith.constant 0 : i32
      %eq3A_107 = arith.cmpi eq, %jit3A_105, %eq3A_106 : i32
      %jit3A_108 = arith.constant 1 : i32
      %select_n3A_109 = arith.select %eq3A_107, %jit3A_108, %jit3A_105 : i32
      %rem3A_110 = arith.remsi %while3A_87, %select_n3A_109 : i32
      %ne3A_111 = arith.constant 0 : i32
      %ne3A_112 = arith.cmpi ne, %rem3A_110, %ne3A_111 : i32
      %lt3A_113 = arith.constant 0 : i32
      %lt3A_114 = arith.cmpi slt, %rem3A_110, %lt3A_113 : i32
      %lt3A_115 = arith.constant 0 : i32
      %lt3A_116 = arith.cmpi slt, %select_n3A_109, %lt3A_115 : i32
      %ne3A_117 = arith.xori %lt3A_114, %lt3A_116 : i1
      %and3A_118 = arith.andi %ne3A_117, %ne3A_112 : i1
      %add3A_119 = arith.addi %rem3A_110, %select_n3A_109 : i32
      %select_n3A_120 = arith.select %and3A_118, %add3A_119, %rem3A_110 : i32
      %eq3A_121 = arith.constant 1 : i32
      %eq3A_122 = arith.cmpi eq, %select_n3A_120, %eq3A_121 : i32
      %convert_element_type3A_123 = arith.extui %eq3A_122 : i1 to i32
      %cond3A_124 = arith.constant 0 : i32
      %cond3A_125 = arith.cmpi ne, %convert_element_type3A_123, %cond3A_124 : i32
      scf.if %cond3A_125 {
        %add3A_126 = arith.constant 1 : i32
        %add3A_127 = arith.addi %while3A_87, %add3A_126 : i32
        %lt3A_128 = arith.cmpi slt, %add3A_127, %add3A_9 : i32
        %convert_element_type3A_129 = arith.extui %lt3A_128 : i1 to i32
        %cond3A_130 = arith.constant 0 : i32
        %cond3A_131 = arith.cmpi ne, %convert_element_type3A_129, %cond3A_130 : i32
        scf.if %cond3A_131 {
          %ge3A_169 = arith.constant 1 : i32
          %ge3A_170 = arith.cmpi sge, %while3A_87, %ge3A_169 : i32
          %convert_element_type3A_171 = arith.extui %ge3A_170 : i1 to i32
          %cond3A_172 = arith.constant 0 : i32
          %cond3A_173 = arith.cmpi ne, %convert_element_type3A_171, %cond3A_172 : i32
          scf.if %cond3A_173 {
            %dma_wait3A_197 = arith.constant 0 : i32
            %dma_wait3A_198 = arith.constant 0 : i32
            %dma_wait3A_199 = tpu.memref_slice %arg7[%dma_wait3A_197, %dma_wait3A_198] : memref<160000x256xf32, #tpu.memory_space<hbm>> -> memref<64x256xf32, #tpu.memory_space<hbm>>
            %dma_wait3A_200 = arith.constant 0 : i32
            %dma_wait3A_201 = arith.constant 0 : i32
            %dma_wait3A_202 = tpu.memref_slice %arg7[%dma_wait3A_200, %dma_wait3A_201] : memref<160000x256xf32, #tpu.memory_space<hbm>> -> memref<64x256xf32, #tpu.memory_space<hbm>>
            tpu.wait_dma2 semaphore(%arg19 : memref<!tpu.dma_semaphore, #tpu.memory_space<semaphore_mem>>) src(%arg11 : memref<64x256xf32, #tpu.memory_space<vmem>>) dst(%dma_wait3A_202 : memref<64x256xf32, #tpu.memory_space<hbm>>)
            %dma_wait3A_203 = arith.constant 0 : i32
            %dma_wait3A_204 = arith.constant 0 : i32
            %dma_wait3A_205 = tpu.memref_slice %arg8[%dma_wait3A_203, %dma_wait3A_204] : memref<160000x256xf32, #tpu.memory_space<hbm>> -> memref<64x256xf32, #tpu.memory_space<hbm>>
            %dma_wait3A_206 = arith.constant 0 : i32
            %dma_wait3A_207 = arith.constant 0 : i32
            %dma_wait3A_208 = tpu.memref_slice %arg8[%dma_wait3A_206, %dma_wait3A_207] : memref<160000x256xf32, #tpu.memory_space<hbm>> -> memref<64x256xf32, #tpu.memory_space<hbm>>
            tpu.wait_dma2 semaphore(%arg19 : memref<!tpu.dma_semaphore, #tpu.memory_space<semaphore_mem>>) src(%arg13 : memref<64x256xf32, #tpu.memory_space<vmem>>) dst(%dma_wait3A_208 : memref<64x256xf32, #tpu.memory_space<hbm>>)
          } else {
          }
          %add3A_174 = arith.constant 1 : i32
          %add3A_175 = arith.addi %while3A_87, %add3A_174 : i32
          %add3A_176 = arith.addi %sub3A_31, %add3A_175 : i32
          %dma_start3A_177 = arith.constant 0 : i32
          %dma_start3A_178 = tpu.memref_slice %arg9[%add3A_176, %dma_start3A_177] : memref<88x64xi32, #tpu.memory_space<vmem>> -> memref<1x64xi32, #tpu.memory_space<vmem>>
          %dma_start3A_179 = tpu.memref_squeeze %dma_start3A_178 : memref<1x64xi32, #tpu.memory_space<vmem>> -> memref<64xi32, #tpu.memory_space<vmem>>
          %dma_start3A_180 = arith.constant 0 : i32
          %dma_start3A_181 = arith.constant 0 : i32
          %dma_start3A_182 = tpu.memref_slice %arg3[%dma_start3A_180, %dma_start3A_181] : memref<10000x256xf32, #tpu.memory_space<hbm>> -> memref<10000x256xf32, #tpu.memory_space<hbm>>
          tpu.enqueue_indirect_dma source(%dma_start3A_182 : memref<10000x256xf32, #tpu.memory_space<hbm>>) target(%arg11 : memref<64x256xf32, #tpu.memory_space<vmem>>) offsets(%dma_start3A_179 : memref<64xi32, #tpu.memory_space<vmem>>) semaphore(%arg17 : memref<!tpu.dma_semaphore, #tpu.memory_space<semaphore_mem>>)
          %add3A_183 = arith.addi %sub3A_31, %add3A_175 : i32
          %dma_start3A_184 = arith.constant 0 : i32
          %dma_start3A_185 = tpu.memref_slice %arg10[%add3A_183, %dma_start3A_184] : memref<88x64xi32, #tpu.memory_space<vmem>> -> memref<1x64xi32, #tpu.memory_space<vmem>>
          %dma_start3A_186 = tpu.memref_squeeze %dma_start3A_185 : memref<1x64xi32, #tpu.memory_space<vmem>> -> memref<64xi32, #tpu.memory_space<vmem>>
          %dma_start3A_187 = arith.constant 0 : i32
          %dma_start3A_188 = arith.constant 0 : i32
          %dma_start3A_189 = tpu.memref_slice %arg2[%dma_start3A_187, %dma_start3A_188] : memref<10000x256xf32, #tpu.memory_space<hbm>> -> memref<10000x256xf32, #tpu.memory_space<hbm>>
          tpu.enqueue_indirect_dma source(%dma_start3A_189 : memref<10000x256xf32, #tpu.memory_space<hbm>>) target(%arg12 : memref<64x256xf32, #tpu.memory_space<vmem>>) offsets(%dma_start3A_186 : memref<64xi32, #tpu.memory_space<vmem>>) semaphore(%arg17 : memref<!tpu.dma_semaphore, #tpu.memory_space<semaphore_mem>>)
          %add3A_190 = arith.addi %sub3A_31, %add3A_175 : i32
          %dma_start3A_191 = arith.constant 0 : i32
          %dma_start3A_192 = tpu.memref_slice %arg9[%add3A_190, %dma_start3A_191] : memref<88x64xi32, #tpu.memory_space<vmem>> -> memref<1x64xi32, #tpu.memory_space<vmem>>
          %dma_start3A_193 = tpu.memref_squeeze %dma_start3A_192 : memref<1x64xi32, #tpu.memory_space<vmem>> -> memref<64xi32, #tpu.memory_space<vmem>>
          %dma_start3A_194 = arith.constant 0 : i32
          %dma_start3A_195 = arith.constant 0 : i32
          %dma_start3A_196 = tpu.memref_slice %arg4[%dma_start3A_194, %dma_start3A_195] : memref<10000x256xf32, #tpu.memory_space<hbm>> -> memref<10000x256xf32, #tpu.memory_space<hbm>>
          tpu.enqueue_indirect_dma source(%dma_start3A_196 : memref<10000x256xf32, #tpu.memory_space<hbm>>) target(%arg13 : memref<64x256xf32, #tpu.memory_space<vmem>>) offsets(%dma_start3A_193 : memref<64xi32, #tpu.memory_space<vmem>>) semaphore(%arg17 : memref<!tpu.dma_semaphore, #tpu.memory_space<semaphore_mem>>)
        } else {
        }
        %add3A_132 = arith.addi %sub3A_31, %while3A_87 : i32
        %dma_wait3A_133 = arith.constant 0 : i32
        %dma_wait3A_134 = tpu.memref_slice %arg9[%add3A_132, %dma_wait3A_133] : memref<88x64xi32, #tpu.memory_space<vmem>> -> memref<1x64xi32, #tpu.memory_space<vmem>>
        %dma_wait3A_135 = tpu.memref_squeeze %dma_wait3A_134 : memref<1x64xi32, #tpu.memory_space<vmem>> -> memref<64xi32, #tpu.memory_space<vmem>>
        %dma_wait3A_136 = arith.constant 0 : i32
        %dma_wait3A_137 = arith.constant 0 : i32
        %dma_wait3A_138 = tpu.memref_slice %arg3[%dma_wait3A_136, %dma_wait3A_137] : memref<10000x256xf32, #tpu.memory_space<hbm>> -> memref<10000x256xf32, #tpu.memory_space<hbm>>
        tpu.wait_indirect_dma semaphore(%arg18 : memref<!tpu.dma_semaphore, #tpu.memory_space<semaphore_mem>>) src(%dma_wait3A_138 : memref<10000x256xf32, #tpu.memory_space<hbm>>) dst(%arg14 : memref<64x256xf32, #tpu.memory_space<vmem>>)
        %add3A_139 = arith.addi %sub3A_31, %while3A_87 : i32
        %dma_wait3A_140 = arith.constant 0 : i32
        %dma_wait3A_141 = tpu.memref_slice %arg10[%add3A_139, %dma_wait3A_140] : memref<88x64xi32, #tpu.memory_space<vmem>> -> memref<1x64xi32, #tpu.memory_space<vmem>>
        %dma_wait3A_142 = tpu.memref_squeeze %dma_wait3A_141 : memref<1x64xi32, #tpu.memory_space<vmem>> -> memref<64xi32, #tpu.memory_space<vmem>>
        %dma_wait3A_143 = arith.constant 0 : i32
        %dma_wait3A_144 = arith.constant 0 : i32
        %dma_wait3A_145 = tpu.memref_slice %arg2[%dma_wait3A_143, %dma_wait3A_144] : memref<10000x256xf32, #tpu.memory_space<hbm>> -> memref<10000x256xf32, #tpu.memory_space<hbm>>
        tpu.wait_indirect_dma semaphore(%arg18 : memref<!tpu.dma_semaphore, #tpu.memory_space<semaphore_mem>>) src(%dma_wait3A_145 : memref<10000x256xf32, #tpu.memory_space<hbm>>) dst(%arg15 : memref<64x256xf32, #tpu.memory_space<vmem>>)
        %add3A_146 = arith.addi %sub3A_31, %while3A_87 : i32
        %dma_wait3A_147 = arith.constant 0 : i32
        %dma_wait3A_148 = tpu.memref_slice %arg9[%add3A_146, %dma_wait3A_147] : memref<88x64xi32, #tpu.memory_space<vmem>> -> memref<1x64xi32, #tpu.memory_space<vmem>>
        %dma_wait3A_149 = tpu.memref_squeeze %dma_wait3A_148 : memref<1x64xi32, #tpu.memory_space<vmem>> -> memref<64xi32, #tpu.memory_space<vmem>>
        %dma_wait3A_150 = arith.constant 0 : i32
        %dma_wait3A_151 = arith.constant 0 : i32
        %dma_wait3A_152 = tpu.memref_slice %arg4[%dma_wait3A_150, %dma_wait3A_151] : memref<10000x256xf32, #tpu.memory_space<hbm>> -> memref<10000x256xf32, #tpu.memory_space<hbm>>
        tpu.wait_indirect_dma semaphore(%arg18 : memref<!tpu.dma_semaphore, #tpu.memory_space<semaphore_mem>>) src(%dma_wait3A_152 : memref<10000x256xf32, #tpu.memory_space<hbm>>) dst(%arg16 : memref<64x256xf32, #tpu.memory_space<vmem>>)
        %scan3A = arith.constant 0 : i32
        %scan3A_153 = arith.constant 0 : i32
        %scan3A_154 = arith.constant 64 : i32
        %scan3A_155 = arith.addi %scan3A_153, %scan3A_154 : i32
        %scan3A_156 = arith.constant 1 : i32
        scf.for %scan3A_169 = %scan3A_153 to %scan3A_155 step %scan3A_156  : i32 {
          %get3A = arith.index_cast %scan3A_169 : i32 to index
          %get3A_170 = arith.constant 0 : index
          %get3A_171 = tpu.vector_load %arg14[%get3A, %get3A_170] {strides = array<i32>} : memref<64x256xf32, #tpu.memory_space<vmem>>, vector<1x16xf32>,
          %get3A_172 = vector.shape_cast %get3A_171 : vector<1x16xf32> to vector<16xf32>
          %get3A_173 = arith.index_cast %scan3A_169 : i32 to index
          %get3A_174 = arith.constant 0 : index
          %get3A_175 = tpu.vector_load %arg15[%get3A_173, %get3A_174] {strides = array<i32>} : memref<64x256xf32, #tpu.memory_space<vmem>>, vector<1x16xf32>,
          %get3A_176 = vector.shape_cast %get3A_175 : vector<1x16xf32> to vector<16xf32>
          %add3A_177 = arith.addf %get3A_172, %get3A_176 : vector<16xf32>
          %swap3A = arith.index_cast %scan3A_169 : i32 to index
          %swap3A_178 = arith.constant 0 : index
          %swap3A_179 = tpu.vector_load %arg14[%swap3A, %swap3A_178] {strides = array<i32>} : memref<64x256xf32, #tpu.memory_space<vmem>>, vector<1x16xf32>,
          %swap3A_180 = vector.shape_cast %swap3A_179 : vector<1x16xf32> to vector<16xf32>
          %swap3A_181 = vector.shape_cast %add3A_177 : vector<16xf32> to vector<1x16xf32>
          tpu.vector_store %arg14[%swap3A, %swap3A_178], %swap3A_181 {strides = array<i32>} : memref<64x256xf32, #tpu.memory_space<vmem>>, vector<1x16xf32>,
          %get3A_182 = arith.index_cast %scan3A_169 : i32 to index
          %get3A_183 = arith.constant 16 : index
          %get3A_184 = tpu.vector_load %arg14[%get3A_182, %get3A_183] {strides = array<i32>} : memref<64x256xf32, #tpu.memory_space<vmem>>, vector<1x16xf32>,
          %get3A_185 = vector.shape_cast %get3A_184 : vector<1x16xf32> to vector<16xf32>
          %get3A_186 = arith.index_cast %scan3A_169 : i32 to index
          %get3A_187 = arith.constant 16 : index
          %get3A_188 = tpu.vector_load %arg15[%get3A_186, %get3A_187] {strides = array<i32>} : memref<64x256xf32, #tpu.memory_space<vmem>>, vector<1x16xf32>,
          %get3A_189 = vector.shape_cast %get3A_188 : vector<1x16xf32> to vector<16xf32>
          %add3A_190 = arith.addf %get3A_185, %get3A_189 : vector<16xf32>
          %swap3A_191 = arith.index_cast %scan3A_169 : i32 to index
          %swap3A_192 = arith.constant 16 : index
          %swap3A_193 = tpu.vector_load %arg14[%swap3A_191, %swap3A_192] {strides = array<i32>} : memref<64x256xf32, #tpu.memory_space<vmem>>, vector<1x16xf32>,
          %swap3A_194 = vector.shape_cast %swap3A_193 : vector<1x16xf32> to vector<16xf32>
          %swap3A_195 = vector.shape_cast %add3A_190 : vector<16xf32> to vector<1x16xf32>
          tpu.vector_store %arg14[%swap3A_191, %swap3A_192], %swap3A_195 {strides = array<i32>} : memref<64x256xf32, #tpu.memory_space<vmem>>, vector<1x16xf32>,
          %get3A_196 = arith.index_cast %scan3A_169 : i32 to index
          %get3A_197 = arith.constant 32 : index
          %get3A_198 = tpu.vector_load %arg14[%get3A_196, %get3A_197] {strides = array<i32>} : memref<64x256xf32, #tpu.memory_space<vmem>>, vector<1x16xf32>,
          %get3A_199 = vector.shape_cast %get3A_198 : vector<1x16xf32> to vector<16xf32>
          %get3A_200 = arith.index_cast %scan3A_169 : i32 to index
          %get3A_201 = arith.constant 32 : index
          %get3A_202 = tpu.vector_load %arg15[%get3A_200, %get3A_201] {strides = array<i32>} : memref<64x256xf32, #tpu.memory_space<vmem>>, vector<1x16xf32>,
          %get3A_203 = vector.shape_cast %get3A_202 : vector<1x16xf32> to vector<16xf32>
          %add3A_204 = arith.addf %get3A_199, %get3A_203 : vector<16xf32>
          %swap3A_205 = arith.index_cast %scan3A_169 : i32 to index
          %swap3A_206 = arith.constant 32 : index
          %swap3A_207 = tpu.vector_load %arg14[%swap3A_205, %swap3A_206] {strides = array<i32>} : memref<64x256xf32, #tpu.memory_space<vmem>>, vector<1x16xf32>,
          %swap3A_208 = vector.shape_cast %swap3A_207 : vector<1x16xf32> to vector<16xf32>
          %swap3A_209 = vector.shape_cast %add3A_204 : vector<16xf32> to vector<1x16xf32>
          tpu.vector_store %arg14[%swap3A_205, %swap3A_206], %swap3A_209 {strides = array<i32>} : memref<64x256xf32, #tpu.memory_space<vmem>>, vector<1x16xf32>,
          %get3A_210 = arith.index_cast %scan3A_169 : i32 to index
          %get3A_211 = arith.constant 48 : index
          %get3A_212 = tpu.vector_load %arg14[%get3A_210, %get3A_211] {strides = array<i32>} : memref<64x256xf32, #tpu.memory_space<vmem>>, vector<1x16xf32>,
          %get3A_213 = vector.shape_cast %get3A_212 : vector<1x16xf32> to vector<16xf32>
          %get3A_214 = arith.index_cast %scan3A_169 : i32 to index
          %get3A_215 = arith.constant 48 : index
          %get3A_216 = tpu.vector_load %arg15[%get3A_214, %get3A_215] {strides = array<i32>} : memref<64x256xf32, #tpu.memory_space<vmem>>, vector<1x16xf32>,
          %get3A_217 = vector.shape_cast %get3A_216 : vector<1x16xf32> to vector<16xf32>
          %add3A_218 = arith.addf %get3A_213, %get3A_217 : vector<16xf32>
          %swap3A_219 = arith.index_cast %scan3A_169 : i32 to index
          %swap3A_220 = arith.constant 48 : index
          %swap3A_221 = tpu.vector_load %arg14[%swap3A_219, %swap3A_220] {strides = array<i32>} : memref<64x256xf32, #tpu.memory_space<vmem>>, vector<1x16xf32>,
          %swap3A_222 = vector.shape_cast %swap3A_221 : vector<1x16xf32> to vector<16xf32>
          %swap3A_223 = vector.shape_cast %add3A_218 : vector<16xf32> to vector<1x16xf32>
          tpu.vector_store %arg14[%swap3A_219, %swap3A_220], %swap3A_223 {strides = array<i32>} : memref<64x256xf32, #tpu.memory_space<vmem>>, vector<1x16xf32>,
          %get3A_224 = arith.index_cast %scan3A_169 : i32 to index
          %get3A_225 = arith.constant 64 : index
          %get3A_226 = tpu.vector_load %arg14[%get3A_224, %get3A_225] {strides = array<i32>} : memref<64x256xf32, #tpu.memory_space<vmem>>, vector<1x16xf32>,
          %get3A_227 = vector.shape_cast %get3A_226 : vector<1x16xf32> to vector<16xf32>
          %get3A_228 = arith.index_cast %scan3A_169 : i32 to index
          %get3A_229 = arith.constant 64 : index
          %get3A_230 = tpu.vector_load %arg15[%get3A_228, %get3A_229] {strides = array<i32>} : memref<64x256xf32, #tpu.memory_space<vmem>>, vector<1x16xf32>,
          %get3A_231 = vector.shape_cast %get3A_230 : vector<1x16xf32> to vector<16xf32>
          %add3A_232 = arith.addf %get3A_227, %get3A_231 : vector<16xf32>
          %swap3A_233 = arith.index_cast %scan3A_169 : i32 to index
          %swap3A_234 = arith.constant 64 : index
          %swap3A_235 = tpu.vector_load %arg14[%swap3A_233, %swap3A_234] {strides = array<i32>} : memref<64x256xf32, #tpu.memory_space<vmem>>, vector<1x16xf32>,
          %swap3A_236 = vector.shape_cast %swap3A_235 : vector<1x16xf32> to vector<16xf32>
          %swap3A_237 = vector.shape_cast %add3A_232 : vector<16xf32> to vector<1x16xf32>
          tpu.vector_store %arg14[%swap3A_233, %swap3A_234], %swap3A_237 {strides = array<i32>} : memref<64x256xf32, #tpu.memory_space<vmem>>, vector<1x16xf32>,
          %get3A_238 = arith.index_cast %scan3A_169 : i32 to index
          %get3A_239 = arith.constant 80 : index
          %get3A_240 = tpu.vector_load %arg14[%get3A_238, %get3A_239] {strides = array<i32>} : memref<64x256xf32, #tpu.memory_space<vmem>>, vector<1x16xf32>,
          %get3A_241 = vector.shape_cast %get3A_240 : vector<1x16xf32> to vector<16xf32>
          %get3A_242 = arith.index_cast %scan3A_169 : i32 to index
          %get3A_243 = arith.constant 80 : index
          %get3A_244 = tpu.vector_load %arg15[%get3A_242, %get3A_243] {strides = array<i32>} : memref<64x256xf32, #tpu.memory_space<vmem>>, vector<1x16xf32>,
          %get3A_245 = vector.shape_cast %get3A_244 : vector<1x16xf32> to vector<16xf32>
          %add3A_246 = arith.addf %get3A_241, %get3A_245 : vector<16xf32>
          %swap3A_247 = arith.index_cast %scan3A_169 : i32 to index
          %swap3A_248 = arith.constant 80 : index
          %swap3A_249 = tpu.vector_load %arg14[%swap3A_247, %swap3A_248] {strides = array<i32>} : memref<64x256xf32, #tpu.memory_space<vmem>>, vector<1x16xf32>,
          %swap3A_250 = vector.shape_cast %swap3A_249 : vector<1x16xf32> to vector<16xf32>
          %swap3A_251 = vector.shape_cast %add3A_246 : vector<16xf32> to vector<1x16xf32>
          tpu.vector_store %arg14[%swap3A_247, %swap3A_248], %swap3A_251 {strides = array<i32>} : memref<64x256xf32, #tpu.memory_space<vmem>>, vector<1x16xf32>,
          %get3A_252 = arith.index_cast %scan3A_169 : i32 to index
          %get3A_253 = arith.constant 96 : index
          %get3A_254 = tpu.vector_load %arg14[%get3A_252, %get3A_253] {strides = array<i32>} : memref<64x256xf32, #tpu.memory_space<vmem>>, vector<1x16xf32>,
          %get3A_255 = vector.shape_cast %get3A_254 : vector<1x16xf32> to vector<16xf32>
          %get3A_256 = arith.index_cast %scan3A_169 : i32 to index
          %get3A_257 = arith.constant 96 : index
          %get3A_258 = tpu.vector_load %arg15[%get3A_256, %get3A_257] {strides = array<i32>} : memref<64x256xf32, #tpu.memory_space<vmem>>, vector<1x16xf32>,
          %get3A_259 = vector.shape_cast %get3A_258 : vector<1x16xf32> to vector<16xf32>
          %add3A_260 = arith.addf %get3A_255, %get3A_259 : vector<16xf32>
          %swap3A_261 = arith.index_cast %scan3A_169 : i32 to index
          %swap3A_262 = arith.constant 96 : index
          %swap3A_263 = tpu.vector_load %arg14[%swap3A_261, %swap3A_262] {strides = array<i32>} : memref<64x256xf32, #tpu.memory_space<vmem>>, vector<1x16xf32>,
          %swap3A_264 = vector.shape_cast %swap3A_263 : vector<1x16xf32> to vector<16xf32>
          %swap3A_265 = vector.shape_cast %add3A_260 : vector<16xf32> to vector<1x16xf32>
          tpu.vector_store %arg14[%swap3A_261, %swap3A_262], %swap3A_265 {strides = array<i32>} : memref<64x256xf32, #tpu.memory_space<vmem>>, vector<1x16xf32>,
          %get3A_266 = arith.index_cast %scan3A_169 : i32 to index
          %get3A_267 = arith.constant 112 : index
          %get3A_268 = tpu.vector_load %arg14[%get3A_266, %get3A_267] {strides = array<i32>} : memref<64x256xf32, #tpu.memory_space<vmem>>, vector<1x16xf32>,
          %get3A_269 = vector.shape_cast %get3A_268 : vector<1x16xf32> to vector<16xf32>
          %get3A_270 = arith.index_cast %scan3A_169 : i32 to index
          %get3A_271 = arith.constant 112 : index
          %get3A_272 = tpu.vector_load %arg15[%get3A_270, %get3A_271] {strides = array<i32>} : memref<64x256xf32, #tpu.memory_space<vmem>>, vector<1x16xf32>,
          %get3A_273 = vector.shape_cast %get3A_272 : vector<1x16xf32> to vector<16xf32>
          %add3A_274 = arith.addf %get3A_269, %get3A_273 : vector<16xf32>
          %swap3A_275 = arith.index_cast %scan3A_169 : i32 to index
          %swap3A_276 = arith.constant 112 : index
          %swap3A_277 = tpu.vector_load %arg14[%swap3A_275, %swap3A_276] {strides = array<i32>} : memref<64x256xf32, #tpu.memory_space<vmem>>, vector<1x16xf32>,
          %swap3A_278 = vector.shape_cast %swap3A_277 : vector<1x16xf32> to vector<16xf32>
          %swap3A_279 = vector.shape_cast %add3A_274 : vector<16xf32> to vector<1x16xf32>
          tpu.vector_store %arg14[%swap3A_275, %swap3A_276], %swap3A_279 {strides = array<i32>} : memref<64x256xf32, #tpu.memory_space<vmem>>, vector<1x16xf32>,
          %get3A_280 = arith.index_cast %scan3A_169 : i32 to index
          %get3A_281 = arith.constant 128 : index
          %get3A_282 = tpu.vector_load %arg14[%get3A_280, %get3A_281] {strides = array<i32>} : memref<64x256xf32, #tpu.memory_space<vmem>>, vector<1x16xf32>,
          %get3A_283 = vector.shape_cast %get3A_282 : vector<1x16xf32> to vector<16xf32>
          %get3A_284 = arith.index_cast %scan3A_169 : i32 to index
          %get3A_285 = arith.constant 128 : index
          %get3A_286 = tpu.vector_load %arg15[%get3A_284, %get3A_285] {strides = array<i32>} : memref<64x256xf32, #tpu.memory_space<vmem>>, vector<1x16xf32>,
          %get3A_287 = vector.shape_cast %get3A_286 : vector<1x16xf32> to vector<16xf32>
          %add3A_288 = arith.addf %get3A_283, %get3A_287 : vector<16xf32>
          %swap3A_289 = arith.index_cast %scan3A_169 : i32 to index
          %swap3A_290 = arith.constant 128 : index
          %swap3A_291 = tpu.vector_load %arg14[%swap3A_289, %swap3A_290] {strides = array<i32>} : memref<64x256xf32, #tpu.memory_space<vmem>>, vector<1x16xf32>,
          %swap3A_292 = vector.shape_cast %swap3A_291 : vector<1x16xf32> to vector<16xf32>
          %swap3A_293 = vector.shape_cast %add3A_288 : vector<16xf32> to vector<1x16xf32>
          tpu.vector_store %arg14[%swap3A_289, %swap3A_290], %swap3A_293 {strides = array<i32>} : memref<64x256xf32, #tpu.memory_space<vmem>>, vector<1x16xf32>,
          %get3A_294 = arith.index_cast %scan3A_169 : i32 to index
          %get3A_295 = arith.constant 144 : index
          %get3A_296 = tpu.vector_load %arg14[%get3A_294, %get3A_295] {strides = array<i32>} : memref<64x256xf32, #tpu.memory_space<vmem>>, vector<1x16xf32>,
          %get3A_297 = vector.shape_cast %get3A_296 : vector<1x16xf32> to vector<16xf32>
          %get3A_298 = arith.index_cast %scan3A_169 : i32 to index
          %get3A_299 = arith.constant 144 : index
          %get3A_300 = tpu.vector_load %arg15[%get3A_298, %get3A_299] {strides = array<i32>} : memref<64x256xf32, #tpu.memory_space<vmem>>, vector<1x16xf32>,
          %get3A_301 = vector.shape_cast %get3A_300 : vector<1x16xf32> to vector<16xf32>
          %add3A_302 = arith.addf %get3A_297, %get3A_301 : vector<16xf32>
          %swap3A_303 = arith.index_cast %scan3A_169 : i32 to index
          %swap3A_304 = arith.constant 144 : index
          %swap3A_305 = tpu.vector_load %arg14[%swap3A_303, %swap3A_304] {strides = array<i32>} : memref<64x256xf32, #tpu.memory_space<vmem>>, vector<1x16xf32>,
          %swap3A_306 = vector.shape_cast %swap3A_305 : vector<1x16xf32> to vector<16xf32>
          %swap3A_307 = vector.shape_cast %add3A_302 : vector<16xf32> to vector<1x16xf32>
          tpu.vector_store %arg14[%swap3A_303, %swap3A_304], %swap3A_307 {strides = array<i32>} : memref<64x256xf32, #tpu.memory_space<vmem>>, vector<1x16xf32>,
          %get3A_308 = arith.index_cast %scan3A_169 : i32 to index
          %get3A_309 = arith.constant 160 : index
          %get3A_310 = tpu.vector_load %arg14[%get3A_308, %get3A_309] {strides = array<i32>} : memref<64x256xf32, #tpu.memory_space<vmem>>, vector<1x16xf32>,
          %get3A_311 = vector.shape_cast %get3A_310 : vector<1x16xf32> to vector<16xf32>
          %get3A_312 = arith.index_cast %scan3A_169 : i32 to index
          %get3A_313 = arith.constant 160 : index
          %get3A_314 = tpu.vector_load %arg15[%get3A_312, %get3A_313] {strides = array<i32>} : memref<64x256xf32, #tpu.memory_space<vmem>>, vector<1x16xf32>,
          %get3A_315 = vector.shape_cast %get3A_314 : vector<1x16xf32> to vector<16xf32>
          %add3A_316 = arith.addf %get3A_311, %get3A_315 : vector<16xf32>
          %swap3A_317 = arith.index_cast %scan3A_169 : i32 to index
          %swap3A_318 = arith.constant 160 : index
          %swap3A_319 = tpu.vector_load %arg14[%swap3A_317, %swap3A_318] {strides = array<i32>} : memref<64x256xf32, #tpu.memory_space<vmem>>, vector<1x16xf32>,
          %swap3A_320 = vector.shape_cast %swap3A_319 : vector<1x16xf32> to vector<16xf32>
          %swap3A_321 = vector.shape_cast %add3A_316 : vector<16xf32> to vector<1x16xf32>
          tpu.vector_store %arg14[%swap3A_317, %swap3A_318], %swap3A_321 {strides = array<i32>} : memref<64x256xf32, #tpu.memory_space<vmem>>, vector<1x16xf32>,
          %get3A_322 = arith.index_cast %scan3A_169 : i32 to index
          %get3A_323 = arith.constant 176 : index
          %get3A_324 = tpu.vector_load %arg14[%get3A_322, %get3A_323] {strides = array<i32>} : memref<64x256xf32, #tpu.memory_space<vmem>>, vector<1x16xf32>,
          %get3A_325 = vector.shape_cast %get3A_324 : vector<1x16xf32> to vector<16xf32>
          %get3A_326 = arith.index_cast %scan3A_169 : i32 to index
          %get3A_327 = arith.constant 176 : index
          %get3A_328 = tpu.vector_load %arg15[%get3A_326, %get3A_327] {strides = array<i32>} : memref<64x256xf32, #tpu.memory_space<vmem>>, vector<1x16xf32>,
          %get3A_329 = vector.shape_cast %get3A_328 : vector<1x16xf32> to vector<16xf32>
          %add3A_330 = arith.addf %get3A_325, %get3A_329 : vector<16xf32>
          %swap3A_331 = arith.index_cast %scan3A_169 : i32 to index
          %swap3A_332 = arith.constant 176 : index
          %swap3A_333 = tpu.vector_load %arg14[%swap3A_331, %swap3A_332] {strides = array<i32>} : memref<64x256xf32, #tpu.memory_space<vmem>>, vector<1x16xf32>,
          %swap3A_334 = vector.shape_cast %swap3A_333 : vector<1x16xf32> to vector<16xf32>
          %swap3A_335 = vector.shape_cast %add3A_330 : vector<16xf32> to vector<1x16xf32>
          tpu.vector_store %arg14[%swap3A_331, %swap3A_332], %swap3A_335 {strides = array<i32>} : memref<64x256xf32, #tpu.memory_space<vmem>>, vector<1x16xf32>,
          %get3A_336 = arith.index_cast %scan3A_169 : i32 to index
          %get3A_337 = arith.constant 192 : index
          %get3A_338 = tpu.vector_load %arg14[%get3A_336, %get3A_337] {strides = array<i32>} : memref<64x256xf32, #tpu.memory_space<vmem>>, vector<1x16xf32>,
          %get3A_339 = vector.shape_cast %get3A_338 : vector<1x16xf32> to vector<16xf32>
          %get3A_340 = arith.index_cast %scan3A_169 : i32 to index
          %get3A_341 = arith.constant 192 : index
          %get3A_342 = tpu.vector_load %arg15[%get3A_340, %get3A_341] {strides = array<i32>} : memref<64x256xf32, #tpu.memory_space<vmem>>, vector<1x16xf32>,
          %get3A_343 = vector.shape_cast %get3A_342 : vector<1x16xf32> to vector<16xf32>
          %add3A_344 = arith.addf %get3A_339, %get3A_343 : vector<16xf32>
          %swap3A_345 = arith.index_cast %scan3A_169 : i32 to index
          %swap3A_346 = arith.constant 192 : index
          %swap3A_347 = tpu.vector_load %arg14[%swap3A_345, %swap3A_346] {strides = array<i32>} : memref<64x256xf32, #tpu.memory_space<vmem>>, vector<1x16xf32>,
          %swap3A_348 = vector.shape_cast %swap3A_347 : vector<1x16xf32> to vector<16xf32>
          %swap3A_349 = vector.shape_cast %add3A_344 : vector<16xf32> to vector<1x16xf32>
          tpu.vector_store %arg14[%swap3A_345, %swap3A_346], %swap3A_349 {strides = array<i32>} : memref<64x256xf32, #tpu.memory_space<vmem>>, vector<1x16xf32>,
          %get3A_350 = arith.index_cast %scan3A_169 : i32 to index
          %get3A_351 = arith.constant 208 : index
          %get3A_352 = tpu.vector_load %arg14[%get3A_350, %get3A_351] {strides = array<i32>} : memref<64x256xf32, #tpu.memory_space<vmem>>, vector<1x16xf32>,
          %get3A_353 = vector.shape_cast %get3A_352 : vector<1x16xf32> to vector<16xf32>
          %get3A_354 = arith.index_cast %scan3A_169 : i32 to index
          %get3A_355 = arith.constant 208 : index
          %get3A_356 = tpu.vector_load %arg15[%get3A_354, %get3A_355] {strides = array<i32>} : memref<64x256xf32, #tpu.memory_space<vmem>>, vector<1x16xf32>,
          %get3A_357 = vector.shape_cast %get3A_356 : vector<1x16xf32> to vector<16xf32>
          %add3A_358 = arith.addf %get3A_353, %get3A_357 : vector<16xf32>
          %swap3A_359 = arith.index_cast %scan3A_169 : i32 to index
          %swap3A_360 = arith.constant 208 : index
          %swap3A_361 = tpu.vector_load %arg14[%swap3A_359, %swap3A_360] {strides = array<i32>} : memref<64x256xf32, #tpu.memory_space<vmem>>, vector<1x16xf32>,
          %swap3A_362 = vector.shape_cast %swap3A_361 : vector<1x16xf32> to vector<16xf32>
          %swap3A_363 = vector.shape_cast %add3A_358 : vector<16xf32> to vector<1x16xf32>
          tpu.vector_store %arg14[%swap3A_359, %swap3A_360], %swap3A_363 {strides = array<i32>} : memref<64x256xf32, #tpu.memory_space<vmem>>, vector<1x16xf32>,
          %get3A_364 = arith.index_cast %scan3A_169 : i32 to index
          %get3A_365 = arith.constant 224 : index
          %get3A_366 = tpu.vector_load %arg14[%get3A_364, %get3A_365] {strides = array<i32>} : memref<64x256xf32, #tpu.memory_space<vmem>>, vector<1x16xf32>,
          %get3A_367 = vector.shape_cast %get3A_366 : vector<1x16xf32> to vector<16xf32>
          %get3A_368 = arith.index_cast %scan3A_169 : i32 to index
          %get3A_369 = arith.constant 224 : index
          %get3A_370 = tpu.vector_load %arg15[%get3A_368, %get3A_369] {strides = array<i32>} : memref<64x256xf32, #tpu.memory_space<vmem>>, vector<1x16xf32>,
          %get3A_371 = vector.shape_cast %get3A_370 : vector<1x16xf32> to vector<16xf32>
          %add3A_372 = arith.addf %get3A_367, %get3A_371 : vector<16xf32>
          %swap3A_373 = arith.index_cast %scan3A_169 : i32 to index
          %swap3A_374 = arith.constant 224 : index
          %swap3A_375 = tpu.vector_load %arg14[%swap3A_373, %swap3A_374] {strides = array<i32>} : memref<64x256xf32, #tpu.memory_space<vmem>>, vector<1x16xf32>,
          %swap3A_376 = vector.shape_cast %swap3A_375 : vector<1x16xf32> to vector<16xf32>
          %swap3A_377 = vector.shape_cast %add3A_372 : vector<16xf32> to vector<1x16xf32>
          tpu.vector_store %arg14[%swap3A_373, %swap3A_374], %swap3A_377 {strides = array<i32>} : memref<64x256xf32, #tpu.memory_space<vmem>>, vector<1x16xf32>,
          %get3A_378 = arith.index_cast %scan3A_169 : i32 to index
          %get3A_379 = arith.constant 240 : index
          %get3A_380 = tpu.vector_load %arg14[%get3A_378, %get3A_379] {strides = array<i32>} : memref<64x256xf32, #tpu.memory_space<vmem>>, vector<1x16xf32>,
          %get3A_381 = vector.shape_cast %get3A_380 : vector<1x16xf32> to vector<16xf32>
          %get3A_382 = arith.index_cast %scan3A_169 : i32 to index
          %get3A_383 = arith.constant 240 : index
          %get3A_384 = tpu.vector_load %arg15[%get3A_382, %get3A_383] {strides = array<i32>} : memref<64x256xf32, #tpu.memory_space<vmem>>, vector<1x16xf32>,
          %get3A_385 = vector.shape_cast %get3A_384 : vector<1x16xf32> to vector<16xf32>
          %add3A_386 = arith.addf %get3A_381, %get3A_385 : vector<16xf32>
          %swap3A_387 = arith.index_cast %scan3A_169 : i32 to index
          %swap3A_388 = arith.constant 240 : index
          %swap3A_389 = tpu.vector_load %arg14[%swap3A_387, %swap3A_388] {strides = array<i32>} : memref<64x256xf32, #tpu.memory_space<vmem>>, vector<1x16xf32>,
          %swap3A_390 = vector.shape_cast %swap3A_389 : vector<1x16xf32> to vector<16xf32>
          %swap3A_391 = vector.shape_cast %add3A_386 : vector<16xf32> to vector<1x16xf32>
          tpu.vector_store %arg14[%swap3A_387, %swap3A_388], %swap3A_391 {strides = array<i32>} : memref<64x256xf32, #tpu.memory_space<vmem>>, vector<1x16xf32>,
        }
        %scan3A_157 = arith.constant 64 : i32
        %add3A_158 = arith.addi %add3A_5, %while3A_87 : i32
        %mul3A_159 = arith.constant 64 : i32
        %mul3A_160 = arith.muli %add3A_158, %mul3A_159 : i32
        %dma_start3A_161 = arith.constant 0 : i32
        %dma_start3A_162 = tpu.memref_slice %arg7[%mul3A_160, %dma_start3A_161] : memref<160000x256xf32, #tpu.memory_space<hbm>> -> memref<64x256xf32, #tpu.memory_space<hbm>>
        %dma_start3A_163 = arith.constant 0 : i32
        %dma_start3A_164 = tpu.memref_slice %arg7[%mul3A_160, %dma_start3A_163] : memref<160000x256xf32, #tpu.memory_space<hbm>> -> memref<64x256xf32, #tpu.memory_space<hbm>>
        tpu.enqueue_dma source(%arg14 : memref<64x256xf32, #tpu.memory_space<vmem>>) target(%dma_start3A_164 : memref<64x256xf32, #tpu.memory_space<hbm>>) target_semaphore(%arg20 : memref<!tpu.dma_semaphore, #tpu.memory_space<semaphore_mem>>)
        %dma_start3A_165 = arith.constant 0 : i32
        %dma_start3A_166 = tpu.memref_slice %arg8[%mul3A_160, %dma_start3A_165] : memref<160000x256xf32, #tpu.memory_space<hbm>> -> memref<64x256xf32, #tpu.memory_space<hbm>>
        %dma_start3A_167 = arith.constant 0 : i32
        %dma_start3A_168 = tpu.memref_slice %arg8[%mul3A_160, %dma_start3A_167] : memref<160000x256xf32, #tpu.memory_space<hbm>> -> memref<64x256xf32, #tpu.memory_space<hbm>>
        tpu.enqueue_dma source(%arg16 : memref<64x256xf32, #tpu.memory_space<vmem>>) target(%dma_start3A_168 : memref<64x256xf32, #tpu.memory_space<hbm>>) target_semaphore(%arg20 : memref<!tpu.dma_semaphore, #tpu.memory_space<semaphore_mem>>)
      } else {
      }
    }
    %while3A_63 = arith.constant 1 : i32
    scf.for %while3A_87 = %while3A_61 to %while3A_57 step %while3A_63  : i32 {
      %jit3A_88 = arith.constant 2 : i32
      %eq3A = arith.constant 0 : i32
      %eq3A_89 = arith.cmpi eq, %jit3A_88, %eq3A : i32
      %jit3A_90 = arith.constant 1 : i32
      %select_n3A_91 = arith.select %eq3A_89, %jit3A_90, %jit3A_88 : i32
      %rem3A_92 = arith.remsi %while3A_87, %select_n3A_91 : i32
      %ne3A_93 = arith.constant 0 : i32
      %ne3A_94 = arith.cmpi ne, %rem3A_92, %ne3A_93 : i32
      %lt3A = arith.constant 0 : i32
      %lt3A_95 = arith.cmpi slt, %rem3A_92, %lt3A : i32
      %lt3A_96 = arith.constant 0 : i32
      %lt3A_97 = arith.cmpi slt, %select_n3A_91, %lt3A_96 : i32
      %ne3A_98 = arith.xori %lt3A_95, %lt3A_97 : i1
      %and3A_99 = arith.andi %ne3A_98, %ne3A_94 : i1
      %add3A_100 = arith.addi %rem3A_92, %select_n3A_91 : i32
      %select_n3A_101 = arith.select %and3A_99, %add3A_100, %rem3A_92 : i32
      %eq3A_102 = arith.constant 0 : i32
      %eq3A_103 = arith.cmpi eq, %select_n3A_101, %eq3A_102 : i32
      %convert_element_type3A = arith.extui %eq3A_103 : i1 to i32
      %cond3A = arith.constant 0 : i32
      %cond3A_104 = arith.cmpi ne, %convert_element_type3A, %cond3A : i32
      scf.if %cond3A_104 {
        %add3A_126 = arith.constant 1 : i32
        %add3A_127 = arith.addi %while3A_87, %add3A_126 : i32
        %lt3A_128 = arith.cmpi slt, %add3A_127, %add3A_9 : i32
        %convert_element_type3A_129 = arith.extui %lt3A_128 : i1 to i32
        %cond3A_130 = arith.constant 0 : i32
        %cond3A_131 = arith.cmpi ne, %convert_element_type3A_129, %cond3A_130 : i32
        scf.if %cond3A_131 {
          %ge3A_169 = arith.constant 1 : i32
          %ge3A_170 = arith.cmpi sge, %while3A_87, %ge3A_169 : i32
          %convert_element_type3A_171 = arith.extui %ge3A_170 : i1 to i32
          %cond3A_172 = arith.constant 0 : i32
          %cond3A_173 = arith.cmpi ne, %convert_element_type3A_171, %cond3A_172 : i32
          scf.if %cond3A_173 {
            %dma_wait3A_197 = arith.constant 0 : i32
            %dma_wait3A_198 = arith.constant 0 : i32
            %dma_wait3A_199 = tpu.memref_slice %arg7[%dma_wait3A_197, %dma_wait3A_198] : memref<160000x256xf32, #tpu.memory_space<hbm>> -> memref<64x256xf32, #tpu.memory_space<hbm>>
            %dma_wait3A_200 = arith.constant 0 : i32
            %dma_wait3A_201 = arith.constant 0 : i32
            %dma_wait3A_202 = tpu.memref_slice %arg7[%dma_wait3A_200, %dma_wait3A_201] : memref<160000x256xf32, #tpu.memory_space<hbm>> -> memref<64x256xf32, #tpu.memory_space<hbm>>
            tpu.wait_dma2 semaphore(%arg20 : memref<!tpu.dma_semaphore, #tpu.memory_space<semaphore_mem>>) src(%arg14 : memref<64x256xf32, #tpu.memory_space<vmem>>) dst(%dma_wait3A_202 : memref<64x256xf32, #tpu.memory_space<hbm>>)
            %dma_wait3A_203 = arith.constant 0 : i32
            %dma_wait3A_204 = arith.constant 0 : i32
            %dma_wait3A_205 = tpu.memref_slice %arg8[%dma_wait3A_203, %dma_wait3A_204] : memref<160000x256xf32, #tpu.memory_space<hbm>> -> memref<64x256xf32, #tpu.memory_space<hbm>>
            %dma_wait3A_206 = arith.constant 0 : i32
            %dma_wait3A_207 = arith.constant 0 : i32
            %dma_wait3A_208 = tpu.memref_slice %arg8[%dma_wait3A_206, %dma_wait3A_207] : memref<160000x256xf32, #tpu.memory_space<hbm>> -> memref<64x256xf32, #tpu.memory_space<hbm>>
            tpu.wait_dma2 semaphore(%arg20 : memref<!tpu.dma_semaphore, #tpu.memory_space<semaphore_mem>>) src(%arg16 : memref<64x256xf32, #tpu.memory_space<vmem>>) dst(%dma_wait3A_208 : memref<64x256xf32, #tpu.memory_space<hbm>>)
          } else {
          }
          %add3A_174 = arith.constant 1 : i32
          %add3A_175 = arith.addi %while3A_87, %add3A_174 : i32
          %add3A_176 = arith.addi %sub3A_31, %add3A_175 : i32
          %dma_start3A_177 = arith.constant 0 : i32
          %dma_start3A_178 = tpu.memref_slice %arg9[%add3A_176, %dma_start3A_177] : memref<88x64xi32, #tpu.memory_space<vmem>> -> memref<1x64xi32, #tpu.memory_space<vmem>>
          %dma_start3A_179 = tpu.memref_squeeze %dma_start3A_178 : memref<1x64xi32, #tpu.memory_space<vmem>> -> memref<64xi32, #tpu.memory_space<vmem>>
          %dma_start3A_180 = arith.constant 0 : i32
          %dma_start3A_181 = arith.constant 0 : i32
          %dma_start3A_182 = tpu.memref_slice %arg3[%dma_start3A_180, %dma_start3A_181] : memref<10000x256xf32, #tpu.memory_space<hbm>> -> memref<10000x256xf32, #tpu.memory_space<hbm>>
          tpu.enqueue_indirect_dma source(%dma_start3A_182 : memref<10000x256xf32, #tpu.memory_space<hbm>>) target(%arg14 : memref<64x256xf32, #tpu.memory_space<vmem>>) offsets(%dma_start3A_179 : memref<64xi32, #tpu.memory_space<vmem>>) semaphore(%arg18 : memref<!tpu.dma_semaphore, #tpu.memory_space<semaphore_mem>>)
          %add3A_183 = arith.addi %sub3A_31, %add3A_175 : i32
          %dma_start3A_184 = arith.constant 0 : i32
          %dma_start3A_185 = tpu.memref_slice %arg10[%add3A_183, %dma_start3A_184] : memref<88x64xi32, #tpu.memory_space<vmem>> -> memref<1x64xi32, #tpu.memory_space<vmem>>
          %dma_start3A_186 = tpu.memref_squeeze %dma_start3A_185 : memref<1x64xi32, #tpu.memory_space<vmem>> -> memref<64xi32, #tpu.memory_space<vmem>>
          %dma_start3A_187 = arith.constant 0 : i32
          %dma_start3A_188 = arith.constant 0 : i32
          %dma_start3A_189 = tpu.memref_slice %arg2[%dma_start3A_187, %dma_start3A_188] : memref<10000x256xf32, #tpu.memory_space<hbm>> -> memref<10000x256xf32, #tpu.memory_space<hbm>>
          tpu.enqueue_indirect_dma source(%dma_start3A_189 : memref<10000x256xf32, #tpu.memory_space<hbm>>) target(%arg15 : memref<64x256xf32, #tpu.memory_space<vmem>>) offsets(%dma_start3A_186 : memref<64xi32, #tpu.memory_space<vmem>>) semaphore(%arg18 : memref<!tpu.dma_semaphore, #tpu.memory_space<semaphore_mem>>)
          %add3A_190 = arith.addi %sub3A_31, %add3A_175 : i32
          %dma_start3A_191 = arith.constant 0 : i32
          %dma_start3A_192 = tpu.memref_slice %arg9[%add3A_190, %dma_start3A_191] : memref<88x64xi32, #tpu.memory_space<vmem>> -> memref<1x64xi32, #tpu.memory_space<vmem>>
          %dma_start3A_193 = tpu.memref_squeeze %dma_start3A_192 : memref<1x64xi32, #tpu.memory_space<vmem>> -> memref<64xi32, #tpu.memory_space<vmem>>
          %dma_start3A_194 = arith.constant 0 : i32
          %dma_start3A_195 = arith.constant 0 : i32
          %dma_start3A_196 = tpu.memref_slice %arg4[%dma_start3A_194, %dma_start3A_195] : memref<10000x256xf32, #tpu.memory_space<hbm>> -> memref<10000x256xf32, #tpu.memory_space<hbm>>
          tpu.enqueue_indirect_dma source(%dma_start3A_196 : memref<10000x256xf32, #tpu.memory_space<hbm>>) target(%arg16 : memref<64x256xf32, #tpu.memory_space<vmem>>) offsets(%dma_start3A_193 : memref<64xi32, #tpu.memory_space<vmem>>) semaphore(%arg18 : memref<!tpu.dma_semaphore, #tpu.memory_space<semaphore_mem>>)
        } else {
        }
        %add3A_132 = arith.addi %sub3A_31, %while3A_87 : i32
        %dma_wait3A_133 = arith.constant 0 : i32
        %dma_wait3A_134 = tpu.memref_slice %arg9[%add3A_132, %dma_wait3A_133] : memref<88x64xi32, #tpu.memory_space<vmem>> -> memref<1x64xi32, #tpu.memory_space<vmem>>
        %dma_wait3A_135 = tpu.memref_squeeze %dma_wait3A_134 : memref<1x64xi32, #tpu.memory_space<vmem>> -> memref<64xi32, #tpu.memory_space<vmem>>
        %dma_wait3A_136 = arith.constant 0 : i32
        %dma_wait3A_137 = arith.constant 0 : i32
        %dma_wait3A_138 = tpu.memref_slice %arg3[%dma_wait3A_136, %dma_wait3A_137] : memref<10000x256xf32, #tpu.memory_space<hbm>> -> memref<10000x256xf32, #tpu.memory_space<hbm>>
        tpu.wait_indirect_dma semaphore(%arg17 : memref<!tpu.dma_semaphore, #tpu.memory_space<semaphore_mem>>) src(%dma_wait3A_138 : memref<10000x256xf32, #tpu.memory_space<hbm>>) dst(%arg11 : memref<64x256xf32, #tpu.memory_space<vmem>>)
        %add3A_139 = arith.addi %sub3A_31, %while3A_87 : i32
        %dma_wait3A_140 = arith.constant 0 : i32
        %dma_wait3A_141 = tpu.memref_slice %arg10[%add3A_139, %dma_wait3A_140] : memref<88x64xi32, #tpu.memory_space<vmem>> -> memref<1x64xi32, #tpu.memory_space<vmem>>
        %dma_wait3A_142 = tpu.memref_squeeze %dma_wait3A_141 : memref<1x64xi32, #tpu.memory_space<vmem>> -> memref<64xi32, #tpu.memory_space<vmem>>
        %dma_wait3A_143 = arith.constant 0 : i32
        %dma_wait3A_144 = arith.constant 0 : i32
        %dma_wait3A_145 = tpu.memref_slice %arg2[%dma_wait3A_143, %dma_wait3A_144] : memref<10000x256xf32, #tpu.memory_space<hbm>> -> memref<10000x256xf32, #tpu.memory_space<hbm>>
        tpu.wait_indirect_dma semaphore(%arg17 : memref<!tpu.dma_semaphore, #tpu.memory_space<semaphore_mem>>) src(%dma_wait3A_145 : memref<10000x256xf32, #tpu.memory_space<hbm>>) dst(%arg12 : memref<64x256xf32, #tpu.memory_space<vmem>>)
        %add3A_146 = arith.addi %sub3A_31, %while3A_87 : i32
        %dma_wait3A_147 = arith.constant 0 : i32
        %dma_wait3A_148 = tpu.memref_slice %arg9[%add3A_146, %dma_wait3A_147] : memref<88x64xi32, #tpu.memory_space<vmem>> -> memref<1x64xi32, #tpu.memory_space<vmem>>
        %dma_wait3A_149 = tpu.memref_squeeze %dma_wait3A_148 : memref<1x64xi32, #tpu.memory_space<vmem>> -> memref<64xi32, #tpu.memory_space<vmem>>
        %dma_wait3A_150 = arith.constant 0 : i32
        %dma_wait3A_151 = arith.constant 0 : i32
        %dma_wait3A_152 = tpu.memref_slice %arg4[%dma_wait3A_150, %dma_wait3A_151] : memref<10000x256xf32, #tpu.memory_space<hbm>> -> memref<10000x256xf32, #tpu.memory_space<hbm>>
        tpu.wait_indirect_dma semaphore(%arg17 : memref<!tpu.dma_semaphore, #tpu.memory_space<semaphore_mem>>) src(%dma_wait3A_152 : memref<10000x256xf32, #tpu.memory_space<hbm>>) dst(%arg13 : memref<64x256xf32, #tpu.memory_space<vmem>>)
        %scan3A = arith.constant 0 : i32
        %scan3A_153 = arith.constant 0 : i32
        %scan3A_154 = arith.constant 64 : i32
        %scan3A_155 = arith.addi %scan3A_153, %scan3A_154 : i32
        %scan3A_156 = arith.constant 1 : i32
        scf.for %scan3A_169 = %scan3A_153 to %scan3A_155 step %scan3A_156  : i32 {
          %get3A = arith.index_cast %scan3A_169 : i32 to index
          %get3A_170 = arith.constant 0 : index
          %get3A_171 = tpu.vector_load %arg11[%get3A, %get3A_170] {strides = array<i32>} : memref<64x256xf32, #tpu.memory_space<vmem>>, vector<1x16xf32>,
          %get3A_172 = vector.shape_cast %get3A_171 : vector<1x16xf32> to vector<16xf32>
          %get3A_173 = arith.index_cast %scan3A_169 : i32 to index
          %get3A_174 = arith.constant 0 : index
          %get3A_175 = tpu.vector_load %arg12[%get3A_173, %get3A_174] {strides = array<i32>} : memref<64x256xf32, #tpu.memory_space<vmem>>, vector<1x16xf32>,
          %get3A_176 = vector.shape_cast %get3A_175 : vector<1x16xf32> to vector<16xf32>
          %add3A_177 = arith.addf %get3A_172, %get3A_176 : vector<16xf32>
          %swap3A = arith.index_cast %scan3A_169 : i32 to index
          %swap3A_178 = arith.constant 0 : index
          %swap3A_179 = tpu.vector_load %arg11[%swap3A, %swap3A_178] {strides = array<i32>} : memref<64x256xf32, #tpu.memory_space<vmem>>, vector<1x16xf32>,
          %swap3A_180 = vector.shape_cast %swap3A_179 : vector<1x16xf32> to vector<16xf32>
          %swap3A_181 = vector.shape_cast %add3A_177 : vector<16xf32> to vector<1x16xf32>
          tpu.vector_store %arg11[%swap3A, %swap3A_178], %swap3A_181 {strides = array<i32>} : memref<64x256xf32, #tpu.memory_space<vmem>>, vector<1x16xf32>,
          %get3A_182 = arith.index_cast %scan3A_169 : i32 to index
          %get3A_183 = arith.constant 16 : index
          %get3A_184 = tpu.vector_load %arg11[%get3A_182, %get3A_183] {strides = array<i32>} : memref<64x256xf32, #tpu.memory_space<vmem>>, vector<1x16xf32>,
          %get3A_185 = vector.shape_cast %get3A_184 : vector<1x16xf32> to vector<16xf32>
          %get3A_186 = arith.index_cast %scan3A_169 : i32 to index
          %get3A_187 = arith.constant 16 : index
          %get3A_188 = tpu.vector_load %arg12[%get3A_186, %get3A_187] {strides = array<i32>} : memref<64x256xf32, #tpu.memory_space<vmem>>, vector<1x16xf32>,
          %get3A_189 = vector.shape_cast %get3A_188 : vector<1x16xf32> to vector<16xf32>
          %add3A_190 = arith.addf %get3A_185, %get3A_189 : vector<16xf32>
          %swap3A_191 = arith.index_cast %scan3A_169 : i32 to index
          %swap3A_192 = arith.constant 16 : index
          %swap3A_193 = tpu.vector_load %arg11[%swap3A_191, %swap3A_192] {strides = array<i32>} : memref<64x256xf32, #tpu.memory_space<vmem>>, vector<1x16xf32>,
          %swap3A_194 = vector.shape_cast %swap3A_193 : vector<1x16xf32> to vector<16xf32>
          %swap3A_195 = vector.shape_cast %add3A_190 : vector<16xf32> to vector<1x16xf32>
          tpu.vector_store %arg11[%swap3A_191, %swap3A_192], %swap3A_195 {strides = array<i32>} : memref<64x256xf32, #tpu.memory_space<vmem>>, vector<1x16xf32>,
          %get3A_196 = arith.index_cast %scan3A_169 : i32 to index
          %get3A_197 = arith.constant 32 : index
          %get3A_198 = tpu.vector_load %arg11[%get3A_196, %get3A_197] {strides = array<i32>} : memref<64x256xf32, #tpu.memory_space<vmem>>, vector<1x16xf32>,
          %get3A_199 = vector.shape_cast %get3A_198 : vector<1x16xf32> to vector<16xf32>
          %get3A_200 = arith.index_cast %scan3A_169 : i32 to index
          %get3A_201 = arith.constant 32 : index
          %get3A_202 = tpu.vector_load %arg12[%get3A_200, %get3A_201] {strides = array<i32>} : memref<64x256xf32, #tpu.memory_space<vmem>>, vector<1x16xf32>,
          %get3A_203 = vector.shape_cast %get3A_202 : vector<1x16xf32> to vector<16xf32>
          %add3A_204 = arith.addf %get3A_199, %get3A_203 : vector<16xf32>
          %swap3A_205 = arith.index_cast %scan3A_169 : i32 to index
          %swap3A_206 = arith.constant 32 : index
          %swap3A_207 = tpu.vector_load %arg11[%swap3A_205, %swap3A_206] {strides = array<i32>} : memref<64x256xf32, #tpu.memory_space<vmem>>, vector<1x16xf32>,
          %swap3A_208 = vector.shape_cast %swap3A_207 : vector<1x16xf32> to vector<16xf32>
          %swap3A_209 = vector.shape_cast %add3A_204 : vector<16xf32> to vector<1x16xf32>
          tpu.vector_store %arg11[%swap3A_205, %swap3A_206], %swap3A_209 {strides = array<i32>} : memref<64x256xf32, #tpu.memory_space<vmem>>, vector<1x16xf32>,
          %get3A_210 = arith.index_cast %scan3A_169 : i32 to index
          %get3A_211 = arith.constant 48 : index
          %get3A_212 = tpu.vector_load %arg11[%get3A_210, %get3A_211] {strides = array<i32>} : memref<64x256xf32, #tpu.memory_space<vmem>>, vector<1x16xf32>,
          %get3A_213 = vector.shape_cast %get3A_212 : vector<1x16xf32> to vector<16xf32>
          %get3A_214 = arith.index_cast %scan3A_169 : i32 to index
          %get3A_215 = arith.constant 48 : index
          %get3A_216 = tpu.vector_load %arg12[%get3A_214, %get3A_215] {strides = array<i32>} : memref<64x256xf32, #tpu.memory_space<vmem>>, vector<1x16xf32>,
          %get3A_217 = vector.shape_cast %get3A_216 : vector<1x16xf32> to vector<16xf32>
          %add3A_218 = arith.addf %get3A_213, %get3A_217 : vector<16xf32>
          %swap3A_219 = arith.index_cast %scan3A_169 : i32 to index
          %swap3A_220 = arith.constant 48 : index
          %swap3A_221 = tpu.vector_load %arg11[%swap3A_219, %swap3A_220] {strides = array<i32>} : memref<64x256xf32, #tpu.memory_space<vmem>>, vector<1x16xf32>,
          %swap3A_222 = vector.shape_cast %swap3A_221 : vector<1x16xf32> to vector<16xf32>
          %swap3A_223 = vector.shape_cast %add3A_218 : vector<16xf32> to vector<1x16xf32>
          tpu.vector_store %arg11[%swap3A_219, %swap3A_220], %swap3A_223 {strides = array<i32>} : memref<64x256xf32, #tpu.memory_space<vmem>>, vector<1x16xf32>,
          %get3A_224 = arith.index_cast %scan3A_169 : i32 to index
          %get3A_225 = arith.constant 64 : index
          %get3A_226 = tpu.vector_load %arg11[%get3A_224, %get3A_225] {strides = array<i32>} : memref<64x256xf32, #tpu.memory_space<vmem>>, vector<1x16xf32>,
          %get3A_227 = vector.shape_cast %get3A_226 : vector<1x16xf32> to vector<16xf32>
          %get3A_228 = arith.index_cast %scan3A_169 : i32 to index
          %get3A_229 = arith.constant 64 : index
          %get3A_230 = tpu.vector_load %arg12[%get3A_228, %get3A_229] {strides = array<i32>} : memref<64x256xf32, #tpu.memory_space<vmem>>, vector<1x16xf32>,
          %get3A_231 = vector.shape_cast %get3A_230 : vector<1x16xf32> to vector<16xf32>
          %add3A_232 = arith.addf %get3A_227, %get3A_231 : vector<16xf32>
          %swap3A_233 = arith.index_cast %scan3A_169 : i32 to index
          %swap3A_234 = arith.constant 64 : index
          %swap3A_235 = tpu.vector_load %arg11[%swap3A_233, %swap3A_234] {strides = array<i32>} : memref<64x256xf32, #tpu.memory_space<vmem>>, vector<1x16xf32>,
          %swap3A_236 = vector.shape_cast %swap3A_235 : vector<1x16xf32> to vector<16xf32>
          %swap3A_237 = vector.shape_cast %add3A_232 : vector<16xf32> to vector<1x16xf32>
          tpu.vector_store %arg11[%swap3A_233, %swap3A_234], %swap3A_237 {strides = array<i32>} : memref<64x256xf32, #tpu.memory_space<vmem>>, vector<1x16xf32>,
          %get3A_238 = arith.index_cast %scan3A_169 : i32 to index
          %get3A_239 = arith.constant 80 : index
          %get3A_240 = tpu.vector_load %arg11[%get3A_238, %get3A_239] {strides = array<i32>} : memref<64x256xf32, #tpu.memory_space<vmem>>, vector<1x16xf32>,
          %get3A_241 = vector.shape_cast %get3A_240 : vector<1x16xf32> to vector<16xf32>
          %get3A_242 = arith.index_cast %scan3A_169 : i32 to index
          %get3A_243 = arith.constant 80 : index
          %get3A_244 = tpu.vector_load %arg12[%get3A_242, %get3A_243] {strides = array<i32>} : memref<64x256xf32, #tpu.memory_space<vmem>>, vector<1x16xf32>,
          %get3A_245 = vector.shape_cast %get3A_244 : vector<1x16xf32> to vector<16xf32>
          %add3A_246 = arith.addf %get3A_241, %get3A_245 : vector<16xf32>
          %swap3A_247 = arith.index_cast %scan3A_169 : i32 to index
          %swap3A_248 = arith.constant 80 : index
          %swap3A_249 = tpu.vector_load %arg11[%swap3A_247, %swap3A_248] {strides = array<i32>} : memref<64x256xf32, #tpu.memory_space<vmem>>, vector<1x16xf32>,
          %swap3A_250 = vector.shape_cast %swap3A_249 : vector<1x16xf32> to vector<16xf32>
          %swap3A_251 = vector.shape_cast %add3A_246 : vector<16xf32> to vector<1x16xf32>
          tpu.vector_store %arg11[%swap3A_247, %swap3A_248], %swap3A_251 {strides = array<i32>} : memref<64x256xf32, #tpu.memory_space<vmem>>, vector<1x16xf32>,
          %get3A_252 = arith.index_cast %scan3A_169 : i32 to index
          %get3A_253 = arith.constant 96 : index
          %get3A_254 = tpu.vector_load %arg11[%get3A_252, %get3A_253] {strides = array<i32>} : memref<64x256xf32, #tpu.memory_space<vmem>>, vector<1x16xf32>,
          %get3A_255 = vector.shape_cast %get3A_254 : vector<1x16xf32> to vector<16xf32>
          %get3A_256 = arith.index_cast %scan3A_169 : i32 to index
          %get3A_257 = arith.constant 96 : index
          %get3A_258 = tpu.vector_load %arg12[%get3A_256, %get3A_257] {strides = array<i32>} : memref<64x256xf32, #tpu.memory_space<vmem>>, vector<1x16xf32>,
          %get3A_259 = vector.shape_cast %get3A_258 : vector<1x16xf32> to vector<16xf32>
          %add3A_260 = arith.addf %get3A_255, %get3A_259 : vector<16xf32>
          %swap3A_261 = arith.index_cast %scan3A_169 : i32 to index
          %swap3A_262 = arith.constant 96 : index
          %swap3A_263 = tpu.vector_load %arg11[%swap3A_261, %swap3A_262] {strides = array<i32>} : memref<64x256xf32, #tpu.memory_space<vmem>>, vector<1x16xf32>,
          %swap3A_264 = vector.shape_cast %swap3A_263 : vector<1x16xf32> to vector<16xf32>
          %swap3A_265 = vector.shape_cast %add3A_260 : vector<16xf32> to vector<1x16xf32>
          tpu.vector_store %arg11[%swap3A_261, %swap3A_262], %swap3A_265 {strides = array<i32>} : memref<64x256xf32, #tpu.memory_space<vmem>>, vector<1x16xf32>,
          %get3A_266 = arith.index_cast %scan3A_169 : i32 to index
          %get3A_267 = arith.constant 112 : index
          %get3A_268 = tpu.vector_load %arg11[%get3A_266, %get3A_267] {strides = array<i32>} : memref<64x256xf32, #tpu.memory_space<vmem>>, vector<1x16xf32>,
          %get3A_269 = vector.shape_cast %get3A_268 : vector<1x16xf32> to vector<16xf32>
          %get3A_270 = arith.index_cast %scan3A_169 : i32 to index
          %get3A_271 = arith.constant 112 : index
          %get3A_272 = tpu.vector_load %arg12[%get3A_270, %get3A_271] {strides = array<i32>} : memref<64x256xf32, #tpu.memory_space<vmem>>, vector<1x16xf32>,
          %get3A_273 = vector.shape_cast %get3A_272 : vector<1x16xf32> to vector<16xf32>
          %add3A_274 = arith.addf %get3A_269, %get3A_273 : vector<16xf32>
          %swap3A_275 = arith.index_cast %scan3A_169 : i32 to index
          %swap3A_276 = arith.constant 112 : index
          %swap3A_277 = tpu.vector_load %arg11[%swap3A_275, %swap3A_276] {strides = array<i32>} : memref<64x256xf32, #tpu.memory_space<vmem>>, vector<1x16xf32>,
          %swap3A_278 = vector.shape_cast %swap3A_277 : vector<1x16xf32> to vector<16xf32>
          %swap3A_279 = vector.shape_cast %add3A_274 : vector<16xf32> to vector<1x16xf32>
          tpu.vector_store %arg11[%swap3A_275, %swap3A_276], %swap3A_279 {strides = array<i32>} : memref<64x256xf32, #tpu.memory_space<vmem>>, vector<1x16xf32>,
          %get3A_280 = arith.index_cast %scan3A_169 : i32 to index
          %get3A_281 = arith.constant 128 : index
          %get3A_282 = tpu.vector_load %arg11[%get3A_280, %get3A_281] {strides = array<i32>} : memref<64x256xf32, #tpu.memory_space<vmem>>, vector<1x16xf32>,
          %get3A_283 = vector.shape_cast %get3A_282 : vector<1x16xf32> to vector<16xf32>
          %get3A_284 = arith.index_cast %scan3A_169 : i32 to index
          %get3A_285 = arith.constant 128 : index
          %get3A_286 = tpu.vector_load %arg12[%get3A_284, %get3A_285] {strides = array<i32>} : memref<64x256xf32, #tpu.memory_space<vmem>>, vector<1x16xf32>,
          %get3A_287 = vector.shape_cast %get3A_286 : vector<1x16xf32> to vector<16xf32>
          %add3A_288 = arith.addf %get3A_283, %get3A_287 : vector<16xf32>
          %swap3A_289 = arith.index_cast %scan3A_169 : i32 to index
          %swap3A_290 = arith.constant 128 : index
          %swap3A_291 = tpu.vector_load %arg11[%swap3A_289, %swap3A_290] {strides = array<i32>} : memref<64x256xf32, #tpu.memory_space<vmem>>, vector<1x16xf32>,
          %swap3A_292 = vector.shape_cast %swap3A_291 : vector<1x16xf32> to vector<16xf32>
          %swap3A_293 = vector.shape_cast %add3A_288 : vector<16xf32> to vector<1x16xf32>
          tpu.vector_store %arg11[%swap3A_289, %swap3A_290], %swap3A_293 {strides = array<i32>} : memref<64x256xf32, #tpu.memory_space<vmem>>, vector<1x16xf32>,
          %get3A_294 = arith.index_cast %scan3A_169 : i32 to index
          %get3A_295 = arith.constant 144 : index
          %get3A_296 = tpu.vector_load %arg11[%get3A_294, %get3A_295] {strides = array<i32>} : memref<64x256xf32, #tpu.memory_space<vmem>>, vector<1x16xf32>,
          %get3A_297 = vector.shape_cast %get3A_296 : vector<1x16xf32> to vector<16xf32>
          %get3A_298 = arith.index_cast %scan3A_169 : i32 to index
          %get3A_299 = arith.constant 144 : index
          %get3A_300 = tpu.vector_load %arg12[%get3A_298, %get3A_299] {strides = array<i32>} : memref<64x256xf32, #tpu.memory_space<vmem>>, vector<1x16xf32>,
          %get3A_301 = vector.shape_cast %get3A_300 : vector<1x16xf32> to vector<16xf32>
          %add3A_302 = arith.addf %get3A_297, %get3A_301 : vector<16xf32>
          %swap3A_303 = arith.index_cast %scan3A_169 : i32 to index
          %swap3A_304 = arith.constant 144 : index
          %swap3A_305 = tpu.vector_load %arg11[%swap3A_303, %swap3A_304] {strides = array<i32>} : memref<64x256xf32, #tpu.memory_space<vmem>>, vector<1x16xf32>,
          %swap3A_306 = vector.shape_cast %swap3A_305 : vector<1x16xf32> to vector<16xf32>
          %swap3A_307 = vector.shape_cast %add3A_302 : vector<16xf32> to vector<1x16xf32>
          tpu.vector_store %arg11[%swap3A_303, %swap3A_304], %swap3A_307 {strides = array<i32>} : memref<64x256xf32, #tpu.memory_space<vmem>>, vector<1x16xf32>,
          %get3A_308 = arith.index_cast %scan3A_169 : i32 to index
          %get3A_309 = arith.constant 160 : index
          %get3A_310 = tpu.vector_load %arg11[%get3A_308, %get3A_309] {strides = array<i32>} : memref<64x256xf32, #tpu.memory_space<vmem>>, vector<1x16xf32>,
          %get3A_311 = vector.shape_cast %get3A_310 : vector<1x16xf32> to vector<16xf32>
          %get3A_312 = arith.index_cast %scan3A_169 : i32 to index
          %get3A_313 = arith.constant 160 : index
          %get3A_314 = tpu.vector_load %arg12[%get3A_312, %get3A_313] {strides = array<i32>} : memref<64x256xf32, #tpu.memory_space<vmem>>, vector<1x16xf32>,
          %get3A_315 = vector.shape_cast %get3A_314 : vector<1x16xf32> to vector<16xf32>
          %add3A_316 = arith.addf %get3A_311, %get3A_315 : vector<16xf32>
          %swap3A_317 = arith.index_cast %scan3A_169 : i32 to index
          %swap3A_318 = arith.constant 160 : index
          %swap3A_319 = tpu.vector_load %arg11[%swap3A_317, %swap3A_318] {strides = array<i32>} : memref<64x256xf32, #tpu.memory_space<vmem>>, vector<1x16xf32>,
          %swap3A_320 = vector.shape_cast %swap3A_319 : vector<1x16xf32> to vector<16xf32>
          %swap3A_321 = vector.shape_cast %add3A_316 : vector<16xf32> to vector<1x16xf32>
          tpu.vector_store %arg11[%swap3A_317, %swap3A_318], %swap3A_321 {strides = array<i32>} : memref<64x256xf32, #tpu.memory_space<vmem>>, vector<1x16xf32>,
          %get3A_322 = arith.index_cast %scan3A_169 : i32 to index
          %get3A_323 = arith.constant 176 : index
          %get3A_324 = tpu.vector_load %arg11[%get3A_322, %get3A_323] {strides = array<i32>} : memref<64x256xf32, #tpu.memory_space<vmem>>, vector<1x16xf32>,
          %get3A_325 = vector.shape_cast %get3A_324 : vector<1x16xf32> to vector<16xf32>
          %get3A_326 = arith.index_cast %scan3A_169 : i32 to index
          %get3A_327 = arith.constant 176 : index
          %get3A_328 = tpu.vector_load %arg12[%get3A_326, %get3A_327] {strides = array<i32>} : memref<64x256xf32, #tpu.memory_space<vmem>>, vector<1x16xf32>,
          %get3A_329 = vector.shape_cast %get3A_328 : vector<1x16xf32> to vector<16xf32>
          %add3A_330 = arith.addf %get3A_325, %get3A_329 : vector<16xf32>
          %swap3A_331 = arith.index_cast %scan3A_169 : i32 to index
          %swap3A_332 = arith.constant 176 : index
          %swap3A_333 = tpu.vector_load %arg11[%swap3A_331, %swap3A_332] {strides = array<i32>} : memref<64x256xf32, #tpu.memory_space<vmem>>, vector<1x16xf32>,
          %swap3A_334 = vector.shape_cast %swap3A_333 : vector<1x16xf32> to vector<16xf32>
          %swap3A_335 = vector.shape_cast %add3A_330 : vector<16xf32> to vector<1x16xf32>
          tpu.vector_store %arg11[%swap3A_331, %swap3A_332], %swap3A_335 {strides = array<i32>} : memref<64x256xf32, #tpu.memory_space<vmem>>, vector<1x16xf32>,
          %get3A_336 = arith.index_cast %scan3A_169 : i32 to index
          %get3A_337 = arith.constant 192 : index
          %get3A_338 = tpu.vector_load %arg11[%get3A_336, %get3A_337] {strides = array<i32>} : memref<64x256xf32, #tpu.memory_space<vmem>>, vector<1x16xf32>,
          %get3A_339 = vector.shape_cast %get3A_338 : vector<1x16xf32> to vector<16xf32>
          %get3A_340 = arith.index_cast %scan3A_169 : i32 to index
          %get3A_341 = arith.constant 192 : index
          %get3A_342 = tpu.vector_load %arg12[%get3A_340, %get3A_341] {strides = array<i32>} : memref<64x256xf32, #tpu.memory_space<vmem>>, vector<1x16xf32>,
          %get3A_343 = vector.shape_cast %get3A_342 : vector<1x16xf32> to vector<16xf32>
          %add3A_344 = arith.addf %get3A_339, %get3A_343 : vector<16xf32>
          %swap3A_345 = arith.index_cast %scan3A_169 : i32 to index
          %swap3A_346 = arith.constant 192 : index
          %swap3A_347 = tpu.vector_load %arg11[%swap3A_345, %swap3A_346] {strides = array<i32>} : memref<64x256xf32, #tpu.memory_space<vmem>>, vector<1x16xf32>,
          %swap3A_348 = vector.shape_cast %swap3A_347 : vector<1x16xf32> to vector<16xf32>
          %swap3A_349 = vector.shape_cast %add3A_344 : vector<16xf32> to vector<1x16xf32>
          tpu.vector_store %arg11[%swap3A_345, %swap3A_346], %swap3A_349 {strides = array<i32>} : memref<64x256xf32, #tpu.memory_space<vmem>>, vector<1x16xf32>,
          %get3A_350 = arith.index_cast %scan3A_169 : i32 to index
          %get3A_351 = arith.constant 208 : index
          %get3A_352 = tpu.vector_load %arg11[%get3A_350, %get3A_351] {strides = array<i32>} : memref<64x256xf32, #tpu.memory_space<vmem>>, vector<1x16xf32>,
          %get3A_353 = vector.shape_cast %get3A_352 : vector<1x16xf32> to vector<16xf32>
          %get3A_354 = arith.index_cast %scan3A_169 : i32 to index
          %get3A_355 = arith.constant 208 : index
          %get3A_356 = tpu.vector_load %arg12[%get3A_354, %get3A_355] {strides = array<i32>} : memref<64x256xf32, #tpu.memory_space<vmem>>, vector<1x16xf32>,
          %get3A_357 = vector.shape_cast %get3A_356 : vector<1x16xf32> to vector<16xf32>
          %add3A_358 = arith.addf %get3A_353, %get3A_357 : vector<16xf32>
          %swap3A_359 = arith.index_cast %scan3A_169 : i32 to index
          %swap3A_360 = arith.constant 208 : index
          %swap3A_361 = tpu.vector_load %arg11[%swap3A_359, %swap3A_360] {strides = array<i32>} : memref<64x256xf32, #tpu.memory_space<vmem>>, vector<1x16xf32>,
          %swap3A_362 = vector.shape_cast %swap3A_361 : vector<1x16xf32> to vector<16xf32>
          %swap3A_363 = vector.shape_cast %add3A_358 : vector<16xf32> to vector<1x16xf32>
          tpu.vector_store %arg11[%swap3A_359, %swap3A_360], %swap3A_363 {strides = array<i32>} : memref<64x256xf32, #tpu.memory_space<vmem>>, vector<1x16xf32>,
          %get3A_364 = arith.index_cast %scan3A_169 : i32 to index
          %get3A_365 = arith.constant 224 : index
          %get3A_366 = tpu.vector_load %arg11[%get3A_364, %get3A_365] {strides = array<i32>} : memref<64x256xf32, #tpu.memory_space<vmem>>, vector<1x16xf32>,
          %get3A_367 = vector.shape_cast %get3A_366 : vector<1x16xf32> to vector<16xf32>
          %get3A_368 = arith.index_cast %scan3A_169 : i32 to index
          %get3A_369 = arith.constant 224 : index
          %get3A_370 = tpu.vector_load %arg12[%get3A_368, %get3A_369] {strides = array<i32>} : memref<64x256xf32, #tpu.memory_space<vmem>>, vector<1x16xf32>,
          %get3A_371 = vector.shape_cast %get3A_370 : vector<1x16xf32> to vector<16xf32>
          %add3A_372 = arith.addf %get3A_367, %get3A_371 : vector<16xf32>
          %swap3A_373 = arith.index_cast %scan3A_169 : i32 to index
          %swap3A_374 = arith.constant 224 : index
          %swap3A_375 = tpu.vector_load %arg11[%swap3A_373, %swap3A_374] {strides = array<i32>} : memref<64x256xf32, #tpu.memory_space<vmem>>, vector<1x16xf32>,
          %swap3A_376 = vector.shape_cast %swap3A_375 : vector<1x16xf32> to vector<16xf32>
          %swap3A_377 = vector.shape_cast %add3A_372 : vector<16xf32> to vector<1x16xf32>
          tpu.vector_store %arg11[%swap3A_373, %swap3A_374], %swap3A_377 {strides = array<i32>} : memref<64x256xf32, #tpu.memory_space<vmem>>, vector<1x16xf32>,
          %get3A_378 = arith.index_cast %scan3A_169 : i32 to index
          %get3A_379 = arith.constant 240 : index
          %get3A_380 = tpu.vector_load %arg11[%get3A_378, %get3A_379] {strides = array<i32>} : memref<64x256xf32, #tpu.memory_space<vmem>>, vector<1x16xf32>,
          %get3A_381 = vector.shape_cast %get3A_380 : vector<1x16xf32> to vector<16xf32>
          %get3A_382 = arith.index_cast %scan3A_169 : i32 to index
          %get3A_383 = arith.constant 240 : index
          %get3A_384 = tpu.vector_load %arg12[%get3A_382, %get3A_383] {strides = array<i32>} : memref<64x256xf32, #tpu.memory_space<vmem>>, vector<1x16xf32>,
          %get3A_385 = vector.shape_cast %get3A_384 : vector<1x16xf32> to vector<16xf32>
          %add3A_386 = arith.addf %get3A_381, %get3A_385 : vector<16xf32>
          %swap3A_387 = arith.index_cast %scan3A_169 : i32 to index
          %swap3A_388 = arith.constant 240 : index
          %swap3A_389 = tpu.vector_load %arg11[%swap3A_387, %swap3A_388] {strides = array<i32>} : memref<64x256xf32, #tpu.memory_space<vmem>>, vector<1x16xf32>,
          %swap3A_390 = vector.shape_cast %swap3A_389 : vector<1x16xf32> to vector<16xf32>
          %swap3A_391 = vector.shape_cast %add3A_386 : vector<16xf32> to vector<1x16xf32>
          tpu.vector_store %arg11[%swap3A_387, %swap3A_388], %swap3A_391 {strides = array<i32>} : memref<64x256xf32, #tpu.memory_space<vmem>>, vector<1x16xf32>,
        }
        %scan3A_157 = arith.constant 64 : i32
        %add3A_158 = arith.addi %add3A_5, %while3A_87 : i32
        %mul3A_159 = arith.constant 64 : i32
        %mul3A_160 = arith.muli %add3A_158, %mul3A_159 : i32
        %dma_start3A_161 = arith.constant 0 : i32
        %dma_start3A_162 = tpu.memref_slice %arg7[%mul3A_160, %dma_start3A_161] : memref<160000x256xf32, #tpu.memory_space<hbm>> -> memref<64x256xf32, #tpu.memory_space<hbm>>
        %dma_start3A_163 = arith.constant 0 : i32
        %dma_start3A_164 = tpu.memref_slice %arg7[%mul3A_160, %dma_start3A_163] : memref<160000x256xf32, #tpu.memory_space<hbm>> -> memref<64x256xf32, #tpu.memory_space<hbm>>
        tpu.enqueue_dma source(%arg11 : memref<64x256xf32, #tpu.memory_space<vmem>>) target(%dma_start3A_164 : memref<64x256xf32, #tpu.memory_space<hbm>>) target_semaphore(%arg19 : memref<!tpu.dma_semaphore, #tpu.memory_space<semaphore_mem>>)
        %dma_start3A_165 = arith.constant 0 : i32
        %dma_start3A_166 = tpu.memref_slice %arg8[%mul3A_160, %dma_start3A_165] : memref<160000x256xf32, #tpu.memory_space<hbm>> -> memref<64x256xf32, #tpu.memory_space<hbm>>
        %dma_start3A_167 = arith.constant 0 : i32
        %dma_start3A_168 = tpu.memref_slice %arg8[%mul3A_160, %dma_start3A_167] : memref<160000x256xf32, #tpu.memory_space<hbm>> -> memref<64x256xf32, #tpu.memory_space<hbm>>
        tpu.enqueue_dma source(%arg13 : memref<64x256xf32, #tpu.memory_space<vmem>>) target(%dma_start3A_168 : memref<64x256xf32, #tpu.memory_space<hbm>>) target_semaphore(%arg19 : memref<!tpu.dma_semaphore, #tpu.memory_space<semaphore_mem>>)
      } else {
      }
      %jit3A_105 = arith.constant 2 : i32
      %eq3A_106 = arith.constant 0 : i32
      %eq3A_107 = arith.cmpi eq, %jit3A_105, %eq3A_106 : i32
      %jit3A_108 = arith.constant 1 : i32
      %select_n3A_109 = arith.select %eq3A_107, %jit3A_108, %jit3A_105 : i32
      %rem3A_110 = arith.remsi %while3A_87, %select_n3A_109 : i32
      %ne3A_111 = arith.constant 0 : i32
      %ne3A_112 = arith.cmpi ne, %rem3A_110, %ne3A_111 : i32
      %lt3A_113 = arith.constant 0 : i32
      %lt3A_114 = arith.cmpi slt, %rem3A_110, %lt3A_113 : i32
      %lt3A_115 = arith.constant 0 : i32
      %lt3A_116 = arith.cmpi slt, %select_n3A_109, %lt3A_115 : i32
      %ne3A_117 = arith.xori %lt3A_114, %lt3A_116 : i1
      %and3A_118 = arith.andi %ne3A_117, %ne3A_112 : i1
      %add3A_119 = arith.addi %rem3A_110, %select_n3A_109 : i32
      %select_n3A_120 = arith.select %and3A_118, %add3A_119, %rem3A_110 : i32
      %eq3A_121 = arith.constant 1 : i32
      %eq3A_122 = arith.cmpi eq, %select_n3A_120, %eq3A_121 : i32
      %convert_element_type3A_123 = arith.extui %eq3A_122 : i1 to i32
      %cond3A_124 = arith.constant 0 : i32
      %cond3A_125 = arith.cmpi ne, %convert_element_type3A_123, %cond3A_124 : i32
      scf.if %cond3A_125 {
        %add3A_126 = arith.constant 1 : i32
        %add3A_127 = arith.addi %while3A_87, %add3A_126 : i32
        %lt3A_128 = arith.cmpi slt, %add3A_127, %add3A_9 : i32
        %convert_element_type3A_129 = arith.extui %lt3A_128 : i1 to i32
        %cond3A_130 = arith.constant 0 : i32
        %cond3A_131 = arith.cmpi ne, %convert_element_type3A_129, %cond3A_130 : i32
        scf.if %cond3A_131 {
          %ge3A_169 = arith.constant 1 : i32
          %ge3A_170 = arith.cmpi sge, %while3A_87, %ge3A_169 : i32
          %convert_element_type3A_171 = arith.extui %ge3A_170 : i1 to i32
          %cond3A_172 = arith.constant 0 : i32
          %cond3A_173 = arith.cmpi ne, %convert_element_type3A_171, %cond3A_172 : i32
          scf.if %cond3A_173 {
            %dma_wait3A_197 = arith.constant 0 : i32
            %dma_wait3A_198 = arith.constant 0 : i32
            %dma_wait3A_199 = tpu.memref_slice %arg7[%dma_wait3A_197, %dma_wait3A_198] : memref<160000x256xf32, #tpu.memory_space<hbm>> -> memref<64x256xf32, #tpu.memory_space<hbm>>
            %dma_wait3A_200 = arith.constant 0 : i32
            %dma_wait3A_201 = arith.constant 0 : i32
            %dma_wait3A_202 = tpu.memref_slice %arg7[%dma_wait3A_200, %dma_wait3A_201] : memref<160000x256xf32, #tpu.memory_space<hbm>> -> memref<64x256xf32, #tpu.memory_space<hbm>>
            tpu.wait_dma2 semaphore(%arg19 : memref<!tpu.dma_semaphore, #tpu.memory_space<semaphore_mem>>) src(%arg11 : memref<64x256xf32, #tpu.memory_space<vmem>>) dst(%dma_wait3A_202 : memref<64x256xf32, #tpu.memory_space<hbm>>)
            %dma_wait3A_203 = arith.constant 0 : i32
            %dma_wait3A_204 = arith.constant 0 : i32
            %dma_wait3A_205 = tpu.memref_slice %arg8[%dma_wait3A_203, %dma_wait3A_204] : memref<160000x256xf32, #tpu.memory_space<hbm>> -> memref<64x256xf32, #tpu.memory_space<hbm>>
            %dma_wait3A_206 = arith.constant 0 : i32
            %dma_wait3A_207 = arith.constant 0 : i32
            %dma_wait3A_208 = tpu.memref_slice %arg8[%dma_wait3A_206, %dma_wait3A_207] : memref<160000x256xf32, #tpu.memory_space<hbm>> -> memref<64x256xf32, #tpu.memory_space<hbm>>
            tpu.wait_dma2 semaphore(%arg19 : memref<!tpu.dma_semaphore, #tpu.memory_space<semaphore_mem>>) src(%arg13 : memref<64x256xf32, #tpu.memory_space<vmem>>) dst(%dma_wait3A_208 : memref<64x256xf32, #tpu.memory_space<hbm>>)
          } else {
          }
          %add3A_174 = arith.constant 1 : i32
          %add3A_175 = arith.addi %while3A_87, %add3A_174 : i32
          %add3A_176 = arith.addi %sub3A_31, %add3A_175 : i32
          %dma_start3A_177 = arith.constant 0 : i32
          %dma_start3A_178 = tpu.memref_slice %arg9[%add3A_176, %dma_start3A_177] : memref<88x64xi32, #tpu.memory_space<vmem>> -> memref<1x64xi32, #tpu.memory_space<vmem>>
          %dma_start3A_179 = tpu.memref_squeeze %dma_start3A_178 : memref<1x64xi32, #tpu.memory_space<vmem>> -> memref<64xi32, #tpu.memory_space<vmem>>
          %dma_start3A_180 = arith.constant 0 : i32
          %dma_start3A_181 = arith.constant 0 : i32
          %dma_start3A_182 = tpu.memref_slice %arg3[%dma_start3A_180, %dma_start3A_181] : memref<10000x256xf32, #tpu.memory_space<hbm>> -> memref<10000x256xf32, #tpu.memory_space<hbm>>
          tpu.enqueue_indirect_dma source(%dma_start3A_182 : memref<10000x256xf32, #tpu.memory_space<hbm>>) target(%arg11 : memref<64x256xf32, #tpu.memory_space<vmem>>) offsets(%dma_start3A_179 : memref<64xi32, #tpu.memory_space<vmem>>) semaphore(%arg17 : memref<!tpu.dma_semaphore, #tpu.memory_space<semaphore_mem>>)
          %add3A_183 = arith.addi %sub3A_31, %add3A_175 : i32
          %dma_start3A_184 = arith.constant 0 : i32
          %dma_start3A_185 = tpu.memref_slice %arg10[%add3A_183, %dma_start3A_184] : memref<88x64xi32, #tpu.memory_space<vmem>> -> memref<1x64xi32, #tpu.memory_space<vmem>>
          %dma_start3A_186 = tpu.memref_squeeze %dma_start3A_185 : memref<1x64xi32, #tpu.memory_space<vmem>> -> memref<64xi32, #tpu.memory_space<vmem>>
          %dma_start3A_187 = arith.constant 0 : i32
          %dma_start3A_188 = arith.constant 0 : i32
          %dma_start3A_189 = tpu.memref_slice %arg2[%dma_start3A_187, %dma_start3A_188] : memref<10000x256xf32, #tpu.memory_space<hbm>> -> memref<10000x256xf32, #tpu.memory_space<hbm>>
          tpu.enqueue_indirect_dma source(%dma_start3A_189 : memref<10000x256xf32, #tpu.memory_space<hbm>>) target(%arg12 : memref<64x256xf32, #tpu.memory_space<vmem>>) offsets(%dma_start3A_186 : memref<64xi32, #tpu.memory_space<vmem>>) semaphore(%arg17 : memref<!tpu.dma_semaphore, #tpu.memory_space<semaphore_mem>>)
          %add3A_190 = arith.addi %sub3A_31, %add3A_175 : i32
          %dma_start3A_191 = arith.constant 0 : i32
          %dma_start3A_192 = tpu.memref_slice %arg9[%add3A_190, %dma_start3A_191] : memref<88x64xi32, #tpu.memory_space<vmem>> -> memref<1x64xi32, #tpu.memory_space<vmem>>
          %dma_start3A_193 = tpu.memref_squeeze %dma_start3A_192 : memref<1x64xi32, #tpu.memory_space<vmem>> -> memref<64xi32, #tpu.memory_space<vmem>>
          %dma_start3A_194 = arith.constant 0 : i32
          %dma_start3A_195 = arith.constant 0 : i32
          %dma_start3A_196 = tpu.memref_slice %arg4[%dma_start3A_194, %dma_start3A_195] : memref<10000x256xf32, #tpu.memory_space<hbm>> -> memref<10000x256xf32, #tpu.memory_space<hbm>>
          tpu.enqueue_indirect_dma source(%dma_start3A_196 : memref<10000x256xf32, #tpu.memory_space<hbm>>) target(%arg13 : memref<64x256xf32, #tpu.memory_space<vmem>>) offsets(%dma_start3A_193 : memref<64xi32, #tpu.memory_space<vmem>>) semaphore(%arg17 : memref<!tpu.dma_semaphore, #tpu.memory_space<semaphore_mem>>)
        } else {
        }
        %add3A_132 = arith.addi %sub3A_31, %while3A_87 : i32
        %dma_wait3A_133 = arith.constant 0 : i32
        %dma_wait3A_134 = tpu.memref_slice %arg9[%add3A_132, %dma_wait3A_133] : memref<88x64xi32, #tpu.memory_space<vmem>> -> memref<1x64xi32, #tpu.memory_space<vmem>>
        %dma_wait3A_135 = tpu.memref_squeeze %dma_wait3A_134 : memref<1x64xi32, #tpu.memory_space<vmem>> -> memref<64xi32, #tpu.memory_space<vmem>>
        %dma_wait3A_136 = arith.constant 0 : i32
        %dma_wait3A_137 = arith.constant 0 : i32
        %dma_wait3A_138 = tpu.memref_slice %arg3[%dma_wait3A_136, %dma_wait3A_137] : memref<10000x256xf32, #tpu.memory_space<hbm>> -> memref<10000x256xf32, #tpu.memory_space<hbm>>
        tpu.wait_indirect_dma semaphore(%arg18 : memref<!tpu.dma_semaphore, #tpu.memory_space<semaphore_mem>>) src(%dma_wait3A_138 : memref<10000x256xf32, #tpu.memory_space<hbm>>) dst(%arg14 : memref<64x256xf32, #tpu.memory_space<vmem>>)
        %add3A_139 = arith.addi %sub3A_31, %while3A_87 : i32
        %dma_wait3A_140 = arith.constant 0 : i32
        %dma_wait3A_141 = tpu.memref_slice %arg10[%add3A_139, %dma_wait3A_140] : memref<88x64xi32, #tpu.memory_space<vmem>> -> memref<1x64xi32, #tpu.memory_space<vmem>>
        %dma_wait3A_142 = tpu.memref_squeeze %dma_wait3A_141 : memref<1x64xi32, #tpu.memory_space<vmem>> -> memref<64xi32, #tpu.memory_space<vmem>>
        %dma_wait3A_143 = arith.constant 0 : i32
        %dma_wait3A_144 = arith.constant 0 : i32
        %dma_wait3A_145 = tpu.memref_slice %arg2[%dma_wait3A_143, %dma_wait3A_144] : memref<10000x256xf32, #tpu.memory_space<hbm>> -> memref<10000x256xf32, #tpu.memory_space<hbm>>
        tpu.wait_indirect_dma semaphore(%arg18 : memref<!tpu.dma_semaphore, #tpu.memory_space<semaphore_mem>>) src(%dma_wait3A_145 : memref<10000x256xf32, #tpu.memory_space<hbm>>) dst(%arg15 : memref<64x256xf32, #tpu.memory_space<vmem>>)
        %add3A_146 = arith.addi %sub3A_31, %while3A_87 : i32
        %dma_wait3A_147 = arith.constant 0 : i32
        %dma_wait3A_148 = tpu.memref_slice %arg9[%add3A_146, %dma_wait3A_147] : memref<88x64xi32, #tpu.memory_space<vmem>> -> memref<1x64xi32, #tpu.memory_space<vmem>>
        %dma_wait3A_149 = tpu.memref_squeeze %dma_wait3A_148 : memref<1x64xi32, #tpu.memory_space<vmem>> -> memref<64xi32, #tpu.memory_space<vmem>>
        %dma_wait3A_150 = arith.constant 0 : i32
        %dma_wait3A_151 = arith.constant 0 : i32
        %dma_wait3A_152 = tpu.memref_slice %arg4[%dma_wait3A_150, %dma_wait3A_151] : memref<10000x256xf32, #tpu.memory_space<hbm>> -> memref<10000x256xf32, #tpu.memory_space<hbm>>
        tpu.wait_indirect_dma semaphore(%arg18 : memref<!tpu.dma_semaphore, #tpu.memory_space<semaphore_mem>>) src(%dma_wait3A_152 : memref<10000x256xf32, #tpu.memory_space<hbm>>) dst(%arg16 : memref<64x256xf32, #tpu.memory_space<vmem>>)
        %scan3A = arith.constant 0 : i32
        %scan3A_153 = arith.constant 0 : i32
        %scan3A_154 = arith.constant 64 : i32
        %scan3A_155 = arith.addi %scan3A_153, %scan3A_154 : i32
        %scan3A_156 = arith.constant 1 : i32
        scf.for %scan3A_169 = %scan3A_153 to %scan3A_155 step %scan3A_156  : i32 {
          %get3A = arith.index_cast %scan3A_169 : i32 to index
          %get3A_170 = arith.constant 0 : index
          %get3A_171 = tpu.vector_load %arg14[%get3A, %get3A_170] {strides = array<i32>} : memref<64x256xf32, #tpu.memory_space<vmem>>, vector<1x16xf32>,
          %get3A_172 = vector.shape_cast %get3A_171 : vector<1x16xf32> to vector<16xf32>
          %get3A_173 = arith.index_cast %scan3A_169 : i32 to index
          %get3A_174 = arith.constant 0 : index
          %get3A_175 = tpu.vector_load %arg15[%get3A_173, %get3A_174] {strides = array<i32>} : memref<64x256xf32, #tpu.memory_space<vmem>>, vector<1x16xf32>,
          %get3A_176 = vector.shape_cast %get3A_175 : vector<1x16xf32> to vector<16xf32>
          %add3A_177 = arith.addf %get3A_172, %get3A_176 : vector<16xf32>
          %swap3A = arith.index_cast %scan3A_169 : i32 to index
          %swap3A_178 = arith.constant 0 : index
          %swap3A_179 = tpu.vector_load %arg14[%swap3A, %swap3A_178] {strides = array<i32>} : memref<64x256xf32, #tpu.memory_space<vmem>>, vector<1x16xf32>,
          %swap3A_180 = vector.shape_cast %swap3A_179 : vector<1x16xf32> to vector<16xf32>
          %swap3A_181 = vector.shape_cast %add3A_177 : vector<16xf32> to vector<1x16xf32>
          tpu.vector_store %arg14[%swap3A, %swap3A_178], %swap3A_181 {strides = array<i32>} : memref<64x256xf32, #tpu.memory_space<vmem>>, vector<1x16xf32>,
          %get3A_182 = arith.index_cast %scan3A_169 : i32 to index
          %get3A_183 = arith.constant 16 : index
          %get3A_184 = tpu.vector_load %arg14[%get3A_182, %get3A_183] {strides = array<i32>} : memref<64x256xf32, #tpu.memory_space<vmem>>, vector<1x16xf32>,
          %get3A_185 = vector.shape_cast %get3A_184 : vector<1x16xf32> to vector<16xf32>
          %get3A_186 = arith.index_cast %scan3A_169 : i32 to index
          %get3A_187 = arith.constant 16 : index
          %get3A_188 = tpu.vector_load %arg15[%get3A_186, %get3A_187] {strides = array<i32>} : memref<64x256xf32, #tpu.memory_space<vmem>>, vector<1x16xf32>,
          %get3A_189 = vector.shape_cast %get3A_188 : vector<1x16xf32> to vector<16xf32>
          %add3A_190 = arith.addf %get3A_185, %get3A_189 : vector<16xf32>
          %swap3A_191 = arith.index_cast %scan3A_169 : i32 to index
          %swap3A_192 = arith.constant 16 : index
          %swap3A_193 = tpu.vector_load %arg14[%swap3A_191, %swap3A_192] {strides = array<i32>} : memref<64x256xf32, #tpu.memory_space<vmem>>, vector<1x16xf32>,
          %swap3A_194 = vector.shape_cast %swap3A_193 : vector<1x16xf32> to vector<16xf32>
          %swap3A_195 = vector.shape_cast %add3A_190 : vector<16xf32> to vector<1x16xf32>
          tpu.vector_store %arg14[%swap3A_191, %swap3A_192], %swap3A_195 {strides = array<i32>} : memref<64x256xf32, #tpu.memory_space<vmem>>, vector<1x16xf32>,
          %get3A_196 = arith.index_cast %scan3A_169 : i32 to index
          %get3A_197 = arith.constant 32 : index
          %get3A_198 = tpu.vector_load %arg14[%get3A_196, %get3A_197] {strides = array<i32>} : memref<64x256xf32, #tpu.memory_space<vmem>>, vector<1x16xf32>,
          %get3A_199 = vector.shape_cast %get3A_198 : vector<1x16xf32> to vector<16xf32>
          %get3A_200 = arith.index_cast %scan3A_169 : i32 to index
          %get3A_201 = arith.constant 32 : index
          %get3A_202 = tpu.vector_load %arg15[%get3A_200, %get3A_201] {strides = array<i32>} : memref<64x256xf32, #tpu.memory_space<vmem>>, vector<1x16xf32>,
          %get3A_203 = vector.shape_cast %get3A_202 : vector<1x16xf32> to vector<16xf32>
          %add3A_204 = arith.addf %get3A_199, %get3A_203 : vector<16xf32>
          %swap3A_205 = arith.index_cast %scan3A_169 : i32 to index
          %swap3A_206 = arith.constant 32 : index
          %swap3A_207 = tpu.vector_load %arg14[%swap3A_205, %swap3A_206] {strides = array<i32>} : memref<64x256xf32, #tpu.memory_space<vmem>>, vector<1x16xf32>,
          %swap3A_208 = vector.shape_cast %swap3A_207 : vector<1x16xf32> to vector<16xf32>
          %swap3A_209 = vector.shape_cast %add3A_204 : vector<16xf32> to vector<1x16xf32>
          tpu.vector_store %arg14[%swap3A_205, %swap3A_206], %swap3A_209 {strides = array<i32>} : memref<64x256xf32, #tpu.memory_space<vmem>>, vector<1x16xf32>,
          %get3A_210 = arith.index_cast %scan3A_169 : i32 to index
          %get3A_211 = arith.constant 48 : index
          %get3A_212 = tpu.vector_load %arg14[%get3A_210, %get3A_211] {strides = array<i32>} : memref<64x256xf32, #tpu.memory_space<vmem>>, vector<1x16xf32>,
          %get3A_213 = vector.shape_cast %get3A_212 : vector<1x16xf32> to vector<16xf32>
          %get3A_214 = arith.index_cast %scan3A_169 : i32 to index
          %get3A_215 = arith.constant 48 : index
          %get3A_216 = tpu.vector_load %arg15[%get3A_214, %get3A_215] {strides = array<i32>} : memref<64x256xf32, #tpu.memory_space<vmem>>, vector<1x16xf32>,
          %get3A_217 = vector.shape_cast %get3A_216 : vector<1x16xf32> to vector<16xf32>
          %add3A_218 = arith.addf %get3A_213, %get3A_217 : vector<16xf32>
          %swap3A_219 = arith.index_cast %scan3A_169 : i32 to index
          %swap3A_220 = arith.constant 48 : index
          %swap3A_221 = tpu.vector_load %arg14[%swap3A_219, %swap3A_220] {strides = array<i32>} : memref<64x256xf32, #tpu.memory_space<vmem>>, vector<1x16xf32>,
          %swap3A_222 = vector.shape_cast %swap3A_221 : vector<1x16xf32> to vector<16xf32>
          %swap3A_223 = vector.shape_cast %add3A_218 : vector<16xf32> to vector<1x16xf32>
          tpu.vector_store %arg14[%swap3A_219, %swap3A_220], %swap3A_223 {strides = array<i32>} : memref<64x256xf32, #tpu.memory_space<vmem>>, vector<1x16xf32>,
          %get3A_224 = arith.index_cast %scan3A_169 : i32 to index
          %get3A_225 = arith.constant 64 : index
          %get3A_226 = tpu.vector_load %arg14[%get3A_224, %get3A_225] {strides = array<i32>} : memref<64x256xf32, #tpu.memory_space<vmem>>, vector<1x16xf32>,
          %get3A_227 = vector.shape_cast %get3A_226 : vector<1x16xf32> to vector<16xf32>
          %get3A_228 = arith.index_cast %scan3A_169 : i32 to index
          %get3A_229 = arith.constant 64 : index
          %get3A_230 = tpu.vector_load %arg15[%get3A_228, %get3A_229] {strides = array<i32>} : memref<64x256xf32, #tpu.memory_space<vmem>>, vector<1x16xf32>,
          %get3A_231 = vector.shape_cast %get3A_230 : vector<1x16xf32> to vector<16xf32>
          %add3A_232 = arith.addf %get3A_227, %get3A_231 : vector<16xf32>
          %swap3A_233 = arith.index_cast %scan3A_169 : i32 to index
          %swap3A_234 = arith.constant 64 : index
          %swap3A_235 = tpu.vector_load %arg14[%swap3A_233, %swap3A_234] {strides = array<i32>} : memref<64x256xf32, #tpu.memory_space<vmem>>, vector<1x16xf32>,
          %swap3A_236 = vector.shape_cast %swap3A_235 : vector<1x16xf32> to vector<16xf32>
          %swap3A_237 = vector.shape_cast %add3A_232 : vector<16xf32> to vector<1x16xf32>
          tpu.vector_store %arg14[%swap3A_233, %swap3A_234], %swap3A_237 {strides = array<i32>} : memref<64x256xf32, #tpu.memory_space<vmem>>, vector<1x16xf32>,
          %get3A_238 = arith.index_cast %scan3A_169 : i32 to index
          %get3A_239 = arith.constant 80 : index
          %get3A_240 = tpu.vector_load %arg14[%get3A_238, %get3A_239] {strides = array<i32>} : memref<64x256xf32, #tpu.memory_space<vmem>>, vector<1x16xf32>,
          %get3A_241 = vector.shape_cast %get3A_240 : vector<1x16xf32> to vector<16xf32>
          %get3A_242 = arith.index_cast %scan3A_169 : i32 to index
          %get3A_243 = arith.constant 80 : index
          %get3A_244 = tpu.vector_load %arg15[%get3A_242, %get3A_243] {strides = array<i32>} : memref<64x256xf32, #tpu.memory_space<vmem>>, vector<1x16xf32>,
          %get3A_245 = vector.shape_cast %get3A_244 : vector<1x16xf32> to vector<16xf32>
          %add3A_246 = arith.addf %get3A_241, %get3A_245 : vector<16xf32>
          %swap3A_247 = arith.index_cast %scan3A_169 : i32 to index
          %swap3A_248 = arith.constant 80 : index
          %swap3A_249 = tpu.vector_load %arg14[%swap3A_247, %swap3A_248] {strides = array<i32>} : memref<64x256xf32, #tpu.memory_space<vmem>>, vector<1x16xf32>,
          %swap3A_250 = vector.shape_cast %swap3A_249 : vector<1x16xf32> to vector<16xf32>
          %swap3A_251 = vector.shape_cast %add3A_246 : vector<16xf32> to vector<1x16xf32>
          tpu.vector_store %arg14[%swap3A_247, %swap3A_248], %swap3A_251 {strides = array<i32>} : memref<64x256xf32, #tpu.memory_space<vmem>>, vector<1x16xf32>,
          %get3A_252 = arith.index_cast %scan3A_169 : i32 to index
          %get3A_253 = arith.constant 96 : index
          %get3A_254 = tpu.vector_load %arg14[%get3A_252, %get3A_253] {strides = array<i32>} : memref<64x256xf32, #tpu.memory_space<vmem>>, vector<1x16xf32>,
          %get3A_255 = vector.shape_cast %get3A_254 : vector<1x16xf32> to vector<16xf32>
          %get3A_256 = arith.index_cast %scan3A_169 : i32 to index
          %get3A_257 = arith.constant 96 : index
          %get3A_258 = tpu.vector_load %arg15[%get3A_256, %get3A_257] {strides = array<i32>} : memref<64x256xf32, #tpu.memory_space<vmem>>, vector<1x16xf32>,
          %get3A_259 = vector.shape_cast %get3A_258 : vector<1x16xf32> to vector<16xf32>
          %add3A_260 = arith.addf %get3A_255, %get3A_259 : vector<16xf32>
          %swap3A_261 = arith.index_cast %scan3A_169 : i32 to index
          %swap3A_262 = arith.constant 96 : index
          %swap3A_263 = tpu.vector_load %arg14[%swap3A_261, %swap3A_262] {strides = array<i32>} : memref<64x256xf32, #tpu.memory_space<vmem>>, vector<1x16xf32>,
          %swap3A_264 = vector.shape_cast %swap3A_263 : vector<1x16xf32> to vector<16xf32>
          %swap3A_265 = vector.shape_cast %add3A_260 : vector<16xf32> to vector<1x16xf32>
          tpu.vector_store %arg14[%swap3A_261, %swap3A_262], %swap3A_265 {strides = array<i32>} : memref<64x256xf32, #tpu.memory_space<vmem>>, vector<1x16xf32>,
          %get3A_266 = arith.index_cast %scan3A_169 : i32 to index
          %get3A_267 = arith.constant 112 : index
          %get3A_268 = tpu.vector_load %arg14[%get3A_266, %get3A_267] {strides = array<i32>} : memref<64x256xf32, #tpu.memory_space<vmem>>, vector<1x16xf32>,
          %get3A_269 = vector.shape_cast %get3A_268 : vector<1x16xf32> to vector<16xf32>
          %get3A_270 = arith.index_cast %scan3A_169 : i32 to index
          %get3A_271 = arith.constant 112 : index
          %get3A_272 = tpu.vector_load %arg15[%get3A_270, %get3A_271] {strides = array<i32>} : memref<64x256xf32, #tpu.memory_space<vmem>>, vector<1x16xf32>,
          %get3A_273 = vector.shape_cast %get3A_272 : vector<1x16xf32> to vector<16xf32>
          %add3A_274 = arith.addf %get3A_269, %get3A_273 : vector<16xf32>
          %swap3A_275 = arith.index_cast %scan3A_169 : i32 to index
          %swap3A_276 = arith.constant 112 : index
          %swap3A_277 = tpu.vector_load %arg14[%swap3A_275, %swap3A_276] {strides = array<i32>} : memref<64x256xf32, #tpu.memory_space<vmem>>, vector<1x16xf32>,
          %swap3A_278 = vector.shape_cast %swap3A_277 : vector<1x16xf32> to vector<16xf32>
          %swap3A_279 = vector.shape_cast %add3A_274 : vector<16xf32> to vector<1x16xf32>
          tpu.vector_store %arg14[%swap3A_275, %swap3A_276], %swap3A_279 {strides = array<i32>} : memref<64x256xf32, #tpu.memory_space<vmem>>, vector<1x16xf32>,
          %get3A_280 = arith.index_cast %scan3A_169 : i32 to index
          %get3A_281 = arith.constant 128 : index
          %get3A_282 = tpu.vector_load %arg14[%get3A_280, %get3A_281] {strides = array<i32>} : memref<64x256xf32, #tpu.memory_space<vmem>>, vector<1x16xf32>,
          %get3A_283 = vector.shape_cast %get3A_282 : vector<1x16xf32> to vector<16xf32>
          %get3A_284 = arith.index_cast %scan3A_169 : i32 to index
          %get3A_285 = arith.constant 128 : index
          %get3A_286 = tpu.vector_load %arg15[%get3A_284, %get3A_285] {strides = array<i32>} : memref<64x256xf32, #tpu.memory_space<vmem>>, vector<1x16xf32>,
          %get3A_287 = vector.shape_cast %get3A_286 : vector<1x16xf32> to vector<16xf32>
          %add3A_288 = arith.addf %get3A_283, %get3A_287 : vector<16xf32>
          %swap3A_289 = arith.index_cast %scan3A_169 : i32 to index
          %swap3A_290 = arith.constant 128 : index
          %swap3A_291 = tpu.vector_load %arg14[%swap3A_289, %swap3A_290] {strides = array<i32>} : memref<64x256xf32, #tpu.memory_space<vmem>>, vector<1x16xf32>,
          %swap3A_292 = vector.shape_cast %swap3A_291 : vector<1x16xf32> to vector<16xf32>
          %swap3A_293 = vector.shape_cast %add3A_288 : vector<16xf32> to vector<1x16xf32>
          tpu.vector_store %arg14[%swap3A_289, %swap3A_290], %swap3A_293 {strides = array<i32>} : memref<64x256xf32, #tpu.memory_space<vmem>>, vector<1x16xf32>,
          %get3A_294 = arith.index_cast %scan3A_169 : i32 to index
          %get3A_295 = arith.constant 144 : index
          %get3A_296 = tpu.vector_load %arg14[%get3A_294, %get3A_295] {strides = array<i32>} : memref<64x256xf32, #tpu.memory_space<vmem>>, vector<1x16xf32>,
          %get3A_297 = vector.shape_cast %get3A_296 : vector<1x16xf32> to vector<16xf32>
          %get3A_298 = arith.index_cast %scan3A_169 : i32 to index
          %get3A_299 = arith.constant 144 : index
          %get3A_300 = tpu.vector_load %arg15[%get3A_298, %get3A_299] {strides = array<i32>} : memref<64x256xf32, #tpu.memory_space<vmem>>, vector<1x16xf32>,
          %get3A_301 = vector.shape_cast %get3A_300 : vector<1x16xf32> to vector<16xf32>
          %add3A_302 = arith.addf %get3A_297, %get3A_301 : vector<16xf32>
          %swap3A_303 = arith.index_cast %scan3A_169 : i32 to index
          %swap3A_304 = arith.constant 144 : index
          %swap3A_305 = tpu.vector_load %arg14[%swap3A_303, %swap3A_304] {strides = array<i32>} : memref<64x256xf32, #tpu.memory_space<vmem>>, vector<1x16xf32>,
          %swap3A_306 = vector.shape_cast %swap3A_305 : vector<1x16xf32> to vector<16xf32>
          %swap3A_307 = vector.shape_cast %add3A_302 : vector<16xf32> to vector<1x16xf32>
          tpu.vector_store %arg14[%swap3A_303, %swap3A_304], %swap3A_307 {strides = array<i32>} : memref<64x256xf32, #tpu.memory_space<vmem>>, vector<1x16xf32>,
          %get3A_308 = arith.index_cast %scan3A_169 : i32 to index
          %get3A_309 = arith.constant 160 : index
          %get3A_310 = tpu.vector_load %arg14[%get3A_308, %get3A_309] {strides = array<i32>} : memref<64x256xf32, #tpu.memory_space<vmem>>, vector<1x16xf32>,
          %get3A_311 = vector.shape_cast %get3A_310 : vector<1x16xf32> to vector<16xf32>
          %get3A_312 = arith.index_cast %scan3A_169 : i32 to index
          %get3A_313 = arith.constant 160 : index
          %get3A_314 = tpu.vector_load %arg15[%get3A_312, %get3A_313] {strides = array<i32>} : memref<64x256xf32, #tpu.memory_space<vmem>>, vector<1x16xf32>,
          %get3A_315 = vector.shape_cast %get3A_314 : vector<1x16xf32> to vector<16xf32>
          %add3A_316 = arith.addf %get3A_311, %get3A_315 : vector<16xf32>
          %swap3A_317 = arith.index_cast %scan3A_169 : i32 to index
          %swap3A_318 = arith.constant 160 : index
          %swap3A_319 = tpu.vector_load %arg14[%swap3A_317, %swap3A_318] {strides = array<i32>} : memref<64x256xf32, #tpu.memory_space<vmem>>, vector<1x16xf32>,
          %swap3A_320 = vector.shape_cast %swap3A_319 : vector<1x16xf32> to vector<16xf32>
          %swap3A_321 = vector.shape_cast %add3A_316 : vector<16xf32> to vector<1x16xf32>
          tpu.vector_store %arg14[%swap3A_317, %swap3A_318], %swap3A_321 {strides = array<i32>} : memref<64x256xf32, #tpu.memory_space<vmem>>, vector<1x16xf32>,
          %get3A_322 = arith.index_cast %scan3A_169 : i32 to index
          %get3A_323 = arith.constant 176 : index
          %get3A_324 = tpu.vector_load %arg14[%get3A_322, %get3A_323] {strides = array<i32>} : memref<64x256xf32, #tpu.memory_space<vmem>>, vector<1x16xf32>,
          %get3A_325 = vector.shape_cast %get3A_324 : vector<1x16xf32> to vector<16xf32>
          %get3A_326 = arith.index_cast %scan3A_169 : i32 to index
          %get3A_327 = arith.constant 176 : index
          %get3A_328 = tpu.vector_load %arg15[%get3A_326, %get3A_327] {strides = array<i32>} : memref<64x256xf32, #tpu.memory_space<vmem>>, vector<1x16xf32>,
          %get3A_329 = vector.shape_cast %get3A_328 : vector<1x16xf32> to vector<16xf32>
          %add3A_330 = arith.addf %get3A_325, %get3A_329 : vector<16xf32>
          %swap3A_331 = arith.index_cast %scan3A_169 : i32 to index
          %swap3A_332 = arith.constant 176 : index
          %swap3A_333 = tpu.vector_load %arg14[%swap3A_331, %swap3A_332] {strides = array<i32>} : memref<64x256xf32, #tpu.memory_space<vmem>>, vector<1x16xf32>,
          %swap3A_334 = vector.shape_cast %swap3A_333 : vector<1x16xf32> to vector<16xf32>
          %swap3A_335 = vector.shape_cast %add3A_330 : vector<16xf32> to vector<1x16xf32>
          tpu.vector_store %arg14[%swap3A_331, %swap3A_332], %swap3A_335 {strides = array<i32>} : memref<64x256xf32, #tpu.memory_space<vmem>>, vector<1x16xf32>,
          %get3A_336 = arith.index_cast %scan3A_169 : i32 to index
          %get3A_337 = arith.constant 192 : index
          %get3A_338 = tpu.vector_load %arg14[%get3A_336, %get3A_337] {strides = array<i32>} : memref<64x256xf32, #tpu.memory_space<vmem>>, vector<1x16xf32>,
          %get3A_339 = vector.shape_cast %get3A_338 : vector<1x16xf32> to vector<16xf32>
          %get3A_340 = arith.index_cast %scan3A_169 : i32 to index
          %get3A_341 = arith.constant 192 : index
          %get3A_342 = tpu.vector_load %arg15[%get3A_340, %get3A_341] {strides = array<i32>} : memref<64x256xf32, #tpu.memory_space<vmem>>, vector<1x16xf32>,
          %get3A_343 = vector.shape_cast %get3A_342 : vector<1x16xf32> to vector<16xf32>
          %add3A_344 = arith.addf %get3A_339, %get3A_343 : vector<16xf32>
          %swap3A_345 = arith.index_cast %scan3A_169 : i32 to index
          %swap3A_346 = arith.constant 192 : index
          %swap3A_347 = tpu.vector_load %arg14[%swap3A_345, %swap3A_346] {strides = array<i32>} : memref<64x256xf32, #tpu.memory_space<vmem>>, vector<1x16xf32>,
          %swap3A_348 = vector.shape_cast %swap3A_347 : vector<1x16xf32> to vector<16xf32>
          %swap3A_349 = vector.shape_cast %add3A_344 : vector<16xf32> to vector<1x16xf32>
          tpu.vector_store %arg14[%swap3A_345, %swap3A_346], %swap3A_349 {strides = array<i32>} : memref<64x256xf32, #tpu.memory_space<vmem>>, vector<1x16xf32>,
          %get3A_350 = arith.index_cast %scan3A_169 : i32 to index
          %get3A_351 = arith.constant 208 : index
          %get3A_352 = tpu.vector_load %arg14[%get3A_350, %get3A_351] {strides = array<i32>} : memref<64x256xf32, #tpu.memory_space<vmem>>, vector<1x16xf32>,
          %get3A_353 = vector.shape_cast %get3A_352 : vector<1x16xf32> to vector<16xf32>
          %get3A_354 = arith.index_cast %scan3A_169 : i32 to index
          %get3A_355 = arith.constant 208 : index
          %get3A_356 = tpu.vector_load %arg15[%get3A_354, %get3A_355] {strides = array<i32>} : memref<64x256xf32, #tpu.memory_space<vmem>>, vector<1x16xf32>,
          %get3A_357 = vector.shape_cast %get3A_356 : vector<1x16xf32> to vector<16xf32>
          %add3A_358 = arith.addf %get3A_353, %get3A_357 : vector<16xf32>
          %swap3A_359 = arith.index_cast %scan3A_169 : i32 to index
          %swap3A_360 = arith.constant 208 : index
          %swap3A_361 = tpu.vector_load %arg14[%swap3A_359, %swap3A_360] {strides = array<i32>} : memref<64x256xf32, #tpu.memory_space<vmem>>, vector<1x16xf32>,
          %swap3A_362 = vector.shape_cast %swap3A_361 : vector<1x16xf32> to vector<16xf32>
          %swap3A_363 = vector.shape_cast %add3A_358 : vector<16xf32> to vector<1x16xf32>
          tpu.vector_store %arg14[%swap3A_359, %swap3A_360], %swap3A_363 {strides = array<i32>} : memref<64x256xf32, #tpu.memory_space<vmem>>, vector<1x16xf32>,
          %get3A_364 = arith.index_cast %scan3A_169 : i32 to index
          %get3A_365 = arith.constant 224 : index
          %get3A_366 = tpu.vector_load %arg14[%get3A_364, %get3A_365] {strides = array<i32>} : memref<64x256xf32, #tpu.memory_space<vmem>>, vector<1x16xf32>,
          %get3A_367 = vector.shape_cast %get3A_366 : vector<1x16xf32> to vector<16xf32>
          %get3A_368 = arith.index_cast %scan3A_169 : i32 to index
          %get3A_369 = arith.constant 224 : index
          %get3A_370 = tpu.vector_load %arg15[%get3A_368, %get3A_369] {strides = array<i32>} : memref<64x256xf32, #tpu.memory_space<vmem>>, vector<1x16xf32>,
          %get3A_371 = vector.shape_cast %get3A_370 : vector<1x16xf32> to vector<16xf32>
          %add3A_372 = arith.addf %get3A_367, %get3A_371 : vector<16xf32>
          %swap3A_373 = arith.index_cast %scan3A_169 : i32 to index
          %swap3A_374 = arith.constant 224 : index
          %swap3A_375 = tpu.vector_load %arg14[%swap3A_373, %swap3A_374] {strides = array<i32>} : memref<64x256xf32, #tpu.memory_space<vmem>>, vector<1x16xf32>,
          %swap3A_376 = vector.shape_cast %swap3A_375 : vector<1x16xf32> to vector<16xf32>
          %swap3A_377 = vector.shape_cast %add3A_372 : vector<16xf32> to vector<1x16xf32>
          tpu.vector_store %arg14[%swap3A_373, %swap3A_374], %swap3A_377 {strides = array<i32>} : memref<64x256xf32, #tpu.memory_space<vmem>>, vector<1x16xf32>,
          %get3A_378 = arith.index_cast %scan3A_169 : i32 to index
          %get3A_379 = arith.constant 240 : index
          %get3A_380 = tpu.vector_load %arg14[%get3A_378, %get3A_379] {strides = array<i32>} : memref<64x256xf32, #tpu.memory_space<vmem>>, vector<1x16xf32>,
          %get3A_381 = vector.shape_cast %get3A_380 : vector<1x16xf32> to vector<16xf32>
          %get3A_382 = arith.index_cast %scan3A_169 : i32 to index
          %get3A_383 = arith.constant 240 : index
          %get3A_384 = tpu.vector_load %arg15[%get3A_382, %get3A_383] {strides = array<i32>} : memref<64x256xf32, #tpu.memory_space<vmem>>, vector<1x16xf32>,
          %get3A_385 = vector.shape_cast %get3A_384 : vector<1x16xf32> to vector<16xf32>
          %add3A_386 = arith.addf %get3A_381, %get3A_385 : vector<16xf32>
          %swap3A_387 = arith.index_cast %scan3A_169 : i32 to index
          %swap3A_388 = arith.constant 240 : index
          %swap3A_389 = tpu.vector_load %arg14[%swap3A_387, %swap3A_388] {strides = array<i32>} : memref<64x256xf32, #tpu.memory_space<vmem>>, vector<1x16xf32>,
          %swap3A_390 = vector.shape_cast %swap3A_389 : vector<1x16xf32> to vector<16xf32>
          %swap3A_391 = vector.shape_cast %add3A_386 : vector<16xf32> to vector<1x16xf32>
          tpu.vector_store %arg14[%swap3A_387, %swap3A_388], %swap3A_391 {strides = array<i32>} : memref<64x256xf32, #tpu.memory_space<vmem>>, vector<1x16xf32>,
        }
        %scan3A_157 = arith.constant 64 : i32
        %add3A_158 = arith.addi %add3A_5, %while3A_87 : i32
        %mul3A_159 = arith.constant 64 : i32
        %mul3A_160 = arith.muli %add3A_158, %mul3A_159 : i32
        %dma_start3A_161 = arith.constant 0 : i32
        %dma_start3A_162 = tpu.memref_slice %arg7[%mul3A_160, %dma_start3A_161] : memref<160000x256xf32, #tpu.memory_space<hbm>> -> memref<64x256xf32, #tpu.memory_space<hbm>>
        %dma_start3A_163 = arith.constant 0 : i32
        %dma_start3A_164 = tpu.memref_slice %arg7[%mul3A_160, %dma_start3A_163] : memref<160000x256xf32, #tpu.memory_space<hbm>> -> memref<64x256xf32, #tpu.memory_space<hbm>>
        tpu.enqueue_dma source(%arg14 : memref<64x256xf32, #tpu.memory_space<vmem>>) target(%dma_start3A_164 : memref<64x256xf32, #tpu.memory_space<hbm>>) target_semaphore(%arg20 : memref<!tpu.dma_semaphore, #tpu.memory_space<semaphore_mem>>)
        %dma_start3A_165 = arith.constant 0 : i32
        %dma_start3A_166 = tpu.memref_slice %arg8[%mul3A_160, %dma_start3A_165] : memref<160000x256xf32, #tpu.memory_space<hbm>> -> memref<64x256xf32, #tpu.memory_space<hbm>>
        %dma_start3A_167 = arith.constant 0 : i32
        %dma_start3A_168 = tpu.memref_slice %arg8[%mul3A_160, %dma_start3A_167] : memref<160000x256xf32, #tpu.memory_space<hbm>> -> memref<64x256xf32, #tpu.memory_space<hbm>>
        tpu.enqueue_dma source(%arg16 : memref<64x256xf32, #tpu.memory_space<vmem>>) target(%dma_start3A_168 : memref<64x256xf32, #tpu.memory_space<hbm>>) target_semaphore(%arg20 : memref<!tpu.dma_semaphore, #tpu.memory_space<semaphore_mem>>)
      } else {
      }
    }
    %dma_wait3A = arith.constant 0 : i32
    %dma_wait3A_64 = arith.constant 0 : i32
    %dma_wait3A_65 = tpu.memref_slice %arg7[%dma_wait3A, %dma_wait3A_64] : memref<160000x256xf32, #tpu.memory_space<hbm>> -> memref<64x256xf32, #tpu.memory_space<hbm>>
    %dma_wait3A_66 = arith.constant 0 : i32
    %dma_wait3A_67 = arith.constant 0 : i32
    %dma_wait3A_68 = tpu.memref_slice %arg7[%dma_wait3A_66, %dma_wait3A_67] : memref<160000x256xf32, #tpu.memory_space<hbm>> -> memref<64x256xf32, #tpu.memory_space<hbm>>
    tpu.wait_dma2 semaphore(%arg19 : memref<!tpu.dma_semaphore, #tpu.memory_space<semaphore_mem>>) src(%arg11 : memref<64x256xf32, #tpu.memory_space<vmem>>) dst(%dma_wait3A_68 : memref<64x256xf32, #tpu.memory_space<hbm>>)
    %dma_wait3A_69 = arith.constant 0 : i32
    %dma_wait3A_70 = arith.constant 0 : i32
    %dma_wait3A_71 = tpu.memref_slice %arg8[%dma_wait3A_69, %dma_wait3A_70] : memref<160000x256xf32, #tpu.memory_space<hbm>> -> memref<64x256xf32, #tpu.memory_space<hbm>>
    %dma_wait3A_72 = arith.constant 0 : i32
    %dma_wait3A_73 = arith.constant 0 : i32
    %dma_wait3A_74 = tpu.memref_slice %arg8[%dma_wait3A_72, %dma_wait3A_73] : memref<160000x256xf32, #tpu.memory_space<hbm>> -> memref<64x256xf32, #tpu.memory_space<hbm>>
    tpu.wait_dma2 semaphore(%arg19 : memref<!tpu.dma_semaphore, #tpu.memory_space<semaphore_mem>>) src(%arg13 : memref<64x256xf32, #tpu.memory_space<vmem>>) dst(%dma_wait3A_74 : memref<64x256xf32, #tpu.memory_space<hbm>>)
    %dma_wait3A_75 = arith.constant 0 : i32
    %dma_wait3A_76 = arith.constant 0 : i32
    %dma_wait3A_77 = tpu.memref_slice %arg7[%dma_wait3A_75, %dma_wait3A_76] : memref<160000x256xf32, #tpu.memory_space<hbm>> -> memref<64x256xf32, #tpu.memory_space<hbm>>
    %dma_wait3A_78 = arith.constant 0 : i32
    %dma_wait3A_79 = arith.constant 0 : i32
    %dma_wait3A_80 = tpu.memref_slice %arg7[%dma_wait3A_78, %dma_wait3A_79] : memref<160000x256xf32, #tpu.memory_space<hbm>> -> memref<64x256xf32, #tpu.memory_space<hbm>>
    tpu.wait_dma2 semaphore(%arg20 : memref<!tpu.dma_semaphore, #tpu.memory_space<semaphore_mem>>) src(%arg14 : memref<64x256xf32, #tpu.memory_space<vmem>>) dst(%dma_wait3A_80 : memref<64x256xf32, #tpu.memory_space<hbm>>)
    %dma_wait3A_81 = arith.constant 0 : i32
    %dma_wait3A_82 = arith.constant 0 : i32
    %dma_wait3A_83 = tpu.memref_slice %arg8[%dma_wait3A_81, %dma_wait3A_82] : memref<160000x256xf32, #tpu.memory_space<hbm>> -> memref<64x256xf32, #tpu.memory_space<hbm>>
    %dma_wait3A_84 = arith.constant 0 : i32
    %dma_wait3A_85 = arith.constant 0 : i32
    %dma_wait3A_86 = tpu.memref_slice %arg8[%dma_wait3A_84, %dma_wait3A_85] : memref<160000x256xf32, #tpu.memory_space<hbm>> -> memref<64x256xf32, #tpu.memory_space<hbm>>
    tpu.wait_dma2 semaphore(%arg20 : memref<!tpu.dma_semaphore, #tpu.memory_space<semaphore_mem>>) src(%arg16 : memref<64x256xf32, #tpu.memory_space<vmem>>) dst(%dma_wait3A_86 : memref<64x256xf32, #tpu.memory_space<hbm>>)
    return
  }
}

module attributes {stable_mosaic.version = 14 : i64} {
  func.func @_qkv_body(%arg0: i32, %arg1: memref<1000x256xf32, #tpu.memory_space<vmem>>, %arg2: memref<256x768xf32, #tpu.memory_space<vmem>>, %arg3: memref<1x256xf32, #tpu.memory_space<vmem>>, %arg4: memref<1000x256xf32, #tpu.memory_space<vmem>>, %arg5: memref<1000x256xf32, #tpu.memory_space<vmem>>, %arg6: memref<1000x256xf32, #tpu.memory_space<vmem>>) attributes {dimension_semantics = [#tpu.dimension_semantics<arbitrary>], iteration_bounds = array<i64: 10>, scalar_prefetch = 0 : i64, scratch_operands = 0 : i64, tpu.core_type = #tpu.core_type<tc>, window_params = [{transform_indices = @transform_0, window_bounds = array<i64: 1000, 256>}, {pipeline_mode = #tpu.pipeline_mode<synchronous>, transform_indices = @transform_1, window_bounds = array<i64: 256, 768>}, {pipeline_mode = #tpu.pipeline_mode<synchronous>, transform_indices = @transform_2, window_bounds = array<i64: 1, 256>}, {transform_indices = @transform_3, window_bounds = array<i64: 1000, 256>}, {transform_indices = @transform_4, window_bounds = array<i64: 1000, 256>}, {transform_indices = @transform_5, window_bounds = array<i64: 1000, 256>}]} {
    %get3A = arith.constant 0 : index
    %get3A_0 = arith.constant 0 : index
    %get3A_1 = vector.load %arg1[%get3A, %get3A_0] : memref<1000x256xf32, #tpu.memory_space<vmem>>, vector<1000x256xf32>
    %get3A_2 = arith.constant 0 : index
    %get3A_3 = arith.constant 0 : index
    %get3A_4 = vector.load %arg2[%get3A_2, %get3A_3] : memref<256x768xf32, #tpu.memory_space<vmem>>, vector<256x768xf32>
    %dot_general3A = arith.constant dense<0.000000e+00> : vector<1000x768xf32>
    %dot_general3A_5 = tpu.matmul %get3A_1, %get3A_4, %dot_general3A {dimension_numbers = #tpu.dot_dimension_numbers<[1], [0], [0], [1], [0, 0, 1, 1], [], []>, transpose_lhs_hint = false} : vector<1000x256xf32>, vector<256x768xf32>, vector<1000x768xf32> -> vector<1000x768xf32>
    %slice3A = vector.extract_strided_slice %dot_general3A_5 {offsets = [0, 0], sizes = [1000, 256], strides = [1, 1]} : vector<1000x768xf32> to vector<1000x256xf32>
    %get3A_6 = arith.constant 0 : index
    %get3A_7 = arith.constant 0 : index
    %get3A_8 = vector.load %arg3[%get3A_6, %get3A_7] : memref<1x256xf32, #tpu.memory_space<vmem>>, vector<1x256xf32>
    %add3A = vector.broadcast %get3A_8 : vector<1x256xf32> to vector<1000x256xf32>
    %add3A_9 = arith.addf %slice3A, %add3A : vector<1000x256xf32>
    %swap3A = arith.constant 0 : index
    %swap3A_10 = arith.constant 0 : index
    %swap3A_11 = vector.load %arg4[%swap3A, %swap3A_10] : memref<1000x256xf32, #tpu.memory_space<vmem>>, vector<1000x256xf32>
    tpu.vector_store %arg4[%swap3A, %swap3A_10], %add3A_9 {strides = array<i32>} : memref<1000x256xf32, #tpu.memory_space<vmem>>, vector<1000x256xf32>,
    %slice3A_12 = vector.extract_strided_slice %dot_general3A_5 {offsets = [0, 256], sizes = [1000, 256], strides = [1, 1]} : vector<1000x768xf32> to vector<1000x256xf32>
    %swap3A_13 = arith.constant 0 : index
    %swap3A_14 = arith.constant 0 : index
    %swap3A_15 = vector.load %arg5[%swap3A_13, %swap3A_14] : memref<1000x256xf32, #tpu.memory_space<vmem>>, vector<1000x256xf32>
    tpu.vector_store %arg5[%swap3A_13, %swap3A_14], %slice3A_12 {strides = array<i32>} : memref<1000x256xf32, #tpu.memory_space<vmem>>, vector<1000x256xf32>,
    %slice3A_16 = vector.extract_strided_slice %dot_general3A_5 {offsets = [0, 512], sizes = [1000, 256], strides = [1, 1]} : vector<1000x768xf32> to vector<1000x256xf32>
    %swap3A_17 = arith.constant 0 : index
    %swap3A_18 = arith.constant 0 : index
    %swap3A_19 = vector.load %arg6[%swap3A_17, %swap3A_18] : memref<1000x256xf32, #tpu.memory_space<vmem>>, vector<1000x256xf32>
    tpu.vector_store %arg6[%swap3A_17, %swap3A_18], %slice3A_16 {strides = array<i32>} : memref<1000x256xf32, #tpu.memory_space<vmem>>, vector<1000x256xf32>,
    return
  }
  func.func @transform_0(%arg0: i32) -> (i32, i32) {
    %c0_i32 = arith.constant 0 : i32
    %c0_i32_0 = arith.constant 0 : i32
    return %arg0, %c0_i32 : i32, i32
  }
  func.func @transform_1(%arg0: i32) -> (i32, i32) {
    %c0_i32 = arith.constant 0 : i32
    %c0_i32_0 = arith.constant 0 : i32
    %c0_i32_1 = arith.constant 0 : i32
    return %c0_i32, %c0_i32_0 : i32, i32
  }
  func.func @transform_2(%arg0: i32) -> (i32, i32) {
    %c0_i32 = arith.constant 0 : i32
    %c0_i32_0 = arith.constant 0 : i32
    %c0_i32_1 = arith.constant 0 : i32
    return %c0_i32, %c0_i32_0 : i32, i32
  }
  func.func @transform_3(%arg0: i32) -> (i32, i32) {
    %c0_i32 = arith.constant 0 : i32
    %c0_i32_0 = arith.constant 0 : i32
    return %arg0, %c0_i32 : i32, i32
  }
  func.func @transform_4(%arg0: i32) -> (i32, i32) {
    %c0_i32 = arith.constant 0 : i32
    %c0_i32_0 = arith.constant 0 : i32
    return %arg0, %c0_i32 : i32, i32
  }
  func.func @transform_5(%arg0: i32) -> (i32, i32) {
    %c0_i32 = arith.constant 0 : i32
    %c0_i32_0 = arith.constant 0 : i32
    return %arg0, %c0_i32 : i32, i32
  }
}

module attributes {stable_mosaic.version = 14 : i64} {
  func.func @_edge_body(%arg0: i32, %arg1: memref<1280x256xf32, #tpu.memory_space<vmem>>, %arg2: memref<1280x256xf32, #tpu.memory_space<vmem>>, %arg3: memref<1280x256xf32, #tpu.memory_space<vmem>>, %arg4: memref<256x512xf32, #tpu.memory_space<vmem>>, %arg5: memref<1x512xf32, #tpu.memory_space<vmem>>, %arg6: memref<256x256xf32, #tpu.memory_space<vmem>>, %arg7: memref<1x256xf32, #tpu.memory_space<vmem>>, %arg8: memref<256x128xf32, #tpu.memory_space<vmem>>, %arg9: memref<128x256xf32, #tpu.memory_space<vmem>>, %arg10: memref<1280x256xf32, #tpu.memory_space<vmem>>, %arg11: memref<1280x128xf32, #tpu.memory_space<vmem>>, %arg12: memref<1280x128xf32, #tpu.memory_space<vmem>>, %arg13: memref<1280x128xf32, #tpu.memory_space<vmem>>, %arg14: memref<1280x128xf32, #tpu.memory_space<vmem>>, %arg15: memref<1280x128xf32, #tpu.memory_space<vmem>>, %arg16: memref<1x2x256xf32, #tpu.memory_space<vmem>>) attributes {dimension_semantics = [#tpu.dimension_semantics<arbitrary>], iteration_bounds = array<i64: 125>, scalar_prefetch = 0 : i64, scratch_operands = 0 : i64, tpu.core_type = #tpu.core_type<tc>, window_params = [{transform_indices = @transform_0, window_bounds = array<i64: 1280, 256>}, {transform_indices = @transform_1, window_bounds = array<i64: 1280, 256>}, {transform_indices = @transform_2, window_bounds = array<i64: 1280, 256>}, {pipeline_mode = #tpu.pipeline_mode<synchronous>, transform_indices = @transform_3, window_bounds = array<i64: 256, 512>}, {pipeline_mode = #tpu.pipeline_mode<synchronous>, transform_indices = @transform_4, window_bounds = array<i64: 1, 512>}, {pipeline_mode = #tpu.pipeline_mode<synchronous>, transform_indices = @transform_5, window_bounds = array<i64: 256, 256>}, {pipeline_mode = #tpu.pipeline_mode<synchronous>, transform_indices = @transform_6, window_bounds = array<i64: 1, 256>}, {pipeline_mode = #tpu.pipeline_mode<synchronous>, transform_indices = @transform_7, window_bounds = array<i64: 256, 128>}, {pipeline_mode = #tpu.pipeline_mode<synchronous>, transform_indices = @transform_8, window_bounds = array<i64: 128, 256>}, {transform_indices = @transform_9, window_bounds = array<i64: 1280, 256>}, {transform_indices = @transform_10, window_bounds = array<i64: 1280, 128>}, {transform_indices = @transform_11, window_bounds = array<i64: 1280, 128>}, {transform_indices = @transform_12, window_bounds = array<i64: 1280, 128>}, {transform_indices = @transform_13, window_bounds = array<i64: 1280, 128>}, {transform_indices = @transform_14, window_bounds = array<i64: 1280, 128>}, {transform_indices = @transform_15, window_bounds = array<i64: 1, 2, 256>}]} {
    %get3A = arith.constant 0 : index
    %get3A_0 = arith.constant 0 : index
    %get3A_1 = vector.load %arg1[%get3A, %get3A_0] : memref<1280x256xf32, #tpu.memory_space<vmem>>, vector<1280x256xf32>
    %get3A_2 = arith.constant 0 : index
    %get3A_3 = arith.constant 0 : index
    %get3A_4 = vector.load %arg2[%get3A_2, %get3A_3] : memref<1280x256xf32, #tpu.memory_space<vmem>>, vector<1280x256xf32>
    %get3A_5 = arith.constant 0 : index
    %get3A_6 = arith.constant 0 : index
    %get3A_7 = vector.load %arg4[%get3A_5, %get3A_6] : memref<256x512xf32, #tpu.memory_space<vmem>>, vector<256x512xf32>
    %dot_general3A = arith.constant dense<0.000000e+00> : vector<1280x512xf32>
    %dot_general3A_8 = tpu.matmul %get3A_1, %get3A_7, %dot_general3A {dimension_numbers = #tpu.dot_dimension_numbers<[1], [0], [0], [1], [0, 0, 1, 1], [], []>, transpose_lhs_hint = false} : vector<1280x256xf32>, vector<256x512xf32>, vector<1280x512xf32> -> vector<1280x512xf32>
    %get3A_9 = arith.constant 0 : index
    %get3A_10 = arith.constant 0 : index
    %get3A_11 = vector.load %arg5[%get3A_9, %get3A_10] : memref<1x512xf32, #tpu.memory_space<vmem>>, vector<1x512xf32>
    %add3A = vector.broadcast %get3A_11 : vector<1x512xf32> to vector<1280x512xf32>
    %add3A_12 = arith.addf %dot_general3A_8, %add3A : vector<1280x512xf32>
    %slice3A = vector.extract_strided_slice %add3A_12 {offsets = [0, 0], sizes = [1280, 256], strides = [1, 1]} : vector<1280x512xf32> to vector<1280x256xf32>
    %mul3A = arith.mulf %get3A_4, %slice3A : vector<1280x256xf32>
    %sign3A = tpu.bitcast %mul3A : vector<1280x256xf32> -> vector<1280x256xi32>
    %sign3A_13 = arith.constant -2147483648 : i32
    %sign3A_14 = vector.broadcast %sign3A_13 : i32 to vector<1280x256xi32>
    %sign3A_15 = arith.andi %sign3A, %sign3A_14 : vector<1280x256xi32>
    %sign3A_16 = arith.constant 1065353216 : i32
    %sign3A_17 = vector.broadcast %sign3A_16 : i32 to vector<1280x256xi32>
    %sign3A_18 = arith.ori %sign3A_17, %sign3A_15 : vector<1280x256xi32>
    %sign3A_19 = tpu.bitcast %sign3A_18 : vector<1280x256xi32> -> vector<1280x256xf32>
    %sign3A_20 = math.absf %mul3A : vector<1280x256xf32>
    %sign3A_21 = arith.constant 0.000000e+00 : f32
    %sign3A_22 = vector.broadcast %sign3A_21 : f32 to vector<1280x256xf32>
    %sign3A_23 = arith.cmpf ogt, %sign3A_20, %sign3A_22 : vector<1280x256xf32>
    %sign3A_24 = arith.select %sign3A_23, %sign3A_19, %mul3A : vector<1280x256xi1>, vector<1280x256xf32>
    %abs3A = math.absf %mul3A : vector<1280x256xf32>
    %sqrt3A = math.sqrt %abs3A : vector<1280x256xf32>
    %mul3A_25 = arith.mulf %sign3A_24, %sqrt3A : vector<1280x256xf32>
    %slice3A_26 = vector.extract_strided_slice %add3A_12 {offsets = [0, 256], sizes = [1280, 256], strides = [1, 1]} : vector<1280x512xf32> to vector<1280x256xf32>
    %add3A_27 = arith.addf %mul3A_25, %slice3A_26 : vector<1280x256xf32>
    %max3A = arith.constant 0.000000e+00 : f32
    %max3A_28 = vector.broadcast %max3A : f32 to vector<1280x256xf32>
    %max3A_29 = arith.maximumf %add3A_27, %max3A_28 : vector<1280x256xf32>
    %get3A_30 = arith.constant 0 : index
    %get3A_31 = arith.constant 0 : index
    %get3A_32 = vector.load %arg8[%get3A_30, %get3A_31] : memref<256x128xf32, #tpu.memory_space<vmem>>, vector<256x128xf32>
    %dot_general3A_33 = arith.constant dense<0.000000e+00> : vector<1280x128xf32>
    %dot_general3A_34 = tpu.matmul %max3A_29, %get3A_32, %dot_general3A_33 {dimension_numbers = #tpu.dot_dimension_numbers<[1], [0], [0], [1], [0, 0, 1, 1], [], []>, transpose_lhs_hint = false} : vector<1280x256xf32>, vector<256x128xf32>, vector<1280x128xf32> -> vector<1280x128xf32>
    %jit3A = arith.constant -5.000000e+00 : f32
    %jit3A_35 = arith.constant 5.000000e+00 : f32
    %max3A_36 = vector.broadcast %jit3A : f32 to vector<1280x128xf32>
    %max3A_37 = arith.maximumf %max3A_36, %dot_general3A_34 : vector<1280x128xf32>
    %min3A = vector.broadcast %jit3A_35 : f32 to vector<1280x128xf32>
    %min3A_38 = arith.minimumf %min3A, %max3A_37 : vector<1280x128xf32>
    %exp3A = math.exp %min3A_38 : vector<1280x128xf32>
    %swap3A = arith.constant 0 : index
    %swap3A_39 = arith.constant 0 : index
    %swap3A_40 = vector.load %arg11[%swap3A, %swap3A_39] : memref<1280x128xf32, #tpu.memory_space<vmem>>, vector<1280x128xf32>
    tpu.vector_store %arg11[%swap3A, %swap3A_39], %exp3A {strides = array<i32>} : memref<1280x128xf32, #tpu.memory_space<vmem>>, vector<1280x128xf32>,
    %get3A_41 = arith.constant 0 : index
    %get3A_42 = arith.constant 0 : index
    %get3A_43 = vector.load %arg9[%get3A_41, %get3A_42] : memref<128x256xf32, #tpu.memory_space<vmem>>, vector<128x256xf32>
    %dot_general3A_44 = arith.constant dense<0.000000e+00> : vector<1280x256xf32>
    %dot_general3A_45 = tpu.matmul %exp3A, %get3A_43, %dot_general3A_44 {dimension_numbers = #tpu.dot_dimension_numbers<[1], [0], [0], [1], [0, 0, 1, 1], [], []>, transpose_lhs_hint = false} : vector<1280x128xf32>, vector<128x256xf32>, vector<1280x256xf32> -> vector<1280x256xf32>
    %get3A_46 = arith.constant 0 : index
    %get3A_47 = arith.constant 0 : index
    %get3A_48 = vector.load %arg3[%get3A_46, %get3A_47] : memref<1280x256xf32, #tpu.memory_space<vmem>>, vector<1280x256xf32>
    %mul3A_49 = arith.mulf %get3A_48, %dot_general3A_45 : vector<1280x256xf32>
    %mul3A_50 = arith.mulf %max3A_29, %dot_general3A_45 : vector<1280x256xf32>
    %slice3A_51 = vector.extract_strided_slice %mul3A_49 {offsets = [0, 0], sizes = [1280, 128], strides = [1, 1]} : vector<1280x256xf32> to vector<1280x128xf32>
    %swap3A_52 = arith.constant 0 : index
    %swap3A_53 = arith.constant 0 : index
    %swap3A_54 = vector.load %arg12[%swap3A_52, %swap3A_53] : memref<1280x128xf32, #tpu.memory_space<vmem>>, vector<1280x128xf32>
    tpu.vector_store %arg12[%swap3A_52, %swap3A_53], %slice3A_51 {strides = array<i32>} : memref<1280x128xf32, #tpu.memory_space<vmem>>, vector<1280x128xf32>,
    %slice3A_55 = vector.extract_strided_slice %mul3A_49 {offsets = [0, 128], sizes = [1280, 128], strides = [1, 1]} : vector<1280x256xf32> to vector<1280x128xf32>
    %swap3A_56 = arith.constant 0 : index
    %swap3A_57 = arith.constant 0 : index
    %swap3A_58 = vector.load %arg13[%swap3A_56, %swap3A_57] : memref<1280x128xf32, #tpu.memory_space<vmem>>, vector<1280x128xf32>
    tpu.vector_store %arg13[%swap3A_56, %swap3A_57], %slice3A_55 {strides = array<i32>} : memref<1280x128xf32, #tpu.memory_space<vmem>>, vector<1280x128xf32>,
    %slice3A_59 = vector.extract_strided_slice %mul3A_50 {offsets = [0, 0], sizes = [1280, 128], strides = [1, 1]} : vector<1280x256xf32> to vector<1280x128xf32>
    %swap3A_60 = arith.constant 0 : index
    %swap3A_61 = arith.constant 0 : index
    %swap3A_62 = vector.load %arg14[%swap3A_60, %swap3A_61] : memref<1280x128xf32, #tpu.memory_space<vmem>>, vector<1280x128xf32>
    tpu.vector_store %arg14[%swap3A_60, %swap3A_61], %slice3A_59 {strides = array<i32>} : memref<1280x128xf32, #tpu.memory_space<vmem>>, vector<1280x128xf32>,
    %slice3A_63 = vector.extract_strided_slice %mul3A_50 {offsets = [0, 128], sizes = [1280, 128], strides = [1, 1]} : vector<1280x256xf32> to vector<1280x128xf32>
    %swap3A_64 = arith.constant 0 : index
    %swap3A_65 = arith.constant 0 : index
    %swap3A_66 = vector.load %arg15[%swap3A_64, %swap3A_65] : memref<1280x128xf32, #tpu.memory_space<vmem>>, vector<1280x128xf32>
    tpu.vector_store %arg15[%swap3A_64, %swap3A_65], %slice3A_63 {strides = array<i32>} : memref<1280x128xf32, #tpu.memory_space<vmem>>, vector<1280x128xf32>,
    %get3A_67 = arith.constant 0 : index
    %get3A_68 = arith.constant 0 : index
    %get3A_69 = vector.load %arg6[%get3A_67, %get3A_68] : memref<256x256xf32, #tpu.memory_space<vmem>>, vector<256x256xf32>
    %dot_general3A_70 = arith.constant dense<0.000000e+00> : vector<1280x256xf32>
    %dot_general3A_71 = tpu.matmul %max3A_29, %get3A_69, %dot_general3A_70 {dimension_numbers = #tpu.dot_dimension_numbers<[1], [0], [0], [1], [0, 0, 1, 1], [], []>, transpose_lhs_hint = false} : vector<1280x256xf32>, vector<256x256xf32>, vector<1280x256xf32> -> vector<1280x256xf32>
    %add3A_72 = arith.addf %get3A_1, %dot_general3A_71 : vector<1280x256xf32>
    %get3A_73 = arith.constant 0 : index
    %get3A_74 = arith.constant 0 : index
    %get3A_75 = vector.load %arg7[%get3A_73, %get3A_74] : memref<1x256xf32, #tpu.memory_space<vmem>>, vector<1x256xf32>
    %add3A_76 = vector.broadcast %get3A_75 : vector<1x256xf32> to vector<1280x256xf32>
    %add3A_77 = arith.addf %add3A_72, %add3A_76 : vector<1280x256xf32>
    %swap3A_78 = arith.constant 0 : index
    %swap3A_79 = arith.constant 0 : index
    %swap3A_80 = vector.load %arg10[%swap3A_78, %swap3A_79] : memref<1280x256xf32, #tpu.memory_space<vmem>>, vector<1280x256xf32>
    tpu.vector_store %arg10[%swap3A_78, %swap3A_79], %add3A_77 {strides = array<i32>} : memref<1280x256xf32, #tpu.memory_space<vmem>>, vector<1280x256xf32>,
    %reduce_sum3A = arith.constant dense<0.000000e+00> : vector<256xf32>
    %reduce_sum3A_81 = vector.multi_reduction <add>, %add3A_77, %reduce_sum3A [0] : vector<1280x256xf32> to vector<256xf32>
    %swap3A_82 = arith.constant 0 : index
    %swap3A_83 = arith.constant 0 : index
    %swap3A_84 = arith.constant 0 : index
    %swap3A_85 = vector.load %arg16[%swap3A_82, %swap3A_83, %swap3A_84] : memref<1x2x256xf32, #tpu.memory_space<vmem>>, vector<1x1x256xf32>
    %swap3A_86 = vector.shape_cast %swap3A_85 : vector<1x1x256xf32> to vector<256xf32>
    %swap3A_87 = vector.shape_cast %reduce_sum3A_81 : vector<256xf32> to vector<1x1x256xf32>
    tpu.vector_store %arg16[%swap3A_82, %swap3A_83, %swap3A_84], %swap3A_87 {strides = array<i32>} : memref<1x2x256xf32, #tpu.memory_space<vmem>>, vector<1x1x256xf32>,
    %mul3A_88 = arith.mulf %add3A_77, %add3A_77 : vector<1280x256xf32>
    %reduce_sum3A_89 = arith.constant dense<0.000000e+00> : vector<256xf32>
    %reduce_sum3A_90 = vector.multi_reduction <add>, %mul3A_88, %reduce_sum3A_89 [0] : vector<1280x256xf32> to vector<256xf32>
    %swap3A_91 = arith.constant 0 : index
    %swap3A_92 = arith.constant 1 : index
    %swap3A_93 = arith.constant 0 : index
    %swap3A_94 = vector.load %arg16[%swap3A_91, %swap3A_92, %swap3A_93] : memref<1x2x256xf32, #tpu.memory_space<vmem>>, vector<1x1x256xf32>
    %swap3A_95 = vector.shape_cast %swap3A_94 : vector<1x1x256xf32> to vector<256xf32>
    %swap3A_96 = vector.shape_cast %reduce_sum3A_90 : vector<256xf32> to vector<1x1x256xf32>
    tpu.vector_store %arg16[%swap3A_91, %swap3A_92, %swap3A_93], %swap3A_96 {strides = array<i32>} : memref<1x2x256xf32, #tpu.memory_space<vmem>>, vector<1x1x256xf32>,
    return
  }
  func.func @transform_0(%arg0: i32) -> (i32, i32) {
    %c0_i32 = arith.constant 0 : i32
    %c0_i32_0 = arith.constant 0 : i32
    return %arg0, %c0_i32 : i32, i32
  }
  func.func @transform_1(%arg0: i32) -> (i32, i32) {
    %c0_i32 = arith.constant 0 : i32
    %c0_i32_0 = arith.constant 0 : i32
    return %arg0, %c0_i32 : i32, i32
  }
  func.func @transform_2(%arg0: i32) -> (i32, i32) {
    %c0_i32 = arith.constant 0 : i32
    %c0_i32_0 = arith.constant 0 : i32
    return %arg0, %c0_i32 : i32, i32
  }
  func.func @transform_3(%arg0: i32) -> (i32, i32) {
    %c0_i32 = arith.constant 0 : i32
    %c0_i32_0 = arith.constant 0 : i32
    %c0_i32_1 = arith.constant 0 : i32
    return %c0_i32, %c0_i32_0 : i32, i32
  }
  func.func @transform_4(%arg0: i32) -> (i32, i32) {
    %c0_i32 = arith.constant 0 : i32
    %c0_i32_0 = arith.constant 0 : i32
    %c0_i32_1 = arith.constant 0 : i32
    return %c0_i32, %c0_i32_0 : i32, i32
  }
  func.func @transform_5(%arg0: i32) -> (i32, i32) {
    %c0_i32 = arith.constant 0 : i32
    %c0_i32_0 = arith.constant 0 : i32
    %c0_i32_1 = arith.constant 0 : i32
    return %c0_i32, %c0_i32_0 : i32, i32
  }
  func.func @transform_6(%arg0: i32) -> (i32, i32) {
    %c0_i32 = arith.constant 0 : i32
    %c0_i32_0 = arith.constant 0 : i32
    %c0_i32_1 = arith.constant 0 : i32
    return %c0_i32, %c0_i32_0 : i32, i32
  }
  func.func @transform_7(%arg0: i32) -> (i32, i32) {
    %c0_i32 = arith.constant 0 : i32
    %c0_i32_0 = arith.constant 0 : i32
    %c0_i32_1 = arith.constant 0 : i32
    return %c0_i32, %c0_i32_0 : i32, i32
  }
  func.func @transform_8(%arg0: i32) -> (i32, i32) {
    %c0_i32 = arith.constant 0 : i32
    %c0_i32_0 = arith.constant 0 : i32
    %c0_i32_1 = arith.constant 0 : i32
    return %c0_i32, %c0_i32_0 : i32, i32
  }
  func.func @transform_9(%arg0: i32) -> (i32, i32) {
    %c0_i32 = arith.constant 0 : i32
    %c0_i32_0 = arith.constant 0 : i32
    return %arg0, %c0_i32 : i32, i32
  }
  func.func @transform_10(%arg0: i32) -> (i32, i32) {
    %c0_i32 = arith.constant 0 : i32
    %c0_i32_0 = arith.constant 0 : i32
    return %arg0, %c0_i32 : i32, i32
  }
  func.func @transform_11(%arg0: i32) -> (i32, i32) {
    %c0_i32 = arith.constant 0 : i32
    %c0_i32_0 = arith.constant 0 : i32
    return %arg0, %c0_i32 : i32, i32
  }
  func.func @transform_12(%arg0: i32) -> (i32, i32) {
    %c0_i32 = arith.constant 0 : i32
    %c0_i32_0 = arith.constant 0 : i32
    return %arg0, %c0_i32 : i32, i32
  }
  func.func @transform_13(%arg0: i32) -> (i32, i32) {
    %c0_i32 = arith.constant 0 : i32
    %c0_i32_0 = arith.constant 0 : i32
    return %arg0, %c0_i32 : i32, i32
  }
  func.func @transform_14(%arg0: i32) -> (i32, i32) {
    %c0_i32 = arith.constant 0 : i32
    %c0_i32_0 = arith.constant 0 : i32
    return %arg0, %c0_i32 : i32, i32
  }
  func.func @transform_15(%arg0: i32) -> (i32, i32, i32) {
    %c0_i32 = arith.constant 0 : i32
    %c0_i32_0 = arith.constant 0 : i32
    %c0_i32_1 = arith.constant 0 : i32
    return %arg0, %c0_i32, %c0_i32_0 : i32, i32, i32
  }
}

module attributes {stable_mosaic.version = 14 : i64} {
  func.func @_bnstats_body(%arg0: i32, %arg1: memref<125x2x256xf32, #tpu.memory_space<vmem>>, %arg2: memref<1x256xf32, #tpu.memory_space<vmem>>, %arg3: memref<1x256xf32, #tpu.memory_space<vmem>>, %arg4: memref<2x256xf32, #tpu.memory_space<vmem>>) attributes {dimension_semantics = [#tpu.dimension_semantics<arbitrary>], iteration_bounds = array<i64: 1>, scalar_prefetch = 0 : i64, scratch_operands = 0 : i64, tpu.core_type = #tpu.core_type<tc>, window_params = [{pipeline_mode = #tpu.pipeline_mode<synchronous>, transform_indices = @transform_0, window_bounds = array<i64: 125, 2, 256>}, {pipeline_mode = #tpu.pipeline_mode<synchronous>, transform_indices = @transform_1, window_bounds = array<i64: 1, 256>}, {pipeline_mode = #tpu.pipeline_mode<synchronous>, transform_indices = @transform_2, window_bounds = array<i64: 1, 256>}, {pipeline_mode = #tpu.pipeline_mode<synchronous>, transform_indices = @transform_3, window_bounds = array<i64: 2, 256>}]} {
    %get3A = arith.constant 0 : index
    %get3A_0 = arith.constant 0 : index
    %get3A_1 = arith.constant 0 : index
    %get3A_2 = vector.load %arg1[%get3A, %get3A_0, %get3A_1] : memref<125x2x256xf32, #tpu.memory_space<vmem>>, vector<125x2x256xf32>
    %reduce_sum3A = arith.constant dense<0.000000e+00> : vector<2x256xf32>
    %reduce_sum3A_3 = vector.multi_reduction <add>, %get3A_2, %reduce_sum3A [0] : vector<125x2x256xf32> to vector<2x256xf32>
    %slice3A = vector.extract_strided_slice %reduce_sum3A_3 {offsets = [0, 0], sizes = [1, 256], strides = [1, 1]} : vector<2x256xf32> to vector<1x256xf32>
    %mul3A = arith.constant 6.250000e-06 : f32
    %mul3A_4 = vector.broadcast %mul3A : f32 to vector<1x256xf32>
    %mul3A_5 = arith.mulf %slice3A, %mul3A_4 : vector<1x256xf32>
    %slice3A_6 = vector.extract_strided_slice %reduce_sum3A_3 {offsets = [1, 0], sizes = [1, 256], strides = [1, 1]} : vector<2x256xf32> to vector<1x256xf32>
    %mul3A_7 = arith.constant 6.250000e-06 : f32
    %mul3A_8 = vector.broadcast %mul3A_7 : f32 to vector<1x256xf32>
    %mul3A_9 = arith.mulf %slice3A_6, %mul3A_8 : vector<1x256xf32>
    %mul3A_10 = arith.mulf %mul3A_5, %mul3A_5 : vector<1x256xf32>
    %sub3A = arith.subf %mul3A_9, %mul3A_10 : vector<1x256xf32>
    %add3A = arith.constant 9.99999974E-6 : f32
    %add3A_11 = vector.broadcast %add3A : f32 to vector<1x256xf32>
    %add3A_12 = arith.addf %sub3A, %add3A_11 : vector<1x256xf32>
    %rsqrt3A = math.rsqrt %add3A_12 : vector<1x256xf32>
    %get3A_13 = arith.constant 0 : index
    %get3A_14 = arith.constant 0 : index
    %get3A_15 = vector.load %arg2[%get3A_13, %get3A_14] : memref<1x256xf32, #tpu.memory_space<vmem>>, vector<1x256xf32>
    %mul3A_16 = arith.mulf %get3A_15, %rsqrt3A : vector<1x256xf32>
    %swap3A = arith.constant 0 : index
    %swap3A_17 = arith.constant 0 : index
    %swap3A_18 = vector.load %arg4[%swap3A, %swap3A_17] : memref<2x256xf32, #tpu.memory_space<vmem>>, vector<1x256xf32>
    tpu.vector_store %arg4[%swap3A, %swap3A_17], %mul3A_16 {strides = array<i32>} : memref<2x256xf32, #tpu.memory_space<vmem>>, vector<1x256xf32>,
    %get3A_19 = arith.constant 0 : index
    %get3A_20 = arith.constant 0 : index
    %get3A_21 = vector.load %arg3[%get3A_19, %get3A_20] : memref<1x256xf32, #tpu.memory_space<vmem>>, vector<1x256xf32>
    %mul3A_22 = arith.mulf %mul3A_5, %mul3A_16 : vector<1x256xf32>
    %sub3A_23 = arith.subf %get3A_21, %mul3A_22 : vector<1x256xf32>
    %swap3A_24 = arith.constant 1 : index
    %swap3A_25 = arith.constant 0 : index
    %swap3A_26 = vector.load %arg4[%swap3A_24, %swap3A_25] : memref<2x256xf32, #tpu.memory_space<vmem>>, vector<1x256xf32>
    tpu.vector_store %arg4[%swap3A_24, %swap3A_25], %sub3A_23 {strides = array<i32>} : memref<2x256xf32, #tpu.memory_space<vmem>>, vector<1x256xf32>,
    return
  }
  func.func @transform_0(%arg0: i32) -> (i32, i32, i32) {
    %c0_i32 = arith.constant 0 : i32
    %c0_i32_0 = arith.constant 0 : i32
    %c0_i32_1 = arith.constant 0 : i32
    %c0_i32_2 = arith.constant 0 : i32
    return %c0_i32, %c0_i32_0, %c0_i32_1 : i32, i32, i32
  }
  func.func @transform_1(%arg0: i32) -> (i32, i32) {
    %c0_i32 = arith.constant 0 : i32
    %c0_i32_0 = arith.constant 0 : i32
    %c0_i32_1 = arith.constant 0 : i32
    return %c0_i32, %c0_i32_0 : i32, i32
  }
  func.func @transform_2(%arg0: i32) -> (i32, i32) {
    %c0_i32 = arith.constant 0 : i32
    %c0_i32_0 = arith.constant 0 : i32
    %c0_i32_1 = arith.constant 0 : i32
    return %c0_i32, %c0_i32_0 : i32, i32
  }
  func.func @transform_3(%arg0: i32) -> (i32, i32) {
    %c0_i32 = arith.constant 0 : i32
    %c0_i32_0 = arith.constant 0 : i32
    %c0_i32_1 = arith.constant 0 : i32
    return %c0_i32, %c0_i32_0 : i32, i32
  }
}

module attributes {stable_mosaic.version = 14 : i64} {
  func.func @_bnapply_body(%arg0: i32, %arg1: memref<1280x256xf32, #tpu.memory_space<vmem>>, %arg2: memref<2x256xf32, #tpu.memory_space<vmem>>, %arg3: memref<1280x256xf32, #tpu.memory_space<vmem>>) attributes {dimension_semantics = [#tpu.dimension_semantics<arbitrary>], iteration_bounds = array<i64: 125>, scalar_prefetch = 0 : i64, scratch_operands = 0 : i64, tpu.core_type = #tpu.core_type<tc>, window_params = [{transform_indices = @transform_0, window_bounds = array<i64: 1280, 256>}, {pipeline_mode = #tpu.pipeline_mode<synchronous>, transform_indices = @transform_1, window_bounds = array<i64: 2, 256>}, {transform_indices = @transform_2, window_bounds = array<i64: 1280, 256>}]} {
    %get3A = arith.constant 0 : index
    %get3A_0 = arith.constant 0 : index
    %get3A_1 = vector.load %arg1[%get3A, %get3A_0] : memref<1280x256xf32, #tpu.memory_space<vmem>>, vector<1280x256xf32>
    %get3A_2 = arith.constant 0 : index
    %get3A_3 = arith.constant 0 : index
    %get3A_4 = vector.load %arg2[%get3A_2, %get3A_3] : memref<2x256xf32, #tpu.memory_space<vmem>>, vector<1x256xf32>
    %mul3A = vector.broadcast %get3A_4 : vector<1x256xf32> to vector<1280x256xf32>
    %mul3A_5 = arith.mulf %get3A_1, %mul3A : vector<1280x256xf32>
    %get3A_6 = arith.constant 1 : index
    %get3A_7 = arith.constant 0 : index
    %get3A_8 = vector.load %arg2[%get3A_6, %get3A_7] : memref<2x256xf32, #tpu.memory_space<vmem>>, vector<1x256xf32>
    %add3A = vector.broadcast %get3A_8 : vector<1x256xf32> to vector<1280x256xf32>
    %add3A_9 = arith.addf %mul3A_5, %add3A : vector<1280x256xf32>
    %swap3A = arith.constant 0 : index
    %swap3A_10 = arith.constant 0 : index
    %swap3A_11 = vector.load %arg3[%swap3A, %swap3A_10] : memref<1280x256xf32, #tpu.memory_space<vmem>>, vector<1280x256xf32>
    tpu.vector_store %arg3[%swap3A, %swap3A_10], %add3A_9 {strides = array<i32>} : memref<1280x256xf32, #tpu.memory_space<vmem>>, vector<1280x256xf32>,
    return
  }
  func.func @transform_0(%arg0: i32) -> (i32, i32) {
    %c0_i32 = arith.constant 0 : i32
    %c0_i32_0 = arith.constant 0 : i32
    return %arg0, %c0_i32 : i32, i32
  }
  func.func @transform_1(%arg0: i32) -> (i32, i32) {
    %c0_i32 = arith.constant 0 : i32
    %c0_i32_0 = arith.constant 0 : i32
    %c0_i32_1 = arith.constant 0 : i32
    return %c0_i32, %c0_i32_0 : i32, i32
  }
  func.func @transform_2(%arg0: i32) -> (i32, i32) {
    %c0_i32 = arith.constant 0 : i32
    %c0_i32_0 = arith.constant 0 : i32
    return %arg0, %c0_i32 : i32, i32
  }
}

module attributes {stable_mosaic.version = 14 : i64} {
  func.func @_f1_body(%arg0: i32, %arg1: memref<1000x256xf32, #tpu.memory_space<vmem>>, %arg2: memref<1000x128xf32, #tpu.memory_space<vmem>>, %arg3: memref<1000x128xf32, #tpu.memory_space<vmem>>, %arg4: memref<1000x256xf32, #tpu.memory_space<vmem>>, %arg5: memref<1000x256xf32, #tpu.memory_space<vmem>>, %arg6: memref<256x256xf32, #tpu.memory_space<vmem>>, %arg7: memref<256x256xf32, #tpu.memory_space<vmem>>, %arg8: memref<1x256xf32, #tpu.memory_space<vmem>>, %arg9: memref<1x256xf32, #tpu.memory_space<vmem>>, %arg10: memref<1x256xf32, #tpu.memory_space<vmem>>, %arg11: memref<128x256xf32, #tpu.memory_space<vmem>>, %arg12: memref<128x256xf32, #tpu.memory_space<vmem>>, %arg13: memref<1000x256xf32, #tpu.memory_space<vmem>>, %arg14: memref<1x2x256xf32, #tpu.memory_space<vmem>>) attributes {dimension_semantics = [#tpu.dimension_semantics<arbitrary>], iteration_bounds = array<i64: 10>, scalar_prefetch = 0 : i64, scratch_operands = 0 : i64, tpu.core_type = #tpu.core_type<tc>, window_params = [{transform_indices = @transform_0, window_bounds = array<i64: 1000, 256>}, {transform_indices = @transform_1, window_bounds = array<i64: 1000, 128>}, {transform_indices = @transform_2, window_bounds = array<i64: 1000, 128>}, {transform_indices = @transform_3, window_bounds = array<i64: 1000, 256>}, {transform_indices = @transform_4, window_bounds = array<i64: 1000, 256>}, {pipeline_mode = #tpu.pipeline_mode<synchronous>, transform_indices = @transform_5, window_bounds = array<i64: 256, 256>}, {pipeline_mode = #tpu.pipeline_mode<synchronous>, transform_indices = @transform_6, window_bounds = array<i64: 256, 256>}, {pipeline_mode = #tpu.pipeline_mode<synchronous>, transform_indices = @transform_7, window_bounds = array<i64: 1, 256>}, {pipeline_mode = #tpu.pipeline_mode<synchronous>, transform_indices = @transform_8, window_bounds = array<i64: 1, 256>}, {pipeline_mode = #tpu.pipeline_mode<synchronous>, transform_indices = @transform_9, window_bounds = array<i64: 1, 256>}, {pipeline_mode = #tpu.pipeline_mode<synchronous>, transform_indices = @transform_10, window_bounds = array<i64: 128, 256>}, {pipeline_mode = #tpu.pipeline_mode<synchronous>, transform_indices = @transform_11, window_bounds = array<i64: 128, 256>}, {transform_indices = @transform_12, window_bounds = array<i64: 1000, 256>}, {transform_indices = @transform_13, window_bounds = array<i64: 1, 2, 256>}]} {
    %get3A = arith.constant 0 : index
    %get3A_0 = arith.constant 0 : index
    %get3A_1 = vector.load %arg2[%get3A, %get3A_0] : memref<1000x128xf32, #tpu.memory_space<vmem>>, vector<1000x128xf32>
    %get3A_2 = arith.constant 0 : index
    %get3A_3 = arith.constant 0 : index
    %get3A_4 = vector.load %arg3[%get3A_2, %get3A_3] : memref<1000x128xf32, #tpu.memory_space<vmem>>, vector<1000x128xf32>
    %add3A = arith.addf %get3A_1, %get3A_4 : vector<1000x128xf32>
    %add3A_5 = arith.constant 1.000000e-16 : f32
    %add3A_6 = vector.broadcast %add3A_5 : f32 to vector<1000x128xf32>
    %add3A_7 = arith.addf %add3A, %add3A_6 : vector<1000x128xf32>
    %div3A = arith.constant 1.000000e+00 : f32
    %div3A_8 = vector.broadcast %div3A : f32 to vector<1000x128xf32>
    %div3A_9 = arith.divf %div3A_8, %add3A_7 : vector<1000x128xf32>
    %get3A_10 = arith.constant 0 : index
    %get3A_11 = arith.constant 0 : index
    %get3A_12 = vector.load %arg11[%get3A_10, %get3A_11] : memref<128x256xf32, #tpu.memory_space<vmem>>, vector<128x256xf32>
    %dot_general3A = arith.constant dense<0.000000e+00> : vector<1000x256xf32>
    %dot_general3A_13 = tpu.matmul %div3A_9, %get3A_12, %dot_general3A {dimension_numbers = #tpu.dot_dimension_numbers<[1], [0], [0], [1], [0, 0, 1, 1], [], []>, transpose_lhs_hint = false} : vector<1000x128xf32>, vector<128x256xf32>, vector<1000x256xf32> -> vector<1000x256xf32>
    %get3A_14 = arith.constant 0 : index
    %get3A_15 = arith.constant 0 : index
    %get3A_16 = vector.load %arg12[%get3A_14, %get3A_15] : memref<128x256xf32, #tpu.memory_space<vmem>>, vector<128x256xf32>
    %dot_general3A_17 = arith.constant dense<0.000000e+00> : vector<1000x256xf32>
    %dot_general3A_18 = tpu.matmul %add3A, %get3A_16, %dot_general3A_17 {dimension_numbers = #tpu.dot_dimension_numbers<[1], [0], [0], [1], [0, 0, 1, 1], [], []>, transpose_lhs_hint = false} : vector<1000x128xf32>, vector<128x256xf32>, vector<1000x256xf32> -> vector<1000x256xf32>
    %add3A_19 = arith.constant 1.000000e+00 : f32
    %add3A_20 = vector.broadcast %add3A_19 : f32 to vector<1000x256xf32>
    %add3A_21 = arith.addf %dot_general3A_18, %add3A_20 : vector<1000x256xf32>
    %log3A = math.log %add3A_21 : vector<1000x256xf32>
    %get3A_22 = arith.constant 0 : index
    %get3A_23 = arith.constant 0 : index
    %get3A_24 = vector.load %arg4[%get3A_22, %get3A_23] : memref<1000x256xf32, #tpu.memory_space<vmem>>, vector<1000x256xf32>
    %get3A_25 = arith.constant 0 : index
    %get3A_26 = arith.constant 0 : index
    %get3A_27 = vector.load %arg5[%get3A_25, %get3A_26] : memref<1000x256xf32, #tpu.memory_space<vmem>>, vector<1000x256xf32>
    %get3A_28 = arith.constant 0 : index
    %get3A_29 = arith.constant 0 : index
    %get3A_30 = vector.load %arg6[%get3A_28, %get3A_29] : memref<256x256xf32, #tpu.memory_space<vmem>>, vector<256x256xf32>
    %dot_general3A_31 = arith.constant dense<0.000000e+00> : vector<1000x256xf32>
    %dot_general3A_32 = tpu.matmul %get3A_27, %get3A_30, %dot_general3A_31 {dimension_numbers = #tpu.dot_dimension_numbers<[1], [0], [0], [1], [0, 0, 1, 1], [], []>, transpose_lhs_hint = false} : vector<1000x256xf32>, vector<256x256xf32>, vector<1000x256xf32> -> vector<1000x256xf32>
    %add3A_33 = arith.addf %get3A_24, %dot_general3A_32 : vector<1000x256xf32>
    %mul3A = arith.mulf %add3A_33, %dot_general3A_13 : vector<1000x256xf32>
    %get3A_34 = arith.constant 0 : index
    %get3A_35 = arith.constant 0 : index
    %get3A_36 = vector.load %arg9[%get3A_34, %get3A_35] : memref<1x256xf32, #tpu.memory_space<vmem>>, vector<1x256xf32>
    %get3A_37 = arith.constant 0 : index
    %get3A_38 = arith.constant 0 : index
    %get3A_39 = vector.load %arg10[%get3A_37, %get3A_38] : memref<1x256xf32, #tpu.memory_space<vmem>>, vector<1x256xf32>
    %mul3A_40 = vector.broadcast %get3A_39 : vector<1x256xf32> to vector<1000x256xf32>
    %mul3A_41 = arith.mulf %log3A, %mul3A_40 : vector<1000x256xf32>
    %add3A_42 = vector.broadcast %get3A_36 : vector<1x256xf32> to vector<1000x256xf32>
    %add3A_43 = arith.addf %add3A_42, %mul3A_41 : vector<1000x256xf32>
    %mul3A_44 = arith.mulf %mul3A, %add3A_43 : vector<1000x256xf32>
    %get3A_45 = arith.constant 0 : index
    %get3A_46 = arith.constant 0 : index
    %get3A_47 = vector.load %arg1[%get3A_45, %get3A_46] : memref<1000x256xf32, #tpu.memory_space<vmem>>, vector<1000x256xf32>
    %get3A_48 = arith.constant 0 : index
    %get3A_49 = arith.constant 0 : index
    %get3A_50 = vector.load %arg7[%get3A_48, %get3A_49] : memref<256x256xf32, #tpu.memory_space<vmem>>, vector<256x256xf32>
    %dot_general3A_51 = arith.constant dense<0.000000e+00> : vector<1000x256xf32>
    %dot_general3A_52 = tpu.matmul %mul3A_44, %get3A_50, %dot_general3A_51 {dimension_numbers = #tpu.dot_dimension_numbers<[1], [0], [0], [1], [0, 0, 1, 1], [], []>, transpose_lhs_hint = false} : vector<1000x256xf32>, vector<256x256xf32>, vector<1000x256xf32> -> vector<1000x256xf32>
    %add3A_53 = arith.addf %get3A_47, %dot_general3A_52 : vector<1000x256xf32>
    %get3A_54 = arith.constant 0 : index
    %get3A_55 = arith.constant 0 : index
    %get3A_56 = vector.load %arg8[%get3A_54, %get3A_55] : memref<1x256xf32, #tpu.memory_space<vmem>>, vector<1x256xf32>
    %add3A_57 = vector.broadcast %get3A_56 : vector<1x256xf32> to vector<1000x256xf32>
    %add3A_58 = arith.addf %add3A_53, %add3A_57 : vector<1000x256xf32>
    %swap3A = arith.constant 0 : index
    %swap3A_59 = arith.constant 0 : index
    %swap3A_60 = vector.load %arg13[%swap3A, %swap3A_59] : memref<1000x256xf32, #tpu.memory_space<vmem>>, vector<1000x256xf32>
    tpu.vector_store %arg13[%swap3A, %swap3A_59], %add3A_58 {strides = array<i32>} : memref<1000x256xf32, #tpu.memory_space<vmem>>, vector<1000x256xf32>,
    %reduce_sum3A = arith.constant dense<0.000000e+00> : vector<256xf32>
    %reduce_sum3A_61 = vector.multi_reduction <add>, %add3A_58, %reduce_sum3A [0] : vector<1000x256xf32> to vector<256xf32>
    %swap3A_62 = arith.constant 0 : index
    %swap3A_63 = arith.constant 0 : index
    %swap3A_64 = arith.constant 0 : index
    %swap3A_65 = vector.load %arg14[%swap3A_62, %swap3A_63, %swap3A_64] : memref<1x2x256xf32, #tpu.memory_space<vmem>>, vector<1x1x256xf32>
    %swap3A_66 = vector.shape_cast %swap3A_65 : vector<1x1x256xf32> to vector<256xf32>
    %swap3A_67 = vector.shape_cast %reduce_sum3A_61 : vector<256xf32> to vector<1x1x256xf32>
    tpu.vector_store %arg14[%swap3A_62, %swap3A_63, %swap3A_64], %swap3A_67 {strides = array<i32>} : memref<1x2x256xf32, #tpu.memory_space<vmem>>, vector<1x1x256xf32>,
    %mul3A_68 = arith.mulf %add3A_58, %add3A_58 : vector<1000x256xf32>
    %reduce_sum3A_69 = arith.constant dense<0.000000e+00> : vector<256xf32>
    %reduce_sum3A_70 = vector.multi_reduction <add>, %mul3A_68, %reduce_sum3A_69 [0] : vector<1000x256xf32> to vector<256xf32>
    %swap3A_71 = arith.constant 0 : index
    %swap3A_72 = arith.constant 1 : index
    %swap3A_73 = arith.constant 0 : index
    %swap3A_74 = vector.load %arg14[%swap3A_71, %swap3A_72, %swap3A_73] : memref<1x2x256xf32, #tpu.memory_space<vmem>>, vector<1x1x256xf32>
    %swap3A_75 = vector.shape_cast %swap3A_74 : vector<1x1x256xf32> to vector<256xf32>
    %swap3A_76 = vector.shape_cast %reduce_sum3A_70 : vector<256xf32> to vector<1x1x256xf32>
    tpu.vector_store %arg14[%swap3A_71, %swap3A_72, %swap3A_73], %swap3A_76 {strides = array<i32>} : memref<1x2x256xf32, #tpu.memory_space<vmem>>, vector<1x1x256xf32>,
    return
  }
  func.func @transform_0(%arg0: i32) -> (i32, i32) {
    %c0_i32 = arith.constant 0 : i32
    %c0_i32_0 = arith.constant 0 : i32
    return %arg0, %c0_i32 : i32, i32
  }
  func.func @transform_1(%arg0: i32) -> (i32, i32) {
    %c0_i32 = arith.constant 0 : i32
    %c0_i32_0 = arith.constant 0 : i32
    return %arg0, %c0_i32 : i32, i32
  }
  func.func @transform_2(%arg0: i32) -> (i32, i32) {
    %c0_i32 = arith.constant 0 : i32
    %c0_i32_0 = arith.constant 0 : i32
    return %arg0, %c0_i32 : i32, i32
  }
  func.func @transform_3(%arg0: i32) -> (i32, i32) {
    %c0_i32 = arith.constant 0 : i32
    %c0_i32_0 = arith.constant 0 : i32
    return %arg0, %c0_i32 : i32, i32
  }
  func.func @transform_4(%arg0: i32) -> (i32, i32) {
    %c0_i32 = arith.constant 0 : i32
    %c0_i32_0 = arith.constant 0 : i32
    return %arg0, %c0_i32 : i32, i32
  }
  func.func @transform_5(%arg0: i32) -> (i32, i32) {
    %c0_i32 = arith.constant 0 : i32
    %c0_i32_0 = arith.constant 0 : i32
    %c0_i32_1 = arith.constant 0 : i32
    return %c0_i32, %c0_i32_0 : i32, i32
  }
  func.func @transform_6(%arg0: i32) -> (i32, i32) {
    %c0_i32 = arith.constant 0 : i32
    %c0_i32_0 = arith.constant 0 : i32
    %c0_i32_1 = arith.constant 0 : i32
    return %c0_i32, %c0_i32_0 : i32, i32
  }
  func.func @transform_7(%arg0: i32) -> (i32, i32) {
    %c0_i32 = arith.constant 0 : i32
    %c0_i32_0 = arith.constant 0 : i32
    %c0_i32_1 = arith.constant 0 : i32
    return %c0_i32, %c0_i32_0 : i32, i32
  }
  func.func @transform_8(%arg0: i32) -> (i32, i32) {
    %c0_i32 = arith.constant 0 : i32
    %c0_i32_0 = arith.constant 0 : i32
    %c0_i32_1 = arith.constant 0 : i32
    return %c0_i32, %c0_i32_0 : i32, i32
  }
  func.func @transform_9(%arg0: i32) -> (i32, i32) {
    %c0_i32 = arith.constant 0 : i32
    %c0_i32_0 = arith.constant 0 : i32
    %c0_i32_1 = arith.constant 0 : i32
    return %c0_i32, %c0_i32_0 : i32, i32
  }
  func.func @transform_10(%arg0: i32) -> (i32, i32) {
    %c0_i32 = arith.constant 0 : i32
    %c0_i32_0 = arith.constant 0 : i32
    %c0_i32_1 = arith.constant 0 : i32
    return %c0_i32, %c0_i32_0 : i32, i32
  }
  func.func @transform_11(%arg0: i32) -> (i32, i32) {
    %c0_i32 = arith.constant 0 : i32
    %c0_i32_0 = arith.constant 0 : i32
    %c0_i32_1 = arith.constant 0 : i32
    return %c0_i32, %c0_i32_0 : i32, i32
  }
  func.func @transform_12(%arg0: i32) -> (i32, i32) {
    %c0_i32 = arith.constant 0 : i32
    %c0_i32_0 = arith.constant 0 : i32
    return %arg0, %c0_i32 : i32, i32
  }
  func.func @transform_13(%arg0: i32) -> (i32, i32, i32) {
    %c0_i32 = arith.constant 0 : i32
    %c0_i32_0 = arith.constant 0 : i32
    %c0_i32_1 = arith.constant 0 : i32
    return %arg0, %c0_i32, %c0_i32_0 : i32, i32, i32
  }
}

module attributes {stable_mosaic.version = 14 : i64} {
  func.func @_f2_body(%arg0: i32, %arg1: memref<1000x256xf32, #tpu.memory_space<vmem>>, %arg2: memref<10x2x256xf32, #tpu.memory_space<vmem>>, %arg3: memref<1x256xf32, #tpu.memory_space<vmem>>, %arg4: memref<1x256xf32, #tpu.memory_space<vmem>>, %arg5: memref<256x512xf32, #tpu.memory_space<vmem>>, %arg6: memref<1x512xf32, #tpu.memory_space<vmem>>, %arg7: memref<512x256xf32, #tpu.memory_space<vmem>>, %arg8: memref<1x256xf32, #tpu.memory_space<vmem>>, %arg9: memref<1000x256xf32, #tpu.memory_space<vmem>>, %arg10: memref<1x2x256xf32, #tpu.memory_space<vmem>>) attributes {dimension_semantics = [#tpu.dimension_semantics<arbitrary>], iteration_bounds = array<i64: 10>, scalar_prefetch = 0 : i64, scratch_operands = 0 : i64, tpu.core_type = #tpu.core_type<tc>, window_params = [{transform_indices = @transform_0, window_bounds = array<i64: 1000, 256>}, {pipeline_mode = #tpu.pipeline_mode<synchronous>, transform_indices = @transform_1, window_bounds = array<i64: 10, 2, 256>}, {pipeline_mode = #tpu.pipeline_mode<synchronous>, transform_indices = @transform_2, window_bounds = array<i64: 1, 256>}, {pipeline_mode = #tpu.pipeline_mode<synchronous>, transform_indices = @transform_3, window_bounds = array<i64: 1, 256>}, {pipeline_mode = #tpu.pipeline_mode<synchronous>, transform_indices = @transform_4, window_bounds = array<i64: 256, 512>}, {pipeline_mode = #tpu.pipeline_mode<synchronous>, transform_indices = @transform_5, window_bounds = array<i64: 1, 512>}, {pipeline_mode = #tpu.pipeline_mode<synchronous>, transform_indices = @transform_6, window_bounds = array<i64: 512, 256>}, {pipeline_mode = #tpu.pipeline_mode<synchronous>, transform_indices = @transform_7, window_bounds = array<i64: 1, 256>}, {transform_indices = @transform_8, window_bounds = array<i64: 1000, 256>}, {transform_indices = @transform_9, window_bounds = array<i64: 1, 2, 256>}]} {
    %get3A = arith.constant 0 : index
    %get3A_0 = arith.constant 0 : index
    %get3A_1 = arith.constant 0 : index
    %get3A_2 = vector.load %arg2[%get3A, %get3A_0, %get3A_1] : memref<10x2x256xf32, #tpu.memory_space<vmem>>, vector<10x2x256xf32>
    %reduce_sum3A = arith.constant dense<0.000000e+00> : vector<2x256xf32>
    %reduce_sum3A_3 = vector.multi_reduction <add>, %get3A_2, %reduce_sum3A [0] : vector<10x2x256xf32> to vector<2x256xf32>
    %slice3A = vector.extract_strided_slice %reduce_sum3A_3 {offsets = [0, 0], sizes = [1, 256], strides = [1, 1]} : vector<2x256xf32> to vector<1x256xf32>
    %mul3A = arith.constant 9.99999974E-5 : f32
    %mul3A_4 = vector.broadcast %mul3A : f32 to vector<1x256xf32>
    %mul3A_5 = arith.mulf %slice3A, %mul3A_4 : vector<1x256xf32>
    %slice3A_6 = vector.extract_strided_slice %reduce_sum3A_3 {offsets = [1, 0], sizes = [1, 256], strides = [1, 1]} : vector<2x256xf32> to vector<1x256xf32>
    %mul3A_7 = arith.constant 9.99999974E-5 : f32
    %mul3A_8 = vector.broadcast %mul3A_7 : f32 to vector<1x256xf32>
    %mul3A_9 = arith.mulf %slice3A_6, %mul3A_8 : vector<1x256xf32>
    %mul3A_10 = arith.mulf %mul3A_5, %mul3A_5 : vector<1x256xf32>
    %sub3A = arith.subf %mul3A_9, %mul3A_10 : vector<1x256xf32>
    %add3A = arith.constant 9.99999974E-6 : f32
    %add3A_11 = vector.broadcast %add3A : f32 to vector<1x256xf32>
    %add3A_12 = arith.addf %sub3A, %add3A_11 : vector<1x256xf32>
    %rsqrt3A = math.rsqrt %add3A_12 : vector<1x256xf32>
    %get3A_13 = arith.constant 0 : index
    %get3A_14 = arith.constant 0 : index
    %get3A_15 = vector.load %arg3[%get3A_13, %get3A_14] : memref<1x256xf32, #tpu.memory_space<vmem>>, vector<1x256xf32>
    %mul3A_16 = arith.mulf %get3A_15, %rsqrt3A : vector<1x256xf32>
    %get3A_17 = arith.constant 0 : index
    %get3A_18 = arith.constant 0 : index
    %get3A_19 = vector.load %arg4[%get3A_17, %get3A_18] : memref<1x256xf32, #tpu.memory_space<vmem>>, vector<1x256xf32>
    %mul3A_20 = arith.mulf %mul3A_5, %mul3A_16 : vector<1x256xf32>
    %sub3A_21 = arith.subf %get3A_19, %mul3A_20 : vector<1x256xf32>
    %get3A_22 = arith.constant 0 : index
    %get3A_23 = arith.constant 0 : index
    %get3A_24 = vector.load %arg1[%get3A_22, %get3A_23] : memref<1000x256xf32, #tpu.memory_space<vmem>>, vector<1000x256xf32>
    %mul3A_25 = vector.broadcast %mul3A_16 : vector<1x256xf32> to vector<1000x256xf32>
    %mul3A_26 = arith.mulf %get3A_24, %mul3A_25 : vector<1000x256xf32>
    %add3A_27 = vector.broadcast %sub3A_21 : vector<1x256xf32> to vector<1000x256xf32>
    %add3A_28 = arith.addf %mul3A_26, %add3A_27 : vector<1000x256xf32>
    %get3A_29 = arith.constant 0 : index
    %get3A_30 = arith.constant 0 : index
    %get3A_31 = vector.load %arg5[%get3A_29, %get3A_30] : memref<256x512xf32, #tpu.memory_space<vmem>>, vector<256x512xf32>
    %dot_general3A = arith.constant dense<0.000000e+00> : vector<1000x512xf32>
    %dot_general3A_32 = tpu.matmul %add3A_28, %get3A_31, %dot_general3A {dimension_numbers = #tpu.dot_dimension_numbers<[1], [0], [0], [1], [0, 0, 1, 1], [], []>, transpose_lhs_hint = false} : vector<1000x256xf32>, vector<256x512xf32>, vector<1000x512xf32> -> vector<1000x512xf32>
    %get3A_33 = arith.constant 0 : index
    %get3A_34 = arith.constant 0 : index
    %get3A_35 = vector.load %arg6[%get3A_33, %get3A_34] : memref<1x512xf32, #tpu.memory_space<vmem>>, vector<1x512xf32>
    %add3A_36 = vector.broadcast %get3A_35 : vector<1x512xf32> to vector<1000x512xf32>
    %add3A_37 = arith.addf %dot_general3A_32, %add3A_36 : vector<1000x512xf32>
    %max3A = arith.constant 0.000000e+00 : f32
    %max3A_38 = vector.broadcast %max3A : f32 to vector<1000x512xf32>
    %max3A_39 = arith.maximumf %add3A_37, %max3A_38 : vector<1000x512xf32>
    %get3A_40 = arith.constant 0 : index
    %get3A_41 = arith.constant 0 : index
    %get3A_42 = vector.load %arg7[%get3A_40, %get3A_41] : memref<512x256xf32, #tpu.memory_space<vmem>>, vector<512x256xf32>
    %dot_general3A_43 = arith.constant dense<0.000000e+00> : vector<1000x256xf32>
    %dot_general3A_44 = tpu.matmul %max3A_39, %get3A_42, %dot_general3A_43 {dimension_numbers = #tpu.dot_dimension_numbers<[1], [0], [0], [1], [0, 0, 1, 1], [], []>, transpose_lhs_hint = false} : vector<1000x512xf32>, vector<512x256xf32>, vector<1000x256xf32> -> vector<1000x256xf32>
    %add3A_45 = arith.addf %add3A_28, %dot_general3A_44 : vector<1000x256xf32>
    %get3A_46 = arith.constant 0 : index
    %get3A_47 = arith.constant 0 : index
    %get3A_48 = vector.load %arg8[%get3A_46, %get3A_47] : memref<1x256xf32, #tpu.memory_space<vmem>>, vector<1x256xf32>
    %add3A_49 = vector.broadcast %get3A_48 : vector<1x256xf32> to vector<1000x256xf32>
    %add3A_50 = arith.addf %add3A_45, %add3A_49 : vector<1000x256xf32>
    %swap3A = arith.constant 0 : index
    %swap3A_51 = arith.constant 0 : index
    %swap3A_52 = vector.load %arg9[%swap3A, %swap3A_51] : memref<1000x256xf32, #tpu.memory_space<vmem>>, vector<1000x256xf32>
    tpu.vector_store %arg9[%swap3A, %swap3A_51], %add3A_50 {strides = array<i32>} : memref<1000x256xf32, #tpu.memory_space<vmem>>, vector<1000x256xf32>,
    %reduce_sum3A_53 = arith.constant dense<0.000000e+00> : vector<256xf32>
    %reduce_sum3A_54 = vector.multi_reduction <add>, %add3A_50, %reduce_sum3A_53 [0] : vector<1000x256xf32> to vector<256xf32>
    %swap3A_55 = arith.constant 0 : index
    %swap3A_56 = arith.constant 0 : index
    %swap3A_57 = arith.constant 0 : index
    %swap3A_58 = vector.load %arg10[%swap3A_55, %swap3A_56, %swap3A_57] : memref<1x2x256xf32, #tpu.memory_space<vmem>>, vector<1x1x256xf32>
    %swap3A_59 = vector.shape_cast %swap3A_58 : vector<1x1x256xf32> to vector<256xf32>
    %swap3A_60 = vector.shape_cast %reduce_sum3A_54 : vector<256xf32> to vector<1x1x256xf32>
    tpu.vector_store %arg10[%swap3A_55, %swap3A_56, %swap3A_57], %swap3A_60 {strides = array<i32>} : memref<1x2x256xf32, #tpu.memory_space<vmem>>, vector<1x1x256xf32>,
    %mul3A_61 = arith.mulf %add3A_50, %add3A_50 : vector<1000x256xf32>
    %reduce_sum3A_62 = arith.constant dense<0.000000e+00> : vector<256xf32>
    %reduce_sum3A_63 = vector.multi_reduction <add>, %mul3A_61, %reduce_sum3A_62 [0] : vector<1000x256xf32> to vector<256xf32>
    %swap3A_64 = arith.constant 0 : index
    %swap3A_65 = arith.constant 1 : index
    %swap3A_66 = arith.constant 0 : index
    %swap3A_67 = vector.load %arg10[%swap3A_64, %swap3A_65, %swap3A_66] : memref<1x2x256xf32, #tpu.memory_space<vmem>>, vector<1x1x256xf32>
    %swap3A_68 = vector.shape_cast %swap3A_67 : vector<1x1x256xf32> to vector<256xf32>
    %swap3A_69 = vector.shape_cast %reduce_sum3A_63 : vector<256xf32> to vector<1x1x256xf32>
    tpu.vector_store %arg10[%swap3A_64, %swap3A_65, %swap3A_66], %swap3A_69 {strides = array<i32>} : memref<1x2x256xf32, #tpu.memory_space<vmem>>, vector<1x1x256xf32>,
    return
  }
  func.func @transform_0(%arg0: i32) -> (i32, i32) {
    %c0_i32 = arith.constant 0 : i32
    %c0_i32_0 = arith.constant 0 : i32
    return %arg0, %c0_i32 : i32, i32
  }
  func.func @transform_1(%arg0: i32) -> (i32, i32, i32) {
    %c0_i32 = arith.constant 0 : i32
    %c0_i32_0 = arith.constant 0 : i32
    %c0_i32_1 = arith.constant 0 : i32
    %c0_i32_2 = arith.constant 0 : i32
    return %c0_i32, %c0_i32_0, %c0_i32_1 : i32, i32, i32
  }
  func.func @transform_2(%arg0: i32) -> (i32, i32) {
    %c0_i32 = arith.constant 0 : i32
    %c0_i32_0 = arith.constant 0 : i32
    %c0_i32_1 = arith.constant 0 : i32
    return %c0_i32, %c0_i32_0 : i32, i32
  }
  func.func @transform_3(%arg0: i32) -> (i32, i32) {
    %c0_i32 = arith.constant 0 : i32
    %c0_i32_0 = arith.constant 0 : i32
    %c0_i32_1 = arith.constant 0 : i32
    return %c0_i32, %c0_i32_0 : i32, i32
  }
  func.func @transform_4(%arg0: i32) -> (i32, i32) {
    %c0_i32 = arith.constant 0 : i32
    %c0_i32_0 = arith.constant 0 : i32
    %c0_i32_1 = arith.constant 0 : i32
    return %c0_i32, %c0_i32_0 : i32, i32
  }
  func.func @transform_5(%arg0: i32) -> (i32, i32) {
    %c0_i32 = arith.constant 0 : i32
    %c0_i32_0 = arith.constant 0 : i32
    %c0_i32_1 = arith.constant 0 : i32
    return %c0_i32, %c0_i32_0 : i32, i32
  }
  func.func @transform_6(%arg0: i32) -> (i32, i32) {
    %c0_i32 = arith.constant 0 : i32
    %c0_i32_0 = arith.constant 0 : i32
    %c0_i32_1 = arith.constant 0 : i32
    return %c0_i32, %c0_i32_0 : i32, i32
  }
  func.func @transform_7(%arg0: i32) -> (i32, i32) {
    %c0_i32 = arith.constant 0 : i32
    %c0_i32_0 = arith.constant 0 : i32
    %c0_i32_1 = arith.constant 0 : i32
    return %c0_i32, %c0_i32_0 : i32, i32
  }
  func.func @transform_8(%arg0: i32) -> (i32, i32) {
    %c0_i32 = arith.constant 0 : i32
    %c0_i32_0 = arith.constant 0 : i32
    return %arg0, %c0_i32 : i32, i32
  }
  func.func @transform_9(%arg0: i32) -> (i32, i32, i32) {
    %c0_i32 = arith.constant 0 : i32
    %c0_i32_0 = arith.constant 0 : i32
    %c0_i32_1 = arith.constant 0 : i32
    return %arg0, %c0_i32, %c0_i32_0 : i32, i32, i32
  }
}

module attributes {stable_mosaic.version = 14 : i64} {
  func.func @_f3_body(%arg0: i32, %arg1: memref<1000x256xf32, #tpu.memory_space<vmem>>, %arg2: memref<10x2x256xf32, #tpu.memory_space<vmem>>, %arg3: memref<1x256xf32, #tpu.memory_space<vmem>>, %arg4: memref<1x256xf32, #tpu.memory_space<vmem>>, %arg5: memref<1000x256xf32, #tpu.memory_space<vmem>>) attributes {dimension_semantics = [#tpu.dimension_semantics<arbitrary>], iteration_bounds = array<i64: 10>, scalar_prefetch = 0 : i64, scratch_operands = 0 : i64, tpu.core_type = #tpu.core_type<tc>, window_params = [{transform_indices = @transform_0, window_bounds = array<i64: 1000, 256>}, {pipeline_mode = #tpu.pipeline_mode<synchronous>, transform_indices = @transform_1, window_bounds = array<i64: 10, 2, 256>}, {pipeline_mode = #tpu.pipeline_mode<synchronous>, transform_indices = @transform_2, window_bounds = array<i64: 1, 256>}, {pipeline_mode = #tpu.pipeline_mode<synchronous>, transform_indices = @transform_3, window_bounds = array<i64: 1, 256>}, {transform_indices = @transform_4, window_bounds = array<i64: 1000, 256>}]} {
    %get3A = arith.constant 0 : index
    %get3A_0 = arith.constant 0 : index
    %get3A_1 = arith.constant 0 : index
    %get3A_2 = vector.load %arg2[%get3A, %get3A_0, %get3A_1] : memref<10x2x256xf32, #tpu.memory_space<vmem>>, vector<10x2x256xf32>
    %reduce_sum3A = arith.constant dense<0.000000e+00> : vector<2x256xf32>
    %reduce_sum3A_3 = vector.multi_reduction <add>, %get3A_2, %reduce_sum3A [0] : vector<10x2x256xf32> to vector<2x256xf32>
    %slice3A = vector.extract_strided_slice %reduce_sum3A_3 {offsets = [0, 0], sizes = [1, 256], strides = [1, 1]} : vector<2x256xf32> to vector<1x256xf32>
    %mul3A = arith.constant 9.99999974E-5 : f32
    %mul3A_4 = vector.broadcast %mul3A : f32 to vector<1x256xf32>
    %mul3A_5 = arith.mulf %slice3A, %mul3A_4 : vector<1x256xf32>
    %slice3A_6 = vector.extract_strided_slice %reduce_sum3A_3 {offsets = [1, 0], sizes = [1, 256], strides = [1, 1]} : vector<2x256xf32> to vector<1x256xf32>
    %mul3A_7 = arith.constant 9.99999974E-5 : f32
    %mul3A_8 = vector.broadcast %mul3A_7 : f32 to vector<1x256xf32>
    %mul3A_9 = arith.mulf %slice3A_6, %mul3A_8 : vector<1x256xf32>
    %mul3A_10 = arith.mulf %mul3A_5, %mul3A_5 : vector<1x256xf32>
    %sub3A = arith.subf %mul3A_9, %mul3A_10 : vector<1x256xf32>
    %add3A = arith.constant 9.99999974E-6 : f32
    %add3A_11 = vector.broadcast %add3A : f32 to vector<1x256xf32>
    %add3A_12 = arith.addf %sub3A, %add3A_11 : vector<1x256xf32>
    %rsqrt3A = math.rsqrt %add3A_12 : vector<1x256xf32>
    %get3A_13 = arith.constant 0 : index
    %get3A_14 = arith.constant 0 : index
    %get3A_15 = vector.load %arg3[%get3A_13, %get3A_14] : memref<1x256xf32, #tpu.memory_space<vmem>>, vector<1x256xf32>
    %mul3A_16 = arith.mulf %get3A_15, %rsqrt3A : vector<1x256xf32>
    %get3A_17 = arith.constant 0 : index
    %get3A_18 = arith.constant 0 : index
    %get3A_19 = vector.load %arg4[%get3A_17, %get3A_18] : memref<1x256xf32, #tpu.memory_space<vmem>>, vector<1x256xf32>
    %mul3A_20 = arith.mulf %mul3A_5, %mul3A_16 : vector<1x256xf32>
    %sub3A_21 = arith.subf %get3A_19, %mul3A_20 : vector<1x256xf32>
    %get3A_22 = arith.constant 0 : index
    %get3A_23 = arith.constant 0 : index
    %get3A_24 = vector.load %arg1[%get3A_22, %get3A_23] : memref<1000x256xf32, #tpu.memory_space<vmem>>, vector<1000x256xf32>
    %mul3A_25 = vector.broadcast %mul3A_16 : vector<1x256xf32> to vector<1000x256xf32>
    %mul3A_26 = arith.mulf %get3A_24, %mul3A_25 : vector<1000x256xf32>
    %add3A_27 = vector.broadcast %sub3A_21 : vector<1x256xf32> to vector<1000x256xf32>
    %add3A_28 = arith.addf %mul3A_26, %add3A_27 : vector<1000x256xf32>
    %swap3A = arith.constant 0 : index
    %swap3A_29 = arith.constant 0 : index
    %swap3A_30 = vector.load %arg5[%swap3A, %swap3A_29] : memref<1000x256xf32, #tpu.memory_space<vmem>>, vector<1000x256xf32>
    tpu.vector_store %arg5[%swap3A, %swap3A_29], %add3A_28 {strides = array<i32>} : memref<1000x256xf32, #tpu.memory_space<vmem>>, vector<1000x256xf32>,
    return
  }
  func.func @transform_0(%arg0: i32) -> (i32, i32) {
    %c0_i32 = arith.constant 0 : i32
    %c0_i32_0 = arith.constant 0 : i32
    return %arg0, %c0_i32 : i32, i32
  }
  func.func @transform_1(%arg0: i32) -> (i32, i32, i32) {
    %c0_i32 = arith.constant 0 : i32
    %c0_i32_0 = arith.constant 0 : i32
    %c0_i32_1 = arith.constant 0 : i32
    %c0_i32_2 = arith.constant 0 : i32
    return %c0_i32, %c0_i32_0, %c0_i32_1 : i32, i32, i32
  }
  func.func @transform_2(%arg0: i32) -> (i32, i32) {
    %c0_i32 = arith.constant 0 : i32
    %c0_i32_0 = arith.constant 0 : i32
    %c0_i32_1 = arith.constant 0 : i32
    return %c0_i32, %c0_i32_0 : i32, i32
  }
  func.func @transform_3(%arg0: i32) -> (i32, i32) {
    %c0_i32 = arith.constant 0 : i32
    %c0_i32_0 = arith.constant 0 : i32
    %c0_i32_1 = arith.constant 0 : i32
    return %c0_i32, %c0_i32_0 : i32, i32
  }
  func.func @transform_4(%arg0: i32) -> (i32, i32) {
    %c0_i32 = arith.constant 0 : i32
    %c0_i32_0 = arith.constant 0 : i32
    return %arg0, %c0_i32 : i32, i32
  }
}

</mosaic_0001>

<sc_bundles>
// kernel: kernel.13.cloned.1.call-start
scs
__scs_entry_jumppad:
0x0: {  	(pc) =	sbr.rel $0x88, $3  }
0x1: {  	(tag) =	ssettag $0x0;
	lr =	simm.s32 $0x1  }
0x2: {  	[smem:$0x3F87] =	sst lr;
	_ =	strace $0xD0000000  }
0x3: {  	_ = 	snop  }
0x4: {  	_ = 	snop  }
0x5: {  	_ = 	snop  }
0x6: {  	_ = 	snop  }
0x7: {  	_ = 	snop  }
__scs_overlays_trampoline_lowered:
0x8: {  	[smem:$0x3F96] =	sst s0  }
0x9: {  	[smem:$0x3F97] =	sst s1  }
0xa: {  	[smem:$0x3F98] =	sst s2  }
0xb: {  	[smem:$0x3F99] =	sst s3  }
0xc: {  	[smem:$0x3F9A] =	sst s4  }
0xd: {  	[smem:$0x3F9B] =	sst s5  }
0xe: {  	[smem:$0x3F9C] =	sst s6  }
0xf: {  	[smem:$0x3F9D] =	sst s7  }
0x10: {  	[smem:$0x3F9E] =	sst s8  }
0x11: {  	[smem:$0x3F9F] =	sst s9;
	s0 =	simm.s32 @!p0 $0x0  }
0x12: {  	s1 =	sld [smem:$0x3F85];
	s0 =	simm.s32 @p0 $0x1  }
0x13: {  	[smem:$0x3FA0] =	sst s0;
	s0 =	simm.s32 @!p1 $0x0  }
0x14: {  	s2 =	sld [smem:$0x3F84];
	s0 =	simm.s32 @p1 $0x1  }
0x15: {  	[smem:$0x3FA1] =	sst s0;
	s0 =	simm.s32 @!p2 $0x0  }
0x16: {  	s3 =	sld [smem:$0x3FDB];
	s0 =	simm.s32 @p2 $0x1  }
0x17: {  	s4 =	simm.s32 $0x1BF5;
	[smem:$0x3FA3] =	sst s0  }
0x18: {  	s0 =	sld [smem:$0x3F86];
	_ =	swait.ge [sflag:s4], $0x0  }
0x19: {  	s7 =	sld [smem:$0x3F87]  }
0x1a: {  	s8 =	sadd.s32 $0xFFFFE003, lr  }
0x1b: {  	s9 =	sadd.s32 $0xFFFFFEF7, lr;
	s5 =	simm.s32 $0xFFFFFFFF;
	p2 =	slt.u32 s8, $0xFFFFF086  }
0x1c: {  	p1 =	slt.u32 s9, $0xF7A;
	s5 =	simm.s32 @!p2 $0x0  }
0x1d: {  	s5 =	simm.s32 @p1 $0x1;
	p0 =	seq.s32 s7, s2  }
0x1e: {  	s7 =	smul.u32 @!p0 $0xF7A, s2;
	p2 =	seq.s32 @!p0 s5, $0x0  }
0x1f: {  	s9 =	smul.u32 $0xF7A, s1;
	s8 =	simm.s32 @!p0 $0x1BF5;
	p2 =	por !p2, p0  }
0x20: {  	[sflag:s8] =	ssyncset.s32 @!p0 $0xFFFFF086;
	s6 =	sadd.s32 @!p0 s3, s7;
	s7 =	simm.s32 @!p0 $0x108  }
0x21: {  	s3 =	sadd.s32 s3, s9;
	s6 =	sadd.s32 @!p0 $0x88, s6;
	s7 =	simm.s32 @p2 $0x1082  }
0x22: {  	[simem:s7], [sflag:s8] =	dma.local @!p0 [hbm:s6], $0xF7A  }
0x23: {  	s9 =	sor.u32 $0xD0000000, s2;
	s6 =	simm.s32 $0x108;
	_ =	swait.ge @!p0 [sflag:s8], $0x0  }
0x24: {  	s3 =	sadd.s32 $0x88, s3;
	s6 =	simm.s32 @!p1 $0x1082;
	[sflag:s4] =	ssyncset.s32 $0xFFFFF086  }
0x25: {  	[simem:s6], [sflag:s4] =	dma.local [hbm:s3], $0xF7A  }
0x26: {  	[smem:$0x3F87] =	sst s1;
	(tag) =	ssettag s2;
	_ =	strace s9  }
0x27: {  	s1 =	sld [smem:$0x3F97]  }
0x28: {  	s2 =	sld [smem:$0x3F98]  }
0x29: {  	s4 =	sld [smem:$0x3F9A]  }
0x2a: {  	p0 =	seq.s32 s5, $0x0;
	s5 =	sld [smem:$0x3F9B]  }
0x2b: {  	s6 =	sld [smem:$0x3F9C]  }
0x2c: {  	s7 =	sld [smem:$0x3F9D]  }
0x2d: {  	s3 =	simm.s32 $0x108;
	s8 =	sld [smem:$0x3F9E]  }
0x2e: {  	s3 =	simm.s32 @!p0 $0x1082;
	s9 =	sld [smem:$0x3F9F]  }
0x2f: {  	lr =	sadd.s32 s0, s3;
	s0 =	sld [smem:$0x3F96]  }
0x30: {  	s3 =	sld [smem:$0x3F99]  }
0x31: {  	[smem:$0x3FA2] =	sst s10  }
0x32: {  	s10 =	sld [smem:$0x3FA0];
	_ =	sdelay $0x3  }
0x33: {  	p0 =	seq.s32 s10, $0x1;
	s10 =	sld [smem:$0x3FA2];
	_ =	sdelay $0x3  }
0x34: {  	[smem:$0x3FA2] =	sst s10  }
0x35: {  	s10 =	sld [smem:$0x3FA1];
	_ =	sdelay $0x3  }
0x36: {  	p1 =	seq.s32 s10, $0x1;
	s10 =	sld [smem:$0x3FA2];
	_ =	sdelay $0x3  }
0x37: {  	[smem:$0x3FA2] =	sst s10  }
0x38: {  	s10 =	sld [smem:$0x3FA3]  }
0x39: {  	_ = 	snop;
	(pc) =	sbr.ind lr, $3  }
0x3a: {  	_ = 	snop  }
0x3b: {  	_ = 	snop  }
0x3c: {  	p2 =	seq.s32 s10, $0x1;
	s10 =	sld [smem:$0x3FA2]  }
0x3d: {  	_ =	shalt  }
0x3e: {  	_ =	shalt  }
0x3f: {  	_ =	shalt  }
0x40: {  	_ =	shalt  }
0x41: {  	_ =	shalt  }
0x42: {  	_ =	shalt  }
0x43: {  	_ =	shalt  }
0x44: {  	_ =	shalt  }
0x45: {  	_ =	shalt  }
0x46: {  	_ =	shalt  }
0x47: {  	_ =	shalt  }
0x48: {  	_ =	shalt  }
0x49: {  	_ =	shalt  }
0x4a: {  	_ =	shalt  }
0x4b: {  	_ =	shalt  }
0x4c: {  	_ =	shalt  }
0x4d: {  	_ =	shalt  }
0x4e: {  	_ =	shalt  }
0x4f: {  	_ =	shalt  }
0x50: {  	_ =	shalt  }
0x51: {  	_ =	shalt  }
0x52: {  	_ =	shalt  }
0x53: {  	_ =	shalt  }
0x54: {  	_ =	shalt  }
0x55: {  	_ =	shalt  }
0x56: {  	_ =	shalt  }
0x57: {  	_ =	shalt  }
0x58: {  	_ =	shalt  }
0x59: {  	_ =	shalt  }
0x5a: {  	_ =	shalt  }
0x5b: {  	_ =	shalt  }
0x5c: {  	_ =	shalt  }
0x5d: {  	_ =	shalt  }
0x5e: {  	_ =	shalt  }
0x5f: {  	_ =	shalt  }
0x60: {  	_ =	shalt  }
0x61: {  	_ =	shalt  }
0x62: {  	_ =	shalt  }
0x63: {  	_ =	shalt  }
0x64: {  	_ =	shalt  }
0x65: {  	_ =	shalt  }
0x66: {  	_ =	shalt  }
0x67: {  	_ =	shalt  }
0x68: {  	_ =	shalt  }
0x69: {  	_ =	shalt  }
0x6a: {  	_ =	shalt  }
0x6b: {  	_ =	shalt  }
0x6c: {  	_ =	shalt  }
0x6d: {  	_ =	shalt  }
0x6e: {  	_ =	shalt  }
0x6f: {  	_ =	shalt  }
0x70: {  	_ =	shalt  }
0x71: {  	_ =	shalt  }
0x72: {  	_ =	shalt  }
0x73: {  	_ =	shalt  }
0x74: {  	_ =	shalt  }
0x75: {  	_ =	shalt  }
0x76: {  	_ =	shalt  }
0x77: {  	_ =	shalt  }
0x78: {  	_ =	shalt  }
0x79: {  	_ =	shalt  }
0x7a: {  	_ =	shalt  }
0x7b: {  	_ =	shalt  }
0x7c: {  	_ =	shalt  }
0x7d: {  	_ =	shalt  }
0x7e: {  	_ =	shalt  }
0x7f: {  	_ =	shalt  }
0x80: {  	_ =	shalt  }
0x81: {  	_ =	shalt  }
0x82: {  	_ =	shalt  }
0x83: {  	_ =	shalt  }
0x84: {  	_ =	shalt  }
0x85: {  	_ =	shalt  }
0x86: {  	_ =	shalt  }
0x87: {  	_ =	shalt  }
.Lfunc_end0:
.L_simem_size_0:
called_computation_lowered:
.L_overlay_start_0:
0x88: {  	s2 =	sld [smem:$0x3FD9]  }
0x89: {  	s3 =	sld [smem:$0x3FFE];
	_ =	sdelay $0x1  }
0x8a: {  	s1 =	srdreg.scid  }
0x8b: {  	s0 =	sand.u32 $0x1, s1  }
0x8c: {  	s14 =	sshll.u32 s0, $0xA;
	s2 =	sadd.s32 s3, s2  }
0x8d: {  	s2 =	sadd.s32 s2, s14  }
0x8e: {  	[smem:$0x3FAE] =	sst s2  }
0x8f: {  	_ = 	snop  }
0x90: {  	s2 =	sld [smem:$0x3FD0];
	_ =	sdelay $0x2  }
0x91: {  	s15 =	simm.s32 $0xC;
	s4 =	simm.s32 $0x10  }
0x92: {  	[smem:s4], [sflag:s15] =	dma.local [hbm:s2], $0x1  }
0x93: {  	_ =	swait.eq [sflag:s15], $0x1  }
0x94: {  	[sflag:s15] =	ssyncset.done $0x0  }
0x95: {  	s16 =	sld [smem:$0x10];
	[sflag:s15] =	ssyncadd.s32 $0xFFFFFFFF  }
0x96: {  	s17 =	sld [smem:$0x11];
	(tm) =	ssettm $0x1  }
0x97: {  	s18 =	sld [smem:$0x3FFB];
	_ =	sdelay $0x3  }
0x98: {  	_ =	strace s18  }
0x99: {  	s4 =	sld [smem:$0x3FFC];
	_ =	sdelay $0x3  }
0x9a: {  	_ =	strace s4  }
0x9b: {  	s4 =	sld [smem:$0x3FFD];
	_ =	sdelay $0x3  }
0x9c: {  	_ =	strace s4  }
0x9d: {  	_ =	strace $0x8FFFFFFF  }
0x9e: {  	s19 =	sld [smem:$0x3FDB];
	_ =	sdelay $0x1  }
0x9f: {  	s5 =	simm.s32 $_scs_section_size  }
0xa0: {  	s6 =	simm.s32 $_size__tile_overlayer_lowered;
	s7 =	simm.s32 $_tile_overlayer_lowered  }
0xa1: {  	s22 =	simm.s32 $0x1BFF;
	s21 =	sshll.u32 s7, $0x1;
	s4 =	sadd.s32 s5, s19  }
0xa2: {  	s8 =	simm.s32 $0x0;
	s20 =	sshll.u32 s6, $0x1;
	s6 =	sadd.s32 s21, s4  }
0xa3: {  	[timem:s8], [sflag:s22] =	dma.local [hbm:s6], s20  }
0xa4: {  	_ =	swait.ge [sflag:s22], s20  }
0xa5: {  	s5 =	ssub.s32 $0x0, s20;
	[sflag:s22] =	ssyncset.done $0x0  }
0xa6: {  	[sflag:s22] =	ssyncadd.s32 s5;
	_ =	sdelay $0x1  }
0xa7: {  	s23 =	simm.s32 $0x1B8B  }
0xa8: {  	_ =	swait.ge [sflag:s23], $0x1  }
0xa9: {  	[sflag:s23] =	ssyncset.done $0x0  }
0xaa: {  	s25 =	simm.s32 $0x1B8E;
	s24 =	sld [smem:$0x3FFE];
	[sflag:s23] =	ssyncadd.s32 $0xFFFFFFFF  }
0xab: {  	s26 =	simm.s32 $execute0_lowered;
	[smem:$0x3FD2] =	sst s25  }
0xac: {  	s6 =	sshll.u32 s26, $0x1;
	_ =	strace $0x80000046;
	[dreg:$0x1] =	wrdreg $0xFFFFFFFF  }
0xad: {  	s28 =	simm.s32 $_size_execute0_lowered;
	s4 =	sadd.s32 s4, s6;
	[dreg:$0x0] =	wrdreg $0x0  }
0xae: {  	s6 =	sshll.u32 s28, $0x1;
	[dreg:$0x2] =	wrdreg s4  }
0xaf: {  	[dreg:$0x3] =	wrdreg s6  }
0xb0: {  	[dreg:$0x4] =	wrdreg $0xC0  }
0xb1: {  	_ =	task [dreg:s8], $0x5FFFF  }
0xb2: {  	[dreg:$0x1] =	wrdreg $0xFFFFFFFF  }
0xb3: {  	[dreg:$0x0] =	wrdreg $0x60  }
0xb4: {  	[dreg:$0x2] =	wrdreg s24  }
0xb5: {  	[dreg:$0x3] =	wrdreg s16  }
0xb6: {  	[dreg:$0x4] =	wrdreg s17  }
0xb7: {  	[dreg:$0x5] =	wrdreg $0x9  }
0xb8: {  	_ =	task.clear_ibuf [dreg:s8], $0x6FFFF;
	_ =	strace $0x90000046  }
0xb9: {  	s29 =	simm.s32 $0x9;
	_ =	strace $0x80000048  }
0xba: {  	_ =	swait.ge [sflag:s29], $0x1  }
0xbb: {  	[sflag:s29] =	ssyncadd.s32 $0xFFFFFFFF  }
0xbc: {  	_ =	strace $0x90000048  }
0xbd: {  	_ =	sfence  }
0xbe: {  	s30 =	sld [smem:$0x0];
	_ =	sdelay $0x2  }
0xbf: {  	s31 =	sshll.u32 s1, $0xD;
	s1 =	sshrl.u32 s1, $0x2  }
0xc0: {  	s3 =	sand.u32 $0x4000, s31;
	s1 =	sadd.s32 s1, s30  }
0xc1: {  	s0 =	sor.u32 s3, s0;
	s1 =	sshll.u32 s1, $0x11  }
0xc2: {  	s0 =	sor.u32 s1, s0  }
0xc3: {  	s0 =	sadd.s32 $0x8F2B, s0  }
0xc4: {  	[sflag:s0] =	ssyncadd.remote.s32 $0x1  }
0xc5: {  	_ =	sfence.sel $0xFFFF  }
0xc6: {  	[dreg:$0x0] =	wrdreg $0xFFFFFFFF;
	(pc) =	sbr.abs _section_cstart, $3  }
0xc7: {  	[dreg:$0x1] =	wrdreg $0xFFFFFFFF  }
0xc8: {  	_ =	task.clear_ibuf [dreg:s8], $0x2FFFF;
	_ =	strace $0x9FFFFFFF  }
0xc9: {  	(tm) =	ssettm $0x7FFFFFFF  }
tec
execute0_lowered:
.L_overlay_start_1:
0x0: {  	(tag) =	ssettag $0x1  }
0x1: {  	s0 =	srdreg.scid;
	s9 =	rddreg [dreg:$0x0]  }
0x2: {  	s2 =	stileid.u32;
	s3 =	rddreg [dreg:$0x2]  }
0x3: {  	s17 =	simm.s32 $0x5800;
	s16 =	simm.s32 $0xD800;
	s14 =	simm.s32 $0xF000  }
0x4: {  	s15 =	simm.s32 $0xF800;
	s18 =	simm.s32 $0x10000;
	s19 =	simm.s32 $0x10800  }
0x5: {  	s20 =	simm.s32 $0x11000;
	s21 =	simm.s32 $0x3;
	s0 =	sand.u32 $0x1, s0  }
0x6: {  	s22 =	simm.s32 $0x2;
	s23 =	simm.s32 $0x11800;
	s1 =	sshll.u32 s0, $0x4  }
0x7: {  	s24 =	simm.s32 $0x19800;
	s25 =	simm.s32 $0x1;
	s1 =	sor.u32 s2, s1  }
0x8: {  	s26 =	simm.s32 $0x0;
	s6 =	sadd.s32 $0x19A00, s9;
	s4 =	smul.u32 $0x4E, s1  }
0x9: {  	s0 =	ssub.s32 $0x2, s0;
	s2 =	rddreg [dreg:$0x1];
	s5 =	smax.u32 s1, $0x1C  }
0xa: {  	s10 =	sshrl.u32 s0, $0x1;
	p0 =	sgt.u32 s1, $0x1B;
	s5 =	sadd.s32 s4, s5  }
0xb: {  	s0 =	ssub.s32 s0, s10;
	s4 =	simm.s32 $0x0;
	s5 =	sadd.s32 $0xFFFFFFE4, s5  }
0xc: {  	s0 =	smax.u32 s0, $0x1;
	[smem:$0x7FF] =	sst s4;
	s7 =	sshll.u32 s5, $0x4  }
.Ltmp0:
0xd: {  	_ =	strace $0x80000047;
	s8 =	sand.u32 $0x1FF80, s7;
	(pc) =	sbr.rel .LBB2_1-.Ltmp0, $4  }
0xe: {  	s10 =	sand.u32 $0x7, s5;
	[dreg:$0x6] =	wrdreg s0;
	s11 =	sadd.s32 s8, s9  }
0xf: {  	v2 =	vlaneseq.u32;
	s7 =	sadd.s32 $0x67C00, s9;
	s13 =	sshll.u32 s10, $0x7;
	s30 =	sadd.s32 $0xFC00, s11  }
0x10: {  	vm0 =	vmmov $0xffff;
	v1 =	vshrl.u32 v2, $0x3;
	s8 =	simm.s32 $0x4F;
	s31 =	sadd.s32 $0x5E00, s11;
	[dreg:$0x4] =	wrdreg s30  }
0x11: {  	v0 =	vand.u32 $0x7, v2;
	v2 =	vor.u32 $0x8, v2;
	v1 =	vmul.u32 $0x8, v1;
	s9 =	sadd.s32 $0xB5E00, s9;
	s8 =	simm.s32 @!p0 $0x4E;
	[dreg:$0x5] =	wrdreg s31  }
.LBB2_14:
0x12: {  	_ =	swait.ge [sflag:s21], $0x4000  }
0x13: {  	[sflag:s21] =	ssyncset.done $0x0  }
0x14: {  	[sflag:s21] =	ssyncadd.s32 $0xFFFFC000  }
0x15: {  	_ =	swait.ge [sflag:s21], $0x4000  }
0x16: {  	[sflag:s21] =	ssyncset.done $0x0  }
0x17: {  	s1 =	simm.s32 $0x4;
	[sflag:s21] =	ssyncadd.s32 $0xFFFFC000  }
0x18: {  	_ =	swait.ge [sflag:s1], $0x4000  }
0x19: {  	[sflag:s1] =	ssyncset.done $0x0  }
0x1a: {  	[sflag:s1] =	ssyncadd.s32 $0xFFFFC000  }
0x1b: {  	_ =	swait.ge [sflag:s1], $0x4000  }
0x1c: {  	s26 =	sadd.s32 $0x1, s26;
	s0 =	rddreg [dreg:$0x6]  }
0x1d: {  	p0 =	sne.s32 s26, s0  }
.Ltmp1:
0x1e: {  	_ = 	snop;
	(pc) =	sbr.rel @!p0 .LBB2_15-.Ltmp1, $3  }
0x1f: {  	_ =	sdelay $0x1  }
0x20: {  	[sflag:s1] =	ssyncset.done $0x0  }
0x21: {  	[sflag:s1] =	ssyncadd.s32 $0xFFFFC000  }
.LBB2_1:
0x22: {  	s0 =	rddreg [dreg:$0x4];
	s1 =	simm.s32 $0x5  }
0x23: {  	[tilespmem:s4], [sflag:$0x5] =	stream.linear.gather [hbm4b:s0+s4], $0x2C00, $0x38;
	[tilespmem:$0x1D800] =	vst v63  }
0x24: {  	_ =	swait.ge [sflag:s1], $0x2C00  }
0x25: {  	[sflag:s1] =	ssyncset.done $0x0  }
0x26: {  	s11 =	simm.s32 $0x2C00;
	s31 =	rddreg [dreg:$0x5];
	[sflag:s1] =	ssyncadd.s32 $0xFFFFD400  }
0x27: {  	[tilespmem:s11], [sflag:$0x5] =	stream.linear.gather [hbm4b:s31+s4], $0x2C00, $0x38;
	[tilespmem:$0x1D800] =	vst v63  }
0x28: {  	_ =	swait.ge [sflag:s1], $0x2C00  }
0x29: {  	[sflag:s1] =	ssyncset.done $0x0  }
0x2a: {  	[sflag:s1] =	ssyncadd.s32 $0xFFFFD400  }
0x2b: {  	v3 =	vld [tilespmem:s13+$0x0];
	_ =	sdelay $0x4  }
0x2c: {  	v4 =	vshll.u32 v3, $0x1  }
0x2d: {  	v3 =	vand.u32 $0x7, v3;
	v4 =	vand.u32 $0xFFFFFFF0, v4  }
0x2e: {  	v3 =	vor.u32 v3, v4  }
0x2f: {  	v4 =	vperm.xlane v3, v0;
	_ =	sdelay $0x1  }
0x30: {  	v3 =	vperm.xlane v3, v2;
	v4 =	vadd.s32 v1, v4;
	_ =	sdelay $0x1  }
0x31: {  	v3 =	vadd.s32 v1, v3;
	_ =	sdelay $0x2  }
0x32: {  	[tilespmem:s17], [sflag:$0x1] =	stream.indirect_vreg.gather [hbm4b:s7+s4], $0x80, v4, vm0, $0xb8;
	[tilespmem:$0x1D800] =	vst v63  }
0x33: {  	s11 =	simm.s32 $0x6000  }
0x34: {  	[tilespmem:s11], [sflag:$0x1] =	stream.indirect_vreg.gather [hbm4b:s7+s4], $0x80, v3, vm0, $0xb8;
	[tilespmem:$0x1D800] =	vst v63  }
0x35: {  	v3 =	vld [tilespmem:s13+$0x10];
	_ =	sdelay $0x4  }
0x36: {  	v53 =	vshll.u32 v3, $0x1  }
0x37: {  	v3 =	vand.u32 $0x7, v3;
	v4 =	vand.u32 $0xFFFFFFF0, v53  }
0x38: {  	v3 =	vor.u32 v3, v4  }
0x39: {  	v4 =	vperm.xlane v3, v0;
	_ =	sdelay $0x1  }
0x3a: {  	v3 =	vperm.xlane v3, v2;
	v4 =	vadd.s32 v1, v4;
	_ =	sdelay $0x1  }
0x3b: {  	v3 =	vadd.s32 v1, v3;
	_ =	sdelay $0x1  }
0x3c: {  	s12 =	simm.s32 $0x6800  }
0x3d: {  	[tilespmem:s12], [sflag:$0x1] =	stream.indirect_vreg.gather [hbm4b:s7+s4], $0x80, v4, vm0, $0xb8;
	[tilespmem:$0x1D800] =	vst v63  }
0x3e: {  	s29 =	simm.s32 $0x7000  }
0x3f: {  	[tilespmem:s29], [sflag:$0x1] =	stream.indirect_vreg.gather [hbm4b:s7+s4], $0x80, v3, vm0, $0xb8;
	[tilespmem:$0x1D800] =	vst v63  }
0x40: {  	v3 =	vld [tilespmem:s13+$0x20];
	_ =	sdelay $0x4  }
0x41: {  	v54 =	vshll.u32 v3, $0x1  }
0x42: {  	v3 =	vand.u32 $0x7, v3;
	v4 =	vand.u32 $0xFFFFFFF0, v54  }
0x43: {  	v3 =	vor.u32 v3, v4  }
0x44: {  	v4 =	vperm.xlane v3, v0;
	_ =	sdelay $0x1  }
0x45: {  	v3 =	vperm.xlane v3, v2;
	v4 =	vadd.s32 v1, v4;
	_ =	sdelay $0x1  }
0x46: {  	v3 =	vadd.s32 v1, v3;
	_ =	sdelay $0x1  }
0x47: {  	s30 =	simm.s32 $0x7800  }
0x48: {  	[tilespmem:s30], [sflag:$0x1] =	stream.indirect_vreg.gather [hbm4b:s7+s4], $0x80, v4, vm0, $0xb8;
	[tilespmem:$0x1D800] =	vst v63  }
0x49: {  	s31 =	simm.s32 $0x8000  }
0x4a: {  	[tilespmem:s31], [sflag:$0x1] =	stream.indirect_vreg.gather [hbm4b:s7+s4], $0x80, v3, vm0, $0xb8;
	[tilespmem:$0x1D800] =	vst v63  }
0x4b: {  	v3 =	vld [tilespmem:s13+$0x30];
	_ =	sdelay $0x4  }
0x4c: {  	v55 =	vshll.u32 v3, $0x1  }
0x4d: {  	v3 =	vand.u32 $0x7, v3;
	v4 =	vand.u32 $0xFFFFFFF0, v55  }
0x4e: {  	v3 =	vor.u32 v3, v4  }
0x4f: {  	v4 =	vperm.xlane v3, v0;
	_ =	sdelay $0x1  }
0x50: {  	v3 =	vperm.xlane v3, v2;
	v4 =	vadd.s32 v1, v4;
	_ =	sdelay $0x1  }
0x51: {  	v3 =	vadd.s32 v1, v3;
	_ =	sdelay $0x1  }
0x52: {  	s1 =	simm.s32 $0x8800  }
0x53: {  	[tilespmem:s1], [sflag:$0x1] =	stream.indirect_vreg.gather [hbm4b:s7+s4], $0x80, v4, vm0, $0xb8;
	[tilespmem:$0x1D800] =	vst v63  }
0x54: {  	s11 =	simm.s32 $0x9000  }
0x55: {  	[tilespmem:s11], [sflag:$0x1] =	stream.indirect_vreg.gather [hbm4b:s7+s4], $0x80, v3, vm0, $0xb8;
	[tilespmem:$0x1D800] =	vst v63  }
0x56: {  	v3 =	vld [tilespmem:s13+$0x2C00];
	_ =	sdelay $0x4  }
0x57: {  	v56 =	vshll.u32 v3, $0x1  }
0x58: {  	v3 =	vand.u32 $0x7, v3;
	v4 =	vand.u32 $0xFFFFFFF0, v56  }
0x59: {  	v3 =	vor.u32 v3, v4  }
0x5a: {  	v4 =	vperm.xlane v3, v0;
	_ =	sdelay $0x1  }
0x5b: {  	v3 =	vperm.xlane v3, v2;
	v4 =	vadd.s32 v1, v4;
	_ =	sdelay $0x1  }
0x5c: {  	v3 =	vadd.s32 v1, v3;
	_ =	sdelay $0x1  }
0x5d: {  	s12 =	simm.s32 $0x9800  }
0x5e: {  	[tilespmem:s12], [sflag:$0x1] =	stream.indirect_vreg.gather [hbm4b:s6+s4], $0x80, v4, vm0, $0xb8;
	[tilespmem:$0x1D800] =	vst v63  }
0x5f: {  	s29 =	simm.s32 $0xA000  }
0x60: {  	[tilespmem:s29], [sflag:$0x1] =	stream.indirect_vreg.gather [hbm4b:s6+s4], $0x80, v3, vm0, $0xb8;
	[tilespmem:$0x1D800] =	vst v63  }
0x61: {  	v3 =	vld [tilespmem:s13+$0x2C10];
	_ =	sdelay $0x4  }
0x62: {  	v57 =	vshll.u32 v3, $0x1  }
0x63: {  	v3 =	vand.u32 $0x7, v3;
	v4 =	vand.u32 $0xFFFFFFF0, v57  }
0x64: {  	v3 =	vor.u32 v3, v4  }
0x65: {  	v4 =	vperm.xlane v3, v0;
	_ =	sdelay $0x1  }
0x66: {  	v3 =	vperm.xlane v3, v2;
	v4 =	vadd.s32 v1, v4;
	_ =	sdelay $0x1  }
0x67: {  	v3 =	vadd.s32 v1, v3;
	_ =	sdelay $0x1  }
0x68: {  	s30 =	simm.s32 $0xA800  }
0x69: {  	[tilespmem:s30], [sflag:$0x1] =	stream.indirect_vreg.gather [hbm4b:s6+s4], $0x80, v4, vm0, $0xb8;
	[tilespmem:$0x1D800] =	vst v63  }
0x6a: {  	s31 =	simm.s32 $0xB000  }
0x6b: {  	[tilespmem:s31], [sflag:$0x1] =	stream.indirect_vreg.gather [hbm4b:s6+s4], $0x80, v3, vm0, $0xb8;
	[tilespmem:$0x1D800] =	vst v63  }
0x6c: {  	v3 =	vld [tilespmem:s13+$0x2C20];
	_ =	sdelay $0x4  }
0x6d: {  	v58 =	vshll.u32 v3, $0x1  }
0x6e: {  	v3 =	vand.u32 $0x7, v3;
	v4 =	vand.u32 $0xFFFFFFF0, v58  }
0x6f: {  	v3 =	vor.u32 v3, v4  }
0x70: {  	v4 =	vperm.xlane v3, v0;
	_ =	sdelay $0x1  }
0x71: {  	v3 =	vperm.xlane v3, v2;
	v4 =	vadd.s32 v1, v4;
	_ =	sdelay $0x1  }
0x72: {  	v3 =	vadd.s32 v1, v3;
	_ =	sdelay $0x1  }
0x73: {  	s1 =	simm.s32 $0xB800  }
0x74: {  	[tilespmem:s1], [sflag:$0x1] =	stream.indirect_vreg.gather [hbm4b:s6+s4], $0x80, v4, vm0, $0xb8;
	[tilespmem:$0x1D800] =	vst v63  }
0x75: {  	s11 =	simm.s32 $0xC000  }
0x76: {  	[tilespmem:s11], [sflag:$0x1] =	stream.indirect_vreg.gather [hbm4b:s6+s4], $0x80, v3, vm0, $0xb8;
	[tilespmem:$0x1D800] =	vst v63  }
0x77: {  	v3 =	vld [tilespmem:s13+$0x2C30];
	_ =	sdelay $0x4  }
0x78: {  	v59 =	vshll.u32 v3, $0x1  }
0x79: {  	v3 =	vand.u32 $0x7, v3;
	v4 =	vand.u32 $0xFFFFFFF0, v59  }
0x7a: {  	v3 =	vor.u32 v3, v4  }
0x7b: {  	v4 =	vperm.xlane v3, v0;
	_ =	sdelay $0x1  }
0x7c: {  	v3 =	vperm.xlane v3, v2;
	v4 =	vadd.s32 v1, v4;
	_ =	sdelay $0x1  }
0x7d: {  	v3 =	vadd.s32 v1, v3;
	_ =	sdelay $0x1  }
0x7e: {  	s12 =	simm.s32 $0xC800  }
0x7f: {  	[tilespmem:s12], [sflag:$0x1] =	stream.indirect_vreg.gather [hbm4b:s6+s4], $0x80, v4, vm0, $0xb8;
	[tilespmem:$0x1D800] =	vst v63  }
0x80: {  	s29 =	simm.s32 $0xD000  }
0x81: {  	[tilespmem:s29], [sflag:$0x1] =	stream.indirect_vreg.gather [hbm4b:s6+s4], $0x80, v3, vm0, $0xb8;
	[tilespmem:$0x1D800] =	vst v63  }
0x82: {  	v3 =	vld [tilespmem:s13+$0x0];
	_ =	sdelay $0x4  }
0x83: {  	v60 =	vshll.u32 v3, $0x1  }
0x84: {  	v3 =	vand.u32 $0x7, v3;
	v4 =	vand.u32 $0xFFFFFFF0, v60  }
0x85: {  	v3 =	vor.u32 v3, v4  }
0x86: {  	v4 =	vperm.xlane v3, v0;
	_ =	sdelay $0x1  }
0x87: {  	v3 =	vperm.xlane v3, v2;
	v4 =	vadd.s32 v1, v4;
	_ =	sdelay $0x1  }
0x88: {  	v3 =	vadd.s32 v1, v3;
	_ =	sdelay $0x2  }
0x89: {  	[tilespmem:s16], [sflag:$0x1] =	stream.indirect_vreg.gather [hbm4b:s2+s4], $0x80, v4, vm0, $0xb8;
	[tilespmem:$0x1D800] =	vst v63  }
0x8a: {  	s30 =	simm.s32 $0xE000  }
0x8b: {  	[tilespmem:s30], [sflag:$0x1] =	stream.indirect_vreg.gather [hbm4b:s2+s4], $0x80, v3, vm0, $0xb8;
	[tilespmem:$0x1D800] =	vst v63  }
0x8c: {  	v3 =	vld [tilespmem:s13+$0x10];
	_ =	sdelay $0x4  }
0x8d: {  	v61 =	vshll.u32 v3, $0x1  }
0x8e: {  	v3 =	vand.u32 $0x7, v3;
	v4 =	vand.u32 $0xFFFFFFF0, v61  }
0x8f: {  	v3 =	vor.u32 v3, v4  }
0x90: {  	v4 =	vperm.xlane v3, v0;
	_ =	sdelay $0x1  }
0x91: {  	v3 =	vperm.xlane v3, v2;
	v4 =	vadd.s32 v1, v4;
	_ =	sdelay $0x1  }
0x92: {  	v3 =	vadd.s32 v1, v3;
	_ =	sdelay $0x1  }
0x93: {  	s31 =	simm.s32 $0xE800  }
0x94: {  	[tilespmem:s31], [sflag:$0x1] =	stream.indirect_vreg.gather [hbm4b:s2+s4], $0x80, v4, vm0, $0xb8;
	[tilespmem:$0x1D800] =	vst v63  }
0x95: {  	_ = 	snop  }
0x96: {  	[tilespmem:s14], [sflag:$0x1] =	stream.indirect_vreg.gather [hbm4b:s2+s4], $0x80, v3, vm0, $0xb8;
	[tilespmem:$0x1D800] =	vst v63  }
0x97: {  	v3 =	vld [tilespmem:s13+$0x20];
	_ =	sdelay $0x4  }
0x98: {  	v62 =	vshll.u32 v3, $0x1  }
0x99: {  	v3 =	vand.u32 $0x7, v3;
	v4 =	vand.u32 $0xFFFFFFF0, v62  }
0x9a: {  	v3 =	vor.u32 v3, v4  }
0x9b: {  	v4 =	vperm.xlane v3, v0;
	_ =	sdelay $0x1  }
0x9c: {  	v3 =	vperm.xlane v3, v2;
	v4 =	vadd.s32 v1, v4;
	_ =	sdelay $0x1  }
0x9d: {  	v3 =	vadd.s32 v1, v3;
	_ =	sdelay $0x2  }
0x9e: {  	[tilespmem:s15], [sflag:$0x1] =	stream.indirect_vreg.gather [hbm4b:s2+s4], $0x80, v4, vm0, $0xb8;
	[tilespmem:$0x1D800] =	vst v63  }
0x9f: {  	_ = 	snop  }
0xa0: {  	[tilespmem:s18], [sflag:$0x1] =	stream.indirect_vreg.gather [hbm4b:s2+s4], $0x80, v3, vm0, $0xb8;
	[tilespmem:$0x1D800] =	vst v63  }
0xa1: {  	v3 =	vld [tilespmem:s13+$0x30];
	_ =	sdelay $0x4  }
0xa2: {  	v63 =	vshll.u32 v3, $0x1  }
0xa3: {  	v3 =	vand.u32 $0x7, v3;
	v4 =	vand.u32 $0xFFFFFFF0, v63  }
0xa4: {  	v3 =	vor.u32 v3, v4  }
0xa5: {  	v4 =	vperm.xlane v3, v0;
	_ =	sdelay $0x1  }
0xa6: {  	v3 =	vperm.xlane v3, v2;
	v4 =	vadd.s32 v1, v4;
	_ =	sdelay $0x1  }
0xa7: {  	v3 =	vadd.s32 v1, v3  }
.Ltmp2:
0xa8: {  	_ = 	snop;
	(pc) =	sbr.rel .LBB2_2-.Ltmp2, $4  }
0xa9: {  	_ = 	snop  }
0xaa: {  	[tilespmem:s19], [sflag:$0x1] =	stream.indirect_vreg.gather [hbm4b:s2+s4], $0x80, v4, vm0, $0xb8;
	[tilespmem:$0x1D800] =	vst v63  }
0xab: {  	s28 =	simm.s32 $0x0  }
0xac: {  	[tilespmem:s20], [sflag:$0x1] =	stream.indirect_vreg.gather [hbm4b:s2+s4], $0x80, v3, vm0, $0xb8;
	[tilespmem:$0x1D800] =	vst v63  }
.LBB2_13:
0xad: {  	p0 =	sne.s32 s29, s8  }
.Ltmp3:
0xae: {  	_ = 	snop;
	(pc) =	sbr.rel @!p0 .LBB2_14-.Ltmp3, $2  }
0xaf: {  	_ =	sdelay $0x2  }
0xb0: {  	s28 =	smov.u32 s29  }
.LBB2_2:
0xb1: {  	s30 =	sand.u32 $0x1, s28  }
0xb2: {  	p0 =	seq.s32 s30, $0x1  }
.Ltmp4:
0xb3: {  	_ = 	snop;
	(pc) =	sbr.rel @p0 .LBB2_8-.Ltmp4, $1  }
0xb4: {  	_ =	sdelay $0x3  }
0xb5: {  	s29 =	sor.u32 $0x1, s28  }
0xb6: {  	p0 =	sge.u32 s29, s8  }
.Ltmp5:
0xb7: {  	_ = 	snop;
	(pc) =	sbr.rel @p0 .LBB2_5-.Ltmp5, $1  }
0xb8: {  	_ =	sdelay $0x3  }
0xb9: {  	p0 =	seq.s32 s28, $0x0  }
0xba: {  	s0 =	simm.s32 @!p0 $0x4  }
0xbb: {  	_ =	swait.ge @!p0 [sflag:s0], $0x4000  }
0xbc: {  	[sflag:s0] =	ssyncset.done @!p0 $0x0  }
0xbd: {  	[sflag:s0] =	ssyncadd.s32 @!p0 $0xFFFFC000  }
0xbe: {  	_ =	swait.ge @!p0 [sflag:s0], $0x4000  }
0xbf: {  	s1 =	sadd.s32 s10, s29;
	[sflag:s0] =	ssyncset.done @!p0 $0x0  }
0xc0: {  	s31 =	sshll.u32 s1, $0x7;
	[sflag:s0] =	ssyncadd.s32 @!p0 $0xFFFFC000  }
0xc1: {  	v3 =	vld [tilespmem:s31+$0x0];
	_ =	sdelay $0x4  }
0xc2: {  	v4 =	vshll.u32 v3, $0x1  }
0xc3: {  	v3 =	vand.u32 $0x7, v3;
	v4 =	vand.u32 $0xFFFFFFF0, v4  }
0xc4: {  	v3 =	vor.u32 v3, v4  }
0xc5: {  	v4 =	vperm.xlane v3, v0;
	_ =	sdelay $0x1  }
0xc6: {  	v3 =	vperm.xlane v3, v2;
	v4 =	vadd.s32 v1, v4;
	_ =	sdelay $0x1  }
0xc7: {  	v3 =	vadd.s32 v1, v3;
	_ =	sdelay $0x2  }
0xc8: {  	[tilespmem:s23], [sflag:$0x2] =	stream.indirect_vreg.gather [hbm4b:s7+s4], $0x80, v4, vm0, $0xb8;
	[tilespmem:$0x1D800] =	vst v63  }
0xc9: {  	s1 =	simm.s32 $0x12000  }
0xca: {  	[tilespmem:s1], [sflag:$0x2] =	stream.indirect_vreg.gather [hbm4b:s7+s4], $0x80, v3, vm0, $0xb8;
	[tilespmem:$0x1D800] =	vst v63  }
0xcb: {  	v3 =	vld [tilespmem:s31+$0x10];
	_ =	sdelay $0x4  }
0xcc: {  	v53 =	vshll.u32 v3, $0x1  }
0xcd: {  	v3 =	vand.u32 $0x7, v3;
	v4 =	vand.u32 $0xFFFFFFF0, v53  }
0xce: {  	v3 =	vor.u32 v3, v4  }
0xcf: {  	v4 =	vperm.xlane v3, v0;
	_ =	sdelay $0x1  }
0xd0: {  	v3 =	vperm.xlane v3, v2;
	v4 =	vadd.s32 v1, v4;
	_ =	sdelay $0x1  }
0xd1: {  	v3 =	vadd.s32 v1, v3;
	_ =	sdelay $0x1  }
0xd2: {  	s11 =	simm.s32 $0x12800  }
0xd3: {  	[tilespmem:s11], [sflag:$0x2] =	stream.indirect_vreg.gather [hbm4b:s7+s4], $0x80, v4, vm0, $0xb8;
	[tilespmem:$0x1D800] =	vst v63  }
0xd4: {  	s12 =	simm.s32 $0x13000  }
0xd5: {  	[tilespmem:s12], [sflag:$0x2] =	stream.indirect_vreg.gather [hbm4b:s7+s4], $0x80, v3, vm0, $0xb8;
	[tilespmem:$0x1D800] =	vst v63  }
0xd6: {  	v3 =	vld [tilespmem:s31+$0x20];
	_ =	sdelay $0x4  }
0xd7: {  	v54 =	vshll.u32 v3, $0x1  }
0xd8: {  	v3 =	vand.u32 $0x7, v3;
	v4 =	vand.u32 $0xFFFFFFF0, v54  }
0xd9: {  	v3 =	vor.u32 v3, v4  }
0xda: {  	v4 =	vperm.xlane v3, v0;
	_ =	sdelay $0x1  }
0xdb: {  	v3 =	vperm.xlane v3, v2;
	v4 =	vadd.s32 v1, v4;
	_ =	sdelay $0x1  }
0xdc: {  	v3 =	vadd.s32 v1, v3;
	_ =	sdelay $0x1  }
0xdd: {  	s1 =	simm.s32 $0x13800  }
0xde: {  	[tilespmem:s1], [sflag:$0x2] =	stream.indirect_vreg.gather [hbm4b:s7+s4], $0x80, v4, vm0, $0xb8;
	[tilespmem:$0x1D800] =	vst v63  }
0xdf: {  	s11 =	simm.s32 $0x14000  }
0xe0: {  	[tilespmem:s11], [sflag:$0x2] =	stream.indirect_vreg.gather [hbm4b:s7+s4], $0x80, v3, vm0, $0xb8;
	[tilespmem:$0x1D800] =	vst v63  }
0xe1: {  	v3 =	vld [tilespmem:s31+$0x30];
	_ =	sdelay $0x4  }
0xe2: {  	v55 =	vshll.u32 v3, $0x1  }
0xe3: {  	v3 =	vand.u32 $0x7, v3;
	v4 =	vand.u32 $0xFFFFFFF0, v55  }
0xe4: {  	v3 =	vor.u32 v3, v4  }
0xe5: {  	v4 =	vperm.xlane v3, v0;
	_ =	sdelay $0x1  }
0xe6: {  	v3 =	vperm.xlane v3, v2;
	v4 =	vadd.s32 v1, v4;
	_ =	sdelay $0x1  }
0xe7: {  	v3 =	vadd.s32 v1, v3;
	_ =	sdelay $0x1  }
0xe8: {  	s12 =	simm.s32 $0x14800  }
0xe9: {  	[tilespmem:s12], [sflag:$0x2] =	stream.indirect_vreg.gather [hbm4b:s7+s4], $0x80, v4, vm0, $0xb8;
	[tilespmem:$0x1D800] =	vst v63  }
0xea: {  	s1 =	simm.s32 $0x15000  }
0xeb: {  	[tilespmem:s1], [sflag:$0x2] =	stream.indirect_vreg.gather [hbm4b:s7+s4], $0x80, v3, vm0, $0xb8;
	[tilespmem:$0x1D800] =	vst v63  }
0xec: {  	v3 =	vld [tilespmem:s31+$0x2C00];
	_ =	sdelay $0x4  }
0xed: {  	v56 =	vshll.u32 v3, $0x1  }
0xee: {  	v3 =	vand.u32 $0x7, v3;
	v4 =	vand.u32 $0xFFFFFFF0, v56  }
0xef: {  	v3 =	vor.u32 v3, v4  }
0xf0: {  	v4 =	vperm.xlane v3, v0;
	_ =	sdelay $0x1  }
0xf1: {  	v3 =	vperm.xlane v3, v2;
	v4 =	vadd.s32 v1, v4;
	_ =	sdelay $0x1  }
0xf2: {  	v3 =	vadd.s32 v1, v3;
	_ =	sdelay $0x1  }
0xf3: {  	s11 =	simm.s32 $0x15800  }
0xf4: {  	[tilespmem:s11], [sflag:$0x2] =	stream.indirect_vreg.gather [hbm4b:s6+s4], $0x80, v4, vm0, $0xb8;
	[tilespmem:$0x1D800] =	vst v63  }
0xf5: {  	s12 =	simm.s32 $0x16000  }
0xf6: {  	[tilespmem:s12], [sflag:$0x2] =	stream.indirect_vreg.gather [hbm4b:s6+s4], $0x80, v3, vm0, $0xb8;
	[tilespmem:$0x1D800] =	vst v63  }
0xf7: {  	v3 =	vld [tilespmem:s31+$0x2C10];
	_ =	sdelay $0x4  }
0xf8: {  	v57 =	vshll.u32 v3, $0x1  }
0xf9: {  	v3 =	vand.u32 $0x7, v3;
	v4 =	vand.u32 $0xFFFFFFF0, v57  }
0xfa: {  	v3 =	vor.u32 v3, v4  }
0xfb: {  	v4 =	vperm.xlane v3, v0;
	_ =	sdelay $0x1  }
0xfc: {  	v3 =	vperm.xlane v3, v2;
	v4 =	vadd.s32 v1, v4;
	_ =	sdelay $0x1  }
0xfd: {  	v3 =	vadd.s32 v1, v3;
	_ =	sdelay $0x1  }
0xfe: {  	s1 =	simm.s32 $0x16800  }
0xff: {  	[tilespmem:s1], [sflag:$0x2] =	stream.indirect_vreg.gather [hbm4b:s6+s4], $0x80, v4, vm0, $0xb8;
	[tilespmem:$0x1D800] =	vst v63  }
0x100: {  	s11 =	simm.s32 $0x17000  }
0x101: {  	[tilespmem:s11], [sflag:$0x2] =	stream.indirect_vreg.gather [hbm4b:s6+s4], $0x80, v3, vm0, $0xb8;
	[tilespmem:$0x1D800] =	vst v63  }
0x102: {  	v3 =	vld [tilespmem:s31+$0x2C20];
	_ =	sdelay $0x4  }
0x103: {  	v58 =	vshll.u32 v3, $0x1  }
0x104: {  	v3 =	vand.u32 $0x7, v3;
	v4 =	vand.u32 $0xFFFFFFF0, v58  }
0x105: {  	v3 =	vor.u32 v3, v4  }
0x106: {  	v4 =	vperm.xlane v3, v0;
	_ =	sdelay $0x1  }
0x107: {  	v3 =	vperm.xlane v3, v2;
	v4 =	vadd.s32 v1, v4;
	_ =	sdelay $0x1  }
0x108: {  	v3 =	vadd.s32 v1, v3;
	_ =	sdelay $0x1  }
0x109: {  	s12 =	simm.s32 $0x17800  }
0x10a: {  	[tilespmem:s12], [sflag:$0x2] =	stream.indirect_vreg.gather [hbm4b:s6+s4], $0x80, v4, vm0, $0xb8;
	[tilespmem:$0x1D800] =	vst v63  }
0x10b: {  	s1 =	simm.s32 $0x18000  }
0x10c: {  	[tilespmem:s1], [sflag:$0x2] =	stream.indirect_vreg.gather [hbm4b:s6+s4], $0x80, v3, vm0, $0xb8;
	[tilespmem:$0x1D800] =	vst v63  }
0x10d: {  	v3 =	vld [tilespmem:s31+$0x2C30];
	_ =	sdelay $0x4  }
0x10e: {  	v59 =	vshll.u32 v3, $0x1  }
0x10f: {  	v3 =	vand.u32 $0x7, v3;
	v4 =	vand.u32 $0xFFFFFFF0, v59  }
0x110: {  	v3 =	vor.u32 v3, v4  }
0x111: {  	v4 =	vperm.xlane v3, v0;
	_ =	sdelay $0x1  }
0x112: {  	v3 =	vperm.xlane v3, v2;
	v4 =	vadd.s32 v1, v4;
	_ =	sdelay $0x1  }
0x113: {  	v3 =	vadd.s32 v1, v3;
	_ =	sdelay $0x1  }
0x114: {  	s11 =	simm.s32 $0x18800  }
0x115: {  	[tilespmem:s11], [sflag:$0x2] =	stream.indirect_vreg.gather [hbm4b:s6+s4], $0x80, v4, vm0, $0xb8;
	[tilespmem:$0x1D800] =	vst v63  }
0x116: {  	s12 =	simm.s32 $0x19000  }
0x117: {  	[tilespmem:s12], [sflag:$0x2] =	stream.indirect_vreg.gather [hbm4b:s6+s4], $0x80, v3, vm0, $0xb8;
	[tilespmem:$0x1D800] =	vst v63  }
0x118: {  	v3 =	vld [tilespmem:s31+$0x0];
	_ =	sdelay $0x4  }
0x119: {  	v60 =	vshll.u32 v3, $0x1  }
0x11a: {  	v3 =	vand.u32 $0x7, v3;
	v4 =	vand.u32 $0xFFFFFFF0, v60  }
0x11b: {  	v3 =	vor.u32 v3, v4  }
0x11c: {  	v4 =	vperm.xlane v3, v0;
	_ =	sdelay $0x1  }
0x11d: {  	v3 =	vperm.xlane v3, v2;
	v4 =	vadd.s32 v1, v4;
	_ =	sdelay $0x1  }
0x11e: {  	v3 =	vadd.s32 v1, v3;
	_ =	sdelay $0x2  }
0x11f: {  	[tilespmem:s24], [sflag:$0x2] =	stream.indirect_vreg.gather [hbm4b:s2+s4], $0x80, v4, vm0, $0xb8;
	[tilespmem:$0x1D800] =	vst v63  }
0x120: {  	s1 =	simm.s32 $0x1A000  }
0x121: {  	[tilespmem:s1], [sflag:$0x2] =	stream.indirect_vreg.gather [hbm4b:s2+s4], $0x80, v3, vm0, $0xb8;
	[tilespmem:$0x1D800] =	vst v63  }
0x122: {  	v3 =	vld [tilespmem:s31+$0x10];
	_ =	sdelay $0x4  }
0x123: {  	v61 =	vshll.u32 v3, $0x1  }
0x124: {  	v3 =	vand.u32 $0x7, v3;
	v4 =	vand.u32 $0xFFFFFFF0, v61  }
0x125: {  	v3 =	vor.u32 v3, v4  }
0x126: {  	v4 =	vperm.xlane v3, v0;
	_ =	sdelay $0x1  }
0x127: {  	v3 =	vperm.xlane v3, v2;
	v4 =	vadd.s32 v1, v4;
	_ =	sdelay $0x1  }
0x128: {  	v3 =	vadd.s32 v1, v3;
	_ =	sdelay $0x1  }
0x129: {  	s11 =	simm.s32 $0x1A800  }
0x12a: {  	[tilespmem:s11], [sflag:$0x2] =	stream.indirect_vreg.gather [hbm4b:s2+s4], $0x80, v4, vm0, $0xb8;
	[tilespmem:$0x1D800] =	vst v63  }
0x12b: {  	s12 =	simm.s32 $0x1B000  }
0x12c: {  	[tilespmem:s12], [sflag:$0x2] =	stream.indirect_vreg.gather [hbm4b:s2+s4], $0x80, v3, vm0, $0xb8;
	[tilespmem:$0x1D800] =	vst v63  }
0x12d: {  	v3 =	vld [tilespmem:s31+$0x20];
	_ =	sdelay $0x4  }
0x12e: {  	v62 =	vshll.u32 v3, $0x1  }
0x12f: {  	v3 =	vand.u32 $0x7, v3;
	v4 =	vand.u32 $0xFFFFFFF0, v62  }
0x130: {  	v3 =	vor.u32 v3, v4  }
0x131: {  	v4 =	vperm.xlane v3, v0;
	_ =	sdelay $0x1  }
0x132: {  	v3 =	vperm.xlane v3, v2;
	v4 =	vadd.s32 v1, v4;
	_ =	sdelay $0x1  }
0x133: {  	v3 =	vadd.s32 v1, v3;
	_ =	sdelay $0x1  }
0x134: {  	s1 =	simm.s32 $0x1B800  }
0x135: {  	[tilespmem:s1], [sflag:$0x2] =	stream.indirect_vreg.gather [hbm4b:s2+s4], $0x80, v4, vm0, $0xb8;
	[tilespmem:$0x1D800] =	vst v63  }
0x136: {  	s11 =	simm.s32 $0x1C000  }
0x137: {  	[tilespmem:s11], [sflag:$0x2] =	stream.indirect_vreg.gather [hbm4b:s2+s4], $0x80, v3, vm0, $0xb8;
	[tilespmem:$0x1D800] =	vst v63  }
0x138: {  	v3 =	vld [tilespmem:s31+$0x30];
	_ =	sdelay $0x4  }
0x139: {  	v63 =	vshll.u32 v3, $0x1  }
0x13a: {  	v3 =	vand.u32 $0x7, v3;
	v4 =	vand.u32 $0xFFFFFFF0, v63  }
0x13b: {  	v3 =	vor.u32 v3, v4  }
0x13c: {  	v4 =	vperm.xlane v3, v0;
	_ =	sdelay $0x1  }
0x13d: {  	v3 =	vperm.xlane v3, v2;
	v4 =	vadd.s32 v1, v4;
	_ =	sdelay $0x1  }
0x13e: {  	v3 =	vadd.s32 v1, v3;
	_ =	sdelay $0x1  }
0x13f: {  	s12 =	simm.s32 $0x1C800  }
0x140: {  	[tilespmem:s12], [sflag:$0x2] =	stream.indirect_vreg.gather [hbm4b:s2+s4], $0x80, v4, vm0, $0xb8;
	[tilespmem:$0x1D800] =	vst v63  }
0x141: {  	s31 =	simm.s32 $0x1D000  }
0x142: {  	[tilespmem:s31], [sflag:$0x2] =	stream.indirect_vreg.gather [hbm4b:s2+s4], $0x80, v3, vm0, $0xb8;
	[tilespmem:$0x1D800] =	vst v63  }
.LBB2_5:
0x143: {  	_ =	swait.ge [sflag:s25], $0x4000  }
0x144: {  	[sflag:s25] =	ssyncset.done $0x0  }
0x145: {  	[sflag:s25] =	ssyncadd.s32 $0xFFFFC000  }
0x146: {  	_ =	swait.ge [sflag:s25], $0x4000  }
0x147: {  	[sflag:s25] =	ssyncset.done $0x0  }
0x148: {  	[sflag:s25] =	ssyncadd.s32 $0xFFFFC000  }
0x149: {  	s0 =	simm.s32 $0x0;
	_ =	swait.ge [sflag:s25], $0x4000  }
0x14a: {  	s1 =	sand.u32 $0x3800, s0;
	s0 =	sand.u32 $0x380, s0;
	[sflag:s25] =	ssyncset.done $0x0  }
0x14b: {  	s31 =	sor.u32 s0, s1;
	[sflag:s25] =	ssyncadd.s32 $0xFFFFC000  }
0x14c: {  	v10 =	vld [tilespmem:s31+$0x9800]  }
0x14d: {  	v11 =	vld [tilespmem:s31+$0x9810]  }
0x14e: {  	v12 =	vld [tilespmem:s31+$0x9820]  }
0x14f: {  	v13 =	vld [tilespmem:s31+$0x9830]  }
0x150: {  	v14 =	vld [tilespmem:s31+$0x9840]  }
0x151: {  	v15 =	vld [tilespmem:s31+$0x9850]  }
0x152: {  	v16 =	vld [tilespmem:s31+$0x9860]  }
0x153: {  	v17 =	vld [tilespmem:s31+$0x9870]  }
0x154: {  	v18 =	vld [tilespmem:s31+$0x9C00]  }
0x155: {  	v9 =	vld [tilespmem:s31+$0x9C10]  }
0x156: {  	v8 =	vld [tilespmem:s31+$0x9C20]  }
0x157: {  	v7 =	vld [tilespmem:s31+$0x9C30]  }
0x158: {  	v6 =	vld [tilespmem:s31+$0x9C40]  }
0x159: {  	v5 =	vld [tilespmem:s31+$0x9C50]  }
0x15a: {  	v4 =	vld [tilespmem:s31+$0x9C60]  }
0x15b: {  	v3 =	vld [tilespmem:s31+$0x9C70]  }
0x15c: {  	v19 =	vld [tilespmem:s31+$0x5800]  }
0x15d: {  	v20 =	vld [tilespmem:s31+$0x5810]  }
0x15e: {  	v21 =	vld [tilespmem:s31+$0x5820]  }
0x15f: {  	v22 =	vld [tilespmem:s31+$0x5830]  }
0x160: {  	v23 =	vld [tilespmem:s31+$0x5840]  }
0x161: {  	v10 =	vadd.f32 v10, v19;
	v19 =	vld [tilespmem:s31+$0x5850]  }
0x162: {  	v61 =	vld [tilespmem:s31+$0x5860];
	v11 =	vadd.f32 v11, v20  }
0x163: {  	v62 =	vld [tilespmem:s31+$0x5870];
	[tilespmem:s31+$0x5800] =	vst v10;
	v10 =	vadd.f32 v12, v21  }
0x164: {  	v63 =	vld [tilespmem:s31+$0x5C00];
	[tilespmem:s31+$0x5810] =	vst v11;
	v11 =	vadd.f32 v13, v22  }
0x165: {  	v13 =	vld [tilespmem:s31+$0x5C10];
	[tilespmem:s31+$0x5820] =	vst v10;
	v10 =	vadd.f32 v14, v23  }
0x166: {  	v12 =	vld [tilespmem:s31+$0x5C20];
	[tilespmem:s31+$0x5830] =	vst v11;
	v11 =	vadd.f32 v15, v19  }
0x167: {  	v14 =	vadd.f32 v16, v61;
	[tilespmem:s31+$0x5840] =	vst v10;
	v10 =	vld [tilespmem:s31+$0x5C30]  }
0x168: {  	v16 =	vadd.f32 v17, v62;
	[tilespmem:s31+$0x5850] =	vst v11;
	v11 =	vld [tilespmem:s31+$0x5C40]  }
0x169: {  	s1 =	simm.s32 $0x80;
	s0 =	simm.s32 $0x100;
	v15 =	vadd.f32 v18, v63;
	[tilespmem:s31+$0x5860] =	vst v14;
	v14 =	vld [tilespmem:s31+$0x5C50]  }
.LBB2_6:
0x16a: {  	s11 =	sand.u32 $0x3800, s0;
	s12 =	sand.u32 $0x380, s1;
	p0 =	sne.s32 s0, $0x3F00;
	[tilespmem:s31+$0x5870] =	vst v16;
	v9 =	vadd.f32 v9, v13;
	v13 =	vld [tilespmem:s31+$0x5C60]  }
0x16b: {  	s11 =	sor.u32 s12, s11;
	[tilespmem:s31+$0x5C00] =	vst v15;
	v8 =	vadd.f32 v8, v12;
	v12 =	vld [tilespmem:s31+$0x5C70]  }
0x16c: {  	v15 =	vld [tilespmem:s11+$0x9800];
	[tilespmem:s31+$0x5C10] =	vst v9;
	v7 =	vadd.f32 v7, v10  }
0x16d: {  	v10 =	vld [tilespmem:s11+$0x9810];
	[tilespmem:s31+$0x5C20] =	vst v8;
	v6 =	vadd.f32 v6, v11  }
0x16e: {  	v11 =	vld [tilespmem:s11+$0x9820];
	[tilespmem:s31+$0x5C30] =	vst v7;
	v5 =	vadd.f32 v5, v14  }
0x16f: {  	v14 =	vld [tilespmem:s11+$0x9830];
	[tilespmem:s31+$0x5C40] =	vst v6;
	v4 =	vadd.f32 v4, v13  }
0x170: {  	v13 =	vld [tilespmem:s11+$0x9840];
	[tilespmem:s31+$0x5C50] =	vst v5;
	v3 =	vadd.f32 v3, v12  }
0x171: {  	v12 =	vld [tilespmem:s11+$0x9850];
	[tilespmem:s31+$0x5C60] =	vst v4  }
0x172: {  	v16 =	vld [tilespmem:s11+$0x9860];
	[tilespmem:s31+$0x5C70] =	vst v3;
	s31 =	smov.u32 s11  }
0x173: {  	v17 =	vld [tilespmem:s31+$0x9870]  }
0x174: {  	v18 =	vld [tilespmem:s31+$0x9C00]  }
0x175: {  	v9 =	vld [tilespmem:s31+$0x9C10]  }
0x176: {  	v8 =	vld [tilespmem:s31+$0x9C20]  }
0x177: {  	v7 =	vld [tilespmem:s31+$0x9C30]  }
0x178: {  	v6 =	vld [tilespmem:s31+$0x9C40]  }
0x179: {  	v5 =	vld [tilespmem:s31+$0x9C50]  }
0x17a: {  	v4 =	vld [tilespmem:s31+$0x9C60]  }
0x17b: {  	v3 =	vld [tilespmem:s31+$0x9C70]  }
0x17c: {  	v19 =	vld [tilespmem:s31+$0x5800]  }
0x17d: {  	v20 =	vld [tilespmem:s31+$0x5810]  }
0x17e: {  	v21 =	vld [tilespmem:s31+$0x5820]  }
0x17f: {  	v22 =	vld [tilespmem:s31+$0x5830]  }
0x180: {  	v23 =	vld [tilespmem:s31+$0x5840]  }
0x181: {  	v15 =	vadd.f32 v15, v19;
	v19 =	vld [tilespmem:s31+$0x5850]  }
0x182: {  	v10 =	vadd.f32 v10, v20;
	v20 =	vld [tilespmem:s31+$0x5860]  }
0x183: {  	[tilespmem:s31+$0x5800] =	vst v15;
	v11 =	vadd.f32 v11, v21;
	v15 =	vld [tilespmem:s31+$0x5870]  }
0x184: {  	[tilespmem:s31+$0x5810] =	vst v10;
	v10 =	vadd.f32 v14, v22;
	v14 =	vld [tilespmem:s31+$0x5C00]  }
.Ltmp6:
0x185: {  	[tilespmem:s31+$0x5820] =	vst v11;
	v11 =	vadd.f32 v13, v23;
	v13 =	vld [tilespmem:s31+$0x5C10];
	(pc) =	sbr.rel @p0 .LBB2_6-.Ltmp6, $4  }
0x186: {  	[tilespmem:s31+$0x5830] =	vst v10;
	v19 =	vadd.f32 v12, v19;
	v12 =	vld [tilespmem:s31+$0x5C20]  }
0x187: {  	[tilespmem:s31+$0x5840] =	vst v11;
	v20 =	vadd.f32 v16, v20;
	v10 =	vld [tilespmem:s31+$0x5C30]  }
0x188: {  	[tilespmem:s31+$0x5850] =	vst v19;
	v16 =	vadd.f32 v17, v15;
	v11 =	vld [tilespmem:s31+$0x5C40]  }
0x189: {  	s1 =	sadd.s32 $0x80, s1;
	s0 =	sadd.s32 $0x100, s0;
	[tilespmem:s31+$0x5860] =	vst v20;
	v15 =	vadd.f32 v18, v14;
	v14 =	vld [tilespmem:s31+$0x5C50]  }
0x18a: {  	[tilespmem:s31+$0x5870] =	vst v16;
	v9 =	vadd.f32 v9, v13;
	v62 =	vld [tilespmem:s31+$0x5C60]  }
0x18b: {  	v63 =	vld [tilespmem:s31+$0x5C70];
	[tilespmem:s31+$0x5C00] =	vst v15;
	v8 =	vadd.f32 v8, v12  }
0x18c: {  	[tilespmem:s31+$0x5C10] =	vst v9;
	v7 =	vadd.f32 v7, v10  }
0x18d: {  	[tilespmem:s31+$0x5C20] =	vst v8;
	v6 =	vadd.f32 v6, v11  }
0x18e: {  	[tilespmem:s31+$0x5C30] =	vst v7;
	v5 =	vadd.f32 v5, v14  }
0x18f: {  	s0 =	sadd.s32 s5, s28;
	[tilespmem:s31+$0x5C40] =	vst v6;
	v4 =	vadd.f32 v4, v62  }
0x190: {  	p0 =	seq.s32 s30, $0x0;
	s0 =	sshll.u32 s0, $0xB;
	v3 =	vadd.f32 v3, v63;
	[tilespmem:s31+$0x5C50] =	vst v5  }
.Ltmp7:
0x191: {  	s0 =	sand.u32 $0x1FFFF800, s0;
	[tilespmem:s31+$0x5C60] =	vst v4;
	(pc) =	sbr.rel @p0 .LBB2_13-.Ltmp7, $4  }
0x192: {  	s1 =	sadd.s32 s3, s0;
	[tilespmem:s31+$0x5C70] =	vst v3  }
0x193: {  	[hbm4b:s1+s4] =	stream.linear.scatter [tilespmem:s17], [sflag:$0x3], $0x4000, $0x38;
	[tilespmem:$0x1D800] =	vst v63  }
0x194: {  	s0 =	sadd.s32 s9, s0  }
0x195: {  	[hbm4b:s0+s4] =	stream.linear.scatter [tilespmem:s16], [sflag:$0x3], $0x4000, $0x38;
	[tilespmem:$0x1D800] =	vst v63  }
.LBB2_8:
0x196: {  	s29 =	sadd.s32 $0x1, s28  }
0x197: {  	p0 =	sge.u32 s29, s8  }
.Ltmp8:
0x198: {  	_ = 	snop;
	(pc) =	sbr.rel @p0 .LBB2_10-.Ltmp8, $1  }
0x199: {  	_ =	sdelay $0x3  }
0x19a: {  	_ =	swait.ge [sflag:s21], $0x4000  }
0x19b: {  	[sflag:s21] =	ssyncset.done $0x0  }
0x19c: {  	[sflag:s21] =	ssyncadd.s32 $0xFFFFC000  }
0x19d: {  	_ =	swait.ge [sflag:s21], $0x4000  }
0x19e: {  	s0 =	sadd.s32 s10, s29;
	[sflag:s21] =	ssyncset.done $0x0  }
0x19f: {  	s30 =	sshll.u32 s0, $0x7;
	[sflag:s21] =	ssyncadd.s32 $0xFFFFC000  }
0x1a0: {  	v3 =	vld [tilespmem:s30+$0x0];
	_ =	sdelay $0x4  }
0x1a1: {  	v4 =	vshll.u32 v3, $0x1  }
0x1a2: {  	v3 =	vand.u32 $0x7, v3;
	v4 =	vand.u32 $0xFFFFFFF0, v4  }
0x1a3: {  	v3 =	vor.u32 v3, v4  }
0x1a4: {  	v4 =	vperm.xlane v3, v0;
	_ =	sdelay $0x1  }
0x1a5: {  	v3 =	vperm.xlane v3, v2;
	v4 =	vadd.s32 v1, v4;
	_ =	sdelay $0x1  }
0x1a6: {  	v3 =	vadd.s32 v1, v3;
	_ =	sdelay $0x2  }
0x1a7: {  	[tilespmem:s17], [sflag:$0x1] =	stream.indirect_vreg.gather [hbm4b:s7+s4], $0x80, v4, vm0, $0xb8;
	[tilespmem:$0x1D800] =	vst v63  }
0x1a8: {  	s31 =	simm.s32 $0x6000  }
0x1a9: {  	[tilespmem:s31], [sflag:$0x1] =	stream.indirect_vreg.gather [hbm4b:s7+s4], $0x80, v3, vm0, $0xb8;
	[tilespmem:$0x1D800] =	vst v63  }
0x1aa: {  	v3 =	vld [tilespmem:s30+$0x10];
	_ =	sdelay $0x4  }
0x1ab: {  	v53 =	vshll.u32 v3, $0x1  }
0x1ac: {  	v3 =	vand.u32 $0x7, v3;
	v4 =	vand.u32 $0xFFFFFFF0, v53  }
0x1ad: {  	v3 =	vor.u32 v3, v4  }
0x1ae: {  	v4 =	vperm.xlane v3, v0;
	_ =	sdelay $0x1  }
0x1af: {  	v3 =	vperm.xlane v3, v2;
	v4 =	vadd.s32 v1, v4;
	_ =	sdelay $0x1  }
0x1b0: {  	v3 =	vadd.s32 v1, v3;
	_ =	sdelay $0x1  }
0x1b1: {  	s1 =	simm.s32 $0x6800  }
0x1b2: {  	[tilespmem:s1], [sflag:$0x1] =	stream.indirect_vreg.gather [hbm4b:s7+s4], $0x80, v4, vm0, $0xb8;
	[tilespmem:$0x1D800] =	vst v63  }
0x1b3: {  	s11 =	simm.s32 $0x7000  }
0x1b4: {  	[tilespmem:s11], [sflag:$0x1] =	stream.indirect_vreg.gather [hbm4b:s7+s4], $0x80, v3, vm0, $0xb8;
	[tilespmem:$0x1D800] =	vst v63  }
0x1b5: {  	v3 =	vld [tilespmem:s30+$0x20];
	_ =	sdelay $0x4  }
0x1b6: {  	v54 =	vshll.u32 v3, $0x1  }
0x1b7: {  	v3 =	vand.u32 $0x7, v3;
	v4 =	vand.u32 $0xFFFFFFF0, v54  }
0x1b8: {  	v3 =	vor.u32 v3, v4  }
0x1b9: {  	v4 =	vperm.xlane v3, v0;
	_ =	sdelay $0x1  }
0x1ba: {  	v3 =	vperm.xlane v3, v2;
	v4 =	vadd.s32 v1, v4;
	_ =	sdelay $0x1  }
0x1bb: {  	v3 =	vadd.s32 v1, v3;
	_ =	sdelay $0x1  }
0x1bc: {  	s12 =	simm.s32 $0x7800  }
0x1bd: {  	[tilespmem:s12], [sflag:$0x1] =	stream.indirect_vreg.gather [hbm4b:s7+s4], $0x80, v4, vm0, $0xb8;
	[tilespmem:$0x1D800] =	vst v63  }
0x1be: {  	s31 =	simm.s32 $0x8000  }
0x1bf: {  	[tilespmem:s31], [sflag:$0x1] =	stream.indirect_vreg.gather [hbm4b:s7+s4], $0x80, v3, vm0, $0xb8;
	[tilespmem:$0x1D800] =	vst v63  }
0x1c0: {  	v3 =	vld [tilespmem:s30+$0x30];
	_ =	sdelay $0x4  }
0x1c1: {  	v55 =	vshll.u32 v3, $0x1  }
0x1c2: {  	v3 =	vand.u32 $0x7, v3;
	v4 =	vand.u32 $0xFFFFFFF0, v55  }
0x1c3: {  	v3 =	vor.u32 v3, v4  }
0x1c4: {  	v4 =	vperm.xlane v3, v0;
	_ =	sdelay $0x1  }
0x1c5: {  	v3 =	vperm.xlane v3, v2;
	v4 =	vadd.s32 v1, v4;
	_ =	sdelay $0x1  }
0x1c6: {  	v3 =	vadd.s32 v1, v3;
	_ =	sdelay $0x1  }
0x1c7: {  	s1 =	simm.s32 $0x8800  }
0x1c8: {  	[tilespmem:s1], [sflag:$0x1] =	stream.indirect_vreg.gather [hbm4b:s7+s4], $0x80, v4, vm0, $0xb8;
	[tilespmem:$0x1D800] =	vst v63  }
0x1c9: {  	s11 =	simm.s32 $0x9000  }
0x1ca: {  	[tilespmem:s11], [sflag:$0x1] =	stream.indirect_vreg.gather [hbm4b:s7+s4], $0x80, v3, vm0, $0xb8;
	[tilespmem:$0x1D800] =	vst v63  }
0x1cb: {  	v3 =	vld [tilespmem:s30+$0x2C00];
	_ =	sdelay $0x4  }
0x1cc: {  	v56 =	vshll.u32 v3, $0x1  }
0x1cd: {  	v3 =	vand.u32 $0x7, v3;
	v4 =	vand.u32 $0xFFFFFFF0, v56  }
0x1ce: {  	v3 =	vor.u32 v3, v4  }
0x1cf: {  	v4 =	vperm.xlane v3, v0;
	_ =	sdelay $0x1  }
0x1d0: {  	v3 =	vperm.xlane v3, v2;
	v4 =	vadd.s32 v1, v4;
	_ =	sdelay $0x1  }
0x1d1: {  	v3 =	vadd.s32 v1, v3;
	_ =	sdelay $0x1  }
0x1d2: {  	s12 =	simm.s32 $0x9800  }
0x1d3: {  	[tilespmem:s12], [sflag:$0x1] =	stream.indirect_vreg.gather [hbm4b:s6+s4], $0x80, v4, vm0, $0xb8;
	[tilespmem:$0x1D800] =	vst v63  }
0x1d4: {  	s31 =	simm.s32 $0xA000  }
0x1d5: {  	[tilespmem:s31], [sflag:$0x1] =	stream.indirect_vreg.gather [hbm4b:s6+s4], $0x80, v3, vm0, $0xb8;
	[tilespmem:$0x1D800] =	vst v63  }
0x1d6: {  	v3 =	vld [tilespmem:s30+$0x2C10];
	_ =	sdelay $0x4  }
0x1d7: {  	v57 =	vshll.u32 v3, $0x1  }
0x1d8: {  	v3 =	vand.u32 $0x7, v3;
	v4 =	vand.u32 $0xFFFFFFF0, v57  }
0x1d9: {  	v3 =	vor.u32 v3, v4  }
0x1da: {  	v4 =	vperm.xlane v3, v0;
	_ =	sdelay $0x1  }
0x1db: {  	v3 =	vperm.xlane v3, v2;
	v4 =	vadd.s32 v1, v4;
	_ =	sdelay $0x1  }
0x1dc: {  	v3 =	vadd.s32 v1, v3;
	_ =	sdelay $0x1  }
0x1dd: {  	s1 =	simm.s32 $0xA800  }
0x1de: {  	[tilespmem:s1], [sflag:$0x1] =	stream.indirect_vreg.gather [hbm4b:s6+s4], $0x80, v4, vm0, $0xb8;
	[tilespmem:$0x1D800] =	vst v63  }
0x1df: {  	s11 =	simm.s32 $0xB000  }
0x1e0: {  	[tilespmem:s11], [sflag:$0x1] =	stream.indirect_vreg.gather [hbm4b:s6+s4], $0x80, v3, vm0, $0xb8;
	[tilespmem:$0x1D800] =	vst v63  }
0x1e1: {  	v3 =	vld [tilespmem:s30+$0x2C20];
	_ =	sdelay $0x4  }
0x1e2: {  	v58 =	vshll.u32 v3, $0x1  }
0x1e3: {  	v3 =	vand.u32 $0x7, v3;
	v4 =	vand.u32 $0xFFFFFFF0, v58  }
0x1e4: {  	v3 =	vor.u32 v3, v4  }
0x1e5: {  	v4 =	vperm.xlane v3, v0;
	_ =	sdelay $0x1  }
0x1e6: {  	v3 =	vperm.xlane v3, v2;
	v4 =	vadd.s32 v1, v4;
	_ =	sdelay $0x1  }
0x1e7: {  	v3 =	vadd.s32 v1, v3;
	_ =	sdelay $0x1  }
0x1e8: {  	s12 =	simm.s32 $0xB800  }
0x1e9: {  	[tilespmem:s12], [sflag:$0x1] =	stream.indirect_vreg.gather [hbm4b:s6+s4], $0x80, v4, vm0, $0xb8;
	[tilespmem:$0x1D800] =	vst v63  }
0x1ea: {  	s31 =	simm.s32 $0xC000  }
0x1eb: {  	[tilespmem:s31], [sflag:$0x1] =	stream.indirect_vreg.gather [hbm4b:s6+s4], $0x80, v3, vm0, $0xb8;
	[tilespmem:$0x1D800] =	vst v63  }
0x1ec: {  	v3 =	vld [tilespmem:s30+$0x2C30];
	_ =	sdelay $0x4  }
0x1ed: {  	v59 =	vshll.u32 v3, $0x1  }
0x1ee: {  	v3 =	vand.u32 $0x7, v3;
	v4 =	vand.u32 $0xFFFFFFF0, v59  }
0x1ef: {  	v3 =	vor.u32 v3, v4  }
0x1f0: {  	v4 =	vperm.xlane v3, v0;
	_ =	sdelay $0x1  }
0x1f1: {  	v3 =	vperm.xlane v3, v2;
	v4 =	vadd.s32 v1, v4;
	_ =	sdelay $0x1  }
0x1f2: {  	v3 =	vadd.s32 v1, v3;
	_ =	sdelay $0x1  }
0x1f3: {  	s1 =	simm.s32 $0xC800  }
0x1f4: {  	[tilespmem:s1], [sflag:$0x1] =	stream.indirect_vreg.gather [hbm4b:s6+s4], $0x80, v4, vm0, $0xb8;
	[tilespmem:$0x1D800] =	vst v63  }
0x1f5: {  	s11 =	simm.s32 $0xD000  }
0x1f6: {  	[tilespmem:s11], [sflag:$0x1] =	stream.indirect_vreg.gather [hbm4b:s6+s4], $0x80, v3, vm0, $0xb8;
	[tilespmem:$0x1D800] =	vst v63  }
0x1f7: {  	v3 =	vld [tilespmem:s30+$0x0];
	_ =	sdelay $0x4  }
0x1f8: {  	v60 =	vshll.u32 v3, $0x1  }
0x1f9: {  	v3 =	vand.u32 $0x7, v3;
	v4 =	vand.u32 $0xFFFFFFF0, v60  }
0x1fa: {  	v3 =	vor.u32 v3, v4  }
0x1fb: {  	v4 =	vperm.xlane v3, v0;
	_ =	sdelay $0x1  }
0x1fc: {  	v3 =	vperm.xlane v3, v2;
	v4 =	vadd.s32 v1, v4;
	_ =	sdelay $0x1  }
0x1fd: {  	v3 =	vadd.s32 v1, v3;
	_ =	sdelay $0x2  }
0x1fe: {  	[tilespmem:s16], [sflag:$0x1] =	stream.indirect_vreg.gather [hbm4b:s2+s4], $0x80, v4, vm0, $0xb8;
	[tilespmem:$0x1D800] =	vst v63  }
0x1ff: {  	s12 =	simm.s32 $0xE000  }
0x200: {  	[tilespmem:s12], [sflag:$0x1] =	stream.indirect_vreg.gather [hbm4b:s2+s4], $0x80, v3, vm0, $0xb8;
	[tilespmem:$0x1D800] =	vst v63  }
0x201: {  	v3 =	vld [tilespmem:s30+$0x10];
	_ =	sdelay $0x4  }
0x202: {  	v61 =	vshll.u32 v3, $0x1  }
0x203: {  	v3 =	vand.u32 $0x7, v3;
	v4 =	vand.u32 $0xFFFFFFF0, v61  }
0x204: {  	v3 =	vor.u32 v3, v4  }
0x205: {  	v4 =	vperm.xlane v3, v0;
	_ =	sdelay $0x1  }
0x206: {  	v3 =	vperm.xlane v3, v2;
	v4 =	vadd.s32 v1, v4;
	_ =	sdelay $0x1  }
0x207: {  	v3 =	vadd.s32 v1, v3;
	_ =	sdelay $0x1  }
0x208: {  	s31 =	simm.s32 $0xE800  }
0x209: {  	[tilespmem:s31], [sflag:$0x1] =	stream.indirect_vreg.gather [hbm4b:s2+s4], $0x80, v4, vm0, $0xb8;
	[tilespmem:$0x1D800] =	vst v63  }
0x20a: {  	_ = 	snop  }
0x20b: {  	[tilespmem:s14], [sflag:$0x1] =	stream.indirect_vreg.gather [hbm4b:s2+s4], $0x80, v3, vm0, $0xb8;
	[tilespmem:$0x1D800] =	vst v63  }
0x20c: {  	v3 =	vld [tilespmem:s30+$0x20];
	_ =	sdelay $0x4  }
0x20d: {  	v62 =	vshll.u32 v3, $0x1  }
0x20e: {  	v3 =	vand.u32 $0x7, v3;
	v4 =	vand.u32 $0xFFFFFFF0, v62  }
0x20f: {  	v3 =	vor.u32 v3, v4  }
0x210: {  	v4 =	vperm.xlane v3, v0;
	_ =	sdelay $0x1  }
0x211: {  	v3 =	vperm.xlane v3, v2;
	v4 =	vadd.s32 v1, v4;
	_ =	sdelay $0x1  }
0x212: {  	v3 =	vadd.s32 v1, v3;
	_ =	sdelay $0x2  }
0x213: {  	[tilespmem:s15], [sflag:$0x1] =	stream.indirect_vreg.gather [hbm4b:s2+s4], $0x80, v4, vm0, $0xb8;
	[tilespmem:$0x1D800] =	vst v63  }
0x214: {  	_ = 	snop  }
0x215: {  	[tilespmem:s18], [sflag:$0x1] =	stream.indirect_vreg.gather [hbm4b:s2+s4], $0x80, v3, vm0, $0xb8;
	[tilespmem:$0x1D800] =	vst v63  }
0x216: {  	v3 =	vld [tilespmem:s30+$0x30];
	_ =	sdelay $0x4  }
0x217: {  	v63 =	vshll.u32 v3, $0x1  }
0x218: {  	v3 =	vand.u32 $0x7, v3;
	v4 =	vand.u32 $0xFFFFFFF0, v63  }
0x219: {  	v3 =	vor.u32 v3, v4  }
0x21a: {  	v4 =	vperm.xlane v3, v0;
	_ =	sdelay $0x1  }
0x21b: {  	v3 =	vperm.xlane v3, v2;
	v4 =	vadd.s32 v1, v4;
	_ =	sdelay $0x1  }
0x21c: {  	v3 =	vadd.s32 v1, v3;
	_ =	sdelay $0x2  }
0x21d: {  	[tilespmem:s19], [sflag:$0x1] =	stream.indirect_vreg.gather [hbm4b:s2+s4], $0x80, v4, vm0, $0xb8;
	[tilespmem:$0x1D800] =	vst v63  }
0x21e: {  	_ = 	snop  }
0x21f: {  	[tilespmem:s20], [sflag:$0x1] =	stream.indirect_vreg.gather [hbm4b:s2+s4], $0x80, v3, vm0, $0xb8;
	[tilespmem:$0x1D800] =	vst v63  }
.LBB2_10:
0x220: {  	_ =	swait.ge [sflag:s22], $0x4000  }
0x221: {  	[sflag:s22] =	ssyncset.done $0x0  }
0x222: {  	[sflag:s22] =	ssyncadd.s32 $0xFFFFC000  }
0x223: {  	_ =	swait.ge [sflag:s22], $0x4000  }
0x224: {  	[sflag:s22] =	ssyncset.done $0x0  }
0x225: {  	[sflag:s22] =	ssyncadd.s32 $0xFFFFC000  }
0x226: {  	s0 =	simm.s32 $0x0;
	_ =	swait.ge [sflag:s22], $0x4000  }
0x227: {  	s1 =	sand.u32 $0x3800, s0;
	s0 =	sand.u32 $0x380, s0;
	[sflag:s22] =	ssyncset.done $0x0  }
0x228: {  	s30 =	sor.u32 s0, s1;
	[sflag:s22] =	ssyncadd.s32 $0xFFFFC000  }
0x229: {  	v10 =	vld [tilespmem:s30+$0x15800]  }
0x22a: {  	v11 =	vld [tilespmem:s30+$0x15810]  }
0x22b: {  	v12 =	vld [tilespmem:s30+$0x15820]  }
0x22c: {  	v13 =	vld [tilespmem:s30+$0x15830]  }
0x22d: {  	v14 =	vld [tilespmem:s30+$0x15840]  }
0x22e: {  	v15 =	vld [tilespmem:s30+$0x15850]  }
0x22f: {  	v16 =	vld [tilespmem:s30+$0x15860]  }
0x230: {  	v17 =	vld [tilespmem:s30+$0x15870]  }
0x231: {  	v18 =	vld [tilespmem:s30+$0x15C00]  }
0x232: {  	v9 =	vld [tilespmem:s30+$0x15C10]  }
0x233: {  	v8 =	vld [tilespmem:s30+$0x15C20]  }
0x234: {  	v7 =	vld [tilespmem:s30+$0x15C30]  }
0x235: {  	v6 =	vld [tilespmem:s30+$0x15C40]  }
0x236: {  	v5 =	vld [tilespmem:s30+$0x15C50]  }
0x237: {  	v4 =	vld [tilespmem:s30+$0x15C60]  }
0x238: {  	v3 =	vld [tilespmem:s30+$0x15C70]  }
0x239: {  	v19 =	vld [tilespmem:s30+$0x11800]  }
0x23a: {  	v20 =	vld [tilespmem:s30+$0x11810]  }
0x23b: {  	v21 =	vld [tilespmem:s30+$0x11820]  }
0x23c: {  	v22 =	vld [tilespmem:s30+$0x11830]  }
0x23d: {  	v23 =	vld [tilespmem:s30+$0x11840]  }
0x23e: {  	v10 =	vadd.f32 v10, v19;
	v19 =	vld [tilespmem:s30+$0x11850]  }
0x23f: {  	v61 =	vld [tilespmem:s30+$0x11860];
	v11 =	vadd.f32 v11, v20  }
0x240: {  	v62 =	vld [tilespmem:s30+$0x11870];
	[tilespmem:s30+$0x11800] =	vst v10;
	v10 =	vadd.f32 v12, v21  }
0x241: {  	v63 =	vld [tilespmem:s30+$0x11C00];
	[tilespmem:s30+$0x11810] =	vst v11;
	v11 =	vadd.f32 v13, v22  }
0x242: {  	v13 =	vld [tilespmem:s30+$0x11C10];
	[tilespmem:s30+$0x11820] =	vst v10;
	v10 =	vadd.f32 v14, v23  }
0x243: {  	v12 =	vld [tilespmem:s30+$0x11C20];
	[tilespmem:s30+$0x11830] =	vst v11;
	v11 =	vadd.f32 v15, v19  }
0x244: {  	v14 =	vadd.f32 v16, v61;
	[tilespmem:s30+$0x11840] =	vst v10;
	v10 =	vld [tilespmem:s30+$0x11C30]  }
0x245: {  	v16 =	vadd.f32 v17, v62;
	[tilespmem:s30+$0x11850] =	vst v11;
	v11 =	vld [tilespmem:s30+$0x11C40]  }
0x246: {  	s1 =	simm.s32 $0x80;
	s0 =	simm.s32 $0x100;
	v15 =	vadd.f32 v18, v63;
	[tilespmem:s30+$0x11860] =	vst v14;
	v14 =	vld [tilespmem:s30+$0x11C50]  }
.LBB2_11:
0x247: {  	s11 =	sand.u32 $0x3800, s0;
	s12 =	sand.u32 $0x380, s1;
	p0 =	sne.s32 s0, $0x3F00;
	[tilespmem:s30+$0x11870] =	vst v16;
	v9 =	vadd.f32 v9, v13;
	v13 =	vld [tilespmem:s30+$0x11C60]  }
0x248: {  	s11 =	sor.u32 s12, s11;
	[tilespmem:s30+$0x11C00] =	vst v15;
	v8 =	vadd.f32 v8, v12;
	v12 =	vld [tilespmem:s30+$0x11C70]  }
0x249: {  	v15 =	vld [tilespmem:s11+$0x15800];
	[tilespmem:s30+$0x11C10] =	vst v9;
	v7 =	vadd.f32 v7, v10  }
0x24a: {  	v10 =	vld [tilespmem:s11+$0x15810];
	[tilespmem:s30+$0x11C20] =	vst v8;
	v6 =	vadd.f32 v6, v11  }
0x24b: {  	v11 =	vld [tilespmem:s11+$0x15820];
	[tilespmem:s30+$0x11C30] =	vst v7;
	v5 =	vadd.f32 v5, v14  }
0x24c: {  	v14 =	vld [tilespmem:s11+$0x15830];
	[tilespmem:s30+$0x11C40] =	vst v6;
	v4 =	vadd.f32 v4, v13  }
0x24d: {  	v13 =	vld [tilespmem:s11+$0x15840];
	[tilespmem:s30+$0x11C50] =	vst v5;
	v3 =	vadd.f32 v3, v12  }
0x24e: {  	v12 =	vld [tilespmem:s11+$0x15850];
	[tilespmem:s30+$0x11C60] =	vst v4  }
0x24f: {  	v16 =	vld [tilespmem:s11+$0x15860];
	[tilespmem:s30+$0x11C70] =	vst v3;
	s30 =	smov.u32 s11  }
0x250: {  	v17 =	vld [tilespmem:s30+$0x15870]  }
0x251: {  	v18 =	vld [tilespmem:s30+$0x15C00]  }
0x252: {  	v9 =	vld [tilespmem:s30+$0x15C10]  }
0x253: {  	v8 =	vld [tilespmem:s30+$0x15C20]  }
0x254: {  	v7 =	vld [tilespmem:s30+$0x15C30]  }
0x255: {  	v6 =	vld [tilespmem:s30+$0x15C40]  }
0x256: {  	v5 =	vld [tilespmem:s30+$0x15C50]  }
0x257: {  	v4 =	vld [tilespmem:s30+$0x15C60]  }
0x258: {  	v3 =	vld [tilespmem:s30+$0x15C70]  }
0x259: {  	v19 =	vld [tilespmem:s30+$0x11800]  }
0x25a: {  	v20 =	vld [tilespmem:s30+$0x11810]  }
0x25b: {  	v21 =	vld [tilespmem:s30+$0x11820]  }
0x25c: {  	v22 =	vld [tilespmem:s30+$0x11830]  }
0x25d: {  	v23 =	vld [tilespmem:s30+$0x11840]  }
0x25e: {  	v15 =	vadd.f32 v15, v19;
	v19 =	vld [tilespmem:s30+$0x11850]  }
0x25f: {  	v10 =	vadd.f32 v10, v20;
	v20 =	vld [tilespmem:s30+$0x11860]  }
0x260: {  	[tilespmem:s30+$0x11800] =	vst v15;
	v11 =	vadd.f32 v11, v21;
	v15 =	vld [tilespmem:s30+$0x11870]  }
0x261: {  	[tilespmem:s30+$0x11810] =	vst v10;
	v10 =	vadd.f32 v14, v22;
	v14 =	vld [tilespmem:s30+$0x11C00]  }
.Ltmp9:
0x262: {  	[tilespmem:s30+$0x11820] =	vst v11;
	v11 =	vadd.f32 v13, v23;
	v13 =	vld [tilespmem:s30+$0x11C10];
	(pc) =	sbr.rel @p0 .LBB2_11-.Ltmp9, $4  }
0x263: {  	[tilespmem:s30+$0x11830] =	vst v10;
	v19 =	vadd.f32 v12, v19;
	v12 =	vld [tilespmem:s30+$0x11C20]  }
0x264: {  	[tilespmem:s30+$0x11840] =	vst v11;
	v20 =	vadd.f32 v16, v20;
	v10 =	vld [tilespmem:s30+$0x11C30]  }
0x265: {  	[tilespmem:s30+$0x11850] =	vst v19;
	v16 =	vadd.f32 v17, v15;
	v11 =	vld [tilespmem:s30+$0x11C40]  }
0x266: {  	s1 =	sadd.s32 $0x80, s1;
	s0 =	sadd.s32 $0x100, s0;
	[tilespmem:s30+$0x11860] =	vst v20;
	v15 =	vadd.f32 v18, v14;
	v14 =	vld [tilespmem:s30+$0x11C50]  }
0x267: {  	[tilespmem:s30+$0x11870] =	vst v16;
	v9 =	vadd.f32 v9, v13;
	v62 =	vld [tilespmem:s30+$0x11C60]  }
0x268: {  	v63 =	vld [tilespmem:s30+$0x11C70];
	[tilespmem:s30+$0x11C00] =	vst v15;
	v8 =	vadd.f32 v8, v12  }
0x269: {  	[tilespmem:s30+$0x11C10] =	vst v9;
	v7 =	vadd.f32 v7, v10  }
0x26a: {  	[tilespmem:s30+$0x11C20] =	vst v8;
	v6 =	vadd.f32 v6, v11  }
0x26b: {  	[tilespmem:s30+$0x11C30] =	vst v7;
	v5 =	vadd.f32 v5, v14  }
0x26c: {  	s0 =	sadd.s32 s5, s28;
	[tilespmem:s30+$0x11C40] =	vst v6;
	v4 =	vadd.f32 v4, v62  }
0x26d: {  	s0 =	sshll.u32 s0, $0xB;
	v3 =	vadd.f32 v3, v63;
	[tilespmem:s30+$0x11C50] =	vst v5  }
.Ltmp10:
0x26e: {  	s0 =	sand.u32 $0x1FFFF800, s0;
	[tilespmem:s30+$0x11C60] =	vst v4;
	(pc) =	sbr.rel .LBB2_13-.Ltmp10, $4  }
0x26f: {  	s1 =	sadd.s32 s3, s0;
	[tilespmem:s30+$0x11C70] =	vst v3  }
0x270: {  	[hbm4b:s1+s4] =	stream.linear.scatter [tilespmem:s23], [sflag:$0x4], $0x4000, $0x38;
	[tilespmem:$0x1D800] =	vst v63  }
0x271: {  	s0 =	sadd.s32 s9, s0  }
0x272: {  	[hbm4b:s0+s4] =	stream.linear.scatter [tilespmem:s24], [sflag:$0x4], $0x4000, $0x38;
	[tilespmem:$0x1D800] =	vst v63  }
.LBB2_15:
0x273: {  	_ =	sfence.sel $0x180000  }
0x274: {  	[bflag:$0x0] =	sbarrier.arrive $0xFFFF  }
0x275: {  	_ =	strace $0x90000047  }
0x276: {  	s0 =	stileid.u32;
	[bflag:$0x2] =	sbarrier.arrive $0xFFFF  }
0x277: {  	p0 =	sne.s32 s0, $0x0;
	s0 =	rddreg [dreg:$0x3]  }
0x278: {  	s0 =	sadd.s32 @!p0 $0x100000, s0  }
0x279: {  	[sflag:s0] =	ssyncadd.tile.s32 @!p0 $0x1;
	_ =	shalt  }
.Lfunc_end2:
_tile_overlayer_lowered:
.L_overlay_start_2:
0x27a: {  	(tag) =	ssettag $0x2  }
0x27b: {  	s0 =	rddreg [dreg:$0x0];
	s2 =	stileid.u32  }
0x27c: {  	s1 =	rddreg [dreg:$0x1];
	p0 =	sne.s32 s2, $0x0  }
0x27d: {  	s3 =	rddreg [dreg:$0x2];
	[bflag:$0x3] =	sbarrier.arrive $0xFFFF;
	s2 =	simm.s32 @!p0 $0x1C05  }
0x27e: {  	[timem:s3], [sflag:s2] =	dma.local @!p0 [hbm:s0], s1  }
0x27f: {  	s0 =	simm.s32 @!p0 $0x5  }
0x280: {  	_ =	swait.ge @!p0 [sflag:s0], s1  }
0x281: {  	s1 =	ssub.s32 @!p0 $0x0, s1;
	[sflag:s0] =	ssyncset.done @!p0 $0x0  }
0x282: {  	[sflag:s0] =	ssyncadd.s32 @!p0 s1  }
0x283: {  	[bflag:$0x3] =	sbarrier.arrive $0xFFFF  }
0x284: {  	_ =	shalt  }

// kernel: kernel.16.cloned.1.call-start
scs
__scs_entry_jumppad:
0x0: {  	(pc) =	sbr.rel $0x88, $3  }
0x1: {  	(tag) =	ssettag $0x0;
	lr =	simm.s32 $0x1  }
0x2: {  	[smem:$0x3F87] =	sst lr;
	_ =	strace $0xD0000000  }
0x3: {  	_ = 	snop  }
0x4: {  	_ = 	snop  }
0x5: {  	_ = 	snop  }
0x6: {  	_ = 	snop  }
0x7: {  	_ = 	snop  }
__scs_overlays_trampoline_lowered:
0x8: {  	[smem:$0x3F96] =	sst s0  }
0x9: {  	[smem:$0x3F97] =	sst s1  }
0xa: {  	[smem:$0x3F98] =	sst s2  }
0xb: {  	[smem:$0x3F99] =	sst s3  }
0xc: {  	[smem:$0x3F9A] =	sst s4  }
0xd: {  	[smem:$0x3F9B] =	sst s5  }
0xe: {  	[smem:$0x3F9C] =	sst s6  }
0xf: {  	[smem:$0x3F9D] =	sst s7  }
0x10: {  	[smem:$0x3F9E] =	sst s8  }
0x11: {  	[smem:$0x3F9F] =	sst s9;
	s0 =	simm.s32 @!p0 $0x0  }
0x12: {  	s1 =	sld [smem:$0x3F85];
	s0 =	simm.s32 @p0 $0x1  }
0x13: {  	[smem:$0x3FA0] =	sst s0;
	s0 =	simm.s32 @!p1 $0x0  }
0x14: {  	s2 =	sld [smem:$0x3F84];
	s0 =	simm.s32 @p1 $0x1  }
0x15: {  	[smem:$0x3FA1] =	sst s0;
	s0 =	simm.s32 @!p2 $0x0  }
0x16: {  	s3 =	sld [smem:$0x3FDB];
	s0 =	simm.s32 @p2 $0x1  }
0x17: {  	s4 =	simm.s32 $0x1BF5;
	[smem:$0x3FA3] =	sst s0  }
0x18: {  	s0 =	sld [smem:$0x3F86];
	_ =	swait.ge [sflag:s4], $0x0  }
0x19: {  	s7 =	sld [smem:$0x3F87]  }
0x1a: {  	s8 =	sadd.s32 $0xFFFFE003, lr  }
0x1b: {  	s9 =	sadd.s32 $0xFFFFFEF7, lr;
	s5 =	simm.s32 $0xFFFFFFFF;
	p2 =	slt.u32 s8, $0xFFFFF086  }
0x1c: {  	p1 =	slt.u32 s9, $0xF7A;
	s5 =	simm.s32 @!p2 $0x0  }
0x1d: {  	s5 =	simm.s32 @p1 $0x1;
	p0 =	seq.s32 s7, s2  }
0x1e: {  	s7 =	smul.u32 @!p0 $0xF7A, s2;
	p2 =	seq.s32 @!p0 s5, $0x0  }
0x1f: {  	s9 =	smul.u32 $0xF7A, s1;
	s8 =	simm.s32 @!p0 $0x1BF5;
	p2 =	por !p2, p0  }
0x20: {  	[sflag:s8] =	ssyncset.s32 @!p0 $0xFFFFF086;
	s6 =	sadd.s32 @!p0 s3, s7;
	s7 =	simm.s32 @!p0 $0x108  }
0x21: {  	s3 =	sadd.s32 s3, s9;
	s6 =	sadd.s32 @!p0 $0x88, s6;
	s7 =	simm.s32 @p2 $0x1082  }
0x22: {  	[simem:s7], [sflag:s8] =	dma.local @!p0 [hbm:s6], $0xF7A  }
0x23: {  	s9 =	sor.u32 $0xD0000000, s2;
	s6 =	simm.s32 $0x108;
	_ =	swait.ge @!p0 [sflag:s8], $0x0  }
0x24: {  	s3 =	sadd.s32 $0x88, s3;
	s6 =	simm.s32 @!p1 $0x1082;
	[sflag:s4] =	ssyncset.s32 $0xFFFFF086  }
0x25: {  	[simem:s6], [sflag:s4] =	dma.local [hbm:s3], $0xF7A  }
0x26: {  	[smem:$0x3F87] =	sst s1;
	(tag) =	ssettag s2;
	_ =	strace s9  }
0x27: {  	s1 =	sld [smem:$0x3F97]  }
0x28: {  	s2 =	sld [smem:$0x3F98]  }
0x29: {  	s4 =	sld [smem:$0x3F9A]  }
0x2a: {  	p0 =	seq.s32 s5, $0x0;
	s5 =	sld [smem:$0x3F9B]  }
0x2b: {  	s6 =	sld [smem:$0x3F9C]  }
0x2c: {  	s7 =	sld [smem:$0x3F9D]  }
0x2d: {  	s3 =	simm.s32 $0x108;
	s8 =	sld [smem:$0x3F9E]  }
0x2e: {  	s3 =	simm.s32 @!p0 $0x1082;
	s9 =	sld [smem:$0x3F9F]  }
0x2f: {  	lr =	sadd.s32 s0, s3;
	s0 =	sld [smem:$0x3F96]  }
0x30: {  	s3 =	sld [smem:$0x3F99]  }
0x31: {  	[smem:$0x3FA2] =	sst s10  }
0x32: {  	s10 =	sld [smem:$0x3FA0];
	_ =	sdelay $0x3  }
0x33: {  	p0 =	seq.s32 s10, $0x1;
	s10 =	sld [smem:$0x3FA2];
	_ =	sdelay $0x3  }
0x34: {  	[smem:$0x3FA2] =	sst s10  }
0x35: {  	s10 =	sld [smem:$0x3FA1];
	_ =	sdelay $0x3  }
0x36: {  	p1 =	seq.s32 s10, $0x1;
	s10 =	sld [smem:$0x3FA2];
	_ =	sdelay $0x3  }
0x37: {  	[smem:$0x3FA2] =	sst s10  }
0x38: {  	s10 =	sld [smem:$0x3FA3]  }
0x39: {  	_ = 	snop;
	(pc) =	sbr.ind lr, $3  }
0x3a: {  	_ = 	snop  }
0x3b: {  	_ = 	snop  }
0x3c: {  	p2 =	seq.s32 s10, $0x1;
	s10 =	sld [smem:$0x3FA2]  }
0x3d: {  	_ =	shalt  }
0x3e: {  	_ =	shalt  }
0x3f: {  	_ =	shalt  }
0x40: {  	_ =	shalt  }
0x41: {  	_ =	shalt  }
0x42: {  	_ =	shalt  }
0x43: {  	_ =	shalt  }
0x44: {  	_ =	shalt  }
0x45: {  	_ =	shalt  }
0x46: {  	_ =	shalt  }
0x47: {  	_ =	shalt  }
0x48: {  	_ =	shalt  }
0x49: {  	_ =	shalt  }
0x4a: {  	_ =	shalt  }
0x4b: {  	_ =	shalt  }
0x4c: {  	_ =	shalt  }
0x4d: {  	_ =	shalt  }
0x4e: {  	_ =	shalt  }
0x4f: {  	_ =	shalt  }
0x50: {  	_ =	shalt  }
0x51: {  	_ =	shalt  }
0x52: {  	_ =	shalt  }
0x53: {  	_ =	shalt  }
0x54: {  	_ =	shalt  }
0x55: {  	_ =	shalt  }
0x56: {  	_ =	shalt  }
0x57: {  	_ =	shalt  }
0x58: {  	_ =	shalt  }
0x59: {  	_ =	shalt  }
0x5a: {  	_ =	shalt  }
0x5b: {  	_ =	shalt  }
0x5c: {  	_ =	shalt  }
0x5d: {  	_ =	shalt  }
0x5e: {  	_ =	shalt  }
0x5f: {  	_ =	shalt  }
0x60: {  	_ =	shalt  }
0x61: {  	_ =	shalt  }
0x62: {  	_ =	shalt  }
0x63: {  	_ =	shalt  }
0x64: {  	_ =	shalt  }
0x65: {  	_ =	shalt  }
0x66: {  	_ =	shalt  }
0x67: {  	_ =	shalt  }
0x68: {  	_ =	shalt  }
0x69: {  	_ =	shalt  }
0x6a: {  	_ =	shalt  }
0x6b: {  	_ =	shalt  }
0x6c: {  	_ =	shalt  }
0x6d: {  	_ =	shalt  }
0x6e: {  	_ =	shalt  }
0x6f: {  	_ =	shalt  }
0x70: {  	_ =	shalt  }
0x71: {  	_ =	shalt  }
0x72: {  	_ =	shalt  }
0x73: {  	_ =	shalt  }
0x74: {  	_ =	shalt  }
0x75: {  	_ =	shalt  }
0x76: {  	_ =	shalt  }
0x77: {  	_ =	shalt  }
0x78: {  	_ =	shalt  }
0x79: {  	_ =	shalt  }
0x7a: {  	_ =	shalt  }
0x7b: {  	_ =	shalt  }
0x7c: {  	_ =	shalt  }
0x7d: {  	_ =	shalt  }
0x7e: {  	_ =	shalt  }
0x7f: {  	_ =	shalt  }
0x80: {  	_ =	shalt  }
0x81: {  	_ =	shalt  }
0x82: {  	_ =	shalt  }
0x83: {  	_ =	shalt  }
0x84: {  	_ =	shalt  }
0x85: {  	_ =	shalt  }
0x86: {  	_ =	shalt  }
0x87: {  	_ =	shalt  }
.Lfunc_end0:
.L_simem_size_0:
called_computation.1_lowered:
.L_overlay_start_0:
0x88: {  	s2 =	sld [smem:$0x3FD9]  }
0x89: {  	s3 =	sld [smem:$0x3FFE];
	_ =	sdelay $0x1  }
0x8a: {  	s1 =	srdreg.scid  }
0x8b: {  	s0 =	sand.u32 $0x1, s1  }
0x8c: {  	s17 =	sshll.u32 s0, $0xA;
	s2 =	sadd.s32 s3, s2  }
0x8d: {  	s2 =	sadd.s32 s2, s17  }
0x8e: {  	[smem:$0x3FAE] =	sst s2  }
0x8f: {  	_ = 	snop  }
0x90: {  	(tm) =	ssettm $0x1  }
0x91: {  	s18 =	sld [smem:$0x3FFB];
	_ =	sdelay $0x3  }
0x92: {  	_ =	strace s18  }
0x93: {  	s2 =	sld [smem:$0x3FFC];
	_ =	sdelay $0x3  }
0x94: {  	_ =	strace s2  }
0x95: {  	s2 =	sld [smem:$0x3FFD];
	_ =	sdelay $0x3  }
0x96: {  	_ =	strace s2  }
0x97: {  	_ =	strace $0x8FFFFFFF  }
0x98: {  	s19 =	sld [smem:$0x3FDB];
	_ =	sdelay $0x1  }
0x99: {  	s20 =	simm.s32 $_scs_section_size  }
0x9a: {  	s4 =	simm.s32 $_size__tile_overlayer_lowered;
	s5 =	simm.s32 $_tile_overlayer_lowered  }
0x9b: {  	s6 =	simm.s32 $0x1BFF;
	s21 =	sshll.u32 s5, $0x1;
	s3 =	sadd.s32 s20, s19  }
0x9c: {  	s22 =	simm.s32 $0x0;
	s4 =	sshll.u32 s4, $0x1;
	s5 =	sadd.s32 s21, s3  }
0x9d: {  	[timem:s22], [sflag:s6] =	dma.local [hbm:s5], s4  }
0x9e: {  	_ =	swait.ge [sflag:s6], s4  }
0x9f: {  	s4 =	ssub.s32 $0x0, s4;
	[sflag:s6] =	ssyncset.done $0x0  }
0xa0: {  	[sflag:s6] =	ssyncadd.s32 s4;
	_ =	sdelay $0x1  }
0xa1: {  	s23 =	simm.s32 $0x1B8B  }
0xa2: {  	_ =	swait.ge [sflag:s23], $0x1  }
0xa3: {  	[sflag:s23] =	ssyncset.done $0x0  }
0xa4: {  	[sflag:s23] =	ssyncadd.s32 $0xFFFFFFFF  }
0xa5: {  	s4 =	sld [smem:$0x0]  }
0xa6: {  	s5 =	sand.u32 $0xFFFFFFFE, s1  }
0xa7: {  	p0 =	sne.s32 s1, s5  }
0xa8: {  	s5 =	sshll.u32 @p0 s5, $0xE  }
0xa9: {  	s5 =	sadd.s32 @p0 $0x11B8D, s5;
	s6 =	sshll.u32 @p0 s4, $0x11  }
0xaa: {  	s5 =	sor.u32 @p0 s6, s5  }
0xab: {  	[sflag:s5] =	ssyncadd.remote.s32 @p0 $0x1;
	_ =	sdelay $0x1  }
0xac: {  	s5 =	simm.s32 @p0 $0x1B8D  }
0xad: {  	_ =	swait.eq @p0 [sflag:s5], $0x1  }
0xae: {  	[sflag:s5] =	ssyncadd.s32 @p0 $0xFFFFFFFF  }
0xaf: {  	s6 =	sshll.u32 @!p0 s1, $0xE  }
0xb0: {  	s6 =	sor.u32 @!p0 $0x4000, s6;
	s5 =	simm.s32 @!p0 $0x1B8D  }
0xb1: {  	s4 =	sshll.u32 @!p0 s4, $0x11;
	s6 =	sadd.s32 @!p0 $0x11B8D, s6;
	_ =	swait.eq @!p0 [sflag:s5], $0x1  }
0xb2: {  	s4 =	sor.u32 @!p0 s4, s6;
	[sflag:s5] =	ssyncadd.s32 @!p0 $0xFFFFFFFF  }
0xb3: {  	s25 =	simm.s32 $0x1B8E;
	s24 =	sld [smem:$0x3FFE];
	[sflag:s4] =	ssyncadd.remote.s32 @!p0 $0x1  }
0xb4: {  	s26 =	simm.s32 $execute0_lowered;
	[smem:$0x3FD2] =	sst s25  }
0xb5: {  	s5 =	sshll.u32 s26, $0x1;
	_ =	strace $0x8000004F;
	[dreg:$0x1] =	wrdreg $0xFFFFFFFF  }
0xb6: {  	s28 =	simm.s32 $_size_execute0_lowered;
	s3 =	sadd.s32 s3, s5;
	[dreg:$0x0] =	wrdreg $0x0  }
0xb7: {  	s5 =	sshll.u32 s28, $0x1;
	[dreg:$0x2] =	wrdreg s3  }
0xb8: {  	[dreg:$0x3] =	wrdreg s5  }
0xb9: {  	[dreg:$0x4] =	wrdreg $0xC0  }
0xba: {  	_ =	task [dreg:s22], $0x5FFFF  }
0xbb: {  	[dreg:$0x1] =	wrdreg $0xFFFFFFFF  }
0xbc: {  	[dreg:$0x0] =	wrdreg $0x60  }
0xbd: {  	[dreg:$0x2] =	wrdreg s24  }
0xbe: {  	[dreg:$0x3] =	wrdreg $0x98000  }
0xbf: {  	[dreg:$0x4] =	wrdreg $0x9  }
0xc0: {  	_ =	task.clear_ibuf [dreg:s22], $0x5FFFF;
	_ =	strace $0x9000004F  }
0xc1: {  	s29 =	simm.s32 $0x9;
	_ =	strace $0x80000051  }
0xc2: {  	_ =	swait.ge [sflag:s29], $0x1  }
0xc3: {  	[sflag:s29] =	ssyncadd.s32 $0xFFFFFFFF  }
0xc4: {  	_ =	strace $0x90000051  }
0xc5: {  	_ =	sfence  }
0xc6: {  	s30 =	sld [smem:$0x0];
	_ =	sdelay $0x2  }
0xc7: {  	s31 =	sshll.u32 s1, $0xD;
	s1 =	sshrl.u32 s1, $0x2  }
0xc8: {  	s4 =	sand.u32 $0x4000, s31;
	s1 =	sadd.s32 s1, s30  }
0xc9: {  	s0 =	sor.u32 s4, s0;
	s1 =	sshll.u32 s1, $0x11  }
0xca: {  	s0 =	sor.u32 s1, s0  }
0xcb: {  	s0 =	sadd.s32 $0x8F2B, s0  }
0xcc: {  	[sflag:s0] =	ssyncadd.remote.s32 $0x1  }
0xcd: {  	_ =	sfence.sel $0xFFFF  }
0xce: {  	[dreg:$0x0] =	wrdreg $0xFFFFFFFF;
	(pc) =	sbr.abs _section_cstart, $3  }
0xcf: {  	[dreg:$0x1] =	wrdreg $0xFFFFFFFF  }
0xd0: {  	_ =	task.clear_ibuf [dreg:s22], $0x2FFFF;
	_ =	strace $0x9FFFFFFF  }
0xd1: {  	(tm) =	ssettm $0x7FFFFFFF  }
tec
execute0_lowered:
.L_overlay_start_1:
0x0: {  	(tag) =	ssettag $0x1  }
0x1: {  	s6 =	rddreg [dreg:$0x0]  }
0x2: {  	s0 =	srdreg.scid;
	s2 =	rddreg [dreg:$0x1];
	s3 =	simm.s32 $0x0  }
0x3: {  	s19 =	simm.s32 $0x1800;
	s10 =	sand.u32 $0x1, s0;
	s0 =	stileid.u32  }
0x4: {  	s21 =	simm.s32 $0x0;
	[smem:$0x7FF] =	sst s3;
	s8 =	smul.u32 $0x50000, s0  }
0x5: {  	s14 =	sadd.s32 $0x56800, s6;
	s20 =	sadd.s32 $0x12C000, s2;
	s26 =	smul.u32 $0x138800, s10  }
0x6: {  	s1 =	sshll.u32 s10, $0x4;
	_ =	strace $0x80000050;
	s16 =	smul.u32 $0x14000, s0  }
0x7: {  	s7 =	ssub.s32 $0x2, s10;
	s25 =	sshll.u32 s0, $0x6;
	s17 =	smul.u32 $0x280, s10  }
0x8: {  	s18 =	smul.u32 $0x28, s0;
	s13 =	sor.u32 s0, s1;
	s12 =	sshrl.u32 s7, $0x1  }
0x9: {  	s4 =	smul.u32 $0x27, s13;
	s5 =	smax.u32 s13, $0x1E;
	s15 =	ssub.s32 s7, s12  }
0xa: {  	s24 =	sshrl.u32 s8, $0x2;
	p0 =	sgt.u32 s13, $0x1D;
	s7 =	simm.s32 $0x27  }
0xb: {  	s8 =	sor.u32 $0x1C03, s25;
	s16 =	sadd.s32 s16, s26;
	s12 =	sshrl.u32 s26, $0x3  }
0xc: {  	s13 =	smin.u32 s13, $0x1E;
	s28 =	sadd.s32 s18, s17;
	s18 =	simm.s32 $0x3  }
0xd: {  	s7 =	simm.s32 @!p0 $0x26;
	s16 =	sshrl.u32 s16, $0x3;
	s12 =	sadd.s32 s14, s12  }
0xe: {  	s29 =	ssub.s32 $0x0, s13;
	p0 =	seq.s32 s0, $0xF;
	s4 =	sadd.s32 s4, s5  }
0xf: {  	s12 =	sadd.s32 $0x25800, s12;
	s30 =	sand.u32 $0x7, s29;
	s11 =	sadd.s32 $0xFFFFFFE2, s4  }
0x10: {  	s4 =	sadd.s32 $0x1444000, s6;
	s23 =	sshll.u32 s11, $0x4;
	s11 =	sshll.u32 s11, $0xB  }
0x11: {  	s20 =	sshrl.u32 @p0 s20, $0x3;
	s5 =	sand.u32 $0xFF80, s23;
	s10 =	sadd.s32 s4, s11  }
0x12: {  	s11 =	sadd.s32 s14, s16;
	s14 =	ssub.s32 s28, s13;
	s13 =	smax.u32 s15, $0x1  }
0x13: {  	s15 =	sshll.u32 s30, $0x7;
	s9 =	sadd.s32 s5, s6;
	s5 =	sadd.s32 $0x5E00, s6  }
0x14: {  	s6 =	sadd.s32 s24, s2;
	s31 =	sshll.u32 s14, $0xE;
	s14 =	sadd.s32 $0x13800, s10  }
0x15: {  	s9 =	sadd.s32 $0x599000, s9;
	s16 =	sadd.s32 $0x4000, s31;
	s17 =	sshrl.u32 s6, $0x3  }
.LBB2_1:
0x16: {  	[spmem:s17], [sflag:s8] =	dma.local [hbm:s5], $0x2800  }
0x17: {  	_ =	swait.ge [sflag:s18], $0x2800  }
0x18: {  	[sflag:s18] =	ssyncset.done $0x0  }
0x19: {  	p3 =	sne.s32 s7, $0x1;
	[sflag:s18] =	ssyncadd.s32 $0xFFFFD800  }
0x1a: {  	[tilespmem:s3], [sflag:$0x3] =	stream.linear.gather [hbm4b:s9+s3], $0x1800, $0x38;
	[tilespmem:$0x1D800] =	vst v63  }
.Ltmp0:
0x1b: {  	_ =	swait.ge [sflag:s18], $0x1800;
	(pc) =	sbr.rel @!p3 .LBB2_2-.Ltmp0, $4  }
0x1c: {  	s23 =	simm.s32 $0x1;
	[sflag:s18] =	ssyncset.done $0x0  }
0x1d: {  	s25 =	sand.u32 $0x1, s3;
	s28 =	sshrl.u32 s16, $0x3;
	[sflag:s18] =	ssyncadd.s32 $0xFFFFE800  }
0x1e: {  	p2 =	por $0x0, $0x0;
	p1 =	seq.s32 s25, $0x1;
	[bflag:$0x0] =	sbarrier.arrive $0xFFFF  }
0x1f: {  	[tilespmem:s19], [sflag:$0x1] =	stream.linear.gather [hbm4b:s10+s3], $0x4000, $0x38;
	[tilespmem:$0x1D800] =	vst v63  }
0x20: {  	s22 =	sadd.s32 s4, s28;
	s24 =	simm.s32 @p1 $0x0  }
0x21: {  	s25 =	simm.s32 @p1 $0x1800;
	s26 =	simm.s32 @p1 $0x2;
	s28 =	simm.s32 @p1 $0x5800  }
0x22: {  	[tilespmem:s25], [sflag:$0x1] =	stream.linear.gather @p1 [hbm4b:s22+s24], $0x4000, $0x38;
	[tilespmem:$0x1D800] =	vst v63  }
0x23: {  	s29 =	simm.s32 @!p1 $0x80;
	s30 =	simm.s32 @!p1 $0x1800;
	_ =	swait.ge @p1 [sflag:s26], $0x4000  }
0x24: {  	p3 =	sne.s32 s7, $0x2;
	p2 =	por $0x1, $0x1;
	[sflag:s26] =	ssyncset.done @p1 $0x0  }
0x25: {  	s24 =	simm.s32 $0x2;
	s25 =	simm.s32 @p1 $0x80;
	[sflag:s26] =	ssyncadd.s32 @p1 $0xFFFFC000  }
0x26: {  	[spmem:s2] =	stream.indirect.scatter.add.f32 @p1 [tilespmem:s28], [sflag:$0x3], $0x80, s15, s25, $0xb8;
	[tilespmem:$0x1D800] =	vst v63  }
0x27: {  	s26 =	simm.s32 @!p1 $0x5800;
	s25 =	simm.s32 @!p1 $0x0;
	s28 =	simm.s32 @!p1 $0x1  }
0x28: {  	[tilespmem:s26], [sflag:$0x2] =	stream.linear.gather @!p1 [hbm4b:s22+s25], $0x4000, $0x38;
	[tilespmem:$0x1D800] =	vst v63  }
.Ltmp1:
0x29: {  	s22 =	sadd.s32 $0x80, s15;
	_ =	swait.ge @!p1 [sflag:s28], $0x4000;
	(pc) =	sbr.rel @!p3 .LBB2_4-.Ltmp1, $4  }
0x2a: {  	s26 =	simm.s32 @!p1 $0x4;
	s25 =	sand.u32 $0x1, s23;
	[sflag:s28] =	ssyncset.done @!p1 $0x0  }
0x2b: {  	s23 =	sadd.s32 $0x4000, s16;
	s26 =	simm.s32 @p1 $0x3;
	[sflag:s28] =	ssyncadd.s32 @!p1 $0xFFFFC000  }
0x2c: {  	[spmem:s2] =	stream.indirect.scatter.add.f32 @!p1 [tilespmem:s30], [sflag:$0x4], $0x80, s15, s29, $0xb8;
	[tilespmem:$0x1D800] =	vst v63  }
0x2d: {  	s28 =	sshrl.u32 s23, $0x3;
	p1 =	seq.s32 s25, $0x1;
	_ =	swait.ge [sflag:s26], $0x4000  }
.LBB2_5:
0x2e: {  	s25 =	sadd.s32 s4, s28;
	s28 =	simm.s32 @p1 $0x0  }
0x2f: {  	[sflag:s26] =	ssyncset.done $0x0;
	s29 =	smov.u32 s24;
	s30 =	smov.u32 s22  }
0x30: {  	s31 =	simm.s32 @p1 $0x1800;
	s1 =	simm.s32 @p1 $0x2;
	[sflag:s26] =	ssyncadd.s32 $0xFFFFC000  }
0x31: {  	[tilespmem:s31], [sflag:$0x1] =	stream.linear.gather @p1 [hbm4b:s25+s28], $0x4000, $0x38;
	[tilespmem:$0x1D800] =	vst v63  }
0x32: {  	s24 =	sadd.s32 $0x1, s24;
	s22 =	sadd.s32 $0x80, s22;
	_ =	swait.ge @p1 [sflag:s1], $0x4000  }
0x33: {  	s26 =	simm.s32 @p1 $0x80;
	s28 =	simm.s32 @p1 $0x5800;
	[sflag:s1] =	ssyncset.done @p1 $0x0  }
0x34: {  	s31 =	simm.s32 @!p1 $0x5800;
	[sflag:s1] =	ssyncadd.s32 @p1 $0xFFFFC000;
	s1 =	simm.s32 @!p1 $0x0  }
0x35: {  	[spmem:s2] =	stream.indirect.scatter.add.f32 @p1 [tilespmem:s28], [sflag:$0x3], $0x80, s30, s26, $0xb8;
	[tilespmem:$0x1D800] =	vst v63  }
0x36: {  	s23 =	sadd.s32 $0x4000, s23;
	p3 =	sne.s32 s7, s24;
	s28 =	simm.s32 @!p1 $0x1  }
0x37: {  	[tilespmem:s31], [sflag:$0x2] =	stream.linear.gather @!p1 [hbm4b:s25+s1], $0x4000, $0x38;
	[tilespmem:$0x1D800] =	vst v63  }
.Ltmp2:
0x38: {  	s26 =	simm.s32 @!p1 $0x4;
	_ =	swait.ge @!p1 [sflag:s28], $0x4000;
	(pc) =	sbr.rel @p3 .LBB2_5-.Ltmp2, $4  }
0x39: {  	s1 =	simm.s32 @!p1 $0x80;
	s31 =	simm.s32 @!p1 $0x1800;
	[sflag:s28] =	ssyncset.done @!p1 $0x0  }
0x3a: {  	s26 =	simm.s32 @p1 $0x3;
	s25 =	sand.u32 $0x1, s29;
	[sflag:s28] =	ssyncadd.s32 @!p1 $0xFFFFC000  }
0x3b: {  	[spmem:s2] =	stream.indirect.scatter.add.f32 @!p1 [tilespmem:s31], [sflag:$0x4], $0x80, s30, s1, $0xb8;
	[tilespmem:$0x1D800] =	vst v63  }
0x3c: {  	s28 =	sshrl.u32 s23, $0x3;
	p1 =	seq.s32 s25, $0x1;
	_ =	swait.ge [sflag:s26], $0x4000  }
0x3d: {  	s23 =	smov.u32 s24  }
.LBB2_7:
0x3e: {  	s1 =	sadd.s32 s4, s28;
	s24 =	simm.s32 @p1 $0x0;
	[sflag:s26] =	ssyncset.done @p2 $0x0  }
0x3f: {  	s28 =	simm.s32 @p1 $0x1800;
	s29 =	simm.s32 @p1 $0x2;
	[sflag:s26] =	ssyncadd.s32 @p2 $0xFFFFC000  }
0x40: {  	[tilespmem:s28], [sflag:$0x1] =	stream.linear.gather @p1 [hbm4b:s1+s24], $0x4000, $0x38;
	[tilespmem:$0x1D800] =	vst v63  }
0x41: {  	_ =	swait.ge @p1 [sflag:s29], $0x4000  }
0x42: {  	[sflag:s29] =	ssyncset.done @p1 $0x0  }
0x43: {  	s26 =	simm.s32 @p1 $0x5800;
	s24 =	simm.s32 @p1 $0x80;
	[sflag:s29] =	ssyncadd.s32 @p1 $0xFFFFC000  }
0x44: {  	[spmem:s2] =	stream.indirect.scatter.add.f32 @p1 [tilespmem:s26], [sflag:$0x3], $0x80, s22, s24, $0xb8;
	[tilespmem:$0x1D800] =	vst v63  }
0x45: {  	s28 =	simm.s32 @!p1 $0x1;
	s24 =	simm.s32 @!p1 $0x0;
	s26 =	simm.s32 @!p1 $0x5800  }
0x46: {  	[tilespmem:s26], [sflag:$0x2] =	stream.linear.gather @!p1 [hbm4b:s1+s24], $0x4000, $0x38;
	[tilespmem:$0x1D800] =	vst v63  }
0x47: {  	_ =	swait.ge @!p1 [sflag:s28], $0x4000  }
0x48: {  	s1 =	simm.s32 @!p1 $0x4;
	[sflag:s28] =	ssyncset.done @!p1 $0x0  }
0x49: {  	s24 =	simm.s32 @!p1 $0x80;
	s26 =	simm.s32 @!p1 $0x1800;
	[sflag:s28] =	ssyncadd.s32 @!p1 $0xFFFFC000  }
0x4a: {  	[spmem:s2] =	stream.indirect.scatter.add.f32 @!p1 [tilespmem:s26], [sflag:$0x4], $0x80, s22, s24, $0xb8;
	[tilespmem:$0x1D800] =	vst v63  }
0x4b: {  	s1 =	simm.s32 @p1 $0x3;
	p1 =	sne.s32 s25, $0x0  }
0x4c: {  	_ =	swait.ge [sflag:s1], $0x4000;
	p2 =	sge.u32 @p1 s23, s7  }
0x4d: {  	[sflag:s1] =	ssyncset.done $0x0;
	p2 =	por p2, !p1  }
0x4e: {  	[sflag:s1] =	ssyncadd.s32 $0xFFFFC000;
	s1 =	simm.s32 @!p2 $0x0;
	s24 =	simm.s32 @!p2 $0x5800  }
0x4f: {  	[tilespmem:s24], [sflag:$0x2] =	stream.linear.gather @!p2 [hbm4b:s14+s1], $0x4000, $0x38;
	[tilespmem:$0x1D800] =	vst v63  }
0x50: {  	s1 =	simm.s32 @p1 $0x1  }
0x51: {  	s22 =	sadd.s32 $0x80, s22;
	_ =	swait.ge @p1 [sflag:s1], $0x4000  }
0x52: {  	s24 =	simm.s32 @p1 $0x1800;
	p2 =	sge.u32 @!p1 s23, s7;
	[sflag:s1] =	ssyncset.done @p1 $0x0  }
0x53: {  	p2 =	por p2, p1;
	[sflag:s1] =	ssyncadd.s32 @p1 $0xFFFFC000;
	s1 =	simm.s32 @p1 $0x80  }
0x54: {  	[spmem:s2] =	stream.indirect.scatter.add.f32 @p1 [tilespmem:s24], [sflag:$0x4], $0x80, s22, s1, $0xb8;
	[tilespmem:$0x1D800] =	vst v63  }
0x55: {  	s23 =	simm.s32 @!p2 $0x1800;
	s1 =	simm.s32 @!p2 $0x0  }
0x56: {  	[tilespmem:s23], [sflag:$0x1] =	stream.linear.gather @!p2 [hbm4b:s14+s1], $0x4000, $0x38;
	[tilespmem:$0x1D800] =	vst v63  }
0x57: {  	s1 =	simm.s32 @!p1 $0x2  }
0x58: {  	_ =	swait.ge @!p1 [sflag:s1], $0x4000  }
0x59: {  	[sflag:s1] =	ssyncset.done @!p1 $0x0  }
0x5a: {  	s23 =	simm.s32 @!p1 $0x5800;
	[sflag:s1] =	ssyncadd.s32 @!p1 $0xFFFFC000;
	s1 =	simm.s32 @!p1 $0x80  }
0x5b: {  	[spmem:s2] =	stream.indirect.scatter.add.f32 @!p1 [tilespmem:s23], [sflag:$0x3], $0x80, s22, s1, $0xb8;
	[tilespmem:$0x1D800] =	vst v63  }
0x5c: {  	s1 =	simm.s32 @!p1 $0x3  }
0x5d: {  	s1 =	simm.s32 @p1 $0x4  }
0x5e: {  	_ =	swait.ge [sflag:s1], $0x4000  }
0x5f: {  	[sflag:s1] =	ssyncset.done $0x0  }
0x60: {  	[sflag:s1] =	ssyncadd.s32 $0xFFFFC000  }
0x61: {  	s1 =	simm.s32 @p0 $0x3;
	[bflag:$0x0] =	sbarrier.arrive $0xFFFF  }
0x62: {  	[hbm:s12], [sflag:s8] =	dma.local @p0 [spmem:s20], $0x1900  }
0x63: {  	_ =	swait.ge @p0 [sflag:s1], $0x1900  }
0x64: {  	s21 =	sadd.s32 $0x1, s21;
	[sflag:s1] =	ssyncset.done @p0 $0x0  }
0x65: {  	p1 =	sne.s32 s21, s13;
	[sflag:s1] =	ssyncadd.s32 @p0 $0xFFFFE700;
	s1 =	sshrl.u32 @!p0 s6, $0x3  }
0x66: {  	[hbm:s11], [sflag:s8] =	dma.local @!p0 [spmem:s1], $0x2800  }
.Ltmp3:
0x67: {  	_ = 	snop;
	(pc) =	sbr.rel @p1 .LBB2_1-.Ltmp3, $4  }
.Ltmp4:
0x68: {  	s1 =	simm.s32 @!p0 $0x3;
	(pc) =	sbr.rel @!p1 .LBB2_8-.Ltmp4, $4  }
0x69: {  	_ =	swait.ge @!p0 [sflag:s1], $0x2800  }
0x6a: {  	[sflag:s1] =	ssyncset.done @!p0 $0x0  }
0x6b: {  	[sflag:s1] =	ssyncadd.s32 @!p0 $0xFFFFD800  }
0x6c: {  	_ = 	snop  }
.LBB2_2:
.Ltmp5:
0x6d: {  	(pc) =	sbr.rel .LBB2_7-.Ltmp5, $2  }
0x6e: {  	_ =	sdelay $0x2  }
0x6f: {  	s22 =	smov.u32 s15  }
.LBB2_4:
.Ltmp6:
0x70: {  	(pc) =	sbr.rel .LBB2_7-.Ltmp6, $2  }
0x71: {  	_ =	sdelay $0x2  }
0x72: {  	s23 =	simm.s32 $0x2  }
.LBB2_8:
0x73: {  	_ =	sfence.sel $0x180000  }
0x74: {  	[bflag:$0x0] =	sbarrier.arrive $0xFFFF  }
0x75: {  	_ =	strace $0x90000050  }
0x76: {  	[bflag:$0x2] =	sbarrier.arrive $0xFFFF  }
0x77: {  	p0 =	sne.s32 s0, $0x0;
	s0 =	rddreg [dreg:$0x2]  }
0x78: {  	s0 =	sadd.s32 @!p0 $0x100000, s0  }
0x79: {  	[sflag:s0] =	ssyncadd.tile.s32 @!p0 $0x1;
	_ =	shalt  }
.Lfunc_end2:
_tile_overlayer_lowered:
.L_overlay_start_2:
0x7a: {  	(tag) =	ssettag $0x2  }
0x7b: {  	s0 =	rddreg [dreg:$0x0];
	s2 =	stileid.u32  }
0x7c: {  	s1 =	rddreg [dreg:$0x1];
	p0 =	sne.s32 s2, $0x0  }
0x7d: {  	s3 =	rddreg [dreg:$0x2];
	[bflag:$0x3] =	sbarrier.arrive $0xFFFF;
	s2 =	simm.s32 @!p0 $0x1C03  }
0x7e: {  	[timem:s3], [sflag:s2] =	dma.local @!p0 [hbm:s0], s1  }
0x7f: {  	s0 =	simm.s32 @!p0 $0x3  }
0x80: {  	_ =	swait.ge @!p0 [sflag:s0], s1  }
0x81: {  	s1 =	ssub.s32 @!p0 $0x0, s1;
	[sflag:s0] =	ssyncset.done @!p0 $0x0  }
0x82: {  	[sflag:s0] =	ssyncadd.s32 @!p0 s1  }
0x83: {  	[bflag:$0x3] =	sbarrier.arrive $0xFFFF  }
0x84: {  	_ =	shalt  }

// kernel: kernel.19.cloned.1.call-start
scs
__scs_entry_jumppad:
0x0: {  	(pc) =	sbr.rel $0x88, $3  }
0x1: {  	(tag) =	ssettag $0x0;
	lr =	simm.s32 $0x1  }
0x2: {  	[smem:$0x3F87] =	sst lr;
	_ =	strace $0xD0000000  }
0x3: {  	_ = 	snop  }
0x4: {  	_ = 	snop  }
0x5: {  	_ = 	snop  }
0x6: {  	_ = 	snop  }
0x7: {  	_ = 	snop  }
__scs_overlays_trampoline_lowered:
0x8: {  	[smem:$0x3F96] =	sst s0  }
0x9: {  	[smem:$0x3F97] =	sst s1  }
0xa: {  	[smem:$0x3F98] =	sst s2  }
0xb: {  	[smem:$0x3F99] =	sst s3  }
0xc: {  	[smem:$0x3F9A] =	sst s4  }
0xd: {  	[smem:$0x3F9B] =	sst s5  }
0xe: {  	[smem:$0x3F9C] =	sst s6  }
0xf: {  	[smem:$0x3F9D] =	sst s7  }
0x10: {  	[smem:$0x3F9E] =	sst s8  }
0x11: {  	[smem:$0x3F9F] =	sst s9;
	s0 =	simm.s32 @!p0 $0x0  }
0x12: {  	s1 =	sld [smem:$0x3F85];
	s0 =	simm.s32 @p0 $0x1  }
0x13: {  	[smem:$0x3FA0] =	sst s0;
	s0 =	simm.s32 @!p1 $0x0  }
0x14: {  	s2 =	sld [smem:$0x3F84];
	s0 =	simm.s32 @p1 $0x1  }
0x15: {  	[smem:$0x3FA1] =	sst s0;
	s0 =	simm.s32 @!p2 $0x0  }
0x16: {  	s3 =	sld [smem:$0x3FDB];
	s0 =	simm.s32 @p2 $0x1  }
0x17: {  	s4 =	simm.s32 $0x1BF5;
	[smem:$0x3FA3] =	sst s0  }
0x18: {  	s0 =	sld [smem:$0x3F86];
	_ =	swait.ge [sflag:s4], $0x0  }
0x19: {  	s7 =	sld [smem:$0x3F87]  }
0x1a: {  	s8 =	sadd.s32 $0xFFFFE003, lr  }
0x1b: {  	s9 =	sadd.s32 $0xFFFFFEF7, lr;
	s5 =	simm.s32 $0xFFFFFFFF;
	p2 =	slt.u32 s8, $0xFFFFF086  }
0x1c: {  	p1 =	slt.u32 s9, $0xF7A;
	s5 =	simm.s32 @!p2 $0x0  }
0x1d: {  	s5 =	simm.s32 @p1 $0x1;
	p0 =	seq.s32 s7, s2  }
0x1e: {  	s7 =	smul.u32 @!p0 $0xF7A, s2;
	p2 =	seq.s32 @!p0 s5, $0x0  }
0x1f: {  	s9 =	smul.u32 $0xF7A, s1;
	s8 =	simm.s32 @!p0 $0x1BF5;
	p2 =	por !p2, p0  }
0x20: {  	[sflag:s8] =	ssyncset.s32 @!p0 $0xFFFFF086;
	s6 =	sadd.s32 @!p0 s3, s7;
	s7 =	simm.s32 @!p0 $0x108  }
0x21: {  	s3 =	sadd.s32 s3, s9;
	s6 =	sadd.s32 @!p0 $0x88, s6;
	s7 =	simm.s32 @p2 $0x1082  }
0x22: {  	[simem:s7], [sflag:s8] =	dma.local @!p0 [hbm:s6], $0xF7A  }
0x23: {  	s9 =	sor.u32 $0xD0000000, s2;
	s6 =	simm.s32 $0x108;
	_ =	swait.ge @!p0 [sflag:s8], $0x0  }
0x24: {  	s3 =	sadd.s32 $0x88, s3;
	s6 =	simm.s32 @!p1 $0x1082;
	[sflag:s4] =	ssyncset.s32 $0xFFFFF086  }
0x25: {  	[simem:s6], [sflag:s4] =	dma.local [hbm:s3], $0xF7A  }
0x26: {  	[smem:$0x3F87] =	sst s1;
	(tag) =	ssettag s2;
	_ =	strace s9  }
0x27: {  	s1 =	sld [smem:$0x3F97]  }
0x28: {  	s2 =	sld [smem:$0x3F98]  }
0x29: {  	s4 =	sld [smem:$0x3F9A]  }
0x2a: {  	p0 =	seq.s32 s5, $0x0;
	s5 =	sld [smem:$0x3F9B]  }
0x2b: {  	s6 =	sld [smem:$0x3F9C]  }
0x2c: {  	s7 =	sld [smem:$0x3F9D]  }
0x2d: {  	s3 =	simm.s32 $0x108;
	s8 =	sld [smem:$0x3F9E]  }
0x2e: {  	s3 =	simm.s32 @!p0 $0x1082;
	s9 =	sld [smem:$0x3F9F]  }
0x2f: {  	lr =	sadd.s32 s0, s3;
	s0 =	sld [smem:$0x3F96]  }
0x30: {  	s3 =	sld [smem:$0x3F99]  }
0x31: {  	[smem:$0x3FA2] =	sst s10  }
0x32: {  	s10 =	sld [smem:$0x3FA0];
	_ =	sdelay $0x3  }
0x33: {  	p0 =	seq.s32 s10, $0x1;
	s10 =	sld [smem:$0x3FA2];
	_ =	sdelay $0x3  }
0x34: {  	[smem:$0x3FA2] =	sst s10  }
0x35: {  	s10 =	sld [smem:$0x3FA1];
	_ =	sdelay $0x3  }
0x36: {  	p1 =	seq.s32 s10, $0x1;
	s10 =	sld [smem:$0x3FA2];
	_ =	sdelay $0x3  }
0x37: {  	[smem:$0x3FA2] =	sst s10  }
0x38: {  	s10 =	sld [smem:$0x3FA3]  }
0x39: {  	_ = 	snop;
	(pc) =	sbr.ind lr, $3  }
0x3a: {  	_ = 	snop  }
0x3b: {  	_ = 	snop  }
0x3c: {  	p2 =	seq.s32 s10, $0x1;
	s10 =	sld [smem:$0x3FA2]  }
0x3d: {  	_ =	shalt  }
0x3e: {  	_ =	shalt  }
0x3f: {  	_ =	shalt  }
0x40: {  	_ =	shalt  }
0x41: {  	_ =	shalt  }
0x42: {  	_ =	shalt  }
0x43: {  	_ =	shalt  }
0x44: {  	_ =	shalt  }
0x45: {  	_ =	shalt  }
0x46: {  	_ =	shalt  }
0x47: {  	_ =	shalt  }
0x48: {  	_ =	shalt  }
0x49: {  	_ =	shalt  }
0x4a: {  	_ =	shalt  }
0x4b: {  	_ =	shalt  }
0x4c: {  	_ =	shalt  }
0x4d: {  	_ =	shalt  }
0x4e: {  	_ =	shalt  }
0x4f: {  	_ =	shalt  }
0x50: {  	_ =	shalt  }
0x51: {  	_ =	shalt  }
0x52: {  	_ =	shalt  }
0x53: {  	_ =	shalt  }
0x54: {  	_ =	shalt  }
0x55: {  	_ =	shalt  }
0x56: {  	_ =	shalt  }
0x57: {  	_ =	shalt  }
0x58: {  	_ =	shalt  }
0x59: {  	_ =	shalt  }
0x5a: {  	_ =	shalt  }
0x5b: {  	_ =	shalt  }
0x5c: {  	_ =	shalt  }
0x5d: {  	_ =	shalt  }
0x5e: {  	_ =	shalt  }
0x5f: {  	_ =	shalt  }
0x60: {  	_ =	shalt  }
0x61: {  	_ =	shalt  }
0x62: {  	_ =	shalt  }
0x63: {  	_ =	shalt  }
0x64: {  	_ =	shalt  }
0x65: {  	_ =	shalt  }
0x66: {  	_ =	shalt  }
0x67: {  	_ =	shalt  }
0x68: {  	_ =	shalt  }
0x69: {  	_ =	shalt  }
0x6a: {  	_ =	shalt  }
0x6b: {  	_ =	shalt  }
0x6c: {  	_ =	shalt  }
0x6d: {  	_ =	shalt  }
0x6e: {  	_ =	shalt  }
0x6f: {  	_ =	shalt  }
0x70: {  	_ =	shalt  }
0x71: {  	_ =	shalt  }
0x72: {  	_ =	shalt  }
0x73: {  	_ =	shalt  }
0x74: {  	_ =	shalt  }
0x75: {  	_ =	shalt  }
0x76: {  	_ =	shalt  }
0x77: {  	_ =	shalt  }
0x78: {  	_ =	shalt  }
0x79: {  	_ =	shalt  }
0x7a: {  	_ =	shalt  }
0x7b: {  	_ =	shalt  }
0x7c: {  	_ =	shalt  }
0x7d: {  	_ =	shalt  }
0x7e: {  	_ =	shalt  }
0x7f: {  	_ =	shalt  }
0x80: {  	_ =	shalt  }
0x81: {  	_ =	shalt  }
0x82: {  	_ =	shalt  }
0x83: {  	_ =	shalt  }
0x84: {  	_ =	shalt  }
0x85: {  	_ =	shalt  }
0x86: {  	_ =	shalt  }
0x87: {  	_ =	shalt  }
.Lfunc_end0:
.L_simem_size_0:
called_computation.2_lowered:
.L_overlay_start_0:
0x88: {  	s2 =	sld [smem:$0x3FD9]  }
0x89: {  	s3 =	sld [smem:$0x3FFE];
	_ =	sdelay $0x1  }
0x8a: {  	s1 =	srdreg.scid  }
0x8b: {  	s0 =	sand.u32 $0x1, s1  }
0x8c: {  	s15 =	sshll.u32 s0, $0xA;
	s2 =	sadd.s32 s3, s2  }
0x8d: {  	s2 =	sadd.s32 s2, s15  }
0x8e: {  	[smem:$0x3FAE] =	sst s2  }
0x8f: {  	_ = 	snop  }
0x90: {  	s2 =	sld [smem:$0x3FD0];
	_ =	sdelay $0x2  }
0x91: {  	s16 =	simm.s32 $0xC;
	s4 =	simm.s32 $0x10  }
0x92: {  	[smem:s4], [sflag:s16] =	dma.local [hbm:s2], $0x1  }
0x93: {  	_ =	swait.eq [sflag:s16], $0x1  }
0x94: {  	[sflag:s16] =	ssyncset.done $0x0  }
0x95: {  	[sflag:s16] =	ssyncadd.s32 $0xFFFFFFFF  }
0x96: {  	s17 =	sld [smem:$0x10];
	(tm) =	ssettm $0x1  }
0x97: {  	s18 =	sld [smem:$0x3FFB];
	_ =	sdelay $0x3  }
0x98: {  	_ =	strace s18  }
0x99: {  	s2 =	sld [smem:$0x3FFC];
	_ =	sdelay $0x3  }
0x9a: {  	_ =	strace s2  }
0x9b: {  	s2 =	sld [smem:$0x3FFD];
	_ =	sdelay $0x3  }
0x9c: {  	_ =	strace s2  }
0x9d: {  	_ =	strace $0x8FFFFFFF  }
0x9e: {  	s19 =	sld [smem:$0x3FDB];
	_ =	sdelay $0x1  }
0x9f: {  	s20 =	simm.s32 $_scs_section_size  }
0xa0: {  	s5 =	simm.s32 $_size__tile_overlayer_lowered;
	s6 =	simm.s32 $_tile_overlayer_lowered  }
0xa1: {  	s7 =	simm.s32 $0x1BFF;
	s21 =	sshll.u32 s6, $0x1;
	s4 =	sadd.s32 s20, s19  }
0xa2: {  	s22 =	simm.s32 $0x0;
	s5 =	sshll.u32 s5, $0x1;
	s6 =	sadd.s32 s21, s4  }
0xa3: {  	[timem:s22], [sflag:s7] =	dma.local [hbm:s6], s5  }
0xa4: {  	_ =	swait.ge [sflag:s7], s5  }
0xa5: {  	s5 =	ssub.s32 $0x0, s5;
	[sflag:s7] =	ssyncset.done $0x0  }
0xa6: {  	[sflag:s7] =	ssyncadd.s32 s5;
	_ =	sdelay $0x1  }
0xa7: {  	s23 =	simm.s32 $0x1B8B  }
0xa8: {  	_ =	swait.ge [sflag:s23], $0x1  }
0xa9: {  	[sflag:s23] =	ssyncset.done $0x0  }
0xaa: {  	[sflag:s23] =	ssyncadd.s32 $0xFFFFFFFF  }
0xab: {  	s5 =	sld [smem:$0x0]  }
0xac: {  	s6 =	sand.u32 $0xFFFFFFFE, s1  }
0xad: {  	p0 =	sne.s32 s1, s6  }
0xae: {  	s6 =	sshll.u32 @p0 s6, $0xE  }
0xaf: {  	s6 =	sadd.s32 @p0 $0x11B8D, s6;
	s7 =	sshll.u32 @p0 s5, $0x11  }
0xb0: {  	s6 =	sor.u32 @p0 s7, s6  }
0xb1: {  	[sflag:s6] =	ssyncadd.remote.s32 @p0 $0x1;
	_ =	sdelay $0x1  }
0xb2: {  	s6 =	simm.s32 @p0 $0x1B8D  }
0xb3: {  	_ =	swait.eq @p0 [sflag:s6], $0x1  }
0xb4: {  	[sflag:s6] =	ssyncadd.s32 @p0 $0xFFFFFFFF  }
0xb5: {  	s7 =	sshll.u32 @!p0 s1, $0xE  }
0xb6: {  	s7 =	sor.u32 @!p0 $0x4000, s7;
	s6 =	simm.s32 @!p0 $0x1B8D  }
0xb7: {  	s5 =	sshll.u32 @!p0 s5, $0x11;
	s7 =	sadd.s32 @!p0 $0x11B8D, s7;
	_ =	swait.eq @!p0 [sflag:s6], $0x1  }
0xb8: {  	s5 =	sor.u32 @!p0 s5, s7;
	[sflag:s6] =	ssyncadd.s32 @!p0 $0xFFFFFFFF  }
0xb9: {  	s25 =	simm.s32 $0x1B8E;
	s24 =	sld [smem:$0x3FFE];
	[sflag:s5] =	ssyncadd.remote.s32 @!p0 $0x1  }
0xba: {  	s26 =	simm.s32 $execute0_lowered;
	[smem:$0x3FD2] =	sst s25  }
0xbb: {  	s6 =	sshll.u32 s26, $0x1;
	_ =	strace $0x8000004C;
	[dreg:$0x1] =	wrdreg $0xFFFFFFFF  }
0xbc: {  	s28 =	simm.s32 $_size_execute0_lowered;
	s4 =	sadd.s32 s4, s6;
	[dreg:$0x0] =	wrdreg $0x0  }
0xbd: {  	s6 =	sshll.u32 s28, $0x1;
	[dreg:$0x2] =	wrdreg s4  }
0xbe: {  	[dreg:$0x3] =	wrdreg s6  }
0xbf: {  	[dreg:$0x4] =	wrdreg $0xC0  }
0xc0: {  	_ =	task [dreg:s22], $0x5FFFF  }
0xc1: {  	[dreg:$0x1] =	wrdreg $0xFFFFFFFF  }
0xc2: {  	[dreg:$0x0] =	wrdreg $0x60  }
0xc3: {  	[dreg:$0x2] =	wrdreg s24  }
0xc4: {  	[dreg:$0x3] =	wrdreg s17  }
0xc5: {  	[dreg:$0x4] =	wrdreg $0xAC000  }
0xc6: {  	[dreg:$0x5] =	wrdreg $0xA  }
0xc7: {  	_ =	task.clear_ibuf [dreg:s22], $0x6FFFF;
	_ =	strace $0x9000004C  }
0xc8: {  	s29 =	simm.s32 $0xA;
	_ =	strace $0x8000004E  }
0xc9: {  	_ =	swait.ge [sflag:s29], $0x1  }
0xca: {  	[sflag:s29] =	ssyncadd.s32 $0xFFFFFFFF  }
0xcb: {  	_ =	strace $0x9000004E  }
0xcc: {  	_ =	sfence  }
0xcd: {  	s30 =	sld [smem:$0x0];
	_ =	sdelay $0x2  }
0xce: {  	s31 =	sshll.u32 s1, $0xD;
	s1 =	sshrl.u32 s1, $0x2  }
0xcf: {  	s4 =	sand.u32 $0x4000, s31;
	s1 =	sadd.s32 s1, s30  }
0xd0: {  	s0 =	sor.u32 s4, s0;
	s1 =	sshll.u32 s1, $0x11  }
0xd1: {  	s0 =	sor.u32 s1, s0  }
0xd2: {  	s0 =	sadd.s32 $0x8F2B, s0  }
0xd3: {  	[sflag:s0] =	ssyncadd.remote.s32 $0x1  }
0xd4: {  	_ =	sfence.sel $0xFFFF  }
0xd5: {  	[dreg:$0x0] =	wrdreg $0xFFFFFFFF;
	(pc) =	sbr.abs _section_cstart, $3  }
0xd6: {  	[dreg:$0x1] =	wrdreg $0xFFFFFFFF  }
0xd7: {  	_ =	task.clear_ibuf [dreg:s22], $0x2FFFF;
	_ =	strace $0x9FFFFFFF  }
0xd8: {  	(tm) =	ssettm $0x7FFFFFFF  }
0xd9: {  	_ =	shalt  }
tec
execute0_lowered:
.L_overlay_start_1:
0x0: {  	(tag) =	ssettag $0x1  }
0x1: {  	s6 =	rddreg [dreg:$0x0]  }
0x2: {  	s14 =	rddreg [dreg:$0x1];
	s0 =	stileid.u32  }
0x3: {  	s2 =	rddreg [dreg:$0x2];
	s7 =	smul.u32 $0x4E0, s0  }
0x4: {  	s31 =	simm.s32 $0x0;
	s5 =	srdreg.scid;
	s9 =	smul.u32 $0x50000, s0  }
0x5: {  	[smem:$0x7FF] =	sst s31;
	s12 =	smul.u32 $0x4E, s0  }
0x6: {  	s4 =	sadd.s32 $0xF62000, s6;
	s11 =	sand.u32 $0x1, s5;
	s24 =	smul.u32 $0x14000, s0  }
0x7: {  	s5 =	sadd.s32 $0x11D3000, s6;
	s22 =	sshll.u32 s0, $0x6;
	s25 =	smul.u32 $0x4F, s0  }
0x8: {  	s23 =	smax.u32 s0, $0xE;
	p0 =	sgt.u32 s0, $0xD;
	s26 =	smul.u32 $0x13C000, s0  }
0x9: {  	p1 =	seq.s32 s0, $0xF;
	_ =	strace $0x8000004D;
	s8 =	ssub.s32 $0x2, s11  }
0xa: {  	s16 =	smul.u32 $0x138800, s11;
	s7 =	sand.u32 $0x7F80, s7;
	s20 =	sshrl.u32 s8, $0x1  }
0xb: {  	s21 =	sshrl.u32 s9, $0x2;
	s9 =	sadd.s32 s12, s23;
	s17 =	sand.u32 $0x7F8, s12  }
0xc: {  	s23 =	sadd.s32 $0x12C000, s2;
	s10 =	sadd.s32 s7, s6;
	s6 =	sadd.s32 $0x5E00, s6  }
0xd: {  	s15 =	ssub.s32 s8, s20;
	s7 =	sadd.s32 s21, s2;
	s8 =	sor.u32 $0x1C03, s22  }
0xe: {  	s13 =	sadd.s32 $0xFFFFFFF2, s9;
	s9 =	simm.s32 $0x4E;
	s12 =	sadd.s32 s24, s16  }
0xf: {  	s16 =	sshrl.u32 s16, $0x3;
	s20 =	smul.u32 $0x9E00, s0;
	s21 =	smin.u32 s0, $0xE  }
0x10: {  	s24 =	smul.u32 $0x9C00, s0;
	s23 =	sshrl.u32 @p1 s23, $0x3;
	s9 =	simm.s32 @!p0 $0x4D  }
0x11: {  	s18 =	ssub.s32 s13, s17;
	s10 =	sadd.s32 $0x599000, s10;
	p0 =	seq.s32 s11, $0x1  }
0x12: {  	s13 =	sshll.u32 s13, $0xB;
	s19 =	sshrl.u32 s12, $0x3;
	s15 =	smax.u32 s15, $0x1  }
0x13: {  	s22 =	sshll.u32 s21, $0x9;
	s28 =	sshll.u32 s21, $0xE;
	s1 =	sadd.s32 s4, s13  }
0x14: {  	s3 =	sadd.s32 s5, s13;
	s13 =	sadd.s32 s14, s19;
	s14 =	sadd.s32 s14, s16  }
0x15: {  	s18 =	sadd.s32 s18, s9;
	s19 =	ssub.s32 s25, s21;
	s20 =	ssub.s32 s20, s22  }
0x16: {  	s25 =	sand.u32 $0x1, s9;
	s29 =	sand.u32 $0xFF000, s24;
	s22 =	ssub.s32 s26, s28  }
.Ltmp0:
0x17: {  	s21 =	simm.s32 $0x3;
	[dreg:$0x5] =	wrdreg s3;
	(pc) =	sbr.rel .LBB2_1-.Ltmp0, $4  }
0x18: {  	s24 =	simm.s32 $0x0;
	s14 =	sadd.s32 $0x25800, s14;
	[dreg:$0x4] =	wrdreg s1  }
0x19: {  	s16 =	sadd.s32 $0x27000, s1;
	s18 =	sshll.u32 s18, $0x9;
	s19 =	ssub.s32 s19, s17  }
0x1a: {  	p2 =	seq.s32 s25, $0x0;
	s17 =	sshra.s32 s18, $0x2;
	s30 =	sshll.u32 s19, $0x9  }
0x1b: {  	s18 =	ssub.s32 s20, s29;
	s19 =	sadd.s32 $0x4000, s22;
	s20 =	sshra.s32 s30, $0x2  }
.LBB2_10:
0x1c: {  	s25 =	smov.u32 s20  }
.LBB2_13:
0x1d: {  	s0 =	sadd.s32 s5, s30;
	s1 =	simm.s32 @p3 $0x0;
	[sflag:s29] =	ssyncset.done @p4 $0x0  }
0x1e: {  	s3 =	simm.s32 @p3 $0x2C00;
	s11 =	simm.s32 @p3 $0x2;
	[sflag:s29] =	ssyncadd.s32 @p4 $0xFFFFC000  }
0x1f: {  	[tilespmem:s3], [sflag:$0x1] =	stream.linear.gather @p3 [hbm4b:s0+s1], $0x4000, $0x38;
	[tilespmem:$0x1EC00] =	vst v63  }
0x20: {  	_ =	swait.ge @p3 [sflag:s11], $0x4000  }
0x21: {  	[sflag:s11] =	ssyncset.done @p3 $0x0  }
0x22: {  	s1 =	simm.s32 @p3 $0x80;
	s3 =	simm.s32 @p3 $0x6C00;
	[sflag:s11] =	ssyncadd.s32 @p3 $0xFFFFC000  }
0x23: {  	[spmem:s2] =	stream.indirect.scatter.add.f32 @p3 [tilespmem:s3], [sflag:$0x3], $0x80, s25, s1, $0xb8;
	[tilespmem:$0x1EC00] =	vst v63  }
0x24: {  	s11 =	simm.s32 @!p3 $0x1;
	s1 =	simm.s32 @!p3 $0x0;
	s3 =	simm.s32 @!p3 $0x6C00  }
0x25: {  	[tilespmem:s3], [sflag:$0x2] =	stream.linear.gather @!p3 [hbm4b:s0+s1], $0x4000, $0x38;
	[tilespmem:$0x1EC00] =	vst v63  }
0x26: {  	_ =	swait.ge @!p3 [sflag:s11], $0x4000  }
0x27: {  	s0 =	simm.s32 @!p3 $0x4;
	s1 =	simm.s32 @!p3 $0x80;
	[sflag:s11] =	ssyncset.done @!p3 $0x0  }
0x28: {  	s3 =	simm.s32 @!p3 $0x2C00;
	s0 =	simm.s32 @p3 $0x3;
	[sflag:s11] =	ssyncadd.s32 @!p3 $0xFFFFC000  }
0x29: {  	[spmem:s2] =	stream.indirect.scatter.add.f32 @!p3 [tilespmem:s3], [sflag:$0x4], $0x80, s25, s1, $0xb8;
	[tilespmem:$0x1EC00] =	vst v63  }
0x2a: {  	_ =	swait.ge [sflag:s0], $0x4000  }
0x2b: {  	[sflag:s0] =	ssyncset.done $0x0  }
0x2c: {  	[sflag:s0] =	ssyncadd.s32 $0xFFFFC000;
	s0 =	simm.s32 @p2 $0x1  }
0x2d: {  	_ =	swait.ge @p2 [sflag:s0], $0x4000  }
0x2e: {  	[sflag:s0] =	ssyncset.done @p2 $0x0  }
0x2f: {  	s1 =	simm.s32 @p2 $0x2C00;
	[sflag:s0] =	ssyncadd.s32 @p2 $0xFFFFC000;
	s0 =	simm.s32 @p2 $0x80  }
0x30: {  	[spmem:s2] =	stream.indirect.scatter.add.f32 @p2 [tilespmem:s1], [sflag:$0x4], $0x80, s17, s0, $0xb8;
	[tilespmem:$0x1EC00] =	vst v63  }
0x31: {  	s0 =	simm.s32 @!p2 $0x2  }
0x32: {  	s25 =	simm.s32 @!p2 $0x3;
	_ =	swait.ge @!p2 [sflag:s0], $0x4000  }
0x33: {  	s25 =	simm.s32 @p2 $0x4;
	[sflag:s0] =	ssyncset.done @!p2 $0x0  }
0x34: {  	s1 =	simm.s32 @!p2 $0x6C00;
	[sflag:s0] =	ssyncadd.s32 @!p2 $0xFFFFC000;
	s0 =	simm.s32 @!p2 $0x80  }
0x35: {  	[spmem:s2] =	stream.indirect.scatter.add.f32 @!p2 [tilespmem:s1], [sflag:$0x3], $0x80, s17, s0, $0xb8;
	[tilespmem:$0x1EC00] =	vst v63  }
.LBB2_14:
0x36: {  	_ =	swait.ge [sflag:s25], $0x4000  }
0x37: {  	[sflag:s25] =	ssyncset.done $0x0  }
0x38: {  	[sflag:s25] =	ssyncadd.s32 $0xFFFFC000  }
0x39: {  	s0 =	simm.s32 @p1 $0x3;
	[bflag:$0x0] =	sbarrier.arrive $0xFFFF  }
0x3a: {  	[hbm:s14], [sflag:s8] =	dma.local @p1 [spmem:s23], $0x1900  }
0x3b: {  	_ =	swait.ge @p1 [sflag:s0], $0x1900  }
0x3c: {  	s24 =	sadd.s32 $0x1, s24;
	[sflag:s0] =	ssyncset.done @p1 $0x0  }
0x3d: {  	p3 =	sne.s32 s24, s15;
	[sflag:s0] =	ssyncadd.s32 @p1 $0xFFFFE700;
	s0 =	sshrl.u32 @!p1 s7, $0x3  }
0x3e: {  	[hbm:s13], [sflag:s8] =	dma.local @!p1 [spmem:s0], $0x2800  }
.Ltmp1:
0x3f: {  	_ = 	snop;
	(pc) =	sbr.rel @!p3 .LBB2_15-.Ltmp1, $4  }
0x40: {  	s0 =	simm.s32 @!p1 $0x3  }
0x41: {  	_ =	swait.ge @!p1 [sflag:s0], $0x2800  }
0x42: {  	[sflag:s0] =	ssyncset.done @!p1 $0x0  }
0x43: {  	[sflag:s0] =	ssyncadd.s32 @!p1 $0xFFFFD800  }
.LBB2_1:
0x44: {  	s25 =	sshrl.u32 s7, $0x3  }
0x45: {  	[spmem:s25], [sflag:s8] =	dma.local [hbm:s6], $0x2800  }
0x46: {  	_ =	swait.ge [sflag:s21], $0x2800  }
0x47: {  	[sflag:s21] =	ssyncset.done $0x0  }
0x48: {  	[sflag:s21] =	ssyncadd.s32 $0xFFFFD800  }
0x49: {  	[tilespmem:s31], [sflag:$0x3] =	stream.linear.gather [hbm4b:s10+s31], $0x2C00, $0x38;
	[tilespmem:$0x1EC00] =	vst v63  }
.Ltmp2:
0x4a: {  	_ =	swait.ge [sflag:s21], $0x2C00;
	(pc) =	sbr.rel @!p0 .LBB2_2-.Ltmp2, $3  }
0x4b: {  	[sflag:s21] =	ssyncset.done $0x0  }
0x4c: {  	[sflag:s21] =	ssyncadd.s32 $0xFFFFD400  }
0x4d: {  	[bflag:$0x0] =	sbarrier.arrive $0xFFFF;
	_ =	sdelay $0x1  }
0x4e: {  	p5 =	sne.s32 s9, $0x1  }
.Ltmp3:
0x4f: {  	_ = 	snop;
	(pc) =	sbr.rel @!p5 .LBB2_10-.Ltmp3, $4  }
0x50: {  	s0 =	simm.s32 $0x0;
	s1 =	rddreg [dreg:$0x5];
	s3 =	simm.s32 $0x2C00  }
0x51: {  	[tilespmem:s3], [sflag:$0x1] =	stream.linear.gather [hbm4b:s1+s0], $0x4000, $0x38;
	[tilespmem:$0x1EC00] =	vst v63  }
0x52: {  	s28 =	simm.s32 $0x1;
	s0 =	sand.u32 $0x1, s0  }
0x53: {  	s30 =	sshrl.u32 s19, $0x3;
	p4 =	por $0x0, $0x0;
	p3 =	seq.s32 s0, $0x1  }
0x54: {  	s0 =	sadd.s32 s5, s30;
	s1 =	simm.s32 @p3 $0x0  }
0x55: {  	s3 =	simm.s32 @p3 $0x2C00;
	s11 =	simm.s32 @p3 $0x2;
	s26 =	simm.s32 $0x2  }
0x56: {  	[tilespmem:s3], [sflag:$0x1] =	stream.linear.gather @p3 [hbm4b:s0+s1], $0x4000, $0x38;
	[tilespmem:$0x1EC00] =	vst v63  }
0x57: {  	s25 =	sadd.s32 $0x80, s20;
	s29 =	simm.s32 @!p3 $0x4;
	_ =	swait.ge @p3 [sflag:s11], $0x4000  }
0x58: {  	s22 =	sand.u32 $0x1, s28;
	p5 =	sne.s32 s9, $0x2;
	[sflag:s11] =	ssyncset.done @p3 $0x0  }
0x59: {  	s1 =	simm.s32 @p3 $0x80;
	s3 =	simm.s32 @p3 $0x6C00;
	[sflag:s11] =	ssyncadd.s32 @p3 $0xFFFFC000  }
0x5a: {  	[spmem:s2] =	stream.indirect.scatter.add.f32 @p3 [tilespmem:s3], [sflag:$0x3], $0x80, s20, s1, $0xb8;
	[tilespmem:$0x1EC00] =	vst v63  }
0x5b: {  	s11 =	simm.s32 @!p3 $0x1;
	s1 =	simm.s32 @!p3 $0x0;
	s3 =	simm.s32 @!p3 $0x6C00  }
0x5c: {  	[tilespmem:s3], [sflag:$0x2] =	stream.linear.gather @!p3 [hbm4b:s0+s1], $0x4000, $0x38;
	[tilespmem:$0x1EC00] =	vst v63  }
.Ltmp4:
0x5d: {  	s28 =	sadd.s32 $0x4000, s19;
	_ =	swait.ge @!p3 [sflag:s11], $0x4000;
	(pc) =	sbr.rel @!p5 .LBB2_13-.Ltmp4, $4  }
0x5e: {  	p4 =	por $0x1, $0x1;
	s29 =	simm.s32 @p3 $0x3;
	[sflag:s11] =	ssyncset.done @!p3 $0x0  }
0x5f: {  	s0 =	simm.s32 @!p3 $0x80;
	s1 =	simm.s32 @!p3 $0x2C00;
	[sflag:s11] =	ssyncadd.s32 @!p3 $0xFFFFC000  }
0x60: {  	[spmem:s2] =	stream.indirect.scatter.add.f32 @!p3 [tilespmem:s1], [sflag:$0x4], $0x80, s20, s0, $0xb8;
	[tilespmem:$0x1EC00] =	vst v63  }
0x61: {  	s30 =	sshrl.u32 s28, $0x3;
	p3 =	seq.s32 s22, $0x1;
	_ =	swait.ge [sflag:s29], $0x4000  }
.LBB2_12:
0x62: {  	s0 =	sadd.s32 s5, s30;
	s1 =	simm.s32 @p3 $0x0  }
0x63: {  	[sflag:s29] =	ssyncset.done $0x0;
	s3 =	smov.u32 s26;
	s11 =	smov.u32 s25  }
0x64: {  	s12 =	simm.s32 @p3 $0x2C00;
	s22 =	simm.s32 @p3 $0x2;
	[sflag:s29] =	ssyncadd.s32 $0xFFFFC000  }
0x65: {  	[tilespmem:s12], [sflag:$0x1] =	stream.linear.gather @p3 [hbm4b:s0+s1], $0x4000, $0x38;
	[tilespmem:$0x1EC00] =	vst v63  }
0x66: {  	s26 =	sadd.s32 $0x1, s26;
	s25 =	sadd.s32 $0x80, s25;
	_ =	swait.ge @p3 [sflag:s22], $0x4000  }
0x67: {  	s1 =	simm.s32 @p3 $0x80;
	s12 =	simm.s32 @p3 $0x6C00;
	[sflag:s22] =	ssyncset.done @p3 $0x0  }
0x68: {  	s29 =	simm.s32 @!p3 $0x6C00;
	[sflag:s22] =	ssyncadd.s32 @p3 $0xFFFFC000;
	s22 =	simm.s32 @!p3 $0x0  }
0x69: {  	[spmem:s2] =	stream.indirect.scatter.add.f32 @p3 [tilespmem:s12], [sflag:$0x3], $0x80, s11, s1, $0xb8;
	[tilespmem:$0x1EC00] =	vst v63  }
0x6a: {  	s28 =	sadd.s32 $0x4000, s28;
	p5 =	sne.s32 s9, s26;
	s1 =	simm.s32 @!p3 $0x1  }
0x6b: {  	[tilespmem:s29], [sflag:$0x2] =	stream.linear.gather @!p3 [hbm4b:s0+s22], $0x4000, $0x38;
	[tilespmem:$0x1EC00] =	vst v63  }
.Ltmp5:
0x6c: {  	s29 =	simm.s32 @!p3 $0x4;
	_ =	swait.ge @!p3 [sflag:s1], $0x4000;
	(pc) =	sbr.rel @p5 .LBB2_12-.Ltmp5, $4  }
0x6d: {  	s12 =	simm.s32 @!p3 $0x2C00;
	s0 =	simm.s32 @!p3 $0x80;
	[sflag:s1] =	ssyncset.done @!p3 $0x0  }
0x6e: {  	s3 =	sand.u32 $0x1, s3;
	s29 =	simm.s32 @p3 $0x3;
	[sflag:s1] =	ssyncadd.s32 @!p3 $0xFFFFC000  }
0x6f: {  	[spmem:s2] =	stream.indirect.scatter.add.f32 @!p3 [tilespmem:s12], [sflag:$0x4], $0x80, s11, s0, $0xb8;
	[tilespmem:$0x1EC00] =	vst v63  }
0x70: {  	s30 =	sshrl.u32 s28, $0x3;
	p3 =	seq.s32 s3, $0x1;
	_ =	swait.ge [sflag:s29], $0x4000  }
.Ltmp6:
0x71: {  	_ = 	snop;
	(pc) =	sbr.rel .LBB2_13-.Ltmp6, $1  }
0x72: {  	_ =	sdelay $0x3  }
.LBB2_2:
0x73: {  	p4 =	seq.s32 s9, $0x1  }
.Ltmp7:
0x74: {  	_ = 	snop;
	(pc) =	sbr.rel @p4 .LBB2_3-.Ltmp7, $4  }
0x75: {  	_ = 	snop  }
0x76: {  	s31 =	simm.s32 $0x0;
	s0 =	rddreg [dreg:$0x4]  }
0x77: {  	s1 =	simm.s32 $0x2C00;
	s28 =	simm.s32 $0x1;
	p3 =	por $0x0, $0x0  }
0x78: {  	[tilespmem:s1], [sflag:$0x1] =	stream.linear.gather [hbm4b:s0+s31], $0x4000, $0x38;
	[tilespmem:$0x1EC00] =	vst v63  }
0x79: {  	s25 =	sand.u32 $0x1, s31;
	s26 =	sshrl.u32 s19, $0x3  }
0x7a: {  	p3 =	seq.s32 s25, $0x1;
	s25 =	sadd.s32 s4, s26  }
0x7b: {  	s26 =	simm.s32 @p3 $0x0;
	s29 =	simm.s32 @p3 $0x2C00;
	s30 =	simm.s32 @p3 $0x2  }
0x7c: {  	[tilespmem:s29], [sflag:$0x1] =	stream.linear.gather @p3 [hbm4b:s25+s26], $0x4000, $0x38;
	[tilespmem:$0x1EC00] =	vst v63  }
0x7d: {  	p4 =	seq.s32 s9, $0x2;
	_ =	swait.ge @p3 [sflag:s30], $0x4000  }
0x7e: {  	s31 =	simm.s32 @p3 $0x6C00;
	s29 =	sshra.s32 @p3 s18, $0x2;
	[sflag:s30] =	ssyncset.done @p3 $0x0  }
0x7f: {  	s26 =	simm.s32 @p3 $0x80;
	s29 =	sadd.s32 @p3 $0x0, s29;
	[sflag:s30] =	ssyncadd.s32 @p3 $0xFFFFC000  }
0x80: {  	[spmem:s2] =	stream.indirect.scatter.add.f32 @p3 [tilespmem:s31], [sflag:$0x3], $0x80, s29, s26, $0xb8;
	[tilespmem:$0x1EC00] =	vst v63  }
0x81: {  	s26 =	simm.s32 @!p3 $0x0;
	s29 =	simm.s32 @!p3 $0x6C00;
	s31 =	simm.s32 @!p3 $0x1  }
0x82: {  	[tilespmem:s29], [sflag:$0x2] =	stream.linear.gather @!p3 [hbm4b:s25+s26], $0x4000, $0x38;
	[tilespmem:$0x1EC00] =	vst v63  }
0x83: {  	s30 =	simm.s32 @!p3 $0x4;
	s25 =	sshra.s32 @!p3 s18, $0x2;
	_ =	swait.ge @!p3 [sflag:s31], $0x4000  }
.Ltmp8:
0x84: {  	s26 =	simm.s32 @!p3 $0x80;
	[sflag:s31] =	ssyncset.done @!p3 $0x0;
	(pc) =	sbr.rel @p4 .LBB2_5-.Ltmp8, $4  }
0x85: {  	s29 =	simm.s32 @!p3 $0x2C00;
	s25 =	sadd.s32 @!p3 $0x0, s25;
	[sflag:s31] =	ssyncadd.s32 @!p3 $0xFFFFC000  }
0x86: {  	[spmem:s2] =	stream.indirect.scatter.add.f32 @!p3 [tilespmem:s29], [sflag:$0x4], $0x80, s25, s26, $0xb8;
	[tilespmem:$0x1EC00] =	vst v63  }
0x87: {  	s30 =	simm.s32 @p3 $0x3;
	s25 =	simm.s32 $0x2;
	s26 =	simm.s32 $0x80  }
0x88: {  	s29 =	sadd.s32 $0x4000, s19;
	p3 =	por $0x1, $0x1;
	_ =	swait.ge [sflag:s30], $0x4000  }
.LBB2_6:
0x89: {  	s31 =	sand.u32 $0x1, s28  }
0x8a: {  	[sflag:s30] =	ssyncset.done $0x0;
	s28 =	smov.u32 s25;
	s25 =	sadd.s32 $0x1, s25  }
0x8b: {  	p4 =	seq.s32 s31, $0x1;
	s31 =	sshrl.u32 s29, $0x3;
	[sflag:s30] =	ssyncadd.s32 $0xFFFFC000  }
0x8c: {  	s31 =	sadd.s32 s4, s31;
	s30 =	simm.s32 @p4 $0x0;
	s0 =	simm.s32 @p4 $0x80  }
0x8d: {  	s1 =	simm.s32 @p4 $0x2C00;
	s3 =	simm.s32 @p4 $0x2;
	s12 =	sshra.s32 @p4 s18, $0x2  }
0x8e: {  	[tilespmem:s1], [sflag:$0x1] =	stream.linear.gather @p4 [hbm4b:s31+s30], $0x4000, $0x38;
	[tilespmem:$0x1EC00] =	vst v63  }
0x8f: {  	s1 =	sadd.s32 @p4 s12, s26;
	s12 =	sshra.s32 @!p4 s18, $0x2;
	_ =	swait.ge @p4 [sflag:s3], $0x4000  }
0x90: {  	s22 =	simm.s32 @p4 $0x6C00;
	s30 =	simm.s32 @!p4 $0x4;
	[sflag:s3] =	ssyncset.done @p4 $0x0  }
0x91: {  	s11 =	simm.s32 @!p4 $0x6C00;
	[sflag:s3] =	ssyncadd.s32 @p4 $0xFFFFC000;
	s3 =	simm.s32 @!p4 $0x0  }
0x92: {  	[spmem:s2] =	stream.indirect.scatter.add.f32 @p4 [tilespmem:s22], [sflag:$0x3], $0x80, s1, s0, $0xb8;
	[tilespmem:$0x1EC00] =	vst v63  }
0x93: {  	p5 =	seq.s32 s9, s25;
	s0 =	simm.s32 @!p4 $0x1;
	s1 =	sadd.s32 @!p4 s12, s26  }
0x94: {  	[tilespmem:s11], [sflag:$0x2] =	stream.linear.gather @!p4 [hbm4b:s31+s3], $0x4000, $0x38;
	[tilespmem:$0x1EC00] =	vst v63  }
.Ltmp9:
0x95: {  	_ =	swait.ge @!p4 [sflag:s0], $0x4000;
	(pc) =	sbr.rel @!p5 .LBB2_6-.Ltmp9, $4  }
0x96: {  	s3 =	simm.s32 @!p4 $0x80;
	s11 =	simm.s32 @!p4 $0x2C00;
	[sflag:s0] =	ssyncset.done @!p4 $0x0  }
0x97: {  	s30 =	simm.s32 @p4 $0x3;
	[sflag:s0] =	ssyncadd.s32 @!p4 $0xFFFFC000  }
0x98: {  	[spmem:s2] =	stream.indirect.scatter.add.f32 @!p4 [tilespmem:s11], [sflag:$0x4], $0x80, s1, s3, $0xb8;
	[tilespmem:$0x1EC00] =	vst v63  }
0x99: {  	s29 =	sadd.s32 $0x4000, s29;
	s26 =	sadd.s32 $0x80, s26;
	_ =	swait.ge [sflag:s30], $0x4000  }
0x9a: {  	s31 =	smov.u32 s28  }
.LBB2_8:
0x9b: {  	s28 =	sand.u32 $0x1, s31;
	[sflag:s30] =	ssyncset.done @p3 $0x0;
	s0 =	sshrl.u32 s29, $0x3  }
0x9c: {  	p4 =	seq.s32 s28, $0x1;
	[sflag:s30] =	ssyncadd.s32 @p3 $0xFFFFC000;
	s0 =	sadd.s32 s4, s0  }
0x9d: {  	s1 =	simm.s32 @p4 $0x0;
	s3 =	simm.s32 @p4 $0x2C00;
	s11 =	simm.s32 @p4 $0x2  }
0x9e: {  	[tilespmem:s3], [sflag:$0x1] =	stream.linear.gather @p4 [hbm4b:s0+s1], $0x4000, $0x38;
	[tilespmem:$0x1EC00] =	vst v63  }
0x9f: {  	p3 =	sne.s32 s28, $0x0;
	_ =	swait.ge @p4 [sflag:s11], $0x4000  }
0xa0: {  	s12 =	simm.s32 @p4 $0x6C00;
	s3 =	sshra.s32 @p4 s18, $0x2;
	[sflag:s11] =	ssyncset.done @p4 $0x0  }
0xa1: {  	s1 =	simm.s32 @p4 $0x80;
	s3 =	sadd.s32 @p4 s3, s26;
	[sflag:s11] =	ssyncadd.s32 @p4 $0xFFFFC000  }
0xa2: {  	[spmem:s2] =	stream.indirect.scatter.add.f32 @p4 [tilespmem:s12], [sflag:$0x3], $0x80, s3, s1, $0xb8;
	[tilespmem:$0x1EC00] =	vst v63  }
0xa3: {  	s11 =	simm.s32 @!p4 $0x1;
	s1 =	simm.s32 @!p4 $0x0;
	s3 =	simm.s32 @!p4 $0x6C00  }
0xa4: {  	[tilespmem:s3], [sflag:$0x2] =	stream.linear.gather @!p4 [hbm4b:s0+s1], $0x4000, $0x38;
	[tilespmem:$0x1EC00] =	vst v63  }
0xa5: {  	s12 =	simm.s32 @!p4 $0x2C00;
	s0 =	sshra.s32 @!p4 s18, $0x2;
	_ =	swait.ge @!p4 [sflag:s11], $0x4000  }
0xa6: {  	s1 =	simm.s32 @!p4 $0x4;
	s3 =	simm.s32 @!p4 $0x80;
	[sflag:s11] =	ssyncset.done @!p4 $0x0  }
0xa7: {  	s0 =	sadd.s32 @!p4 s0, s26;
	s1 =	simm.s32 @p4 $0x3;
	[sflag:s11] =	ssyncadd.s32 @!p4 $0xFFFFC000  }
0xa8: {  	[spmem:s2] =	stream.indirect.scatter.add.f32 @!p4 [tilespmem:s12], [sflag:$0x4], $0x80, s0, s3, $0xb8;
	[tilespmem:$0x1EC00] =	vst v63  }
0xa9: {  	p4 =	sge.u32 @p3 s25, s9;
	_ =	swait.ge [sflag:s1], $0x4000  }
0xaa: {  	p4 =	por p4, !p3;
	[sflag:s1] =	ssyncset.done $0x0  }
0xab: {  	s0 =	simm.s32 @!p4 $0x0;
	[sflag:s1] =	ssyncadd.s32 $0xFFFFC000;
	s1 =	simm.s32 @!p4 $0x6C00  }
0xac: {  	[tilespmem:s1], [sflag:$0x2] =	stream.linear.gather @!p4 [hbm4b:s16+s0], $0x4000, $0x38;
	[tilespmem:$0x1EC00] =	vst v63  }
0xad: {  	s0 =	simm.s32 @p3 $0x1  }
0xae: {  	_ =	swait.ge @p3 [sflag:s0], $0x4000  }
0xaf: {  	s26 =	sadd.s32 $0x80, s26;
	s3 =	simm.s32 @p3 $0x2C00;
	[sflag:s0] =	ssyncset.done @p3 $0x0  }
0xb0: {  	p4 =	sge.u32 @!p3 s25, s9;
	[sflag:s0] =	ssyncadd.s32 @p3 $0xFFFFC000;
	s0 =	sshra.s32 @p3 s18, $0x2  }
0xb1: {  	s1 =	simm.s32 @p3 $0x80;
	p4 =	por p4, p3;
	s0 =	sadd.s32 @p3 s0, s26  }
0xb2: {  	[spmem:s2] =	stream.indirect.scatter.add.f32 @p3 [tilespmem:s3], [sflag:$0x4], $0x80, s0, s1, $0xb8;
	[tilespmem:$0x1EC00] =	vst v63  }
0xb3: {  	s0 =	simm.s32 @!p4 $0x0;
	s1 =	simm.s32 @!p4 $0x2C00  }
0xb4: {  	[tilespmem:s1], [sflag:$0x1] =	stream.linear.gather @!p4 [hbm4b:s16+s0], $0x4000, $0x38;
	[tilespmem:$0x1EC00] =	vst v63  }
0xb5: {  	s0 =	simm.s32 @!p3 $0x2  }
.Ltmp10:
0xb6: {  	_ =	swait.ge @!p3 [sflag:s0], $0x4000;
	(pc) =	sbr.rel .LBB2_14-.Ltmp10, $4  }
0xb7: {  	s31 =	simm.s32 $0x0;
	s25 =	simm.s32 @!p3 $0x3;
	[sflag:s0] =	ssyncset.done @!p3 $0x0  }
0xb8: {  	s25 =	simm.s32 @p3 $0x4;
	[sflag:s0] =	ssyncadd.s32 @!p3 $0xFFFFC000;
	s0 =	sshra.s32 @!p3 s18, $0x2  }
0xb9: {  	s3 =	simm.s32 @!p3 $0x6C00;
	s1 =	simm.s32 @!p3 $0x80;
	s0 =	sadd.s32 @!p3 s0, s26  }
0xba: {  	[spmem:s2] =	stream.indirect.scatter.add.f32 @!p3 [tilespmem:s3], [sflag:$0x3], $0x80, s0, s1, $0xb8;
	[tilespmem:$0x1EC00] =	vst v63  }
.LBB2_3:
.Ltmp11:
0xbb: {  	(pc) =	sbr.rel .LBB2_8-.Ltmp11, $2  }
0xbc: {  	_ =	sdelay $0x2  }
0xbd: {  	s25 =	simm.s32 $0x1;
	s29 =	smov.u32 s19;
	s26 =	simm.s32 $0x0  }
.LBB2_5:
.Ltmp12:
0xbe: {  	(pc) =	sbr.rel .LBB2_8-.Ltmp12, $2  }
0xbf: {  	_ =	sdelay $0x2  }
0xc0: {  	s31 =	simm.s32 $0x1  }
.LBB2_15:
0xc1: {  	_ =	sfence.sel $0x180000  }
0xc2: {  	[bflag:$0x0] =	sbarrier.arrive $0xFFFF  }
0xc3: {  	_ =	strace $0x9000004D  }
0xc4: {  	s0 =	stileid.u32;
	[bflag:$0x2] =	sbarrier.arrive $0xFFFF  }
0xc5: {  	p0 =	sne.s32 s0, $0x0;
	s0 =	rddreg [dreg:$0x3]  }
0xc6: {  	s0 =	sadd.s32 @!p0 $0x100000, s0  }
0xc7: {  	[sflag:s0] =	ssyncadd.tile.s32 @!p0 $0x1;
	_ =	shalt  }
.Lfunc_end2:
_tile_overlayer_lowered:
.L_overlay_start_2:
0xc8: {  	(tag) =	ssettag $0x2  }
0xc9: {  	s0 =	rddreg [dreg:$0x0];
	s2 =	stileid.u32  }
0xca: {  	s1 =	rddreg [dreg:$0x1];
	p0 =	sne.s32 s2, $0x0  }
0xcb: {  	s3 =	rddreg [dreg:$0x2];
	[bflag:$0x3] =	sbarrier.arrive $0xFFFF;
	s2 =	simm.s32 @!p0 $0x1C03  }
0xcc: {  	[timem:s3], [sflag:s2] =	dma.local @!p0 [hbm:s0], s1  }
0xcd: {  	s0 =	simm.s32 @!p0 $0x3  }
0xce: {  	_ =	swait.ge @!p0 [sflag:s0], s1  }
0xcf: {  	s1 =	ssub.s32 @!p0 $0x0, s1;
	[sflag:s0] =	ssyncset.done @!p0 $0x0  }
0xd0: {  	[sflag:s0] =	ssyncadd.s32 @!p0 s1  }
0xd1: {  	[bflag:$0x3] =	sbarrier.arrive $0xFFFF  }
0xd2: {  	_ =	shalt  }

// kernel: kernel.22.cloned.1.call-start
scs
__scs_entry_jumppad:
0x0: {  	(pc) =	sbr.rel $0x88, $3  }
0x1: {  	(tag) =	ssettag $0x0;
	lr =	simm.s32 $0x1  }
0x2: {  	[smem:$0x3F87] =	sst lr;
	_ =	strace $0xD0000000  }
0x3: {  	_ = 	snop  }
0x4: {  	_ = 	snop  }
0x5: {  	_ = 	snop  }
0x6: {  	_ = 	snop  }
0x7: {  	_ = 	snop  }
__scs_overlays_trampoline_lowered:
0x8: {  	[smem:$0x3F96] =	sst s0  }
0x9: {  	[smem:$0x3F97] =	sst s1  }
0xa: {  	[smem:$0x3F98] =	sst s2  }
0xb: {  	[smem:$0x3F99] =	sst s3  }
0xc: {  	[smem:$0x3F9A] =	sst s4  }
0xd: {  	[smem:$0x3F9B] =	sst s5  }
0xe: {  	[smem:$0x3F9C] =	sst s6  }
0xf: {  	[smem:$0x3F9D] =	sst s7  }
0x10: {  	[smem:$0x3F9E] =	sst s8  }
0x11: {  	[smem:$0x3F9F] =	sst s9;
	s0 =	simm.s32 @!p0 $0x0  }
0x12: {  	s1 =	sld [smem:$0x3F85];
	s0 =	simm.s32 @p0 $0x1  }
0x13: {  	[smem:$0x3FA0] =	sst s0;
	s0 =	simm.s32 @!p1 $0x0  }
0x14: {  	s2 =	sld [smem:$0x3F84];
	s0 =	simm.s32 @p1 $0x1  }
0x15: {  	[smem:$0x3FA1] =	sst s0;
	s0 =	simm.s32 @!p2 $0x0  }
0x16: {  	s3 =	sld [smem:$0x3FDB];
	s0 =	simm.s32 @p2 $0x1  }
0x17: {  	s4 =	simm.s32 $0x1BF5;
	[smem:$0x3FA3] =	sst s0  }
0x18: {  	s0 =	sld [smem:$0x3F86];
	_ =	swait.ge [sflag:s4], $0x0  }
0x19: {  	s7 =	sld [smem:$0x3F87]  }
0x1a: {  	s8 =	sadd.s32 $0xFFFFE003, lr  }
0x1b: {  	s9 =	sadd.s32 $0xFFFFFEF7, lr;
	s5 =	simm.s32 $0xFFFFFFFF;
	p2 =	slt.u32 s8, $0xFFFFF086  }
0x1c: {  	p1 =	slt.u32 s9, $0xF7A;
	s5 =	simm.s32 @!p2 $0x0  }
0x1d: {  	s5 =	simm.s32 @p1 $0x1;
	p0 =	seq.s32 s7, s2  }
0x1e: {  	s7 =	smul.u32 @!p0 $0xF7A, s2;
	p2 =	seq.s32 @!p0 s5, $0x0  }
0x1f: {  	s9 =	smul.u32 $0xF7A, s1;
	s8 =	simm.s32 @!p0 $0x1BF5;
	p2 =	por !p2, p0  }
0x20: {  	[sflag:s8] =	ssyncset.s32 @!p0 $0xFFFFF086;
	s6 =	sadd.s32 @!p0 s3, s7;
	s7 =	simm.s32 @!p0 $0x108  }
0x21: {  	s3 =	sadd.s32 s3, s9;
	s6 =	sadd.s32 @!p0 $0x88, s6;
	s7 =	simm.s32 @p2 $0x1082  }
0x22: {  	[simem:s7], [sflag:s8] =	dma.local @!p0 [hbm:s6], $0xF7A  }
0x23: {  	s9 =	sor.u32 $0xD0000000, s2;
	s6 =	simm.s32 $0x108;
	_ =	swait.ge @!p0 [sflag:s8], $0x0  }
0x24: {  	s3 =	sadd.s32 $0x88, s3;
	s6 =	simm.s32 @!p1 $0x1082;
	[sflag:s4] =	ssyncset.s32 $0xFFFFF086  }
0x25: {  	[simem:s6], [sflag:s4] =	dma.local [hbm:s3], $0xF7A  }
0x26: {  	[smem:$0x3F87] =	sst s1;
	(tag) =	ssettag s2;
	_ =	strace s9  }
0x27: {  	s1 =	sld [smem:$0x3F97]  }
0x28: {  	s2 =	sld [smem:$0x3F98]  }
0x29: {  	s4 =	sld [smem:$0x3F9A]  }
0x2a: {  	p0 =	seq.s32 s5, $0x0;
	s5 =	sld [smem:$0x3F9B]  }
0x2b: {  	s6 =	sld [smem:$0x3F9C]  }
0x2c: {  	s7 =	sld [smem:$0x3F9D]  }
0x2d: {  	s3 =	simm.s32 $0x108;
	s8 =	sld [smem:$0x3F9E]  }
0x2e: {  	s3 =	simm.s32 @!p0 $0x1082;
	s9 =	sld [smem:$0x3F9F]  }
0x2f: {  	lr =	sadd.s32 s0, s3;
	s0 =	sld [smem:$0x3F96]  }
0x30: {  	s3 =	sld [smem:$0x3F99]  }
0x31: {  	[smem:$0x3FA2] =	sst s10  }
0x32: {  	s10 =	sld [smem:$0x3FA0];
	_ =	sdelay $0x3  }
0x33: {  	p0 =	seq.s32 s10, $0x1;
	s10 =	sld [smem:$0x3FA2];
	_ =	sdelay $0x3  }
0x34: {  	[smem:$0x3FA2] =	sst s10  }
0x35: {  	s10 =	sld [smem:$0x3FA1];
	_ =	sdelay $0x3  }
0x36: {  	p1 =	seq.s32 s10, $0x1;
	s10 =	sld [smem:$0x3FA2];
	_ =	sdelay $0x3  }
0x37: {  	[smem:$0x3FA2] =	sst s10  }
0x38: {  	s10 =	sld [smem:$0x3FA3]  }
0x39: {  	_ = 	snop;
	(pc) =	sbr.ind lr, $3  }
0x3a: {  	_ = 	snop  }
0x3b: {  	_ = 	snop  }
0x3c: {  	p2 =	seq.s32 s10, $0x1;
	s10 =	sld [smem:$0x3FA2]  }
0x3d: {  	_ =	shalt  }
0x3e: {  	_ =	shalt  }
0x3f: {  	_ =	shalt  }
0x40: {  	_ =	shalt  }
0x41: {  	_ =	shalt  }
0x42: {  	_ =	shalt  }
0x43: {  	_ =	shalt  }
0x44: {  	_ =	shalt  }
0x45: {  	_ =	shalt  }
0x46: {  	_ =	shalt  }
0x47: {  	_ =	shalt  }
0x48: {  	_ =	shalt  }
0x49: {  	_ =	shalt  }
0x4a: {  	_ =	shalt  }
0x4b: {  	_ =	shalt  }
0x4c: {  	_ =	shalt  }
0x4d: {  	_ =	shalt  }
0x4e: {  	_ =	shalt  }
0x4f: {  	_ =	shalt  }
0x50: {  	_ =	shalt  }
0x51: {  	_ =	shalt  }
0x52: {  	_ =	shalt  }
0x53: {  	_ =	shalt  }
0x54: {  	_ =	shalt  }
0x55: {  	_ =	shalt  }
0x56: {  	_ =	shalt  }
0x57: {  	_ =	shalt  }
0x58: {  	_ =	shalt  }
0x59: {  	_ =	shalt  }
0x5a: {  	_ =	shalt  }
0x5b: {  	_ =	shalt  }
0x5c: {  	_ =	shalt  }
0x5d: {  	_ =	shalt  }
0x5e: {  	_ =	shalt  }
0x5f: {  	_ =	shalt  }
0x60: {  	_ =	shalt  }
0x61: {  	_ =	shalt  }
0x62: {  	_ =	shalt  }
0x63: {  	_ =	shalt  }
0x64: {  	_ =	shalt  }
0x65: {  	_ =	shalt  }
0x66: {  	_ =	shalt  }
0x67: {  	_ =	shalt  }
0x68: {  	_ =	shalt  }
0x69: {  	_ =	shalt  }
0x6a: {  	_ =	shalt  }
0x6b: {  	_ =	shalt  }
0x6c: {  	_ =	shalt  }
0x6d: {  	_ =	shalt  }
0x6e: {  	_ =	shalt  }
0x6f: {  	_ =	shalt  }
0x70: {  	_ =	shalt  }
0x71: {  	_ =	shalt  }
0x72: {  	_ =	shalt  }
0x73: {  	_ =	shalt  }
0x74: {  	_ =	shalt  }
0x75: {  	_ =	shalt  }
0x76: {  	_ =	shalt  }
0x77: {  	_ =	shalt  }
0x78: {  	_ =	shalt  }
0x79: {  	_ =	shalt  }
0x7a: {  	_ =	shalt  }
0x7b: {  	_ =	shalt  }
0x7c: {  	_ =	shalt  }
0x7d: {  	_ =	shalt  }
0x7e: {  	_ =	shalt  }
0x7f: {  	_ =	shalt  }
0x80: {  	_ =	shalt  }
0x81: {  	_ =	shalt  }
0x82: {  	_ =	shalt  }
0x83: {  	_ =	shalt  }
0x84: {  	_ =	shalt  }
0x85: {  	_ =	shalt  }
0x86: {  	_ =	shalt  }
0x87: {  	_ =	shalt  }
.Lfunc_end0:
.L_simem_size_0:
called_computation.3_lowered:
.L_overlay_start_0:
0x88: {  	s2 =	sld [smem:$0x3FD9]  }
0x89: {  	s3 =	sld [smem:$0x3FFE];
	_ =	sdelay $0x1  }
0x8a: {  	s1 =	srdreg.scid  }
0x8b: {  	s0 =	sand.u32 $0x1, s1  }
0x8c: {  	s16 =	sshll.u32 s0, $0xA;
	s2 =	sadd.s32 s3, s2  }
0x8d: {  	s2 =	sadd.s32 s2, s16  }
0x8e: {  	[smem:$0x3FAE] =	sst s2  }
0x8f: {  	_ = 	snop  }
0x90: {  	(tm) =	ssettm $0x1  }
0x91: {  	s17 =	sld [smem:$0x3FFB];
	_ =	sdelay $0x3  }
0x92: {  	_ =	strace s17  }
0x93: {  	s2 =	sld [smem:$0x3FFC];
	_ =	sdelay $0x3  }
0x94: {  	_ =	strace s2  }
0x95: {  	s2 =	sld [smem:$0x3FFD];
	_ =	sdelay $0x3  }
0x96: {  	_ =	strace s2  }
0x97: {  	_ =	strace $0x8FFFFFFF  }
0x98: {  	s18 =	sld [smem:$0x3FDB];
	_ =	sdelay $0x1  }
0x99: {  	s19 =	simm.s32 $_scs_section_size  }
0x9a: {  	s4 =	simm.s32 $_size__tile_overlayer_lowered;
	s5 =	simm.s32 $_tile_overlayer_lowered  }
0x9b: {  	s22 =	simm.s32 $0x1BFF;
	s21 =	sshll.u32 s5, $0x1;
	s2 =	sadd.s32 s19, s18  }
0x9c: {  	s6 =	simm.s32 $0x0;
	s20 =	sshll.u32 s4, $0x1;
	s4 =	sadd.s32 s21, s2  }
0x9d: {  	[timem:s6], [sflag:s22] =	dma.local [hbm:s4], s20  }
0x9e: {  	_ =	swait.ge [sflag:s22], s20  }
0x9f: {  	s3 =	ssub.s32 $0x0, s20;
	[sflag:s22] =	ssyncset.done $0x0  }
0xa0: {  	[sflag:s22] =	ssyncadd.s32 s3;
	_ =	sdelay $0x1  }
0xa1: {  	s23 =	simm.s32 $0x1B8B  }
0xa2: {  	_ =	swait.ge [sflag:s23], $0x1  }
0xa3: {  	[sflag:s23] =	ssyncset.done $0x0  }
0xa4: {  	s25 =	simm.s32 $0x1B8E;
	s24 =	sld [smem:$0x3FFE];
	[sflag:s23] =	ssyncadd.s32 $0xFFFFFFFF  }
0xa5: {  	s26 =	simm.s32 $execute0_lowered;
	[smem:$0x3FD2] =	sst s25  }
0xa6: {  	s4 =	sshll.u32 s26, $0x1;
	_ =	strace $0x80000049;
	[dreg:$0x1] =	wrdreg $0xFFFFFFFF  }
0xa7: {  	s28 =	simm.s32 $_size_execute0_lowered;
	s2 =	sadd.s32 s2, s4;
	[dreg:$0x0] =	wrdreg $0x0  }
0xa8: {  	s4 =	sshll.u32 s28, $0x1;
	[dreg:$0x2] =	wrdreg s2  }
0xa9: {  	[dreg:$0x3] =	wrdreg s4  }
0xaa: {  	[dreg:$0x4] =	wrdreg $0xC0  }
0xab: {  	_ =	task [dreg:s6], $0x5FFFF  }
0xac: {  	[dreg:$0x1] =	wrdreg $0xFFFFFFFF  }
0xad: {  	[dreg:$0x0] =	wrdreg $0x60  }
0xae: {  	[dreg:$0x2] =	wrdreg s24  }
0xaf: {  	[dreg:$0x3] =	wrdreg $0xAC000  }
0xb0: {  	[dreg:$0x4] =	wrdreg $0xB  }
0xb1: {  	_ =	task.clear_ibuf [dreg:s6], $0x5FFFF;
	_ =	strace $0x90000049  }
0xb2: {  	s29 =	simm.s32 $0xB;
	_ =	strace $0x8000004B  }
0xb3: {  	_ =	swait.ge [sflag:s29], $0x1  }
0xb4: {  	[sflag:s29] =	ssyncadd.s32 $0xFFFFFFFF  }
0xb5: {  	_ =	strace $0x9000004B  }
0xb6: {  	_ =	sfence  }
0xb7: {  	s30 =	sld [smem:$0x0];
	_ =	sdelay $0x2  }
0xb8: {  	s31 =	sshll.u32 s1, $0xD;
	s1 =	sshrl.u32 s1, $0x2  }
0xb9: {  	s3 =	sand.u32 $0x4000, s31;
	s1 =	sadd.s32 s1, s30  }
0xba: {  	s0 =	sor.u32 s3, s0;
	s1 =	sshll.u32 s1, $0x11  }
0xbb: {  	s0 =	sor.u32 s1, s0  }
0xbc: {  	s0 =	sadd.s32 $0x8F2B, s0  }
0xbd: {  	[sflag:s0] =	ssyncadd.remote.s32 $0x1  }
0xbe: {  	_ =	sfence.sel $0xFFFF  }
0xbf: {  	[dreg:$0x0] =	wrdreg $0xFFFFFFFF;
	(pc) =	sbr.abs _section_cstart, $3  }
0xc0: {  	[dreg:$0x1] =	wrdreg $0xFFFFFFFF  }
0xc1: {  	_ =	task.clear_ibuf [dreg:s6], $0x2FFFF;
	_ =	strace $0x9FFFFFFF  }
0xc2: {  	(tm) =	ssettm $0x7FFFFFFF  }
0xc3: {  	_ =	shalt  }
tec
execute0_lowered:
.L_overlay_start_1:
0x0: {  	(tag) =	ssettag $0x1  }
0x1: {  	s7 =	rddreg [dreg:$0x0];
	s0 =	stileid.u32  }
0x2: {  	s2 =	rddreg [dreg:$0x1];
	s5 =	smul.u32 $0x4E0, s0  }
0x3: {  	s31 =	simm.s32 $0x0;
	s6 =	srdreg.scid;
	s12 =	smul.u32 $0x50000, s0  }
0x4: {  	[smem:$0x7FF] =	sst s31;
	s4 =	sadd.s32 $0xA80000, s7;
	s13 =	smul.u32 $0x4E, s0  }
0x5: {  	s11 =	sand.u32 $0x1, s6;
	s6 =	sadd.s32 $0x5E00, s7;
	s25 =	smul.u32 $0x14000, s0  }
0x6: {  	s14 =	sadd.s32 $0x8600, s7;
	s22 =	sshll.u32 s0, $0x6;
	s19 =	smul.u32 $0x4F, s0  }
0x7: {  	s23 =	smax.u32 s0, $0xE;
	p0 =	sgt.u32 s0, $0xD;
	s26 =	smul.u32 $0x13C000, s0  }
0x8: {  	p1 =	seq.s32 s0, $0xF;
	_ =	strace $0x8000004A;
	s20 =	ssub.s32 $0x2, s11  }
0x9: {  	s16 =	smul.u32 $0x138800, s11;
	s8 =	sand.u32 $0x7F80, s5;
	s5 =	sadd.s32 $0xCF1000, s7  }
0xa: {  	s9 =	sshrl.u32 s20, $0x1;
	s21 =	sshrl.u32 s12, $0x2;
	s17 =	sand.u32 $0x7F8, s13  }
0xb: {  	s10 =	sadd.s32 s8, s7;
	s15 =	ssub.s32 s20, s9;
	s7 =	sadd.s32 s21, s2  }
0xc: {  	s8 =	sor.u32 $0x1C03, s22;
	s9 =	sadd.s32 s13, s23;
	s13 =	sadd.s32 s25, s16  }
0xd: {  	s16 =	sshrl.u32 s16, $0x3;
	s23 =	sadd.s32 $0x12C000, s2;
	s20 =	smul.u32 $0x9E00, s0  }
0xe: {  	s21 =	smin.u32 s0, $0xE;
	s24 =	sadd.s32 $0xFFFFFFF2, s9;
	s9 =	simm.s32 $0x4E  }
0xf: {  	s10 =	sadd.s32 $0x599000, s10;
	s13 =	sshrl.u32 s13, $0x3;
	s15 =	smax.u32 s15, $0x1  }
0x10: {  	s22 =	sshll.u32 s21, $0x9;
	s19 =	ssub.s32 s19, s21;
	s28 =	sshll.u32 s21, $0xE  }
0x11: {  	s21 =	simm.s32 $0x3;
	s23 =	sshrl.u32 @p1 s23, $0x3;
	s9 =	simm.s32 @!p0 $0x4D  }
0x12: {  	s18 =	ssub.s32 s24, s17;
	p0 =	seq.s32 s11, $0x1;
	s12 =	sshll.u32 s24, $0xB  }
0x13: {  	s13 =	sadd.s32 s14, s13;
	s14 =	sadd.s32 s14, s16;
	s24 =	smul.u32 $0x9C00, s0  }
0x14: {  	s20 =	ssub.s32 s20, s22;
	s19 =	ssub.s32 s19, s17;
	s22 =	ssub.s32 s26, s28  }
0x15: {  	s1 =	sadd.s32 s4, s12;
	s3 =	sadd.s32 s5, s12;
	s14 =	sadd.s32 $0x25800, s14  }
.Ltmp0:
0x16: {  	s18 =	sadd.s32 s18, s9;
	s25 =	sand.u32 $0x1, s9;
	(pc) =	sbr.rel .LBB2_1-.Ltmp0, $4  }
0x17: {  	s30 =	sshll.u32 s19, $0x9;
	s19 =	sadd.s32 $0x4000, s22;
	[dreg:$0x4] =	wrdreg s3  }
0x18: {  	[dreg:$0x3] =	wrdreg s1;
	s16 =	sadd.s32 $0x27000, s1;
	s18 =	sshll.u32 s18, $0x9  }
0x19: {  	s29 =	sand.u32 $0xFF000, s24;
	p2 =	seq.s32 s25, $0x0;
	s24 =	simm.s32 $0x0  }
0x1a: {  	s17 =	sshra.s32 s18, $0x2;
	s18 =	ssub.s32 s20, s29;
	s20 =	sshra.s32 s30, $0x2  }
.LBB2_10:
0x1b: {  	s25 =	smov.u32 s20  }
.LBB2_13:
0x1c: {  	s0 =	sadd.s32 s5, s30;
	s1 =	simm.s32 @p3 $0x0;
	[sflag:s29] =	ssyncset.done @p4 $0x0  }
0x1d: {  	s3 =	simm.s32 @p3 $0x2C00;
	s11 =	simm.s32 @p3 $0x2;
	[sflag:s29] =	ssyncadd.s32 @p4 $0xFFFFC000  }
0x1e: {  	[tilespmem:s3], [sflag:$0x1] =	stream.linear.gather @p3 [hbm4b:s0+s1], $0x4000, $0x38;
	[tilespmem:$0x1EC00] =	vst v63  }
0x1f: {  	_ =	swait.ge @p3 [sflag:s11], $0x4000  }
0x20: {  	[sflag:s11] =	ssyncset.done @p3 $0x0  }
0x21: {  	s1 =	simm.s32 @p3 $0x80;
	s3 =	simm.s32 @p3 $0x6C00;
	[sflag:s11] =	ssyncadd.s32 @p3 $0xFFFFC000  }
0x22: {  	[spmem:s2] =	stream.indirect.scatter.add.f32 @p3 [tilespmem:s3], [sflag:$0x3], $0x80, s25, s1, $0xb8;
	[tilespmem:$0x1EC00] =	vst v63  }
0x23: {  	s11 =	simm.s32 @!p3 $0x1;
	s1 =	simm.s32 @!p3 $0x0;
	s3 =	simm.s32 @!p3 $0x6C00  }
0x24: {  	[tilespmem:s3], [sflag:$0x2] =	stream.linear.gather @!p3 [hbm4b:s0+s1], $0x4000, $0x38;
	[tilespmem:$0x1EC00] =	vst v63  }
0x25: {  	_ =	swait.ge @!p3 [sflag:s11], $0x4000  }
0x26: {  	s0 =	simm.s32 @!p3 $0x4;
	s1 =	simm.s32 @!p3 $0x80;
	[sflag:s11] =	ssyncset.done @!p3 $0x0  }
0x27: {  	s3 =	simm.s32 @!p3 $0x2C00;
	s0 =	simm.s32 @p3 $0x3;
	[sflag:s11] =	ssyncadd.s32 @!p3 $0xFFFFC000  }
0x28: {  	[spmem:s2] =	stream.indirect.scatter.add.f32 @!p3 [tilespmem:s3], [sflag:$0x4], $0x80, s25, s1, $0xb8;
	[tilespmem:$0x1EC00] =	vst v63  }
0x29: {  	_ =	swait.ge [sflag:s0], $0x4000  }
0x2a: {  	[sflag:s0] =	ssyncset.done $0x0  }
0x2b: {  	[sflag:s0] =	ssyncadd.s32 $0xFFFFC000;
	s0 =	simm.s32 @p2 $0x1  }
0x2c: {  	_ =	swait.ge @p2 [sflag:s0], $0x4000  }
0x2d: {  	[sflag:s0] =	ssyncset.done @p2 $0x0  }
0x2e: {  	s1 =	simm.s32 @p2 $0x2C00;
	[sflag:s0] =	ssyncadd.s32 @p2 $0xFFFFC000;
	s0 =	simm.s32 @p2 $0x80  }
0x2f: {  	[spmem:s2] =	stream.indirect.scatter.add.f32 @p2 [tilespmem:s1], [sflag:$0x4], $0x80, s17, s0, $0xb8;
	[tilespmem:$0x1EC00] =	vst v63  }
0x30: {  	s0 =	simm.s32 @!p2 $0x2  }
0x31: {  	s25 =	simm.s32 @!p2 $0x3;
	_ =	swait.ge @!p2 [sflag:s0], $0x4000  }
0x32: {  	s25 =	simm.s32 @p2 $0x4;
	[sflag:s0] =	ssyncset.done @!p2 $0x0  }
0x33: {  	s1 =	simm.s32 @!p2 $0x6C00;
	[sflag:s0] =	ssyncadd.s32 @!p2 $0xFFFFC000;
	s0 =	simm.s32 @!p2 $0x80  }
0x34: {  	[spmem:s2] =	stream.indirect.scatter.add.f32 @!p2 [tilespmem:s1], [sflag:$0x3], $0x80, s17, s0, $0xb8;
	[tilespmem:$0x1EC00] =	vst v63  }
.LBB2_14:
0x35: {  	_ =	swait.ge [sflag:s25], $0x4000  }
0x36: {  	[sflag:s25] =	ssyncset.done $0x0  }
0x37: {  	[sflag:s25] =	ssyncadd.s32 $0xFFFFC000  }
0x38: {  	s0 =	simm.s32 @p1 $0x3;
	[bflag:$0x0] =	sbarrier.arrive $0xFFFF  }
0x39: {  	[hbm:s14], [sflag:s8] =	dma.local @p1 [spmem:s23], $0x1900  }
0x3a: {  	_ =	swait.ge @p1 [sflag:s0], $0x1900  }
0x3b: {  	s24 =	sadd.s32 $0x1, s24;
	[sflag:s0] =	ssyncset.done @p1 $0x0  }
0x3c: {  	p3 =	sne.s32 s24, s15;
	[sflag:s0] =	ssyncadd.s32 @p1 $0xFFFFE700;
	s0 =	sshrl.u32 @!p1 s7, $0x3  }
0x3d: {  	[hbm:s13], [sflag:s8] =	dma.local @!p1 [spmem:s0], $0x2800  }
.Ltmp1:
0x3e: {  	_ = 	snop;
	(pc) =	sbr.rel @!p3 .LBB2_15-.Ltmp1, $4  }
0x3f: {  	s0 =	simm.s32 @!p1 $0x3  }
0x40: {  	_ =	swait.ge @!p1 [sflag:s0], $0x2800  }
0x41: {  	[sflag:s0] =	ssyncset.done @!p1 $0x0  }
0x42: {  	[sflag:s0] =	ssyncadd.s32 @!p1 $0xFFFFD800  }
.LBB2_1:
0x43: {  	s25 =	sshrl.u32 s7, $0x3  }
0x44: {  	[spmem:s25], [sflag:s8] =	dma.local [hbm:s6], $0x2800  }
0x45: {  	_ =	swait.ge [sflag:s21], $0x2800  }
0x46: {  	[sflag:s21] =	ssyncset.done $0x0  }
0x47: {  	[sflag:s21] =	ssyncadd.s32 $0xFFFFD800  }
0x48: {  	[tilespmem:s31], [sflag:$0x3] =	stream.linear.gather [hbm4b:s10+s31], $0x2C00, $0x38;
	[tilespmem:$0x1EC00] =	vst v63  }
.Ltmp2:
0x49: {  	_ =	swait.ge [sflag:s21], $0x2C00;
	(pc) =	sbr.rel @!p0 .LBB2_2-.Ltmp2, $3  }
0x4a: {  	[sflag:s21] =	ssyncset.done $0x0  }
0x4b: {  	[sflag:s21] =	ssyncadd.s32 $0xFFFFD400  }
0x4c: {  	[bflag:$0x0] =	sbarrier.arrive $0xFFFF;
	_ =	sdelay $0x1  }
0x4d: {  	p5 =	sne.s32 s9, $0x1  }
.Ltmp3:
0x4e: {  	_ = 	snop;
	(pc) =	sbr.rel @!p5 .LBB2_10-.Ltmp3, $4  }
0x4f: {  	s0 =	simm.s32 $0x0;
	s1 =	rddreg [dreg:$0x4];
	s3 =	simm.s32 $0x2C00  }
0x50: {  	[tilespmem:s3], [sflag:$0x1] =	stream.linear.gather [hbm4b:s1+s0], $0x4000, $0x38;
	[tilespmem:$0x1EC00] =	vst v63  }
0x51: {  	s28 =	simm.s32 $0x1;
	s0 =	sand.u32 $0x1, s0  }
0x52: {  	s30 =	sshrl.u32 s19, $0x3;
	p4 =	por $0x0, $0x0;
	p3 =	seq.s32 s0, $0x1  }
0x53: {  	s0 =	sadd.s32 s5, s30;
	s1 =	simm.s32 @p3 $0x0  }
0x54: {  	s3 =	simm.s32 @p3 $0x2C00;
	s11 =	simm.s32 @p3 $0x2;
	s26 =	simm.s32 $0x2  }
0x55: {  	[tilespmem:s3], [sflag:$0x1] =	stream.linear.gather @p3 [hbm4b:s0+s1], $0x4000, $0x38;
	[tilespmem:$0x1EC00] =	vst v63  }
0x56: {  	s25 =	sadd.s32 $0x80, s20;
	s29 =	simm.s32 @!p3 $0x4;
	_ =	swait.ge @p3 [sflag:s11], $0x4000  }
0x57: {  	s22 =	sand.u32 $0x1, s28;
	p5 =	sne.s32 s9, $0x2;
	[sflag:s11] =	ssyncset.done @p3 $0x0  }
0x58: {  	s1 =	simm.s32 @p3 $0x80;
	s3 =	simm.s32 @p3 $0x6C00;
	[sflag:s11] =	ssyncadd.s32 @p3 $0xFFFFC000  }
0x59: {  	[spmem:s2] =	stream.indirect.scatter.add.f32 @p3 [tilespmem:s3], [sflag:$0x3], $0x80, s20, s1, $0xb8;
	[tilespmem:$0x1EC00] =	vst v63  }
0x5a: {  	s11 =	simm.s32 @!p3 $0x1;
	s1 =	simm.s32 @!p3 $0x0;
	s3 =	simm.s32 @!p3 $0x6C00  }
0x5b: {  	[tilespmem:s3], [sflag:$0x2] =	stream.linear.gather @!p3 [hbm4b:s0+s1], $0x4000, $0x38;
	[tilespmem:$0x1EC00] =	vst v63  }
.Ltmp4:
0x5c: {  	s28 =	sadd.s32 $0x4000, s19;
	_ =	swait.ge @!p3 [sflag:s11], $0x4000;
	(pc) =	sbr.rel @!p5 .LBB2_13-.Ltmp4, $4  }
0x5d: {  	p4 =	por $0x1, $0x1;
	s29 =	simm.s32 @p3 $0x3;
	[sflag:s11] =	ssyncset.done @!p3 $0x0  }
0x5e: {  	s0 =	simm.s32 @!p3 $0x80;
	s1 =	simm.s32 @!p3 $0x2C00;
	[sflag:s11] =	ssyncadd.s32 @!p3 $0xFFFFC000  }
0x5f: {  	[spmem:s2] =	stream.indirect.scatter.add.f32 @!p3 [tilespmem:s1], [sflag:$0x4], $0x80, s20, s0, $0xb8;
	[tilespmem:$0x1EC00] =	vst v63  }
0x60: {  	s30 =	sshrl.u32 s28, $0x3;
	p3 =	seq.s32 s22, $0x1;
	_ =	swait.ge [sflag:s29], $0x4000  }
.LBB2_12:
0x61: {  	s0 =	sadd.s32 s5, s30;
	s1 =	simm.s32 @p3 $0x0  }
0x62: {  	[sflag:s29] =	ssyncset.done $0x0;
	s3 =	smov.u32 s26;
	s11 =	smov.u32 s25  }
0x63: {  	s12 =	simm.s32 @p3 $0x2C00;
	s22 =	simm.s32 @p3 $0x2;
	[sflag:s29] =	ssyncadd.s32 $0xFFFFC000  }
0x64: {  	[tilespmem:s12], [sflag:$0x1] =	stream.linear.gather @p3 [hbm4b:s0+s1], $0x4000, $0x38;
	[tilespmem:$0x1EC00] =	vst v63  }
0x65: {  	s26 =	sadd.s32 $0x1, s26;
	s25 =	sadd.s32 $0x80, s25;
	_ =	swait.ge @p3 [sflag:s22], $0x4000  }
0x66: {  	s1 =	simm.s32 @p3 $0x80;
	s12 =	simm.s32 @p3 $0x6C00;
	[sflag:s22] =	ssyncset.done @p3 $0x0  }
0x67: {  	s29 =	simm.s32 @!p3 $0x6C00;
	[sflag:s22] =	ssyncadd.s32 @p3 $0xFFFFC000;
	s22 =	simm.s32 @!p3 $0x0  }
0x68: {  	[spmem:s2] =	stream.indirect.scatter.add.f32 @p3 [tilespmem:s12], [sflag:$0x3], $0x80, s11, s1, $0xb8;
	[tilespmem:$0x1EC00] =	vst v63  }
0x69: {  	s28 =	sadd.s32 $0x4000, s28;
	p5 =	sne.s32 s9, s26;
	s1 =	simm.s32 @!p3 $0x1  }
0x6a: {  	[tilespmem:s29], [sflag:$0x2] =	stream.linear.gather @!p3 [hbm4b:s0+s22], $0x4000, $0x38;
	[tilespmem:$0x1EC00] =	vst v63  }
.Ltmp5:
0x6b: {  	s29 =	simm.s32 @!p3 $0x4;
	_ =	swait.ge @!p3 [sflag:s1], $0x4000;
	(pc) =	sbr.rel @p5 .LBB2_12-.Ltmp5, $4  }
0x6c: {  	s12 =	simm.s32 @!p3 $0x2C00;
	s0 =	simm.s32 @!p3 $0x80;
	[sflag:s1] =	ssyncset.done @!p3 $0x0  }
0x6d: {  	s3 =	sand.u32 $0x1, s3;
	s29 =	simm.s32 @p3 $0x3;
	[sflag:s1] =	ssyncadd.s32 @!p3 $0xFFFFC000  }
0x6e: {  	[spmem:s2] =	stream.indirect.scatter.add.f32 @!p3 [tilespmem:s12], [sflag:$0x4], $0x80, s11, s0, $0xb8;
	[tilespmem:$0x1EC00] =	vst v63  }
0x6f: {  	s30 =	sshrl.u32 s28, $0x3;
	p3 =	seq.s32 s3, $0x1;
	_ =	swait.ge [sflag:s29], $0x4000  }
.Ltmp6:
0x70: {  	_ = 	snop;
	(pc) =	sbr.rel .LBB2_13-.Ltmp6, $1  }
0x71: {  	_ =	sdelay $0x3  }
.LBB2_2:
0x72: {  	p4 =	seq.s32 s9, $0x1  }
.Ltmp7:
0x73: {  	_ = 	snop;
	(pc) =	sbr.rel @p4 .LBB2_3-.Ltmp7, $4  }
0x74: {  	_ = 	snop  }
0x75: {  	s31 =	simm.s32 $0x0;
	s0 =	rddreg [dreg:$0x3]  }
0x76: {  	s1 =	simm.s32 $0x2C00;
	s28 =	simm.s32 $0x1;
	p3 =	por $0x0, $0x0  }
0x77: {  	[tilespmem:s1], [sflag:$0x1] =	stream.linear.gather [hbm4b:s0+s31], $0x4000, $0x38;
	[tilespmem:$0x1EC00] =	vst v63  }
0x78: {  	s25 =	sand.u32 $0x1, s31;
	s26 =	sshrl.u32 s19, $0x3  }
0x79: {  	p3 =	seq.s32 s25, $0x1;
	s25 =	sadd.s32 s4, s26  }
0x7a: {  	s26 =	simm.s32 @p3 $0x0;
	s29 =	simm.s32 @p3 $0x2C00;
	s30 =	simm.s32 @p3 $0x2  }
0x7b: {  	[tilespmem:s29], [sflag:$0x1] =	stream.linear.gather @p3 [hbm4b:s25+s26], $0x4000, $0x38;
	[tilespmem:$0x1EC00] =	vst v63  }
0x7c: {  	p4 =	seq.s32 s9, $0x2;
	_ =	swait.ge @p3 [sflag:s30], $0x4000  }
0x7d: {  	s31 =	simm.s32 @p3 $0x6C00;
	s29 =	sshra.s32 @p3 s18, $0x2;
	[sflag:s30] =	ssyncset.done @p3 $0x0  }
0x7e: {  	s26 =	simm.s32 @p3 $0x80;
	s29 =	sadd.s32 @p3 $0x0, s29;
	[sflag:s30] =	ssyncadd.s32 @p3 $0xFFFFC000  }
0x7f: {  	[spmem:s2] =	stream.indirect.scatter.add.f32 @p3 [tilespmem:s31], [sflag:$0x3], $0x80, s29, s26, $0xb8;
	[tilespmem:$0x1EC00] =	vst v63  }
0x80: {  	s26 =	simm.s32 @!p3 $0x0;
	s29 =	simm.s32 @!p3 $0x6C00;
	s31 =	simm.s32 @!p3 $0x1  }
0x81: {  	[tilespmem:s29], [sflag:$0x2] =	stream.linear.gather @!p3 [hbm4b:s25+s26], $0x4000, $0x38;
	[tilespmem:$0x1EC00] =	vst v63  }
0x82: {  	s30 =	simm.s32 @!p3 $0x4;
	s25 =	sshra.s32 @!p3 s18, $0x2;
	_ =	swait.ge @!p3 [sflag:s31], $0x4000  }
.Ltmp8:
0x83: {  	s26 =	simm.s32 @!p3 $0x80;
	[sflag:s31] =	ssyncset.done @!p3 $0x0;
	(pc) =	sbr.rel @p4 .LBB2_5-.Ltmp8, $4  }
0x84: {  	s29 =	simm.s32 @!p3 $0x2C00;
	s25 =	sadd.s32 @!p3 $0x0, s25;
	[sflag:s31] =	ssyncadd.s32 @!p3 $0xFFFFC000  }
0x85: {  	[spmem:s2] =	stream.indirect.scatter.add.f32 @!p3 [tilespmem:s29], [sflag:$0x4], $0x80, s25, s26, $0xb8;
	[tilespmem:$0x1EC00] =	vst v63  }
0x86: {  	s30 =	simm.s32 @p3 $0x3;
	s25 =	simm.s32 $0x2;
	s26 =	simm.s32 $0x80  }
0x87: {  	s29 =	sadd.s32 $0x4000, s19;
	p3 =	por $0x1, $0x1;
	_ =	swait.ge [sflag:s30], $0x4000  }
.LBB2_6:
0x88: {  	s31 =	sand.u32 $0x1, s28  }
0x89: {  	[sflag:s30] =	ssyncset.done $0x0;
	s28 =	smov.u32 s25;
	s25 =	sadd.s32 $0x1, s25  }
0x8a: {  	p4 =	seq.s32 s31, $0x1;
	s31 =	sshrl.u32 s29, $0x3;
	[sflag:s30] =	ssyncadd.s32 $0xFFFFC000  }
0x8b: {  	s31 =	sadd.s32 s4, s31;
	s30 =	simm.s32 @p4 $0x0;
	s0 =	simm.s32 @p4 $0x80  }
0x8c: {  	s1 =	simm.s32 @p4 $0x2C00;
	s3 =	simm.s32 @p4 $0x2;
	s12 =	sshra.s32 @p4 s18, $0x2  }
0x8d: {  	[tilespmem:s1], [sflag:$0x1] =	stream.linear.gather @p4 [hbm4b:s31+s30], $0x4000, $0x38;
	[tilespmem:$0x1EC00] =	vst v63  }
0x8e: {  	s1 =	sadd.s32 @p4 s12, s26;
	s12 =	sshra.s32 @!p4 s18, $0x2;
	_ =	swait.ge @p4 [sflag:s3], $0x4000  }
0x8f: {  	s22 =	simm.s32 @p4 $0x6C00;
	s30 =	simm.s32 @!p4 $0x4;
	[sflag:s3] =	ssyncset.done @p4 $0x0  }
0x90: {  	s11 =	simm.s32 @!p4 $0x6C00;
	[sflag:s3] =	ssyncadd.s32 @p4 $0xFFFFC000;
	s3 =	simm.s32 @!p4 $0x0  }
0x91: {  	[spmem:s2] =	stream.indirect.scatter.add.f32 @p4 [tilespmem:s22], [sflag:$0x3], $0x80, s1, s0, $0xb8;
	[tilespmem:$0x1EC00] =	vst v63  }
0x92: {  	p5 =	seq.s32 s9, s25;
	s0 =	simm.s32 @!p4 $0x1;
	s1 =	sadd.s32 @!p4 s12, s26  }
0x93: {  	[tilespmem:s11], [sflag:$0x2] =	stream.linear.gather @!p4 [hbm4b:s31+s3], $0x4000, $0x38;
	[tilespmem:$0x1EC00] =	vst v63  }
.Ltmp9:
0x94: {  	_ =	swait.ge @!p4 [sflag:s0], $0x4000;
	(pc) =	sbr.rel @!p5 .LBB2_6-.Ltmp9, $4  }
0x95: {  	s3 =	simm.s32 @!p4 $0x80;
	s11 =	simm.s32 @!p4 $0x2C00;
	[sflag:s0] =	ssyncset.done @!p4 $0x0  }
0x96: {  	s30 =	simm.s32 @p4 $0x3;
	[sflag:s0] =	ssyncadd.s32 @!p4 $0xFFFFC000  }
0x97: {  	[spmem:s2] =	stream.indirect.scatter.add.f32 @!p4 [tilespmem:s11], [sflag:$0x4], $0x80, s1, s3, $0xb8;
	[tilespmem:$0x1EC00] =	vst v63  }
0x98: {  	s29 =	sadd.s32 $0x4000, s29;
	s26 =	sadd.s32 $0x80, s26;
	_ =	swait.ge [sflag:s30], $0x4000  }
0x99: {  	s31 =	smov.u32 s28  }
.LBB2_8:
0x9a: {  	s28 =	sand.u32 $0x1, s31;
	[sflag:s30] =	ssyncset.done @p3 $0x0;
	s0 =	sshrl.u32 s29, $0x3  }
0x9b: {  	p4 =	seq.s32 s28, $0x1;
	[sflag:s30] =	ssyncadd.s32 @p3 $0xFFFFC000;
	s0 =	sadd.s32 s4, s0  }
0x9c: {  	s1 =	simm.s32 @p4 $0x0;
	s3 =	simm.s32 @p4 $0x2C00;
	s11 =	simm.s32 @p4 $0x2  }
0x9d: {  	[tilespmem:s3], [sflag:$0x1] =	stream.linear.gather @p4 [hbm4b:s0+s1], $0x4000, $0x38;
	[tilespmem:$0x1EC00] =	vst v63  }
0x9e: {  	p3 =	sne.s32 s28, $0x0;
	_ =	swait.ge @p4 [sflag:s11], $0x4000  }
0x9f: {  	s12 =	simm.s32 @p4 $0x6C00;
	s3 =	sshra.s32 @p4 s18, $0x2;
	[sflag:s11] =	ssyncset.done @p4 $0x0  }
0xa0: {  	s1 =	simm.s32 @p4 $0x80;
	s3 =	sadd.s32 @p4 s3, s26;
	[sflag:s11] =	ssyncadd.s32 @p4 $0xFFFFC000  }
0xa1: {  	[spmem:s2] =	stream.indirect.scatter.add.f32 @p4 [tilespmem:s12], [sflag:$0x3], $0x80, s3, s1, $0xb8;
	[tilespmem:$0x1EC00] =	vst v63  }
0xa2: {  	s11 =	simm.s32 @!p4 $0x1;
	s1 =	simm.s32 @!p4 $0x0;
	s3 =	simm.s32 @!p4 $0x6C00  }
0xa3: {  	[tilespmem:s3], [sflag:$0x2] =	stream.linear.gather @!p4 [hbm4b:s0+s1], $0x4000, $0x38;
	[tilespmem:$0x1EC00] =	vst v63  }
0xa4: {  	s12 =	simm.s32 @!p4 $0x2C00;
	s0 =	sshra.s32 @!p4 s18, $0x2;
	_ =	swait.ge @!p4 [sflag:s11], $0x4000  }
0xa5: {  	s1 =	simm.s32 @!p4 $0x4;
	s3 =	simm.s32 @!p4 $0x80;
	[sflag:s11] =	ssyncset.done @!p4 $0x0  }
0xa6: {  	s0 =	sadd.s32 @!p4 s0, s26;
	s1 =	simm.s32 @p4 $0x3;
	[sflag:s11] =	ssyncadd.s32 @!p4 $0xFFFFC000  }
0xa7: {  	[spmem:s2] =	stream.indirect.scatter.add.f32 @!p4 [tilespmem:s12], [sflag:$0x4], $0x80, s0, s3, $0xb8;
	[tilespmem:$0x1EC00] =	vst v63  }
0xa8: {  	p4 =	sge.u32 @p3 s25, s9;
	_ =	swait.ge [sflag:s1], $0x4000  }
0xa9: {  	p4 =	por p4, !p3;
	[sflag:s1] =	ssyncset.done $0x0  }
0xaa: {  	s0 =	simm.s32 @!p4 $0x0;
	[sflag:s1] =	ssyncadd.s32 $0xFFFFC000;
	s1 =	simm.s32 @!p4 $0x6C00  }
0xab: {  	[tilespmem:s1], [sflag:$0x2] =	stream.linear.gather @!p4 [hbm4b:s16+s0], $0x4000, $0x38;
	[tilespmem:$0x1EC00] =	vst v63  }
0xac: {  	s0 =	simm.s32 @p3 $0x1  }
0xad: {  	_ =	swait.ge @p3 [sflag:s0], $0x4000  }
0xae: {  	s26 =	sadd.s32 $0x80, s26;
	s3 =	simm.s32 @p3 $0x2C00;
	[sflag:s0] =	ssyncset.done @p3 $0x0  }
0xaf: {  	p4 =	sge.u32 @!p3 s25, s9;
	[sflag:s0] =	ssyncadd.s32 @p3 $0xFFFFC000;
	s0 =	sshra.s32 @p3 s18, $0x2  }
0xb0: {  	s1 =	simm.s32 @p3 $0x80;
	p4 =	por p4, p3;
	s0 =	sadd.s32 @p3 s0, s26  }
0xb1: {  	[spmem:s2] =	stream.indirect.scatter.add.f32 @p3 [tilespmem:s3], [sflag:$0x4], $0x80, s0, s1, $0xb8;
	[tilespmem:$0x1EC00] =	vst v63  }
0xb2: {  	s0 =	simm.s32 @!p4 $0x0;
	s1 =	simm.s32 @!p4 $0x2C00  }
0xb3: {  	[tilespmem:s1], [sflag:$0x1] =	stream.linear.gather @!p4 [hbm4b:s16+s0], $0x4000, $0x38;
	[tilespmem:$0x1EC00] =	vst v63  }
0xb4: {  	s0 =	simm.s32 @!p3 $0x2  }
.Ltmp10:
0xb5: {  	_ =	swait.ge @!p3 [sflag:s0], $0x4000;
	(pc) =	sbr.rel .LBB2_14-.Ltmp10, $4  }
0xb6: {  	s31 =	simm.s32 $0x0;
	s25 =	simm.s32 @!p3 $0x3;
	[sflag:s0] =	ssyncset.done @!p3 $0x0  }
0xb7: {  	s25 =	simm.s32 @p3 $0x4;
	[sflag:s0] =	ssyncadd.s32 @!p3 $0xFFFFC000;
	s0 =	sshra.s32 @!p3 s18, $0x2  }
0xb8: {  	s3 =	simm.s32 @!p3 $0x6C00;
	s1 =	simm.s32 @!p3 $0x80;
	s0 =	sadd.s32 @!p3 s0, s26  }
0xb9: {  	[spmem:s2] =	stream.indirect.scatter.add.f32 @!p3 [tilespmem:s3], [sflag:$0x3], $0x80, s0, s1, $0xb8;
	[tilespmem:$0x1EC00] =	vst v63  }
.LBB2_3:
.Ltmp11:
0xba: {  	(pc) =	sbr.rel .LBB2_8-.Ltmp11, $2  }
0xbb: {  	_ =	sdelay $0x2  }
0xbc: {  	s25 =	simm.s32 $0x1;
	s29 =	smov.u32 s19;
	s26 =	simm.s32 $0x0  }
.LBB2_5:
.Ltmp12:
0xbd: {  	(pc) =	sbr.rel .LBB2_8-.Ltmp12, $2  }
0xbe: {  	_ =	sdelay $0x2  }
0xbf: {  	s31 =	simm.s32 $0x1  }
.LBB2_15:
0xc0: {  	_ =	sfence.sel $0x180000  }
0xc1: {  	[bflag:$0x0] =	sbarrier.arrive $0xFFFF  }
0xc2: {  	_ =	strace $0x9000004A  }
0xc3: {  	s0 =	stileid.u32;
	[bflag:$0x2] =	sbarrier.arrive $0xFFFF  }
0xc4: {  	p0 =	sne.s32 s0, $0x0;
	s0 =	rddreg [dreg:$0x2]  }
0xc5: {  	s0 =	sadd.s32 @!p0 $0x100000, s0  }
0xc6: {  	[sflag:s0] =	ssyncadd.tile.s32 @!p0 $0x1;
	_ =	shalt  }
.Lfunc_end2:
_tile_overlayer_lowered:
.L_overlay_start_2:
0xc7: {  	(tag) =	ssettag $0x2  }
0xc8: {  	s0 =	rddreg [dreg:$0x0];
	s2 =	stileid.u32  }
0xc9: {  	s1 =	rddreg [dreg:$0x1];
	p0 =	sne.s32 s2, $0x0  }
0xca: {  	s3 =	rddreg [dreg:$0x2];
	[bflag:$0x3] =	sbarrier.arrive $0xFFFF;
	s2 =	simm.s32 @!p0 $0x1C03  }
0xcb: {  	[timem:s3], [sflag:s2] =	dma.local @!p0 [hbm:s0], s1  }
0xcc: {  	s0 =	simm.s32 @!p0 $0x3  }
0xcd: {  	_ =	swait.ge @!p0 [sflag:s0], s1  }
0xce: {  	s1 =	ssub.s32 @!p0 $0x0, s1;
	[sflag:s0] =	ssyncset.done @!p0 $0x0  }
0xcf: {  	[sflag:s0] =	ssyncadd.s32 @!p0 s1  }
0xd0: {  	[bflag:$0x3] =	sbarrier.arrive $0xFFFF  }
0xd1: {  	_ =	shalt  }

</sc_bundles>
